<compile_context>
chip_gen: v7x
topology: tpu7x:2x2x1
jax: 0.10.2.dev20260603
libtpu: 0.0.44.dev20260713+nightly
codegen_flags: <defaults>
</compile_context>

<pallas_src>
import jax
import jax.numpy as jnp
from jax import lax
from jax.experimental import pallas as pl
from jax.experimental.pallas import tpu as pltpu
from jax.experimental.pallas import tpu_sc as plsc

ATOM_DIM = 32
BOND_DIM = 16

NC = 2
NS = 16
NW = NC * NS
CHUNK = 128

def _mesh():
    return plsc.VectorSubcoreMesh(
        core_axis_name="c", subcore_axis_name="s", num_cores=NC, num_subcores=NS
    )


CPS = 8
SROWS = CPS * CHUNK


def _gather_body(atom_hbm, idx_hbm, out_hbm, idx_v, rows_v, gs0, ws0):
    w = lax.axis_index("s") * NC + lax.axis_index("c")
    nchunks = idx_v.shape[0]
    ss = nchunks // CPS
    base = w * (nchunks * CHUNK)
    pltpu.sync_copy(idx_hbm.at[w], idx_v)

    for g in range(ss):
        b = g & 1
        ds = [
            pltpu.async_copy(
                atom_hbm.at[idx_v.at[g * CPS + k]],
                rows_v.at[b, pl.ds(k * CHUNK, CHUNK)],
                gs0,
            )
            for k in range(CPS)
        ]
        for d in ds:
            d.wait()
        pltpu.async_copy(
            rows_v.at[b], out_hbm.at[pl.ds(base + g * SROWS, SROWS)], ws0
        ).wait()


def _scatter_body(vals_hbm, idx_hbm, zeros_hbm, out_hbm, idx_v, vals_v, acc_sh,
                  ls0, ls1):
    c = lax.axis_index("c")
    s = lax.axis_index("s")
    w = s * NC + c
    acc_rows = acc_sh.shape[0]
    rows_per_tile = acc_rows // NS
    pltpu.sync_copy(
        zeros_hbm.at[pl.ds(s * rows_per_tile, rows_per_tile)],
        acc_sh.at[pl.ds(s * rows_per_tile, rows_per_tile)],
    )
    plsc.subcore_barrier()
    pltpu.sync_copy(idx_hbm.at[w], idx_v)
    nchunks = idx_v.shape[0]
    ss = nchunks // CPS
    base = w * (nchunks * CHUNK)
    lsem = (ls0, ls1)

    del lsem
    for g in range(ss):
        b = g & 1
        pltpu.sync_copy(
            vals_hbm.at[pl.ds(base + g * SROWS, SROWS)], vals_v.at[b]
        )
        for k in range(CPS):
            pltpu.sync_copy(
                vals_v.at[b, pl.ds(k * CHUNK, CHUNK)],
                acc_sh.at[idx_v.at[g * CPS + k]],
                add=True,
            )
    plsc.subcore_barrier()
    n_nodes = out_hbm.shape[1]
    out_per_tile = n_nodes // NS
    pltpu.sync_copy(
        acc_sh.at[pl.ds(s * out_per_tile, out_per_tile)],
        out_hbm.at[c, pl.ds(s * out_per_tile, out_per_tile)],
    )


def _pack4_body(x_ref, out_ref):
    n4 = out_ref.shape[0]
    x3 = x_ref[...].reshape(n4, 4, ATOM_DIM)
    out_ref[...] = jnp.concatenate(
        [x3[:, r, :] for r in range(4)], axis=1
    )


def _mm_body(bondt_ref, nbp_ref, k2t_ref, wbt_ref, outp_ref):
    q4 = nbp_ref.shape[0]
    be = 4 * q4
    p = nbp_ref[...]
    q = p.T.reshape(4, ATOM_DIM, q4)
    nb_t = jnp.concatenate([q[0], q[1], q[2], q[3]], axis=1)
    bond_t = bondt_ref[...]
    outer_t = (bond_t[:, None, :] * nb_t[None, :, :]).reshape(
        BOND_DIM * ATOM_DIM, be
    )
    t_t = jnp.dot(k2t_ref[...], outer_t, preferred_element_type=jnp.float32)
    t_t = t_t + jnp.dot(wbt_ref[...], nb_t, preferred_element_type=jnp.float32)
    s = [t_t[:, r * q4 : (r + 1) * q4].T for r in range(4)]
    outp_ref[...] = jnp.concatenate(s, axis=1)


def _combine_body(p_ref, out_ref):
    out_ref[...] = p_ref[0] + p_ref[1]


def kernel(atom_features, bond_features, pair_indices, kernel, bias):
    n_nodes = atom_features.shape[0]
    n_edges = bond_features.shape[0]

    step = NW * CHUNK
    e_pad = ((n_edges + step - 1) // step) * step
    npad = e_pad - n_edges
    nchunks = e_pad // step

    acc_rows = ((n_nodes + NS * 8 - 1) // (NS * 8)) * (NS * 8) + NS * 8

    dst = pair_indices[:, 0]
    src = pair_indices[:, 1]
    src_p = jnp.concatenate([src, jnp.zeros((npad,), jnp.int32)])
    dump = n_nodes + (jnp.arange(npad, dtype=jnp.int32) % (acc_rows - n_nodes))
    dst_p = jnp.concatenate([dst, dump])

    k2t = (
        kernel.reshape(BOND_DIM, ATOM_DIM, ATOM_DIM)
        .transpose(1, 0, 2)
        .reshape(ATOM_DIM, BOND_DIM * ATOM_DIM)
    )
    wbt = bias.reshape(ATOM_DIM, ATOM_DIM)
    zeros_acc = jnp.zeros((acc_rows, ATOM_DIM), jnp.float32)

    src3 = src_p.reshape(NW, nchunks, CHUNK)
    dst3 = dst_p.reshape(NW, nchunks, CHUNK)

    gather = pl.kernel(
        _gather_body,
        out_type=jax.ShapeDtypeStruct((e_pad, ATOM_DIM), jnp.float32),
        mesh=_mesh(),
        scratch_types=[
            pltpu.VMEM((nchunks, CHUNK), jnp.int32),
            pltpu.VMEM((2, SROWS, ATOM_DIM), jnp.float32),
            pltpu.SemaphoreType.DMA,
            pltpu.SemaphoreType.DMA,
        ],
        compiler_params=pltpu.CompilerParams(use_tc_tiling_on_sc=False),
    )
    neighbors = gather(atom_features, src3)

    block_e = 2048
    grid = e_pad // block_e
    q4 = block_e // 4
    bond_tp = (
        jnp.concatenate(
            [bond_features, jnp.zeros((npad, BOND_DIM), jnp.float32)]
        )
        .reshape(grid, q4, 4, BOND_DIM)
        .transpose(3, 0, 2, 1)
        .reshape(BOND_DIM, e_pad)
    )
    nb_packed = neighbors.reshape(e_pad // 4, 4 * ATOM_DIM)
    transformed = pl.pallas_call(
        _mm_body,
        grid=(grid,),
        in_specs=[
            pl.BlockSpec((BOND_DIM, block_e), lambda i: (0, i)),
            pl.BlockSpec((q4, 4 * ATOM_DIM), lambda i: (i, 0)),
            pl.BlockSpec((ATOM_DIM, BOND_DIM * ATOM_DIM), lambda i: (0, 0)),
            pl.BlockSpec((ATOM_DIM, ATOM_DIM), lambda i: (0, 0)),
        ],
        out_specs=pl.BlockSpec((q4, 4 * ATOM_DIM), lambda i: (i, 0)),
        out_shape=jax.ShapeDtypeStruct((e_pad // 4, 4 * ATOM_DIM), jnp.float32),
    )(bond_tp, nb_packed, k2t, wbt).reshape(e_pad, ATOM_DIM)

    scatter = pl.kernel(
        _scatter_body,
        out_type=jax.ShapeDtypeStruct((NC, n_nodes, ATOM_DIM), jnp.float32),
        mesh=_mesh(),
        scratch_types=[
            pltpu.VMEM((nchunks, CHUNK), jnp.int32),
            pltpu.VMEM((2, SROWS, ATOM_DIM), jnp.float32),
            pltpu.VMEM_SHARED((acc_rows, ATOM_DIM), jnp.float32),
            pltpu.SemaphoreType.DMA,
            pltpu.SemaphoreType.DMA,
        ],
        compiler_params=pltpu.CompilerParams(use_tc_tiling_on_sc=False),
    )
    partials = scatter(transformed, dst3, zeros_acc)

    out = pl.pallas_call(
        _combine_body,
        grid=(1,),
        in_specs=[pl.BlockSpec((NC, n_nodes, ATOM_DIM), lambda i: (0, 0, 0))],
        out_specs=pl.BlockSpec((n_nodes, ATOM_DIM), lambda i: (0, 0)),
        out_shape=jax.ShapeDtypeStruct((n_nodes, ATOM_DIM), jnp.float32),
    )(partials)
    return out

# --- scband reference (transcript-rebuilt; emitter-appended) ---
"""Pipeline reference for scband-edge-network-34875134443557 (READ-ONLY COPY).

The authoritative reference and input builder live on the scoring server;
editing this copy changes nothing except your own understanding.
"""

import jax, jax.numpy as jnp
import numpy as np

N_NODES = 10000
N_EDGES = 160000
ATOM_DIM = 32
BOND_DIM = 16
UNITS = ATOM_DIM * ATOM_DIM


def setup_inputs(seed: int = 0) -> dict:
    key = jax.random.key(seed)
    k1, k2, k3, k4 = jax.random.split(key, 4)
    atom_features = jax.random.normal(k1, (N_NODES, ATOM_DIM), dtype=jnp.float32)
    bond_features = jax.random.normal(k2, (N_EDGES, BOND_DIM), dtype=jnp.float32)
    pair_indices = jax.random.randint(k3, (N_EDGES, 2), 0, N_NODES, dtype=jnp.int64 if jax.config.jax_enable_x64 else jnp.int32).astype(jnp.int32)
    # glorot_uniform kernel, zeros bias (learned params per build())
    limit = np.sqrt(6.0 / (BOND_DIM + UNITS))
    kernel = jax.random.uniform(k4, (BOND_DIM, UNITS), dtype=jnp.float32, minval=-limit, maxval=limit)
    bias = jnp.zeros((UNITS,), dtype=jnp.float32)
    return {"atom_features": atom_features, "bond_features": bond_features, "pair_indices": pair_indices, "kernel": kernel, "bias": bias}


def reference(atom_features, bond_features, pair_indices, kernel, bias):
    # bond transform: [E, bond_dim] @ [bond_dim, atom_dim^2] + bias
    bf = jnp.matmul(bond_features, kernel) + bias
    # reshape to per-edge transformation matrices [E, atom_dim, atom_dim]
    bf = bf.reshape(-1, ATOM_DIM, ATOM_DIM)
    # gather neighbor (source) atom features via pair_indices[:, 1]
    neighbors = jnp.take(atom_features, pair_indices[:, 1], axis=0)
    neighbors = neighbors[:, :, None]  # [E, atom_dim, 1]
    # per-edge matvec
    transformed = jnp.matmul(bf, neighbors)
    transformed = jnp.squeeze(transformed, axis=-1)  # [E, atom_dim]
    # scatter-add messages to destination nodes pair_indices[:, 0]
    aggregated = jax.ops.segment_sum(transformed, pair_indices[:, 0], num_segments=N_NODES)
    return aggregated

if __name__ == "__main__":
    import jax
    _d = setup_inputs()
    print(jax.jit(kernel)(*tuple(_d.values())))

</pallas_src>

<mosaic_0001>
#map = affine_map<(d0, d1) -> (0, 0)>
#map1 = affine_map<(d0, d1) -> (0, 0, 0)>
module attributes {stable_mosaic.version = 14 : i64} {
  func.func @_gather_body(%arg0: i32, %arg1: i32, %arg2: memref<10000x32xf32, #tpu.memory_space<hbm>>, %arg3: memref<32x40x128xi32, #tpu.memory_space<hbm>>, %arg4: memref<163840x32xf32, #tpu.memory_space<hbm>>, %arg5: memref<40x128xi32, #tpu.memory_space<vmem>>, %arg6: memref<2x1024x32xf32, #tpu.memory_space<vmem>>, %arg7: memref<!tpu.dma_semaphore, #tpu.memory_space<semaphore_mem>>, %arg8: memref<!tpu.dma_semaphore, #tpu.memory_space<semaphore_mem>>) attributes {dimension_semantics = [#tpu.dimension_semantics<core_parallel>, #tpu.dimension_semantics<subcore_parallel>], iteration_bounds = array<i64: 2, 16>, scalar_prefetch = 0 : i64, scratch_operands = 4 : i64, tpu.core_type = #tpu.core_type<sc_vector_subcore>, window_params = [{transform_indices = #map}, {transform_indices = #map1}, {transform_indices = #map}]} {
    %mul3A = arith.constant 2 : i32
    %mul3A_0 = arith.muli %arg1, %mul3A : i32
    %add3A = arith.addi %mul3A_0, %arg0 : i32
    %mul3A_1 = arith.constant 5120 : i32
    %mul3A_2 = arith.muli %add3A, %mul3A_1 : i32
    "tpu.region"() ({
      %run_scoped3A = tpu.sem_alloc : memref<!tpu.dma_semaphore, #tpu.memory_space<semaphore_mem>>
      %dma_start3A_1101 = arith.constant 0 : i32
      %dma_start3A_1102 = arith.constant 0 : i32
      %dma_start3A_1103 = tpu.memref_slice %arg3[%add3A, %dma_start3A_1101, %dma_start3A_1102] : memref<32x40x128xi32, #tpu.memory_space<hbm>> -> memref<1x40x128xi32, #tpu.memory_space<hbm>>
      %dma_start3A_1104 = tpu.memref_squeeze %dma_start3A_1103 : memref<1x40x128xi32, #tpu.memory_space<hbm>> -> memref<40x128xi32, #tpu.memory_space<hbm>>
      %dma_start3A_1105 = arith.constant 0 : i32
      %dma_start3A_1106 = arith.constant 0 : i32
      %dma_start3A_1107 = tpu.memref_slice %arg3[%add3A, %dma_start3A_1105, %dma_start3A_1106] : memref<32x40x128xi32, #tpu.memory_space<hbm>> -> memref<1x40x128xi32, #tpu.memory_space<hbm>>
      %dma_start3A_1108 = tpu.memref_squeeze %dma_start3A_1107 : memref<1x40x128xi32, #tpu.memory_space<hbm>> -> memref<40x128xi32, #tpu.memory_space<hbm>>
      tpu.enqueue_dma source(%dma_start3A_1108 : memref<40x128xi32, #tpu.memory_space<hbm>>) target(%arg5 : memref<40x128xi32, #tpu.memory_space<vmem>>) target_semaphore(%run_scoped3A : memref<!tpu.dma_semaphore, #tpu.memory_space<semaphore_mem>>)
      %dma_wait3A_1109 = arith.constant 0 : i32
      %dma_wait3A_1110 = arith.constant 0 : i32
      %dma_wait3A_1111 = tpu.memref_slice %arg3[%add3A, %dma_wait3A_1109, %dma_wait3A_1110] : memref<32x40x128xi32, #tpu.memory_space<hbm>> -> memref<1x40x128xi32, #tpu.memory_space<hbm>>
      %dma_wait3A_1112 = tpu.memref_squeeze %dma_wait3A_1111 : memref<1x40x128xi32, #tpu.memory_space<hbm>> -> memref<40x128xi32, #tpu.memory_space<hbm>>
      %dma_wait3A_1113 = arith.constant 0 : i32
      %dma_wait3A_1114 = arith.constant 0 : i32
      %dma_wait3A_1115 = tpu.memref_slice %arg3[%add3A, %dma_wait3A_1113, %dma_wait3A_1114] : memref<32x40x128xi32, #tpu.memory_space<hbm>> -> memref<1x40x128xi32, #tpu.memory_space<hbm>>
      %dma_wait3A_1116 = tpu.memref_squeeze %dma_wait3A_1115 : memref<1x40x128xi32, #tpu.memory_space<hbm>> -> memref<40x128xi32, #tpu.memory_space<hbm>>
      tpu.wait_dma2 semaphore(%run_scoped3A : memref<!tpu.dma_semaphore, #tpu.memory_space<semaphore_mem>>) src(%dma_wait3A_1116 : memref<40x128xi32, #tpu.memory_space<hbm>>) dst(%arg5 : memref<40x128xi32, #tpu.memory_space<vmem>>)
      tpu.yield
    }) : () -> ()
    %dma_start3A = arith.constant 0 : i32
    %dma_start3A_3 = arith.constant 0 : i32
    %dma_start3A_4 = arith.constant 0 : i32
    %dma_start3A_5 = arith.constant 0 : i32
    %dma_start3A_6 = tpu.memref_slice %arg6[%dma_start3A_3, %dma_start3A_4, %dma_start3A_5] : memref<2x1024x32xf32, #tpu.memory_space<vmem>> -> memref<1x128x32xf32, #tpu.memory_space<vmem>>
    %dma_start3A_7 = tpu.memref_squeeze %dma_start3A_6 : memref<1x128x32xf32, #tpu.memory_space<vmem>> -> memref<128x32xf32, #tpu.memory_space<vmem>>
    %dma_start3A_8 = arith.constant 0 : i32
    %dma_start3A_9 = tpu.memref_slice %arg5[%dma_start3A, %dma_start3A_8] : memref<40x128xi32, #tpu.memory_space<vmem>> -> memref<1x128xi32, #tpu.memory_space<vmem>>
    %dma_start3A_10 = tpu.memref_squeeze %dma_start3A_9 : memref<1x128xi32, #tpu.memory_space<vmem>> -> memref<128xi32, #tpu.memory_space<vmem>>
    %dma_start3A_11 = arith.constant 0 : i32
    %dma_start3A_12 = arith.constant 0 : i32
    %dma_start3A_13 = tpu.memref_slice %arg2[%dma_start3A_11, %dma_start3A_12] : memref<10000x32xf32, #tpu.memory_space<hbm>> -> memref<10000x32xf32, #tpu.memory_space<hbm>>
    tpu.enqueue_indirect_dma source(%dma_start3A_13 : memref<10000x32xf32, #tpu.memory_space<hbm>>) target(%dma_start3A_7 : memref<128x32xf32, #tpu.memory_space<vmem>>) offsets(%dma_start3A_10 : memref<128xi32, #tpu.memory_space<vmem>>) semaphore(%arg7 : memref<!tpu.dma_semaphore, #tpu.memory_space<semaphore_mem>>)
    %dma_start3A_14 = arith.constant 1 : i32
    %dma_start3A_15 = arith.constant 0 : i32
    %dma_start3A_16 = arith.constant 128 : i32
    %dma_start3A_17 = arith.constant 0 : i32
    %dma_start3A_18 = tpu.memref_slice %arg6[%dma_start3A_15, %dma_start3A_16, %dma_start3A_17] : memref<2x1024x32xf32, #tpu.memory_space<vmem>> -> memref<1x128x32xf32, #tpu.memory_space<vmem>>
    %dma_start3A_19 = tpu.memref_squeeze %dma_start3A_18 : memref<1x128x32xf32, #tpu.memory_space<vmem>> -> memref<128x32xf32, #tpu.memory_space<vmem>>
    %dma_start3A_20 = arith.constant 0 : i32
    %dma_start3A_21 = tpu.memref_slice %arg5[%dma_start3A_14, %dma_start3A_20] : memref<40x128xi32, #tpu.memory_space<vmem>> -> memref<1x128xi32, #tpu.memory_space<vmem>>
    %dma_start3A_22 = tpu.memref_squeeze %dma_start3A_21 : memref<1x128xi32, #tpu.memory_space<vmem>> -> memref<128xi32, #tpu.memory_space<vmem>>
    %dma_start3A_23 = arith.constant 0 : i32
    %dma_start3A_24 = arith.constant 0 : i32
    %dma_start3A_25 = tpu.memref_slice %arg2[%dma_start3A_23, %dma_start3A_24] : memref<10000x32xf32, #tpu.memory_space<hbm>> -> memref<10000x32xf32, #tpu.memory_space<hbm>>
    tpu.enqueue_indirect_dma source(%dma_start3A_25 : memref<10000x32xf32, #tpu.memory_space<hbm>>) target(%dma_start3A_19 : memref<128x32xf32, #tpu.memory_space<vmem>>) offsets(%dma_start3A_22 : memref<128xi32, #tpu.memory_space<vmem>>) semaphore(%arg7 : memref<!tpu.dma_semaphore, #tpu.memory_space<semaphore_mem>>)
    %dma_start3A_26 = arith.constant 2 : i32
    %dma_start3A_27 = arith.constant 0 : i32
    %dma_start3A_28 = arith.constant 256 : i32
    %dma_start3A_29 = arith.constant 0 : i32
    %dma_start3A_30 = tpu.memref_slice %arg6[%dma_start3A_27, %dma_start3A_28, %dma_start3A_29] : memref<2x1024x32xf32, #tpu.memory_space<vmem>> -> memref<1x128x32xf32, #tpu.memory_space<vmem>>
    %dma_start3A_31 = tpu.memref_squeeze %dma_start3A_30 : memref<1x128x32xf32, #tpu.memory_space<vmem>> -> memref<128x32xf32, #tpu.memory_space<vmem>>
    %dma_start3A_32 = arith.constant 0 : i32
    %dma_start3A_33 = tpu.memref_slice %arg5[%dma_start3A_26, %dma_start3A_32] : memref<40x128xi32, #tpu.memory_space<vmem>> -> memref<1x128xi32, #tpu.memory_space<vmem>>
    %dma_start3A_34 = tpu.memref_squeeze %dma_start3A_33 : memref<1x128xi32, #tpu.memory_space<vmem>> -> memref<128xi32, #tpu.memory_space<vmem>>
    %dma_start3A_35 = arith.constant 0 : i32
    %dma_start3A_36 = arith.constant 0 : i32
    %dma_start3A_37 = tpu.memref_slice %arg2[%dma_start3A_35, %dma_start3A_36] : memref<10000x32xf32, #tpu.memory_space<hbm>> -> memref<10000x32xf32, #tpu.memory_space<hbm>>
    tpu.enqueue_indirect_dma source(%dma_start3A_37 : memref<10000x32xf32, #tpu.memory_space<hbm>>) target(%dma_start3A_31 : memref<128x32xf32, #tpu.memory_space<vmem>>) offsets(%dma_start3A_34 : memref<128xi32, #tpu.memory_space<vmem>>) semaphore(%arg7 : memref<!tpu.dma_semaphore, #tpu.memory_space<semaphore_mem>>)
    %dma_start3A_38 = arith.constant 3 : i32
    %dma_start3A_39 = arith.constant 0 : i32
    %dma_start3A_40 = arith.constant 384 : i32
    %dma_start3A_41 = arith.constant 0 : i32
    %dma_start3A_42 = tpu.memref_slice %arg6[%dma_start3A_39, %dma_start3A_40, %dma_start3A_41] : memref<2x1024x32xf32, #tpu.memory_space<vmem>> -> memref<1x128x32xf32, #tpu.memory_space<vmem>>
    %dma_start3A_43 = tpu.memref_squeeze %dma_start3A_42 : memref<1x128x32xf32, #tpu.memory_space<vmem>> -> memref<128x32xf32, #tpu.memory_space<vmem>>
    %dma_start3A_44 = arith.constant 0 : i32
    %dma_start3A_45 = tpu.memref_slice %arg5[%dma_start3A_38, %dma_start3A_44] : memref<40x128xi32, #tpu.memory_space<vmem>> -> memref<1x128xi32, #tpu.memory_space<vmem>>
    %dma_start3A_46 = tpu.memref_squeeze %dma_start3A_45 : memref<1x128xi32, #tpu.memory_space<vmem>> -> memref<128xi32, #tpu.memory_space<vmem>>
    %dma_start3A_47 = arith.constant 0 : i32
    %dma_start3A_48 = arith.constant 0 : i32
    %dma_start3A_49 = tpu.memref_slice %arg2[%dma_start3A_47, %dma_start3A_48] : memref<10000x32xf32, #tpu.memory_space<hbm>> -> memref<10000x32xf32, #tpu.memory_space<hbm>>
    tpu.enqueue_indirect_dma source(%dma_start3A_49 : memref<10000x32xf32, #tpu.memory_space<hbm>>) target(%dma_start3A_43 : memref<128x32xf32, #tpu.memory_space<vmem>>) offsets(%dma_start3A_46 : memref<128xi32, #tpu.memory_space<vmem>>) semaphore(%arg7 : memref<!tpu.dma_semaphore, #tpu.memory_space<semaphore_mem>>)
    %dma_start3A_50 = arith.constant 4 : i32
    %dma_start3A_51 = arith.constant 0 : i32
    %dma_start3A_52 = arith.constant 512 : i32
    %dma_start3A_53 = arith.constant 0 : i32
    %dma_start3A_54 = tpu.memref_slice %arg6[%dma_start3A_51, %dma_start3A_52, %dma_start3A_53] : memref<2x1024x32xf32, #tpu.memory_space<vmem>> -> memref<1x128x32xf32, #tpu.memory_space<vmem>>
    %dma_start3A_55 = tpu.memref_squeeze %dma_start3A_54 : memref<1x128x32xf32, #tpu.memory_space<vmem>> -> memref<128x32xf32, #tpu.memory_space<vmem>>
    %dma_start3A_56 = arith.constant 0 : i32
    %dma_start3A_57 = tpu.memref_slice %arg5[%dma_start3A_50, %dma_start3A_56] : memref<40x128xi32, #tpu.memory_space<vmem>> -> memref<1x128xi32, #tpu.memory_space<vmem>>
    %dma_start3A_58 = tpu.memref_squeeze %dma_start3A_57 : memref<1x128xi32, #tpu.memory_space<vmem>> -> memref<128xi32, #tpu.memory_space<vmem>>
    %dma_start3A_59 = arith.constant 0 : i32
    %dma_start3A_60 = arith.constant 0 : i32
    %dma_start3A_61 = tpu.memref_slice %arg2[%dma_start3A_59, %dma_start3A_60] : memref<10000x32xf32, #tpu.memory_space<hbm>> -> memref<10000x32xf32, #tpu.memory_space<hbm>>
    tpu.enqueue_indirect_dma source(%dma_start3A_61 : memref<10000x32xf32, #tpu.memory_space<hbm>>) target(%dma_start3A_55 : memref<128x32xf32, #tpu.memory_space<vmem>>) offsets(%dma_start3A_58 : memref<128xi32, #tpu.memory_space<vmem>>) semaphore(%arg7 : memref<!tpu.dma_semaphore, #tpu.memory_space<semaphore_mem>>)
    %dma_start3A_62 = arith.constant 5 : i32
    %dma_start3A_63 = arith.constant 0 : i32
    %dma_start3A_64 = arith.constant 640 : i32
    %dma_start3A_65 = arith.constant 0 : i32
    %dma_start3A_66 = tpu.memref_slice %arg6[%dma_start3A_63, %dma_start3A_64, %dma_start3A_65] : memref<2x1024x32xf32, #tpu.memory_space<vmem>> -> memref<1x128x32xf32, #tpu.memory_space<vmem>>
    %dma_start3A_67 = tpu.memref_squeeze %dma_start3A_66 : memref<1x128x32xf32, #tpu.memory_space<vmem>> -> memref<128x32xf32, #tpu.memory_space<vmem>>
    %dma_start3A_68 = arith.constant 0 : i32
    %dma_start3A_69 = tpu.memref_slice %arg5[%dma_start3A_62, %dma_start3A_68] : memref<40x128xi32, #tpu.memory_space<vmem>> -> memref<1x128xi32, #tpu.memory_space<vmem>>
    %dma_start3A_70 = tpu.memref_squeeze %dma_start3A_69 : memref<1x128xi32, #tpu.memory_space<vmem>> -> memref<128xi32, #tpu.memory_space<vmem>>
    %dma_start3A_71 = arith.constant 0 : i32
    %dma_start3A_72 = arith.constant 0 : i32
    %dma_start3A_73 = tpu.memref_slice %arg2[%dma_start3A_71, %dma_start3A_72] : memref<10000x32xf32, #tpu.memory_space<hbm>> -> memref<10000x32xf32, #tpu.memory_space<hbm>>
    tpu.enqueue_indirect_dma source(%dma_start3A_73 : memref<10000x32xf32, #tpu.memory_space<hbm>>) target(%dma_start3A_67 : memref<128x32xf32, #tpu.memory_space<vmem>>) offsets(%dma_start3A_70 : memref<128xi32, #tpu.memory_space<vmem>>) semaphore(%arg7 : memref<!tpu.dma_semaphore, #tpu.memory_space<semaphore_mem>>)
    %dma_start3A_74 = arith.constant 6 : i32
    %dma_start3A_75 = arith.constant 0 : i32
    %dma_start3A_76 = arith.constant 768 : i32
    %dma_start3A_77 = arith.constant 0 : i32
    %dma_start3A_78 = tpu.memref_slice %arg6[%dma_start3A_75, %dma_start3A_76, %dma_start3A_77] : memref<2x1024x32xf32, #tpu.memory_space<vmem>> -> memref<1x128x32xf32, #tpu.memory_space<vmem>>
    %dma_start3A_79 = tpu.memref_squeeze %dma_start3A_78 : memref<1x128x32xf32, #tpu.memory_space<vmem>> -> memref<128x32xf32, #tpu.memory_space<vmem>>
    %dma_start3A_80 = arith.constant 0 : i32
    %dma_start3A_81 = tpu.memref_slice %arg5[%dma_start3A_74, %dma_start3A_80] : memref<40x128xi32, #tpu.memory_space<vmem>> -> memref<1x128xi32, #tpu.memory_space<vmem>>
    %dma_start3A_82 = tpu.memref_squeeze %dma_start3A_81 : memref<1x128xi32, #tpu.memory_space<vmem>> -> memref<128xi32, #tpu.memory_space<vmem>>
    %dma_start3A_83 = arith.constant 0 : i32
    %dma_start3A_84 = arith.constant 0 : i32
    %dma_start3A_85 = tpu.memref_slice %arg2[%dma_start3A_83, %dma_start3A_84] : memref<10000x32xf32, #tpu.memory_space<hbm>> -> memref<10000x32xf32, #tpu.memory_space<hbm>>
    tpu.enqueue_indirect_dma source(%dma_start3A_85 : memref<10000x32xf32, #tpu.memory_space<hbm>>) target(%dma_start3A_79 : memref<128x32xf32, #tpu.memory_space<vmem>>) offsets(%dma_start3A_82 : memref<128xi32, #tpu.memory_space<vmem>>) semaphore(%arg7 : memref<!tpu.dma_semaphore, #tpu.memory_space<semaphore_mem>>)
    %dma_start3A_86 = arith.constant 7 : i32
    %dma_start3A_87 = arith.constant 0 : i32
    %dma_start3A_88 = arith.constant 896 : i32
    %dma_start3A_89 = arith.constant 0 : i32
    %dma_start3A_90 = tpu.memref_slice %arg6[%dma_start3A_87, %dma_start3A_88, %dma_start3A_89] : memref<2x1024x32xf32, #tpu.memory_space<vmem>> -> memref<1x128x32xf32, #tpu.memory_space<vmem>>
    %dma_start3A_91 = tpu.memref_squeeze %dma_start3A_90 : memref<1x128x32xf32, #tpu.memory_space<vmem>> -> memref<128x32xf32, #tpu.memory_space<vmem>>
    %dma_start3A_92 = arith.constant 0 : i32
    %dma_start3A_93 = tpu.memref_slice %arg5[%dma_start3A_86, %dma_start3A_92] : memref<40x128xi32, #tpu.memory_space<vmem>> -> memref<1x128xi32, #tpu.memory_space<vmem>>
    %dma_start3A_94 = tpu.memref_squeeze %dma_start3A_93 : memref<1x128xi32, #tpu.memory_space<vmem>> -> memref<128xi32, #tpu.memory_space<vmem>>
    %dma_start3A_95 = arith.constant 0 : i32
    %dma_start3A_96 = arith.constant 0 : i32
    %dma_start3A_97 = tpu.memref_slice %arg2[%dma_start3A_95, %dma_start3A_96] : memref<10000x32xf32, #tpu.memory_space<hbm>> -> memref<10000x32xf32, #tpu.memory_space<hbm>>
    tpu.enqueue_indirect_dma source(%dma_start3A_97 : memref<10000x32xf32, #tpu.memory_space<hbm>>) target(%dma_start3A_91 : memref<128x32xf32, #tpu.memory_space<vmem>>) offsets(%dma_start3A_94 : memref<128xi32, #tpu.memory_space<vmem>>) semaphore(%arg7 : memref<!tpu.dma_semaphore, #tpu.memory_space<semaphore_mem>>)
    %dma_wait3A = arith.constant 0 : i32
    %dma_wait3A_98 = arith.constant 0 : i32
    %dma_wait3A_99 = arith.constant 0 : i32
    %dma_wait3A_100 = arith.constant 0 : i32
    %dma_wait3A_101 = tpu.memref_slice %arg6[%dma_wait3A_98, %dma_wait3A_99, %dma_wait3A_100] : memref<2x1024x32xf32, #tpu.memory_space<vmem>> -> memref<1x128x32xf32, #tpu.memory_space<vmem>>
    %dma_wait3A_102 = tpu.memref_squeeze %dma_wait3A_101 : memref<1x128x32xf32, #tpu.memory_space<vmem>> -> memref<128x32xf32, #tpu.memory_space<vmem>>
    %dma_wait3A_103 = arith.constant 0 : i32
    %dma_wait3A_104 = tpu.memref_slice %arg5[%dma_wait3A, %dma_wait3A_103] : memref<40x128xi32, #tpu.memory_space<vmem>> -> memref<1x128xi32, #tpu.memory_space<vmem>>
    %dma_wait3A_105 = tpu.memref_squeeze %dma_wait3A_104 : memref<1x128xi32, #tpu.memory_space<vmem>> -> memref<128xi32, #tpu.memory_space<vmem>>
    %dma_wait3A_106 = arith.constant 0 : i32
    %dma_wait3A_107 = arith.constant 0 : i32
    %dma_wait3A_108 = tpu.memref_slice %arg2[%dma_wait3A_106, %dma_wait3A_107] : memref<10000x32xf32, #tpu.memory_space<hbm>> -> memref<10000x32xf32, #tpu.memory_space<hbm>>
    tpu.wait_indirect_dma semaphore(%arg7 : memref<!tpu.dma_semaphore, #tpu.memory_space<semaphore_mem>>) src(%dma_wait3A_108 : memref<10000x32xf32, #tpu.memory_space<hbm>>) dst(%dma_wait3A_102 : memref<128x32xf32, #tpu.memory_space<vmem>>)
    %dma_wait3A_109 = arith.constant 1 : i32
    %dma_wait3A_110 = arith.constant 0 : i32
    %dma_wait3A_111 = arith.constant 128 : i32
    %dma_wait3A_112 = arith.constant 0 : i32
    %dma_wait3A_113 = tpu.memref_slice %arg6[%dma_wait3A_110, %dma_wait3A_111, %dma_wait3A_112] : memref<2x1024x32xf32, #tpu.memory_space<vmem>> -> memref<1x128x32xf32, #tpu.memory_space<vmem>>
    %dma_wait3A_114 = tpu.memref_squeeze %dma_wait3A_113 : memref<1x128x32xf32, #tpu.memory_space<vmem>> -> memref<128x32xf32, #tpu.memory_space<vmem>>
    %dma_wait3A_115 = arith.constant 0 : i32
    %dma_wait3A_116 = tpu.memref_slice %arg5[%dma_wait3A_109, %dma_wait3A_115] : memref<40x128xi32, #tpu.memory_space<vmem>> -> memref<1x128xi32, #tpu.memory_space<vmem>>
    %dma_wait3A_117 = tpu.memref_squeeze %dma_wait3A_116 : memref<1x128xi32, #tpu.memory_space<vmem>> -> memref<128xi32, #tpu.memory_space<vmem>>
    %dma_wait3A_118 = arith.constant 0 : i32
    %dma_wait3A_119 = arith.constant 0 : i32
    %dma_wait3A_120 = tpu.memref_slice %arg2[%dma_wait3A_118, %dma_wait3A_119] : memref<10000x32xf32, #tpu.memory_space<hbm>> -> memref<10000x32xf32, #tpu.memory_space<hbm>>
    tpu.wait_indirect_dma semaphore(%arg7 : memref<!tpu.dma_semaphore, #tpu.memory_space<semaphore_mem>>) src(%dma_wait3A_120 : memref<10000x32xf32, #tpu.memory_space<hbm>>) dst(%dma_wait3A_114 : memref<128x32xf32, #tpu.memory_space<vmem>>)
    %dma_wait3A_121 = arith.constant 2 : i32
    %dma_wait3A_122 = arith.constant 0 : i32
    %dma_wait3A_123 = arith.constant 256 : i32
    %dma_wait3A_124 = arith.constant 0 : i32
    %dma_wait3A_125 = tpu.memref_slice %arg6[%dma_wait3A_122, %dma_wait3A_123, %dma_wait3A_124] : memref<2x1024x32xf32, #tpu.memory_space<vmem>> -> memref<1x128x32xf32, #tpu.memory_space<vmem>>
    %dma_wait3A_126 = tpu.memref_squeeze %dma_wait3A_125 : memref<1x128x32xf32, #tpu.memory_space<vmem>> -> memref<128x32xf32, #tpu.memory_space<vmem>>
    %dma_wait3A_127 = arith.constant 0 : i32
    %dma_wait3A_128 = tpu.memref_slice %arg5[%dma_wait3A_121, %dma_wait3A_127] : memref<40x128xi32, #tpu.memory_space<vmem>> -> memref<1x128xi32, #tpu.memory_space<vmem>>
    %dma_wait3A_129 = tpu.memref_squeeze %dma_wait3A_128 : memref<1x128xi32, #tpu.memory_space<vmem>> -> memref<128xi32, #tpu.memory_space<vmem>>
    %dma_wait3A_130 = arith.constant 0 : i32
    %dma_wait3A_131 = arith.constant 0 : i32
    %dma_wait3A_132 = tpu.memref_slice %arg2[%dma_wait3A_130, %dma_wait3A_131] : memref<10000x32xf32, #tpu.memory_space<hbm>> -> memref<10000x32xf32, #tpu.memory_space<hbm>>
    tpu.wait_indirect_dma semaphore(%arg7 : memref<!tpu.dma_semaphore, #tpu.memory_space<semaphore_mem>>) src(%dma_wait3A_132 : memref<10000x32xf32, #tpu.memory_space<hbm>>) dst(%dma_wait3A_126 : memref<128x32xf32, #tpu.memory_space<vmem>>)
    %dma_wait3A_133 = arith.constant 3 : i32
    %dma_wait3A_134 = arith.constant 0 : i32
    %dma_wait3A_135 = arith.constant 384 : i32
    %dma_wait3A_136 = arith.constant 0 : i32
    %dma_wait3A_137 = tpu.memref_slice %arg6[%dma_wait3A_134, %dma_wait3A_135, %dma_wait3A_136] : memref<2x1024x32xf32, #tpu.memory_space<vmem>> -> memref<1x128x32xf32, #tpu.memory_space<vmem>>
    %dma_wait3A_138 = tpu.memref_squeeze %dma_wait3A_137 : memref<1x128x32xf32, #tpu.memory_space<vmem>> -> memref<128x32xf32, #tpu.memory_space<vmem>>
    %dma_wait3A_139 = arith.constant 0 : i32
    %dma_wait3A_140 = tpu.memref_slice %arg5[%dma_wait3A_133, %dma_wait3A_139] : memref<40x128xi32, #tpu.memory_space<vmem>> -> memref<1x128xi32, #tpu.memory_space<vmem>>
    %dma_wait3A_141 = tpu.memref_squeeze %dma_wait3A_140 : memref<1x128xi32, #tpu.memory_space<vmem>> -> memref<128xi32, #tpu.memory_space<vmem>>
    %dma_wait3A_142 = arith.constant 0 : i32
    %dma_wait3A_143 = arith.constant 0 : i32
    %dma_wait3A_144 = tpu.memref_slice %arg2[%dma_wait3A_142, %dma_wait3A_143] : memref<10000x32xf32, #tpu.memory_space<hbm>> -> memref<10000x32xf32, #tpu.memory_space<hbm>>
    tpu.wait_indirect_dma semaphore(%arg7 : memref<!tpu.dma_semaphore, #tpu.memory_space<semaphore_mem>>) src(%dma_wait3A_144 : memref<10000x32xf32, #tpu.memory_space<hbm>>) dst(%dma_wait3A_138 : memref<128x32xf32, #tpu.memory_space<vmem>>)
    %dma_wait3A_145 = arith.constant 4 : i32
    %dma_wait3A_146 = arith.constant 0 : i32
    %dma_wait3A_147 = arith.constant 512 : i32
    %dma_wait3A_148 = arith.constant 0 : i32
    %dma_wait3A_149 = tpu.memref_slice %arg6[%dma_wait3A_146, %dma_wait3A_147, %dma_wait3A_148] : memref<2x1024x32xf32, #tpu.memory_space<vmem>> -> memref<1x128x32xf32, #tpu.memory_space<vmem>>
    %dma_wait3A_150 = tpu.memref_squeeze %dma_wait3A_149 : memref<1x128x32xf32, #tpu.memory_space<vmem>> -> memref<128x32xf32, #tpu.memory_space<vmem>>
    %dma_wait3A_151 = arith.constant 0 : i32
    %dma_wait3A_152 = tpu.memref_slice %arg5[%dma_wait3A_145, %dma_wait3A_151] : memref<40x128xi32, #tpu.memory_space<vmem>> -> memref<1x128xi32, #tpu.memory_space<vmem>>
    %dma_wait3A_153 = tpu.memref_squeeze %dma_wait3A_152 : memref<1x128xi32, #tpu.memory_space<vmem>> -> memref<128xi32, #tpu.memory_space<vmem>>
    %dma_wait3A_154 = arith.constant 0 : i32
    %dma_wait3A_155 = arith.constant 0 : i32
    %dma_wait3A_156 = tpu.memref_slice %arg2[%dma_wait3A_154, %dma_wait3A_155] : memref<10000x32xf32, #tpu.memory_space<hbm>> -> memref<10000x32xf32, #tpu.memory_space<hbm>>
    tpu.wait_indirect_dma semaphore(%arg7 : memref<!tpu.dma_semaphore, #tpu.memory_space<semaphore_mem>>) src(%dma_wait3A_156 : memref<10000x32xf32, #tpu.memory_space<hbm>>) dst(%dma_wait3A_150 : memref<128x32xf32, #tpu.memory_space<vmem>>)
    %dma_wait3A_157 = arith.constant 5 : i32
    %dma_wait3A_158 = arith.constant 0 : i32
    %dma_wait3A_159 = arith.constant 640 : i32
    %dma_wait3A_160 = arith.constant 0 : i32
    %dma_wait3A_161 = tpu.memref_slice %arg6[%dma_wait3A_158, %dma_wait3A_159, %dma_wait3A_160] : memref<2x1024x32xf32, #tpu.memory_space<vmem>> -> memref<1x128x32xf32, #tpu.memory_space<vmem>>
    %dma_wait3A_162 = tpu.memref_squeeze %dma_wait3A_161 : memref<1x128x32xf32, #tpu.memory_space<vmem>> -> memref<128x32xf32, #tpu.memory_space<vmem>>
    %dma_wait3A_163 = arith.constant 0 : i32
    %dma_wait3A_164 = tpu.memref_slice %arg5[%dma_wait3A_157, %dma_wait3A_163] : memref<40x128xi32, #tpu.memory_space<vmem>> -> memref<1x128xi32, #tpu.memory_space<vmem>>
    %dma_wait3A_165 = tpu.memref_squeeze %dma_wait3A_164 : memref<1x128xi32, #tpu.memory_space<vmem>> -> memref<128xi32, #tpu.memory_space<vmem>>
    %dma_wait3A_166 = arith.constant 0 : i32
    %dma_wait3A_167 = arith.constant 0 : i32
    %dma_wait3A_168 = tpu.memref_slice %arg2[%dma_wait3A_166, %dma_wait3A_167] : memref<10000x32xf32, #tpu.memory_space<hbm>> -> memref<10000x32xf32, #tpu.memory_space<hbm>>
    tpu.wait_indirect_dma semaphore(%arg7 : memref<!tpu.dma_semaphore, #tpu.memory_space<semaphore_mem>>) src(%dma_wait3A_168 : memref<10000x32xf32, #tpu.memory_space<hbm>>) dst(%dma_wait3A_162 : memref<128x32xf32, #tpu.memory_space<vmem>>)
    %dma_wait3A_169 = arith.constant 6 : i32
    %dma_wait3A_170 = arith.constant 0 : i32
    %dma_wait3A_171 = arith.constant 768 : i32
    %dma_wait3A_172 = arith.constant 0 : i32
    %dma_wait3A_173 = tpu.memref_slice %arg6[%dma_wait3A_170, %dma_wait3A_171, %dma_wait3A_172] : memref<2x1024x32xf32, #tpu.memory_space<vmem>> -> memref<1x128x32xf32, #tpu.memory_space<vmem>>
    %dma_wait3A_174 = tpu.memref_squeeze %dma_wait3A_173 : memref<1x128x32xf32, #tpu.memory_space<vmem>> -> memref<128x32xf32, #tpu.memory_space<vmem>>
    %dma_wait3A_175 = arith.constant 0 : i32
    %dma_wait3A_176 = tpu.memref_slice %arg5[%dma_wait3A_169, %dma_wait3A_175] : memref<40x128xi32, #tpu.memory_space<vmem>> -> memref<1x128xi32, #tpu.memory_space<vmem>>
    %dma_wait3A_177 = tpu.memref_squeeze %dma_wait3A_176 : memref<1x128xi32, #tpu.memory_space<vmem>> -> memref<128xi32, #tpu.memory_space<vmem>>
    %dma_wait3A_178 = arith.constant 0 : i32
    %dma_wait3A_179 = arith.constant 0 : i32
    %dma_wait3A_180 = tpu.memref_slice %arg2[%dma_wait3A_178, %dma_wait3A_179] : memref<10000x32xf32, #tpu.memory_space<hbm>> -> memref<10000x32xf32, #tpu.memory_space<hbm>>
    tpu.wait_indirect_dma semaphore(%arg7 : memref<!tpu.dma_semaphore, #tpu.memory_space<semaphore_mem>>) src(%dma_wait3A_180 : memref<10000x32xf32, #tpu.memory_space<hbm>>) dst(%dma_wait3A_174 : memref<128x32xf32, #tpu.memory_space<vmem>>)
    %dma_wait3A_181 = arith.constant 7 : i32
    %dma_wait3A_182 = arith.constant 0 : i32
    %dma_wait3A_183 = arith.constant 896 : i32
    %dma_wait3A_184 = arith.constant 0 : i32
    %dma_wait3A_185 = tpu.memref_slice %arg6[%dma_wait3A_182, %dma_wait3A_183, %dma_wait3A_184] : memref<2x1024x32xf32, #tpu.memory_space<vmem>> -> memref<1x128x32xf32, #tpu.memory_space<vmem>>
    %dma_wait3A_186 = tpu.memref_squeeze %dma_wait3A_185 : memref<1x128x32xf32, #tpu.memory_space<vmem>> -> memref<128x32xf32, #tpu.memory_space<vmem>>
    %dma_wait3A_187 = arith.constant 0 : i32
    %dma_wait3A_188 = tpu.memref_slice %arg5[%dma_wait3A_181, %dma_wait3A_187] : memref<40x128xi32, #tpu.memory_space<vmem>> -> memref<1x128xi32, #tpu.memory_space<vmem>>
    %dma_wait3A_189 = tpu.memref_squeeze %dma_wait3A_188 : memref<1x128xi32, #tpu.memory_space<vmem>> -> memref<128xi32, #tpu.memory_space<vmem>>
    %dma_wait3A_190 = arith.constant 0 : i32
    %dma_wait3A_191 = arith.constant 0 : i32
    %dma_wait3A_192 = tpu.memref_slice %arg2[%dma_wait3A_190, %dma_wait3A_191] : memref<10000x32xf32, #tpu.memory_space<hbm>> -> memref<10000x32xf32, #tpu.memory_space<hbm>>
    tpu.wait_indirect_dma semaphore(%arg7 : memref<!tpu.dma_semaphore, #tpu.memory_space<semaphore_mem>>) src(%dma_wait3A_192 : memref<10000x32xf32, #tpu.memory_space<hbm>>) dst(%dma_wait3A_186 : memref<128x32xf32, #tpu.memory_space<vmem>>)
    %add3A_193 = arith.constant 0 : i32
    %add3A_194 = arith.addi %mul3A_2, %add3A_193 : i32
    %dma_start3A_195 = arith.constant 0 : i32
    %dma_start3A_196 = arith.constant 0 : i32
    %dma_start3A_197 = arith.constant 0 : i32
    %dma_start3A_198 = tpu.memref_slice %arg6[%dma_start3A_195, %dma_start3A_196, %dma_start3A_197] : memref<2x1024x32xf32, #tpu.memory_space<vmem>> -> memref<1x1024x32xf32, #tpu.memory_space<vmem>>
    %dma_start3A_199 = tpu.memref_squeeze %dma_start3A_198 : memref<1x1024x32xf32, #tpu.memory_space<vmem>> -> memref<1024x32xf32, #tpu.memory_space<vmem>>
    %dma_start3A_200 = arith.constant 0 : i32
    %dma_start3A_201 = tpu.memref_slice %arg4[%add3A_194, %dma_start3A_200] : memref<163840x32xf32, #tpu.memory_space<hbm>> -> memref<1024x32xf32, #tpu.memory_space<hbm>>
    %dma_start3A_202 = arith.constant 0 : i32
    %dma_start3A_203 = tpu.memref_slice %arg4[%add3A_194, %dma_start3A_202] : memref<163840x32xf32, #tpu.memory_space<hbm>> -> memref<1024x32xf32, #tpu.memory_space<hbm>>
    %dma_start3A_204 = arith.constant 0 : i32
    %dma_start3A_205 = arith.constant 0 : i32
    %dma_start3A_206 = tpu.memref_slice %arg6[%dma_start3A_195, %dma_start3A_204, %dma_start3A_205] : memref<2x1024x32xf32, #tpu.memory_space<vmem>> -> memref<1x1024x32xf32, #tpu.memory_space<vmem>>
    %dma_start3A_207 = tpu.memref_squeeze %dma_start3A_206 : memref<1x1024x32xf32, #tpu.memory_space<vmem>> -> memref<1024x32xf32, #tpu.memory_space<vmem>>
    tpu.enqueue_dma source(%dma_start3A_207 : memref<1024x32xf32, #tpu.memory_space<vmem>>) target(%dma_start3A_203 : memref<1024x32xf32, #tpu.memory_space<hbm>>) target_semaphore(%arg8 : memref<!tpu.dma_semaphore, #tpu.memory_space<semaphore_mem>>)
    %dma_wait3A_208 = arith.constant 0 : i32
    %dma_wait3A_209 = arith.constant 0 : i32
    %dma_wait3A_210 = arith.constant 0 : i32
    %dma_wait3A_211 = tpu.memref_slice %arg6[%dma_wait3A_208, %dma_wait3A_209, %dma_wait3A_210] : memref<2x1024x32xf32, #tpu.memory_space<vmem>> -> memref<1x1024x32xf32, #tpu.memory_space<vmem>>
    %dma_wait3A_212 = tpu.memref_squeeze %dma_wait3A_211 : memref<1x1024x32xf32, #tpu.memory_space<vmem>> -> memref<1024x32xf32, #tpu.memory_space<vmem>>
    %dma_wait3A_213 = arith.constant 0 : i32
    %dma_wait3A_214 = tpu.memref_slice %arg4[%add3A_194, %dma_wait3A_213] : memref<163840x32xf32, #tpu.memory_space<hbm>> -> memref<1024x32xf32, #tpu.memory_space<hbm>>
    %dma_wait3A_215 = arith.constant 0 : i32
    %dma_wait3A_216 = tpu.memref_slice %arg4[%add3A_194, %dma_wait3A_215] : memref<163840x32xf32, #tpu.memory_space<hbm>> -> memref<1024x32xf32, #tpu.memory_space<hbm>>
    %dma_wait3A_217 = arith.constant 0 : i32
    %dma_wait3A_218 = arith.constant 0 : i32
    %dma_wait3A_219 = tpu.memref_slice %arg6[%dma_wait3A_208, %dma_wait3A_217, %dma_wait3A_218] : memref<2x1024x32xf32, #tpu.memory_space<vmem>> -> memref<1x1024x32xf32, #tpu.memory_space<vmem>>
    %dma_wait3A_220 = tpu.memref_squeeze %dma_wait3A_219 : memref<1x1024x32xf32, #tpu.memory_space<vmem>> -> memref<1024x32xf32, #tpu.memory_space<vmem>>
    tpu.wait_dma2 semaphore(%arg8 : memref<!tpu.dma_semaphore, #tpu.memory_space<semaphore_mem>>) src(%dma_wait3A_220 : memref<1024x32xf32, #tpu.memory_space<vmem>>) dst(%dma_wait3A_216 : memref<1024x32xf32, #tpu.memory_space<hbm>>)
    %dma_start3A_221 = arith.constant 8 : i32
    %dma_start3A_222 = arith.constant 1 : i32
    %dma_start3A_223 = arith.constant 0 : i32
    %dma_start3A_224 = arith.constant 0 : i32
    %dma_start3A_225 = tpu.memref_slice %arg6[%dma_start3A_222, %dma_start3A_223, %dma_start3A_224] : memref<2x1024x32xf32, #tpu.memory_space<vmem>> -> memref<1x128x32xf32, #tpu.memory_space<vmem>>
    %dma_start3A_226 = tpu.memref_squeeze %dma_start3A_225 : memref<1x128x32xf32, #tpu.memory_space<vmem>> -> memref<128x32xf32, #tpu.memory_space<vmem>>
    %dma_start3A_227 = arith.constant 0 : i32
    %dma_start3A_228 = tpu.memref_slice %arg5[%dma_start3A_221, %dma_start3A_227] : memref<40x128xi32, #tpu.memory_space<vmem>> -> memref<1x128xi32, #tpu.memory_space<vmem>>
    %dma_start3A_229 = tpu.memref_squeeze %dma_start3A_228 : memref<1x128xi32, #tpu.memory_space<vmem>> -> memref<128xi32, #tpu.memory_space<vmem>>
    %dma_start3A_230 = arith.constant 0 : i32
    %dma_start3A_231 = arith.constant 0 : i32
    %dma_start3A_232 = tpu.memref_slice %arg2[%dma_start3A_230, %dma_start3A_231] : memref<10000x32xf32, #tpu.memory_space<hbm>> -> memref<10000x32xf32, #tpu.memory_space<hbm>>
    tpu.enqueue_indirect_dma source(%dma_start3A_232 : memref<10000x32xf32, #tpu.memory_space<hbm>>) target(%dma_start3A_226 : memref<128x32xf32, #tpu.memory_space<vmem>>) offsets(%dma_start3A_229 : memref<128xi32, #tpu.memory_space<vmem>>) semaphore(%arg7 : memref<!tpu.dma_semaphore, #tpu.memory_space<semaphore_mem>>)
    %dma_start3A_233 = arith.constant 9 : i32
    %dma_start3A_234 = arith.constant 1 : i32
    %dma_start3A_235 = arith.constant 128 : i32
    %dma_start3A_236 = arith.constant 0 : i32
    %dma_start3A_237 = tpu.memref_slice %arg6[%dma_start3A_234, %dma_start3A_235, %dma_start3A_236] : memref<2x1024x32xf32, #tpu.memory_space<vmem>> -> memref<1x128x32xf32, #tpu.memory_space<vmem>>
    %dma_start3A_238 = tpu.memref_squeeze %dma_start3A_237 : memref<1x128x32xf32, #tpu.memory_space<vmem>> -> memref<128x32xf32, #tpu.memory_space<vmem>>
    %dma_start3A_239 = arith.constant 0 : i32
    %dma_start3A_240 = tpu.memref_slice %arg5[%dma_start3A_233, %dma_start3A_239] : memref<40x128xi32, #tpu.memory_space<vmem>> -> memref<1x128xi32, #tpu.memory_space<vmem>>
    %dma_start3A_241 = tpu.memref_squeeze %dma_start3A_240 : memref<1x128xi32, #tpu.memory_space<vmem>> -> memref<128xi32, #tpu.memory_space<vmem>>
    %dma_start3A_242 = arith.constant 0 : i32
    %dma_start3A_243 = arith.constant 0 : i32
    %dma_start3A_244 = tpu.memref_slice %arg2[%dma_start3A_242, %dma_start3A_243] : memref<10000x32xf32, #tpu.memory_space<hbm>> -> memref<10000x32xf32, #tpu.memory_space<hbm>>
    tpu.enqueue_indirect_dma source(%dma_start3A_244 : memref<10000x32xf32, #tpu.memory_space<hbm>>) target(%dma_start3A_238 : memref<128x32xf32, #tpu.memory_space<vmem>>) offsets(%dma_start3A_241 : memref<128xi32, #tpu.memory_space<vmem>>) semaphore(%arg7 : memref<!tpu.dma_semaphore, #tpu.memory_space<semaphore_mem>>)
    %dma_start3A_245 = arith.constant 10 : i32
    %dma_start3A_246 = arith.constant 1 : i32
    %dma_start3A_247 = arith.constant 256 : i32
    %dma_start3A_248 = arith.constant 0 : i32
    %dma_start3A_249 = tpu.memref_slice %arg6[%dma_start3A_246, %dma_start3A_247, %dma_start3A_248] : memref<2x1024x32xf32, #tpu.memory_space<vmem>> -> memref<1x128x32xf32, #tpu.memory_space<vmem>>
    %dma_start3A_250 = tpu.memref_squeeze %dma_start3A_249 : memref<1x128x32xf32, #tpu.memory_space<vmem>> -> memref<128x32xf32, #tpu.memory_space<vmem>>
    %dma_start3A_251 = arith.constant 0 : i32
    %dma_start3A_252 = tpu.memref_slice %arg5[%dma_start3A_245, %dma_start3A_251] : memref<40x128xi32, #tpu.memory_space<vmem>> -> memref<1x128xi32, #tpu.memory_space<vmem>>
    %dma_start3A_253 = tpu.memref_squeeze %dma_start3A_252 : memref<1x128xi32, #tpu.memory_space<vmem>> -> memref<128xi32, #tpu.memory_space<vmem>>
    %dma_start3A_254 = arith.constant 0 : i32
    %dma_start3A_255 = arith.constant 0 : i32
    %dma_start3A_256 = tpu.memref_slice %arg2[%dma_start3A_254, %dma_start3A_255] : memref<10000x32xf32, #tpu.memory_space<hbm>> -> memref<10000x32xf32, #tpu.memory_space<hbm>>
    tpu.enqueue_indirect_dma source(%dma_start3A_256 : memref<10000x32xf32, #tpu.memory_space<hbm>>) target(%dma_start3A_250 : memref<128x32xf32, #tpu.memory_space<vmem>>) offsets(%dma_start3A_253 : memref<128xi32, #tpu.memory_space<vmem>>) semaphore(%arg7 : memref<!tpu.dma_semaphore, #tpu.memory_space<semaphore_mem>>)
    %dma_start3A_257 = arith.constant 11 : i32
    %dma_start3A_258 = arith.constant 1 : i32
    %dma_start3A_259 = arith.constant 384 : i32
    %dma_start3A_260 = arith.constant 0 : i32
    %dma_start3A_261 = tpu.memref_slice %arg6[%dma_start3A_258, %dma_start3A_259, %dma_start3A_260] : memref<2x1024x32xf32, #tpu.memory_space<vmem>> -> memref<1x128x32xf32, #tpu.memory_space<vmem>>
    %dma_start3A_262 = tpu.memref_squeeze %dma_start3A_261 : memref<1x128x32xf32, #tpu.memory_space<vmem>> -> memref<128x32xf32, #tpu.memory_space<vmem>>
    %dma_start3A_263 = arith.constant 0 : i32
    %dma_start3A_264 = tpu.memref_slice %arg5[%dma_start3A_257, %dma_start3A_263] : memref<40x128xi32, #tpu.memory_space<vmem>> -> memref<1x128xi32, #tpu.memory_space<vmem>>
    %dma_start3A_265 = tpu.memref_squeeze %dma_start3A_264 : memref<1x128xi32, #tpu.memory_space<vmem>> -> memref<128xi32, #tpu.memory_space<vmem>>
    %dma_start3A_266 = arith.constant 0 : i32
    %dma_start3A_267 = arith.constant 0 : i32
    %dma_start3A_268 = tpu.memref_slice %arg2[%dma_start3A_266, %dma_start3A_267] : memref<10000x32xf32, #tpu.memory_space<hbm>> -> memref<10000x32xf32, #tpu.memory_space<hbm>>
    tpu.enqueue_indirect_dma source(%dma_start3A_268 : memref<10000x32xf32, #tpu.memory_space<hbm>>) target(%dma_start3A_262 : memref<128x32xf32, #tpu.memory_space<vmem>>) offsets(%dma_start3A_265 : memref<128xi32, #tpu.memory_space<vmem>>) semaphore(%arg7 : memref<!tpu.dma_semaphore, #tpu.memory_space<semaphore_mem>>)
    %dma_start3A_269 = arith.constant 12 : i32
    %dma_start3A_270 = arith.constant 1 : i32
    %dma_start3A_271 = arith.constant 512 : i32
    %dma_start3A_272 = arith.constant 0 : i32
    %dma_start3A_273 = tpu.memref_slice %arg6[%dma_start3A_270, %dma_start3A_271, %dma_start3A_272] : memref<2x1024x32xf32, #tpu.memory_space<vmem>> -> memref<1x128x32xf32, #tpu.memory_space<vmem>>
    %dma_start3A_274 = tpu.memref_squeeze %dma_start3A_273 : memref<1x128x32xf32, #tpu.memory_space<vmem>> -> memref<128x32xf32, #tpu.memory_space<vmem>>
    %dma_start3A_275 = arith.constant 0 : i32
    %dma_start3A_276 = tpu.memref_slice %arg5[%dma_start3A_269, %dma_start3A_275] : memref<40x128xi32, #tpu.memory_space<vmem>> -> memref<1x128xi32, #tpu.memory_space<vmem>>
    %dma_start3A_277 = tpu.memref_squeeze %dma_start3A_276 : memref<1x128xi32, #tpu.memory_space<vmem>> -> memref<128xi32, #tpu.memory_space<vmem>>
    %dma_start3A_278 = arith.constant 0 : i32
    %dma_start3A_279 = arith.constant 0 : i32
    %dma_start3A_280 = tpu.memref_slice %arg2[%dma_start3A_278, %dma_start3A_279] : memref<10000x32xf32, #tpu.memory_space<hbm>> -> memref<10000x32xf32, #tpu.memory_space<hbm>>
    tpu.enqueue_indirect_dma source(%dma_start3A_280 : memref<10000x32xf32, #tpu.memory_space<hbm>>) target(%dma_start3A_274 : memref<128x32xf32, #tpu.memory_space<vmem>>) offsets(%dma_start3A_277 : memref<128xi32, #tpu.memory_space<vmem>>) semaphore(%arg7 : memref<!tpu.dma_semaphore, #tpu.memory_space<semaphore_mem>>)
    %dma_start3A_281 = arith.constant 13 : i32
    %dma_start3A_282 = arith.constant 1 : i32
    %dma_start3A_283 = arith.constant 640 : i32
    %dma_start3A_284 = arith.constant 0 : i32
    %dma_start3A_285 = tpu.memref_slice %arg6[%dma_start3A_282, %dma_start3A_283, %dma_start3A_284] : memref<2x1024x32xf32, #tpu.memory_space<vmem>> -> memref<1x128x32xf32, #tpu.memory_space<vmem>>
    %dma_start3A_286 = tpu.memref_squeeze %dma_start3A_285 : memref<1x128x32xf32, #tpu.memory_space<vmem>> -> memref<128x32xf32, #tpu.memory_space<vmem>>
    %dma_start3A_287 = arith.constant 0 : i32
    %dma_start3A_288 = tpu.memref_slice %arg5[%dma_start3A_281, %dma_start3A_287] : memref<40x128xi32, #tpu.memory_space<vmem>> -> memref<1x128xi32, #tpu.memory_space<vmem>>
    %dma_start3A_289 = tpu.memref_squeeze %dma_start3A_288 : memref<1x128xi32, #tpu.memory_space<vmem>> -> memref<128xi32, #tpu.memory_space<vmem>>
    %dma_start3A_290 = arith.constant 0 : i32
    %dma_start3A_291 = arith.constant 0 : i32
    %dma_start3A_292 = tpu.memref_slice %arg2[%dma_start3A_290, %dma_start3A_291] : memref<10000x32xf32, #tpu.memory_space<hbm>> -> memref<10000x32xf32, #tpu.memory_space<hbm>>
    tpu.enqueue_indirect_dma source(%dma_start3A_292 : memref<10000x32xf32, #tpu.memory_space<hbm>>) target(%dma_start3A_286 : memref<128x32xf32, #tpu.memory_space<vmem>>) offsets(%dma_start3A_289 : memref<128xi32, #tpu.memory_space<vmem>>) semaphore(%arg7 : memref<!tpu.dma_semaphore, #tpu.memory_space<semaphore_mem>>)
    %dma_start3A_293 = arith.constant 14 : i32
    %dma_start3A_294 = arith.constant 1 : i32
    %dma_start3A_295 = arith.constant 768 : i32
    %dma_start3A_296 = arith.constant 0 : i32
    %dma_start3A_297 = tpu.memref_slice %arg6[%dma_start3A_294, %dma_start3A_295, %dma_start3A_296] : memref<2x1024x32xf32, #tpu.memory_space<vmem>> -> memref<1x128x32xf32, #tpu.memory_space<vmem>>
    %dma_start3A_298 = tpu.memref_squeeze %dma_start3A_297 : memref<1x128x32xf32, #tpu.memory_space<vmem>> -> memref<128x32xf32, #tpu.memory_space<vmem>>
    %dma_start3A_299 = arith.constant 0 : i32
    %dma_start3A_300 = tpu.memref_slice %arg5[%dma_start3A_293, %dma_start3A_299] : memref<40x128xi32, #tpu.memory_space<vmem>> -> memref<1x128xi32, #tpu.memory_space<vmem>>
    %dma_start3A_301 = tpu.memref_squeeze %dma_start3A_300 : memref<1x128xi32, #tpu.memory_space<vmem>> -> memref<128xi32, #tpu.memory_space<vmem>>
    %dma_start3A_302 = arith.constant 0 : i32
    %dma_start3A_303 = arith.constant 0 : i32
    %dma_start3A_304 = tpu.memref_slice %arg2[%dma_start3A_302, %dma_start3A_303] : memref<10000x32xf32, #tpu.memory_space<hbm>> -> memref<10000x32xf32, #tpu.memory_space<hbm>>
    tpu.enqueue_indirect_dma source(%dma_start3A_304 : memref<10000x32xf32, #tpu.memory_space<hbm>>) target(%dma_start3A_298 : memref<128x32xf32, #tpu.memory_space<vmem>>) offsets(%dma_start3A_301 : memref<128xi32, #tpu.memory_space<vmem>>) semaphore(%arg7 : memref<!tpu.dma_semaphore, #tpu.memory_space<semaphore_mem>>)
    %dma_start3A_305 = arith.constant 15 : i32
    %dma_start3A_306 = arith.constant 1 : i32
    %dma_start3A_307 = arith.constant 896 : i32
    %dma_start3A_308 = arith.constant 0 : i32
    %dma_start3A_309 = tpu.memref_slice %arg6[%dma_start3A_306, %dma_start3A_307, %dma_start3A_308] : memref<2x1024x32xf32, #tpu.memory_space<vmem>> -> memref<1x128x32xf32, #tpu.memory_space<vmem>>
    %dma_start3A_310 = tpu.memref_squeeze %dma_start3A_309 : memref<1x128x32xf32, #tpu.memory_space<vmem>> -> memref<128x32xf32, #tpu.memory_space<vmem>>
    %dma_start3A_311 = arith.constant 0 : i32
    %dma_start3A_312 = tpu.memref_slice %arg5[%dma_start3A_305, %dma_start3A_311] : memref<40x128xi32, #tpu.memory_space<vmem>> -> memref<1x128xi32, #tpu.memory_space<vmem>>
    %dma_start3A_313 = tpu.memref_squeeze %dma_start3A_312 : memref<1x128xi32, #tpu.memory_space<vmem>> -> memref<128xi32, #tpu.memory_space<vmem>>
    %dma_start3A_314 = arith.constant 0 : i32
    %dma_start3A_315 = arith.constant 0 : i32
    %dma_start3A_316 = tpu.memref_slice %arg2[%dma_start3A_314, %dma_start3A_315] : memref<10000x32xf32, #tpu.memory_space<hbm>> -> memref<10000x32xf32, #tpu.memory_space<hbm>>
    tpu.enqueue_indirect_dma source(%dma_start3A_316 : memref<10000x32xf32, #tpu.memory_space<hbm>>) target(%dma_start3A_310 : memref<128x32xf32, #tpu.memory_space<vmem>>) offsets(%dma_start3A_313 : memref<128xi32, #tpu.memory_space<vmem>>) semaphore(%arg7 : memref<!tpu.dma_semaphore, #tpu.memory_space<semaphore_mem>>)
    %dma_wait3A_317 = arith.constant 8 : i32
    %dma_wait3A_318 = arith.constant 1 : i32
    %dma_wait3A_319 = arith.constant 0 : i32
    %dma_wait3A_320 = arith.constant 0 : i32
    %dma_wait3A_321 = tpu.memref_slice %arg6[%dma_wait3A_318, %dma_wait3A_319, %dma_wait3A_320] : memref<2x1024x32xf32, #tpu.memory_space<vmem>> -> memref<1x128x32xf32, #tpu.memory_space<vmem>>
    %dma_wait3A_322 = tpu.memref_squeeze %dma_wait3A_321 : memref<1x128x32xf32, #tpu.memory_space<vmem>> -> memref<128x32xf32, #tpu.memory_space<vmem>>
    %dma_wait3A_323 = arith.constant 0 : i32
    %dma_wait3A_324 = tpu.memref_slice %arg5[%dma_wait3A_317, %dma_wait3A_323] : memref<40x128xi32, #tpu.memory_space<vmem>> -> memref<1x128xi32, #tpu.memory_space<vmem>>
    %dma_wait3A_325 = tpu.memref_squeeze %dma_wait3A_324 : memref<1x128xi32, #tpu.memory_space<vmem>> -> memref<128xi32, #tpu.memory_space<vmem>>
    %dma_wait3A_326 = arith.constant 0 : i32
    %dma_wait3A_327 = arith.constant 0 : i32
    %dma_wait3A_328 = tpu.memref_slice %arg2[%dma_wait3A_326, %dma_wait3A_327] : memref<10000x32xf32, #tpu.memory_space<hbm>> -> memref<10000x32xf32, #tpu.memory_space<hbm>>
    tpu.wait_indirect_dma semaphore(%arg7 : memref<!tpu.dma_semaphore, #tpu.memory_space<semaphore_mem>>) src(%dma_wait3A_328 : memref<10000x32xf32, #tpu.memory_space<hbm>>) dst(%dma_wait3A_322 : memref<128x32xf32, #tpu.memory_space<vmem>>)
    %dma_wait3A_329 = arith.constant 9 : i32
    %dma_wait3A_330 = arith.constant 1 : i32
    %dma_wait3A_331 = arith.constant 128 : i32
    %dma_wait3A_332 = arith.constant 0 : i32
    %dma_wait3A_333 = tpu.memref_slice %arg6[%dma_wait3A_330, %dma_wait3A_331, %dma_wait3A_332] : memref<2x1024x32xf32, #tpu.memory_space<vmem>> -> memref<1x128x32xf32, #tpu.memory_space<vmem>>
    %dma_wait3A_334 = tpu.memref_squeeze %dma_wait3A_333 : memref<1x128x32xf32, #tpu.memory_space<vmem>> -> memref<128x32xf32, #tpu.memory_space<vmem>>
    %dma_wait3A_335 = arith.constant 0 : i32
    %dma_wait3A_336 = tpu.memref_slice %arg5[%dma_wait3A_329, %dma_wait3A_335] : memref<40x128xi32, #tpu.memory_space<vmem>> -> memref<1x128xi32, #tpu.memory_space<vmem>>
    %dma_wait3A_337 = tpu.memref_squeeze %dma_wait3A_336 : memref<1x128xi32, #tpu.memory_space<vmem>> -> memref<128xi32, #tpu.memory_space<vmem>>
    %dma_wait3A_338 = arith.constant 0 : i32
    %dma_wait3A_339 = arith.constant 0 : i32
    %dma_wait3A_340 = tpu.memref_slice %arg2[%dma_wait3A_338, %dma_wait3A_339] : memref<10000x32xf32, #tpu.memory_space<hbm>> -> memref<10000x32xf32, #tpu.memory_space<hbm>>
    tpu.wait_indirect_dma semaphore(%arg7 : memref<!tpu.dma_semaphore, #tpu.memory_space<semaphore_mem>>) src(%dma_wait3A_340 : memref<10000x32xf32, #tpu.memory_space<hbm>>) dst(%dma_wait3A_334 : memref<128x32xf32, #tpu.memory_space<vmem>>)
    %dma_wait3A_341 = arith.constant 10 : i32
    %dma_wait3A_342 = arith.constant 1 : i32
    %dma_wait3A_343 = arith.constant 256 : i32
    %dma_wait3A_344 = arith.constant 0 : i32
    %dma_wait3A_345 = tpu.memref_slice %arg6[%dma_wait3A_342, %dma_wait3A_343, %dma_wait3A_344] : memref<2x1024x32xf32, #tpu.memory_space<vmem>> -> memref<1x128x32xf32, #tpu.memory_space<vmem>>
    %dma_wait3A_346 = tpu.memref_squeeze %dma_wait3A_345 : memref<1x128x32xf32, #tpu.memory_space<vmem>> -> memref<128x32xf32, #tpu.memory_space<vmem>>
    %dma_wait3A_347 = arith.constant 0 : i32
    %dma_wait3A_348 = tpu.memref_slice %arg5[%dma_wait3A_341, %dma_wait3A_347] : memref<40x128xi32, #tpu.memory_space<vmem>> -> memref<1x128xi32, #tpu.memory_space<vmem>>
    %dma_wait3A_349 = tpu.memref_squeeze %dma_wait3A_348 : memref<1x128xi32, #tpu.memory_space<vmem>> -> memref<128xi32, #tpu.memory_space<vmem>>
    %dma_wait3A_350 = arith.constant 0 : i32
    %dma_wait3A_351 = arith.constant 0 : i32
    %dma_wait3A_352 = tpu.memref_slice %arg2[%dma_wait3A_350, %dma_wait3A_351] : memref<10000x32xf32, #tpu.memory_space<hbm>> -> memref<10000x32xf32, #tpu.memory_space<hbm>>
    tpu.wait_indirect_dma semaphore(%arg7 : memref<!tpu.dma_semaphore, #tpu.memory_space<semaphore_mem>>) src(%dma_wait3A_352 : memref<10000x32xf32, #tpu.memory_space<hbm>>) dst(%dma_wait3A_346 : memref<128x32xf32, #tpu.memory_space<vmem>>)
    %dma_wait3A_353 = arith.constant 11 : i32
    %dma_wait3A_354 = arith.constant 1 : i32
    %dma_wait3A_355 = arith.constant 384 : i32
    %dma_wait3A_356 = arith.constant 0 : i32
    %dma_wait3A_357 = tpu.memref_slice %arg6[%dma_wait3A_354, %dma_wait3A_355, %dma_wait3A_356] : memref<2x1024x32xf32, #tpu.memory_space<vmem>> -> memref<1x128x32xf32, #tpu.memory_space<vmem>>
    %dma_wait3A_358 = tpu.memref_squeeze %dma_wait3A_357 : memref<1x128x32xf32, #tpu.memory_space<vmem>> -> memref<128x32xf32, #tpu.memory_space<vmem>>
    %dma_wait3A_359 = arith.constant 0 : i32
    %dma_wait3A_360 = tpu.memref_slice %arg5[%dma_wait3A_353, %dma_wait3A_359] : memref<40x128xi32, #tpu.memory_space<vmem>> -> memref<1x128xi32, #tpu.memory_space<vmem>>
    %dma_wait3A_361 = tpu.memref_squeeze %dma_wait3A_360 : memref<1x128xi32, #tpu.memory_space<vmem>> -> memref<128xi32, #tpu.memory_space<vmem>>
    %dma_wait3A_362 = arith.constant 0 : i32
    %dma_wait3A_363 = arith.constant 0 : i32
    %dma_wait3A_364 = tpu.memref_slice %arg2[%dma_wait3A_362, %dma_wait3A_363] : memref<10000x32xf32, #tpu.memory_space<hbm>> -> memref<10000x32xf32, #tpu.memory_space<hbm>>
    tpu.wait_indirect_dma semaphore(%arg7 : memref<!tpu.dma_semaphore, #tpu.memory_space<semaphore_mem>>) src(%dma_wait3A_364 : memref<10000x32xf32, #tpu.memory_space<hbm>>) dst(%dma_wait3A_358 : memref<128x32xf32, #tpu.memory_space<vmem>>)
    %dma_wait3A_365 = arith.constant 12 : i32
    %dma_wait3A_366 = arith.constant 1 : i32
    %dma_wait3A_367 = arith.constant 512 : i32
    %dma_wait3A_368 = arith.constant 0 : i32
    %dma_wait3A_369 = tpu.memref_slice %arg6[%dma_wait3A_366, %dma_wait3A_367, %dma_wait3A_368] : memref<2x1024x32xf32, #tpu.memory_space<vmem>> -> memref<1x128x32xf32, #tpu.memory_space<vmem>>
    %dma_wait3A_370 = tpu.memref_squeeze %dma_wait3A_369 : memref<1x128x32xf32, #tpu.memory_space<vmem>> -> memref<128x32xf32, #tpu.memory_space<vmem>>
    %dma_wait3A_371 = arith.constant 0 : i32
    %dma_wait3A_372 = tpu.memref_slice %arg5[%dma_wait3A_365, %dma_wait3A_371] : memref<40x128xi32, #tpu.memory_space<vmem>> -> memref<1x128xi32, #tpu.memory_space<vmem>>
    %dma_wait3A_373 = tpu.memref_squeeze %dma_wait3A_372 : memref<1x128xi32, #tpu.memory_space<vmem>> -> memref<128xi32, #tpu.memory_space<vmem>>
    %dma_wait3A_374 = arith.constant 0 : i32
    %dma_wait3A_375 = arith.constant 0 : i32
    %dma_wait3A_376 = tpu.memref_slice %arg2[%dma_wait3A_374, %dma_wait3A_375] : memref<10000x32xf32, #tpu.memory_space<hbm>> -> memref<10000x32xf32, #tpu.memory_space<hbm>>
    tpu.wait_indirect_dma semaphore(%arg7 : memref<!tpu.dma_semaphore, #tpu.memory_space<semaphore_mem>>) src(%dma_wait3A_376 : memref<10000x32xf32, #tpu.memory_space<hbm>>) dst(%dma_wait3A_370 : memref<128x32xf32, #tpu.memory_space<vmem>>)
    %dma_wait3A_377 = arith.constant 13 : i32
    %dma_wait3A_378 = arith.constant 1 : i32
    %dma_wait3A_379 = arith.constant 640 : i32
    %dma_wait3A_380 = arith.constant 0 : i32
    %dma_wait3A_381 = tpu.memref_slice %arg6[%dma_wait3A_378, %dma_wait3A_379, %dma_wait3A_380] : memref<2x1024x32xf32, #tpu.memory_space<vmem>> -> memref<1x128x32xf32, #tpu.memory_space<vmem>>
    %dma_wait3A_382 = tpu.memref_squeeze %dma_wait3A_381 : memref<1x128x32xf32, #tpu.memory_space<vmem>> -> memref<128x32xf32, #tpu.memory_space<vmem>>
    %dma_wait3A_383 = arith.constant 0 : i32
    %dma_wait3A_384 = tpu.memref_slice %arg5[%dma_wait3A_377, %dma_wait3A_383] : memref<40x128xi32, #tpu.memory_space<vmem>> -> memref<1x128xi32, #tpu.memory_space<vmem>>
    %dma_wait3A_385 = tpu.memref_squeeze %dma_wait3A_384 : memref<1x128xi32, #tpu.memory_space<vmem>> -> memref<128xi32, #tpu.memory_space<vmem>>
    %dma_wait3A_386 = arith.constant 0 : i32
    %dma_wait3A_387 = arith.constant 0 : i32
    %dma_wait3A_388 = tpu.memref_slice %arg2[%dma_wait3A_386, %dma_wait3A_387] : memref<10000x32xf32, #tpu.memory_space<hbm>> -> memref<10000x32xf32, #tpu.memory_space<hbm>>
    tpu.wait_indirect_dma semaphore(%arg7 : memref<!tpu.dma_semaphore, #tpu.memory_space<semaphore_mem>>) src(%dma_wait3A_388 : memref<10000x32xf32, #tpu.memory_space<hbm>>) dst(%dma_wait3A_382 : memref<128x32xf32, #tpu.memory_space<vmem>>)
    %dma_wait3A_389 = arith.constant 14 : i32
    %dma_wait3A_390 = arith.constant 1 : i32
    %dma_wait3A_391 = arith.constant 768 : i32
    %dma_wait3A_392 = arith.constant 0 : i32
    %dma_wait3A_393 = tpu.memref_slice %arg6[%dma_wait3A_390, %dma_wait3A_391, %dma_wait3A_392] : memref<2x1024x32xf32, #tpu.memory_space<vmem>> -> memref<1x128x32xf32, #tpu.memory_space<vmem>>
    %dma_wait3A_394 = tpu.memref_squeeze %dma_wait3A_393 : memref<1x128x32xf32, #tpu.memory_space<vmem>> -> memref<128x32xf32, #tpu.memory_space<vmem>>
    %dma_wait3A_395 = arith.constant 0 : i32
    %dma_wait3A_396 = tpu.memref_slice %arg5[%dma_wait3A_389, %dma_wait3A_395] : memref<40x128xi32, #tpu.memory_space<vmem>> -> memref<1x128xi32, #tpu.memory_space<vmem>>
    %dma_wait3A_397 = tpu.memref_squeeze %dma_wait3A_396 : memref<1x128xi32, #tpu.memory_space<vmem>> -> memref<128xi32, #tpu.memory_space<vmem>>
    %dma_wait3A_398 = arith.constant 0 : i32
    %dma_wait3A_399 = arith.constant 0 : i32
    %dma_wait3A_400 = tpu.memref_slice %arg2[%dma_wait3A_398, %dma_wait3A_399] : memref<10000x32xf32, #tpu.memory_space<hbm>> -> memref<10000x32xf32, #tpu.memory_space<hbm>>
    tpu.wait_indirect_dma semaphore(%arg7 : memref<!tpu.dma_semaphore, #tpu.memory_space<semaphore_mem>>) src(%dma_wait3A_400 : memref<10000x32xf32, #tpu.memory_space<hbm>>) dst(%dma_wait3A_394 : memref<128x32xf32, #tpu.memory_space<vmem>>)
    %dma_wait3A_401 = arith.constant 15 : i32
    %dma_wait3A_402 = arith.constant 1 : i32
    %dma_wait3A_403 = arith.constant 896 : i32
    %dma_wait3A_404 = arith.constant 0 : i32
    %dma_wait3A_405 = tpu.memref_slice %arg6[%dma_wait3A_402, %dma_wait3A_403, %dma_wait3A_404] : memref<2x1024x32xf32, #tpu.memory_space<vmem>> -> memref<1x128x32xf32, #tpu.memory_space<vmem>>
    %dma_wait3A_406 = tpu.memref_squeeze %dma_wait3A_405 : memref<1x128x32xf32, #tpu.memory_space<vmem>> -> memref<128x32xf32, #tpu.memory_space<vmem>>
    %dma_wait3A_407 = arith.constant 0 : i32
    %dma_wait3A_408 = tpu.memref_slice %arg5[%dma_wait3A_401, %dma_wait3A_407] : memref<40x128xi32, #tpu.memory_space<vmem>> -> memref<1x128xi32, #tpu.memory_space<vmem>>
    %dma_wait3A_409 = tpu.memref_squeeze %dma_wait3A_408 : memref<1x128xi32, #tpu.memory_space<vmem>> -> memref<128xi32, #tpu.memory_space<vmem>>
    %dma_wait3A_410 = arith.constant 0 : i32
    %dma_wait3A_411 = arith.constant 0 : i32
    %dma_wait3A_412 = tpu.memref_slice %arg2[%dma_wait3A_410, %dma_wait3A_411] : memref<10000x32xf32, #tpu.memory_space<hbm>> -> memref<10000x32xf32, #tpu.memory_space<hbm>>
    tpu.wait_indirect_dma semaphore(%arg7 : memref<!tpu.dma_semaphore, #tpu.memory_space<semaphore_mem>>) src(%dma_wait3A_412 : memref<10000x32xf32, #tpu.memory_space<hbm>>) dst(%dma_wait3A_406 : memref<128x32xf32, #tpu.memory_space<vmem>>)
    %add3A_413 = arith.constant 1024 : i32
    %add3A_414 = arith.addi %mul3A_2, %add3A_413 : i32
    %dma_start3A_415 = arith.constant 1 : i32
    %dma_start3A_416 = arith.constant 0 : i32
    %dma_start3A_417 = arith.constant 0 : i32
    %dma_start3A_418 = tpu.memref_slice %arg6[%dma_start3A_415, %dma_start3A_416, %dma_start3A_417] : memref<2x1024x32xf32, #tpu.memory_space<vmem>> -> memref<1x1024x32xf32, #tpu.memory_space<vmem>>
    %dma_start3A_419 = tpu.memref_squeeze %dma_start3A_418 : memref<1x1024x32xf32, #tpu.memory_space<vmem>> -> memref<1024x32xf32, #tpu.memory_space<vmem>>
    %dma_start3A_420 = arith.constant 0 : i32
    %dma_start3A_421 = tpu.memref_slice %arg4[%add3A_414, %dma_start3A_420] : memref<163840x32xf32, #tpu.memory_space<hbm>> -> memref<1024x32xf32, #tpu.memory_space<hbm>>
    %dma_start3A_422 = arith.constant 0 : i32
    %dma_start3A_423 = tpu.memref_slice %arg4[%add3A_414, %dma_start3A_422] : memref<163840x32xf32, #tpu.memory_space<hbm>> -> memref<1024x32xf32, #tpu.memory_space<hbm>>
    %dma_start3A_424 = arith.constant 0 : i32
    %dma_start3A_425 = arith.constant 0 : i32
    %dma_start3A_426 = tpu.memref_slice %arg6[%dma_start3A_415, %dma_start3A_424, %dma_start3A_425] : memref<2x1024x32xf32, #tpu.memory_space<vmem>> -> memref<1x1024x32xf32, #tpu.memory_space<vmem>>
    %dma_start3A_427 = tpu.memref_squeeze %dma_start3A_426 : memref<1x1024x32xf32, #tpu.memory_space<vmem>> -> memref<1024x32xf32, #tpu.memory_space<vmem>>
    tpu.enqueue_dma source(%dma_start3A_427 : memref<1024x32xf32, #tpu.memory_space<vmem>>) target(%dma_start3A_423 : memref<1024x32xf32, #tpu.memory_space<hbm>>) target_semaphore(%arg8 : memref<!tpu.dma_semaphore, #tpu.memory_space<semaphore_mem>>)
    %dma_wait3A_428 = arith.constant 1 : i32
    %dma_wait3A_429 = arith.constant 0 : i32
    %dma_wait3A_430 = arith.constant 0 : i32
    %dma_wait3A_431 = tpu.memref_slice %arg6[%dma_wait3A_428, %dma_wait3A_429, %dma_wait3A_430] : memref<2x1024x32xf32, #tpu.memory_space<vmem>> -> memref<1x1024x32xf32, #tpu.memory_space<vmem>>
    %dma_wait3A_432 = tpu.memref_squeeze %dma_wait3A_431 : memref<1x1024x32xf32, #tpu.memory_space<vmem>> -> memref<1024x32xf32, #tpu.memory_space<vmem>>
    %dma_wait3A_433 = arith.constant 0 : i32
    %dma_wait3A_434 = tpu.memref_slice %arg4[%add3A_414, %dma_wait3A_433] : memref<163840x32xf32, #tpu.memory_space<hbm>> -> memref<1024x32xf32, #tpu.memory_space<hbm>>
    %dma_wait3A_435 = arith.constant 0 : i32
    %dma_wait3A_436 = tpu.memref_slice %arg4[%add3A_414, %dma_wait3A_435] : memref<163840x32xf32, #tpu.memory_space<hbm>> -> memref<1024x32xf32, #tpu.memory_space<hbm>>
    %dma_wait3A_437 = arith.constant 0 : i32
    %dma_wait3A_438 = arith.constant 0 : i32
    %dma_wait3A_439 = tpu.memref_slice %arg6[%dma_wait3A_428, %dma_wait3A_437, %dma_wait3A_438] : memref<2x1024x32xf32, #tpu.memory_space<vmem>> -> memref<1x1024x32xf32, #tpu.memory_space<vmem>>
    %dma_wait3A_440 = tpu.memref_squeeze %dma_wait3A_439 : memref<1x1024x32xf32, #tpu.memory_space<vmem>> -> memref<1024x32xf32, #tpu.memory_space<vmem>>
    tpu.wait_dma2 semaphore(%arg8 : memref<!tpu.dma_semaphore, #tpu.memory_space<semaphore_mem>>) src(%dma_wait3A_440 : memref<1024x32xf32, #tpu.memory_space<vmem>>) dst(%dma_wait3A_436 : memref<1024x32xf32, #tpu.memory_space<hbm>>)
    %dma_start3A_441 = arith.constant 16 : i32
    %dma_start3A_442 = arith.constant 0 : i32
    %dma_start3A_443 = arith.constant 0 : i32
    %dma_start3A_444 = arith.constant 0 : i32
    %dma_start3A_445 = tpu.memref_slice %arg6[%dma_start3A_442, %dma_start3A_443, %dma_start3A_444] : memref<2x1024x32xf32, #tpu.memory_space<vmem>> -> memref<1x128x32xf32, #tpu.memory_space<vmem>>
    %dma_start3A_446 = tpu.memref_squeeze %dma_start3A_445 : memref<1x128x32xf32, #tpu.memory_space<vmem>> -> memref<128x32xf32, #tpu.memory_space<vmem>>
    %dma_start3A_447 = arith.constant 0 : i32
    %dma_start3A_448 = tpu.memref_slice %arg5[%dma_start3A_441, %dma_start3A_447] : memref<40x128xi32, #tpu.memory_space<vmem>> -> memref<1x128xi32, #tpu.memory_space<vmem>>
    %dma_start3A_449 = tpu.memref_squeeze %dma_start3A_448 : memref<1x128xi32, #tpu.memory_space<vmem>> -> memref<128xi32, #tpu.memory_space<vmem>>
    %dma_start3A_450 = arith.constant 0 : i32
    %dma_start3A_451 = arith.constant 0 : i32
    %dma_start3A_452 = tpu.memref_slice %arg2[%dma_start3A_450, %dma_start3A_451] : memref<10000x32xf32, #tpu.memory_space<hbm>> -> memref<10000x32xf32, #tpu.memory_space<hbm>>
    tpu.enqueue_indirect_dma source(%dma_start3A_452 : memref<10000x32xf32, #tpu.memory_space<hbm>>) target(%dma_start3A_446 : memref<128x32xf32, #tpu.memory_space<vmem>>) offsets(%dma_start3A_449 : memref<128xi32, #tpu.memory_space<vmem>>) semaphore(%arg7 : memref<!tpu.dma_semaphore, #tpu.memory_space<semaphore_mem>>)
    %dma_start3A_453 = arith.constant 17 : i32
    %dma_start3A_454 = arith.constant 0 : i32
    %dma_start3A_455 = arith.constant 128 : i32
    %dma_start3A_456 = arith.constant 0 : i32
    %dma_start3A_457 = tpu.memref_slice %arg6[%dma_start3A_454, %dma_start3A_455, %dma_start3A_456] : memref<2x1024x32xf32, #tpu.memory_space<vmem>> -> memref<1x128x32xf32, #tpu.memory_space<vmem>>
    %dma_start3A_458 = tpu.memref_squeeze %dma_start3A_457 : memref<1x128x32xf32, #tpu.memory_space<vmem>> -> memref<128x32xf32, #tpu.memory_space<vmem>>
    %dma_start3A_459 = arith.constant 0 : i32
    %dma_start3A_460 = tpu.memref_slice %arg5[%dma_start3A_453, %dma_start3A_459] : memref<40x128xi32, #tpu.memory_space<vmem>> -> memref<1x128xi32, #tpu.memory_space<vmem>>
    %dma_start3A_461 = tpu.memref_squeeze %dma_start3A_460 : memref<1x128xi32, #tpu.memory_space<vmem>> -> memref<128xi32, #tpu.memory_space<vmem>>
    %dma_start3A_462 = arith.constant 0 : i32
    %dma_start3A_463 = arith.constant 0 : i32
    %dma_start3A_464 = tpu.memref_slice %arg2[%dma_start3A_462, %dma_start3A_463] : memref<10000x32xf32, #tpu.memory_space<hbm>> -> memref<10000x32xf32, #tpu.memory_space<hbm>>
    tpu.enqueue_indirect_dma source(%dma_start3A_464 : memref<10000x32xf32, #tpu.memory_space<hbm>>) target(%dma_start3A_458 : memref<128x32xf32, #tpu.memory_space<vmem>>) offsets(%dma_start3A_461 : memref<128xi32, #tpu.memory_space<vmem>>) semaphore(%arg7 : memref<!tpu.dma_semaphore, #tpu.memory_space<semaphore_mem>>)
    %dma_start3A_465 = arith.constant 18 : i32
    %dma_start3A_466 = arith.constant 0 : i32
    %dma_start3A_467 = arith.constant 256 : i32
    %dma_start3A_468 = arith.constant 0 : i32
    %dma_start3A_469 = tpu.memref_slice %arg6[%dma_start3A_466, %dma_start3A_467, %dma_start3A_468] : memref<2x1024x32xf32, #tpu.memory_space<vmem>> -> memref<1x128x32xf32, #tpu.memory_space<vmem>>
    %dma_start3A_470 = tpu.memref_squeeze %dma_start3A_469 : memref<1x128x32xf32, #tpu.memory_space<vmem>> -> memref<128x32xf32, #tpu.memory_space<vmem>>
    %dma_start3A_471 = arith.constant 0 : i32
    %dma_start3A_472 = tpu.memref_slice %arg5[%dma_start3A_465, %dma_start3A_471] : memref<40x128xi32, #tpu.memory_space<vmem>> -> memref<1x128xi32, #tpu.memory_space<vmem>>
    %dma_start3A_473 = tpu.memref_squeeze %dma_start3A_472 : memref<1x128xi32, #tpu.memory_space<vmem>> -> memref<128xi32, #tpu.memory_space<vmem>>
    %dma_start3A_474 = arith.constant 0 : i32
    %dma_start3A_475 = arith.constant 0 : i32
    %dma_start3A_476 = tpu.memref_slice %arg2[%dma_start3A_474, %dma_start3A_475] : memref<10000x32xf32, #tpu.memory_space<hbm>> -> memref<10000x32xf32, #tpu.memory_space<hbm>>
    tpu.enqueue_indirect_dma source(%dma_start3A_476 : memref<10000x32xf32, #tpu.memory_space<hbm>>) target(%dma_start3A_470 : memref<128x32xf32, #tpu.memory_space<vmem>>) offsets(%dma_start3A_473 : memref<128xi32, #tpu.memory_space<vmem>>) semaphore(%arg7 : memref<!tpu.dma_semaphore, #tpu.memory_space<semaphore_mem>>)
    %dma_start3A_477 = arith.constant 19 : i32
    %dma_start3A_478 = arith.constant 0 : i32
    %dma_start3A_479 = arith.constant 384 : i32
    %dma_start3A_480 = arith.constant 0 : i32
    %dma_start3A_481 = tpu.memref_slice %arg6[%dma_start3A_478, %dma_start3A_479, %dma_start3A_480] : memref<2x1024x32xf32, #tpu.memory_space<vmem>> -> memref<1x128x32xf32, #tpu.memory_space<vmem>>
    %dma_start3A_482 = tpu.memref_squeeze %dma_start3A_481 : memref<1x128x32xf32, #tpu.memory_space<vmem>> -> memref<128x32xf32, #tpu.memory_space<vmem>>
    %dma_start3A_483 = arith.constant 0 : i32
    %dma_start3A_484 = tpu.memref_slice %arg5[%dma_start3A_477, %dma_start3A_483] : memref<40x128xi32, #tpu.memory_space<vmem>> -> memref<1x128xi32, #tpu.memory_space<vmem>>
    %dma_start3A_485 = tpu.memref_squeeze %dma_start3A_484 : memref<1x128xi32, #tpu.memory_space<vmem>> -> memref<128xi32, #tpu.memory_space<vmem>>
    %dma_start3A_486 = arith.constant 0 : i32
    %dma_start3A_487 = arith.constant 0 : i32
    %dma_start3A_488 = tpu.memref_slice %arg2[%dma_start3A_486, %dma_start3A_487] : memref<10000x32xf32, #tpu.memory_space<hbm>> -> memref<10000x32xf32, #tpu.memory_space<hbm>>
    tpu.enqueue_indirect_dma source(%dma_start3A_488 : memref<10000x32xf32, #tpu.memory_space<hbm>>) target(%dma_start3A_482 : memref<128x32xf32, #tpu.memory_space<vmem>>) offsets(%dma_start3A_485 : memref<128xi32, #tpu.memory_space<vmem>>) semaphore(%arg7 : memref<!tpu.dma_semaphore, #tpu.memory_space<semaphore_mem>>)
    %dma_start3A_489 = arith.constant 20 : i32
    %dma_start3A_490 = arith.constant 0 : i32
    %dma_start3A_491 = arith.constant 512 : i32
    %dma_start3A_492 = arith.constant 0 : i32
    %dma_start3A_493 = tpu.memref_slice %arg6[%dma_start3A_490, %dma_start3A_491, %dma_start3A_492] : memref<2x1024x32xf32, #tpu.memory_space<vmem>> -> memref<1x128x32xf32, #tpu.memory_space<vmem>>
    %dma_start3A_494 = tpu.memref_squeeze %dma_start3A_493 : memref<1x128x32xf32, #tpu.memory_space<vmem>> -> memref<128x32xf32, #tpu.memory_space<vmem>>
    %dma_start3A_495 = arith.constant 0 : i32
    %dma_start3A_496 = tpu.memref_slice %arg5[%dma_start3A_489, %dma_start3A_495] : memref<40x128xi32, #tpu.memory_space<vmem>> -> memref<1x128xi32, #tpu.memory_space<vmem>>
    %dma_start3A_497 = tpu.memref_squeeze %dma_start3A_496 : memref<1x128xi32, #tpu.memory_space<vmem>> -> memref<128xi32, #tpu.memory_space<vmem>>
    %dma_start3A_498 = arith.constant 0 : i32
    %dma_start3A_499 = arith.constant 0 : i32
    %dma_start3A_500 = tpu.memref_slice %arg2[%dma_start3A_498, %dma_start3A_499] : memref<10000x32xf32, #tpu.memory_space<hbm>> -> memref<10000x32xf32, #tpu.memory_space<hbm>>
    tpu.enqueue_indirect_dma source(%dma_start3A_500 : memref<10000x32xf32, #tpu.memory_space<hbm>>) target(%dma_start3A_494 : memref<128x32xf32, #tpu.memory_space<vmem>>) offsets(%dma_start3A_497 : memref<128xi32, #tpu.memory_space<vmem>>) semaphore(%arg7 : memref<!tpu.dma_semaphore, #tpu.memory_space<semaphore_mem>>)
    %dma_start3A_501 = arith.constant 21 : i32
    %dma_start3A_502 = arith.constant 0 : i32
    %dma_start3A_503 = arith.constant 640 : i32
    %dma_start3A_504 = arith.constant 0 : i32
    %dma_start3A_505 = tpu.memref_slice %arg6[%dma_start3A_502, %dma_start3A_503, %dma_start3A_504] : memref<2x1024x32xf32, #tpu.memory_space<vmem>> -> memref<1x128x32xf32, #tpu.memory_space<vmem>>
    %dma_start3A_506 = tpu.memref_squeeze %dma_start3A_505 : memref<1x128x32xf32, #tpu.memory_space<vmem>> -> memref<128x32xf32, #tpu.memory_space<vmem>>
    %dma_start3A_507 = arith.constant 0 : i32
    %dma_start3A_508 = tpu.memref_slice %arg5[%dma_start3A_501, %dma_start3A_507] : memref<40x128xi32, #tpu.memory_space<vmem>> -> memref<1x128xi32, #tpu.memory_space<vmem>>
    %dma_start3A_509 = tpu.memref_squeeze %dma_start3A_508 : memref<1x128xi32, #tpu.memory_space<vmem>> -> memref<128xi32, #tpu.memory_space<vmem>>
    %dma_start3A_510 = arith.constant 0 : i32
    %dma_start3A_511 = arith.constant 0 : i32
    %dma_start3A_512 = tpu.memref_slice %arg2[%dma_start3A_510, %dma_start3A_511] : memref<10000x32xf32, #tpu.memory_space<hbm>> -> memref<10000x32xf32, #tpu.memory_space<hbm>>
    tpu.enqueue_indirect_dma source(%dma_start3A_512 : memref<10000x32xf32, #tpu.memory_space<hbm>>) target(%dma_start3A_506 : memref<128x32xf32, #tpu.memory_space<vmem>>) offsets(%dma_start3A_509 : memref<128xi32, #tpu.memory_space<vmem>>) semaphore(%arg7 : memref<!tpu.dma_semaphore, #tpu.memory_space<semaphore_mem>>)
    %dma_start3A_513 = arith.constant 22 : i32
    %dma_start3A_514 = arith.constant 0 : i32
    %dma_start3A_515 = arith.constant 768 : i32
    %dma_start3A_516 = arith.constant 0 : i32
    %dma_start3A_517 = tpu.memref_slice %arg6[%dma_start3A_514, %dma_start3A_515, %dma_start3A_516] : memref<2x1024x32xf32, #tpu.memory_space<vmem>> -> memref<1x128x32xf32, #tpu.memory_space<vmem>>
    %dma_start3A_518 = tpu.memref_squeeze %dma_start3A_517 : memref<1x128x32xf32, #tpu.memory_space<vmem>> -> memref<128x32xf32, #tpu.memory_space<vmem>>
    %dma_start3A_519 = arith.constant 0 : i32
    %dma_start3A_520 = tpu.memref_slice %arg5[%dma_start3A_513, %dma_start3A_519] : memref<40x128xi32, #tpu.memory_space<vmem>> -> memref<1x128xi32, #tpu.memory_space<vmem>>
    %dma_start3A_521 = tpu.memref_squeeze %dma_start3A_520 : memref<1x128xi32, #tpu.memory_space<vmem>> -> memref<128xi32, #tpu.memory_space<vmem>>
    %dma_start3A_522 = arith.constant 0 : i32
    %dma_start3A_523 = arith.constant 0 : i32
    %dma_start3A_524 = tpu.memref_slice %arg2[%dma_start3A_522, %dma_start3A_523] : memref<10000x32xf32, #tpu.memory_space<hbm>> -> memref<10000x32xf32, #tpu.memory_space<hbm>>
    tpu.enqueue_indirect_dma source(%dma_start3A_524 : memref<10000x32xf32, #tpu.memory_space<hbm>>) target(%dma_start3A_518 : memref<128x32xf32, #tpu.memory_space<vmem>>) offsets(%dma_start3A_521 : memref<128xi32, #tpu.memory_space<vmem>>) semaphore(%arg7 : memref<!tpu.dma_semaphore, #tpu.memory_space<semaphore_mem>>)
    %dma_start3A_525 = arith.constant 23 : i32
    %dma_start3A_526 = arith.constant 0 : i32
    %dma_start3A_527 = arith.constant 896 : i32
    %dma_start3A_528 = arith.constant 0 : i32
    %dma_start3A_529 = tpu.memref_slice %arg6[%dma_start3A_526, %dma_start3A_527, %dma_start3A_528] : memref<2x1024x32xf32, #tpu.memory_space<vmem>> -> memref<1x128x32xf32, #tpu.memory_space<vmem>>
    %dma_start3A_530 = tpu.memref_squeeze %dma_start3A_529 : memref<1x128x32xf32, #tpu.memory_space<vmem>> -> memref<128x32xf32, #tpu.memory_space<vmem>>
    %dma_start3A_531 = arith.constant 0 : i32
    %dma_start3A_532 = tpu.memref_slice %arg5[%dma_start3A_525, %dma_start3A_531] : memref<40x128xi32, #tpu.memory_space<vmem>> -> memref<1x128xi32, #tpu.memory_space<vmem>>
    %dma_start3A_533 = tpu.memref_squeeze %dma_start3A_532 : memref<1x128xi32, #tpu.memory_space<vmem>> -> memref<128xi32, #tpu.memory_space<vmem>>
    %dma_start3A_534 = arith.constant 0 : i32
    %dma_start3A_535 = arith.constant 0 : i32
    %dma_start3A_536 = tpu.memref_slice %arg2[%dma_start3A_534, %dma_start3A_535] : memref<10000x32xf32, #tpu.memory_space<hbm>> -> memref<10000x32xf32, #tpu.memory_space<hbm>>
    tpu.enqueue_indirect_dma source(%dma_start3A_536 : memref<10000x32xf32, #tpu.memory_space<hbm>>) target(%dma_start3A_530 : memref<128x32xf32, #tpu.memory_space<vmem>>) offsets(%dma_start3A_533 : memref<128xi32, #tpu.memory_space<vmem>>) semaphore(%arg7 : memref<!tpu.dma_semaphore, #tpu.memory_space<semaphore_mem>>)
    %dma_wait3A_537 = arith.constant 16 : i32
    %dma_wait3A_538 = arith.constant 0 : i32
    %dma_wait3A_539 = arith.constant 0 : i32
    %dma_wait3A_540 = arith.constant 0 : i32
    %dma_wait3A_541 = tpu.memref_slice %arg6[%dma_wait3A_538, %dma_wait3A_539, %dma_wait3A_540] : memref<2x1024x32xf32, #tpu.memory_space<vmem>> -> memref<1x128x32xf32, #tpu.memory_space<vmem>>
    %dma_wait3A_542 = tpu.memref_squeeze %dma_wait3A_541 : memref<1x128x32xf32, #tpu.memory_space<vmem>> -> memref<128x32xf32, #tpu.memory_space<vmem>>
    %dma_wait3A_543 = arith.constant 0 : i32
    %dma_wait3A_544 = tpu.memref_slice %arg5[%dma_wait3A_537, %dma_wait3A_543] : memref<40x128xi32, #tpu.memory_space<vmem>> -> memref<1x128xi32, #tpu.memory_space<vmem>>
    %dma_wait3A_545 = tpu.memref_squeeze %dma_wait3A_544 : memref<1x128xi32, #tpu.memory_space<vmem>> -> memref<128xi32, #tpu.memory_space<vmem>>
    %dma_wait3A_546 = arith.constant 0 : i32
    %dma_wait3A_547 = arith.constant 0 : i32
    %dma_wait3A_548 = tpu.memref_slice %arg2[%dma_wait3A_546, %dma_wait3A_547] : memref<10000x32xf32, #tpu.memory_space<hbm>> -> memref<10000x32xf32, #tpu.memory_space<hbm>>
    tpu.wait_indirect_dma semaphore(%arg7 : memref<!tpu.dma_semaphore, #tpu.memory_space<semaphore_mem>>) src(%dma_wait3A_548 : memref<10000x32xf32, #tpu.memory_space<hbm>>) dst(%dma_wait3A_542 : memref<128x32xf32, #tpu.memory_space<vmem>>)
    %dma_wait3A_549 = arith.constant 17 : i32
    %dma_wait3A_550 = arith.constant 0 : i32
    %dma_wait3A_551 = arith.constant 128 : i32
    %dma_wait3A_552 = arith.constant 0 : i32
    %dma_wait3A_553 = tpu.memref_slice %arg6[%dma_wait3A_550, %dma_wait3A_551, %dma_wait3A_552] : memref<2x1024x32xf32, #tpu.memory_space<vmem>> -> memref<1x128x32xf32, #tpu.memory_space<vmem>>
    %dma_wait3A_554 = tpu.memref_squeeze %dma_wait3A_553 : memref<1x128x32xf32, #tpu.memory_space<vmem>> -> memref<128x32xf32, #tpu.memory_space<vmem>>
    %dma_wait3A_555 = arith.constant 0 : i32
    %dma_wait3A_556 = tpu.memref_slice %arg5[%dma_wait3A_549, %dma_wait3A_555] : memref<40x128xi32, #tpu.memory_space<vmem>> -> memref<1x128xi32, #tpu.memory_space<vmem>>
    %dma_wait3A_557 = tpu.memref_squeeze %dma_wait3A_556 : memref<1x128xi32, #tpu.memory_space<vmem>> -> memref<128xi32, #tpu.memory_space<vmem>>
    %dma_wait3A_558 = arith.constant 0 : i32
    %dma_wait3A_559 = arith.constant 0 : i32
    %dma_wait3A_560 = tpu.memref_slice %arg2[%dma_wait3A_558, %dma_wait3A_559] : memref<10000x32xf32, #tpu.memory_space<hbm>> -> memref<10000x32xf32, #tpu.memory_space<hbm>>
    tpu.wait_indirect_dma semaphore(%arg7 : memref<!tpu.dma_semaphore, #tpu.memory_space<semaphore_mem>>) src(%dma_wait3A_560 : memref<10000x32xf32, #tpu.memory_space<hbm>>) dst(%dma_wait3A_554 : memref<128x32xf32, #tpu.memory_space<vmem>>)
    %dma_wait3A_561 = arith.constant 18 : i32
    %dma_wait3A_562 = arith.constant 0 : i32
    %dma_wait3A_563 = arith.constant 256 : i32
    %dma_wait3A_564 = arith.constant 0 : i32
    %dma_wait3A_565 = tpu.memref_slice %arg6[%dma_wait3A_562, %dma_wait3A_563, %dma_wait3A_564] : memref<2x1024x32xf32, #tpu.memory_space<vmem>> -> memref<1x128x32xf32, #tpu.memory_space<vmem>>
    %dma_wait3A_566 = tpu.memref_squeeze %dma_wait3A_565 : memref<1x128x32xf32, #tpu.memory_space<vmem>> -> memref<128x32xf32, #tpu.memory_space<vmem>>
    %dma_wait3A_567 = arith.constant 0 : i32
    %dma_wait3A_568 = tpu.memref_slice %arg5[%dma_wait3A_561, %dma_wait3A_567] : memref<40x128xi32, #tpu.memory_space<vmem>> -> memref<1x128xi32, #tpu.memory_space<vmem>>
    %dma_wait3A_569 = tpu.memref_squeeze %dma_wait3A_568 : memref<1x128xi32, #tpu.memory_space<vmem>> -> memref<128xi32, #tpu.memory_space<vmem>>
    %dma_wait3A_570 = arith.constant 0 : i32
    %dma_wait3A_571 = arith.constant 0 : i32
    %dma_wait3A_572 = tpu.memref_slice %arg2[%dma_wait3A_570, %dma_wait3A_571] : memref<10000x32xf32, #tpu.memory_space<hbm>> -> memref<10000x32xf32, #tpu.memory_space<hbm>>
    tpu.wait_indirect_dma semaphore(%arg7 : memref<!tpu.dma_semaphore, #tpu.memory_space<semaphore_mem>>) src(%dma_wait3A_572 : memref<10000x32xf32, #tpu.memory_space<hbm>>) dst(%dma_wait3A_566 : memref<128x32xf32, #tpu.memory_space<vmem>>)
    %dma_wait3A_573 = arith.constant 19 : i32
    %dma_wait3A_574 = arith.constant 0 : i32
    %dma_wait3A_575 = arith.constant 384 : i32
    %dma_wait3A_576 = arith.constant 0 : i32
    %dma_wait3A_577 = tpu.memref_slice %arg6[%dma_wait3A_574, %dma_wait3A_575, %dma_wait3A_576] : memref<2x1024x32xf32, #tpu.memory_space<vmem>> -> memref<1x128x32xf32, #tpu.memory_space<vmem>>
    %dma_wait3A_578 = tpu.memref_squeeze %dma_wait3A_577 : memref<1x128x32xf32, #tpu.memory_space<vmem>> -> memref<128x32xf32, #tpu.memory_space<vmem>>
    %dma_wait3A_579 = arith.constant 0 : i32
    %dma_wait3A_580 = tpu.memref_slice %arg5[%dma_wait3A_573, %dma_wait3A_579] : memref<40x128xi32, #tpu.memory_space<vmem>> -> memref<1x128xi32, #tpu.memory_space<vmem>>
    %dma_wait3A_581 = tpu.memref_squeeze %dma_wait3A_580 : memref<1x128xi32, #tpu.memory_space<vmem>> -> memref<128xi32, #tpu.memory_space<vmem>>
    %dma_wait3A_582 = arith.constant 0 : i32
    %dma_wait3A_583 = arith.constant 0 : i32
    %dma_wait3A_584 = tpu.memref_slice %arg2[%dma_wait3A_582, %dma_wait3A_583] : memref<10000x32xf32, #tpu.memory_space<hbm>> -> memref<10000x32xf32, #tpu.memory_space<hbm>>
    tpu.wait_indirect_dma semaphore(%arg7 : memref<!tpu.dma_semaphore, #tpu.memory_space<semaphore_mem>>) src(%dma_wait3A_584 : memref<10000x32xf32, #tpu.memory_space<hbm>>) dst(%dma_wait3A_578 : memref<128x32xf32, #tpu.memory_space<vmem>>)
    %dma_wait3A_585 = arith.constant 20 : i32
    %dma_wait3A_586 = arith.constant 0 : i32
    %dma_wait3A_587 = arith.constant 512 : i32
    %dma_wait3A_588 = arith.constant 0 : i32
    %dma_wait3A_589 = tpu.memref_slice %arg6[%dma_wait3A_586, %dma_wait3A_587, %dma_wait3A_588] : memref<2x1024x32xf32, #tpu.memory_space<vmem>> -> memref<1x128x32xf32, #tpu.memory_space<vmem>>
    %dma_wait3A_590 = tpu.memref_squeeze %dma_wait3A_589 : memref<1x128x32xf32, #tpu.memory_space<vmem>> -> memref<128x32xf32, #tpu.memory_space<vmem>>
    %dma_wait3A_591 = arith.constant 0 : i32
    %dma_wait3A_592 = tpu.memref_slice %arg5[%dma_wait3A_585, %dma_wait3A_591] : memref<40x128xi32, #tpu.memory_space<vmem>> -> memref<1x128xi32, #tpu.memory_space<vmem>>
    %dma_wait3A_593 = tpu.memref_squeeze %dma_wait3A_592 : memref<1x128xi32, #tpu.memory_space<vmem>> -> memref<128xi32, #tpu.memory_space<vmem>>
    %dma_wait3A_594 = arith.constant 0 : i32
    %dma_wait3A_595 = arith.constant 0 : i32
    %dma_wait3A_596 = tpu.memref_slice %arg2[%dma_wait3A_594, %dma_wait3A_595] : memref<10000x32xf32, #tpu.memory_space<hbm>> -> memref<10000x32xf32, #tpu.memory_space<hbm>>
    tpu.wait_indirect_dma semaphore(%arg7 : memref<!tpu.dma_semaphore, #tpu.memory_space<semaphore_mem>>) src(%dma_wait3A_596 : memref<10000x32xf32, #tpu.memory_space<hbm>>) dst(%dma_wait3A_590 : memref<128x32xf32, #tpu.memory_space<vmem>>)
    %dma_wait3A_597 = arith.constant 21 : i32
    %dma_wait3A_598 = arith.constant 0 : i32
    %dma_wait3A_599 = arith.constant 640 : i32
    %dma_wait3A_600 = arith.constant 0 : i32
    %dma_wait3A_601 = tpu.memref_slice %arg6[%dma_wait3A_598, %dma_wait3A_599, %dma_wait3A_600] : memref<2x1024x32xf32, #tpu.memory_space<vmem>> -> memref<1x128x32xf32, #tpu.memory_space<vmem>>
    %dma_wait3A_602 = tpu.memref_squeeze %dma_wait3A_601 : memref<1x128x32xf32, #tpu.memory_space<vmem>> -> memref<128x32xf32, #tpu.memory_space<vmem>>
    %dma_wait3A_603 = arith.constant 0 : i32
    %dma_wait3A_604 = tpu.memref_slice %arg5[%dma_wait3A_597, %dma_wait3A_603] : memref<40x128xi32, #tpu.memory_space<vmem>> -> memref<1x128xi32, #tpu.memory_space<vmem>>
    %dma_wait3A_605 = tpu.memref_squeeze %dma_wait3A_604 : memref<1x128xi32, #tpu.memory_space<vmem>> -> memref<128xi32, #tpu.memory_space<vmem>>
    %dma_wait3A_606 = arith.constant 0 : i32
    %dma_wait3A_607 = arith.constant 0 : i32
    %dma_wait3A_608 = tpu.memref_slice %arg2[%dma_wait3A_606, %dma_wait3A_607] : memref<10000x32xf32, #tpu.memory_space<hbm>> -> memref<10000x32xf32, #tpu.memory_space<hbm>>
    tpu.wait_indirect_dma semaphore(%arg7 : memref<!tpu.dma_semaphore, #tpu.memory_space<semaphore_mem>>) src(%dma_wait3A_608 : memref<10000x32xf32, #tpu.memory_space<hbm>>) dst(%dma_wait3A_602 : memref<128x32xf32, #tpu.memory_space<vmem>>)
    %dma_wait3A_609 = arith.constant 22 : i32
    %dma_wait3A_610 = arith.constant 0 : i32
    %dma_wait3A_611 = arith.constant 768 : i32
    %dma_wait3A_612 = arith.constant 0 : i32
    %dma_wait3A_613 = tpu.memref_slice %arg6[%dma_wait3A_610, %dma_wait3A_611, %dma_wait3A_612] : memref<2x1024x32xf32, #tpu.memory_space<vmem>> -> memref<1x128x32xf32, #tpu.memory_space<vmem>>
    %dma_wait3A_614 = tpu.memref_squeeze %dma_wait3A_613 : memref<1x128x32xf32, #tpu.memory_space<vmem>> -> memref<128x32xf32, #tpu.memory_space<vmem>>
    %dma_wait3A_615 = arith.constant 0 : i32
    %dma_wait3A_616 = tpu.memref_slice %arg5[%dma_wait3A_609, %dma_wait3A_615] : memref<40x128xi32, #tpu.memory_space<vmem>> -> memref<1x128xi32, #tpu.memory_space<vmem>>
    %dma_wait3A_617 = tpu.memref_squeeze %dma_wait3A_616 : memref<1x128xi32, #tpu.memory_space<vmem>> -> memref<128xi32, #tpu.memory_space<vmem>>
    %dma_wait3A_618 = arith.constant 0 : i32
    %dma_wait3A_619 = arith.constant 0 : i32
    %dma_wait3A_620 = tpu.memref_slice %arg2[%dma_wait3A_618, %dma_wait3A_619] : memref<10000x32xf32, #tpu.memory_space<hbm>> -> memref<10000x32xf32, #tpu.memory_space<hbm>>
    tpu.wait_indirect_dma semaphore(%arg7 : memref<!tpu.dma_semaphore, #tpu.memory_space<semaphore_mem>>) src(%dma_wait3A_620 : memref<10000x32xf32, #tpu.memory_space<hbm>>) dst(%dma_wait3A_614 : memref<128x32xf32, #tpu.memory_space<vmem>>)
    %dma_wait3A_621 = arith.constant 23 : i32
    %dma_wait3A_622 = arith.constant 0 : i32
    %dma_wait3A_623 = arith.constant 896 : i32
    %dma_wait3A_624 = arith.constant 0 : i32
    %dma_wait3A_625 = tpu.memref_slice %arg6[%dma_wait3A_622, %dma_wait3A_623, %dma_wait3A_624] : memref<2x1024x32xf32, #tpu.memory_space<vmem>> -> memref<1x128x32xf32, #tpu.memory_space<vmem>>
    %dma_wait3A_626 = tpu.memref_squeeze %dma_wait3A_625 : memref<1x128x32xf32, #tpu.memory_space<vmem>> -> memref<128x32xf32, #tpu.memory_space<vmem>>
    %dma_wait3A_627 = arith.constant 0 : i32
    %dma_wait3A_628 = tpu.memref_slice %arg5[%dma_wait3A_621, %dma_wait3A_627] : memref<40x128xi32, #tpu.memory_space<vmem>> -> memref<1x128xi32, #tpu.memory_space<vmem>>
    %dma_wait3A_629 = tpu.memref_squeeze %dma_wait3A_628 : memref<1x128xi32, #tpu.memory_space<vmem>> -> memref<128xi32, #tpu.memory_space<vmem>>
    %dma_wait3A_630 = arith.constant 0 : i32
    %dma_wait3A_631 = arith.constant 0 : i32
    %dma_wait3A_632 = tpu.memref_slice %arg2[%dma_wait3A_630, %dma_wait3A_631] : memref<10000x32xf32, #tpu.memory_space<hbm>> -> memref<10000x32xf32, #tpu.memory_space<hbm>>
    tpu.wait_indirect_dma semaphore(%arg7 : memref<!tpu.dma_semaphore, #tpu.memory_space<semaphore_mem>>) src(%dma_wait3A_632 : memref<10000x32xf32, #tpu.memory_space<hbm>>) dst(%dma_wait3A_626 : memref<128x32xf32, #tpu.memory_space<vmem>>)
    %add3A_633 = arith.constant 2048 : i32
    %add3A_634 = arith.addi %mul3A_2, %add3A_633 : i32
    %dma_start3A_635 = arith.constant 0 : i32
    %dma_start3A_636 = arith.constant 0 : i32
    %dma_start3A_637 = arith.constant 0 : i32
    %dma_start3A_638 = tpu.memref_slice %arg6[%dma_start3A_635, %dma_start3A_636, %dma_start3A_637] : memref<2x1024x32xf32, #tpu.memory_space<vmem>> -> memref<1x1024x32xf32, #tpu.memory_space<vmem>>
    %dma_start3A_639 = tpu.memref_squeeze %dma_start3A_638 : memref<1x1024x32xf32, #tpu.memory_space<vmem>> -> memref<1024x32xf32, #tpu.memory_space<vmem>>
    %dma_start3A_640 = arith.constant 0 : i32
    %dma_start3A_641 = tpu.memref_slice %arg4[%add3A_634, %dma_start3A_640] : memref<163840x32xf32, #tpu.memory_space<hbm>> -> memref<1024x32xf32, #tpu.memory_space<hbm>>
    %dma_start3A_642 = arith.constant 0 : i32
    %dma_start3A_643 = tpu.memref_slice %arg4[%add3A_634, %dma_start3A_642] : memref<163840x32xf32, #tpu.memory_space<hbm>> -> memref<1024x32xf32, #tpu.memory_space<hbm>>
    %dma_start3A_644 = arith.constant 0 : i32
    %dma_start3A_645 = arith.constant 0 : i32
    %dma_start3A_646 = tpu.memref_slice %arg6[%dma_start3A_635, %dma_start3A_644, %dma_start3A_645] : memref<2x1024x32xf32, #tpu.memory_space<vmem>> -> memref<1x1024x32xf32, #tpu.memory_space<vmem>>
    %dma_start3A_647 = tpu.memref_squeeze %dma_start3A_646 : memref<1x1024x32xf32, #tpu.memory_space<vmem>> -> memref<1024x32xf32, #tpu.memory_space<vmem>>
    tpu.enqueue_dma source(%dma_start3A_647 : memref<1024x32xf32, #tpu.memory_space<vmem>>) target(%dma_start3A_643 : memref<1024x32xf32, #tpu.memory_space<hbm>>) target_semaphore(%arg8 : memref<!tpu.dma_semaphore, #tpu.memory_space<semaphore_mem>>)
    %dma_wait3A_648 = arith.constant 0 : i32
    %dma_wait3A_649 = arith.constant 0 : i32
    %dma_wait3A_650 = arith.constant 0 : i32
    %dma_wait3A_651 = tpu.memref_slice %arg6[%dma_wait3A_648, %dma_wait3A_649, %dma_wait3A_650] : memref<2x1024x32xf32, #tpu.memory_space<vmem>> -> memref<1x1024x32xf32, #tpu.memory_space<vmem>>
    %dma_wait3A_652 = tpu.memref_squeeze %dma_wait3A_651 : memref<1x1024x32xf32, #tpu.memory_space<vmem>> -> memref<1024x32xf32, #tpu.memory_space<vmem>>
    %dma_wait3A_653 = arith.constant 0 : i32
    %dma_wait3A_654 = tpu.memref_slice %arg4[%add3A_634, %dma_wait3A_653] : memref<163840x32xf32, #tpu.memory_space<hbm>> -> memref<1024x32xf32, #tpu.memory_space<hbm>>
    %dma_wait3A_655 = arith.constant 0 : i32
    %dma_wait3A_656 = tpu.memref_slice %arg4[%add3A_634, %dma_wait3A_655] : memref<163840x32xf32, #tpu.memory_space<hbm>> -> memref<1024x32xf32, #tpu.memory_space<hbm>>
    %dma_wait3A_657 = arith.constant 0 : i32
    %dma_wait3A_658 = arith.constant 0 : i32
    %dma_wait3A_659 = tpu.memref_slice %arg6[%dma_wait3A_648, %dma_wait3A_657, %dma_wait3A_658] : memref<2x1024x32xf32, #tpu.memory_space<vmem>> -> memref<1x1024x32xf32, #tpu.memory_space<vmem>>
    %dma_wait3A_660 = tpu.memref_squeeze %dma_wait3A_659 : memref<1x1024x32xf32, #tpu.memory_space<vmem>> -> memref<1024x32xf32, #tpu.memory_space<vmem>>
    tpu.wait_dma2 semaphore(%arg8 : memref<!tpu.dma_semaphore, #tpu.memory_space<semaphore_mem>>) src(%dma_wait3A_660 : memref<1024x32xf32, #tpu.memory_space<vmem>>) dst(%dma_wait3A_656 : memref<1024x32xf32, #tpu.memory_space<hbm>>)
    %dma_start3A_661 = arith.constant 24 : i32
    %dma_start3A_662 = arith.constant 1 : i32
    %dma_start3A_663 = arith.constant 0 : i32
    %dma_start3A_664 = arith.constant 0 : i32
    %dma_start3A_665 = tpu.memref_slice %arg6[%dma_start3A_662, %dma_start3A_663, %dma_start3A_664] : memref<2x1024x32xf32, #tpu.memory_space<vmem>> -> memref<1x128x32xf32, #tpu.memory_space<vmem>>
    %dma_start3A_666 = tpu.memref_squeeze %dma_start3A_665 : memref<1x128x32xf32, #tpu.memory_space<vmem>> -> memref<128x32xf32, #tpu.memory_space<vmem>>
    %dma_start3A_667 = arith.constant 0 : i32
    %dma_start3A_668 = tpu.memref_slice %arg5[%dma_start3A_661, %dma_start3A_667] : memref<40x128xi32, #tpu.memory_space<vmem>> -> memref<1x128xi32, #tpu.memory_space<vmem>>
    %dma_start3A_669 = tpu.memref_squeeze %dma_start3A_668 : memref<1x128xi32, #tpu.memory_space<vmem>> -> memref<128xi32, #tpu.memory_space<vmem>>
    %dma_start3A_670 = arith.constant 0 : i32
    %dma_start3A_671 = arith.constant 0 : i32
    %dma_start3A_672 = tpu.memref_slice %arg2[%dma_start3A_670, %dma_start3A_671] : memref<10000x32xf32, #tpu.memory_space<hbm>> -> memref<10000x32xf32, #tpu.memory_space<hbm>>
    tpu.enqueue_indirect_dma source(%dma_start3A_672 : memref<10000x32xf32, #tpu.memory_space<hbm>>) target(%dma_start3A_666 : memref<128x32xf32, #tpu.memory_space<vmem>>) offsets(%dma_start3A_669 : memref<128xi32, #tpu.memory_space<vmem>>) semaphore(%arg7 : memref<!tpu.dma_semaphore, #tpu.memory_space<semaphore_mem>>)
    %dma_start3A_673 = arith.constant 25 : i32
    %dma_start3A_674 = arith.constant 1 : i32
    %dma_start3A_675 = arith.constant 128 : i32
    %dma_start3A_676 = arith.constant 0 : i32
    %dma_start3A_677 = tpu.memref_slice %arg6[%dma_start3A_674, %dma_start3A_675, %dma_start3A_676] : memref<2x1024x32xf32, #tpu.memory_space<vmem>> -> memref<1x128x32xf32, #tpu.memory_space<vmem>>
    %dma_start3A_678 = tpu.memref_squeeze %dma_start3A_677 : memref<1x128x32xf32, #tpu.memory_space<vmem>> -> memref<128x32xf32, #tpu.memory_space<vmem>>
    %dma_start3A_679 = arith.constant 0 : i32
    %dma_start3A_680 = tpu.memref_slice %arg5[%dma_start3A_673, %dma_start3A_679] : memref<40x128xi32, #tpu.memory_space<vmem>> -> memref<1x128xi32, #tpu.memory_space<vmem>>
    %dma_start3A_681 = tpu.memref_squeeze %dma_start3A_680 : memref<1x128xi32, #tpu.memory_space<vmem>> -> memref<128xi32, #tpu.memory_space<vmem>>
    %dma_start3A_682 = arith.constant 0 : i32
    %dma_start3A_683 = arith.constant 0 : i32
    %dma_start3A_684 = tpu.memref_slice %arg2[%dma_start3A_682, %dma_start3A_683] : memref<10000x32xf32, #tpu.memory_space<hbm>> -> memref<10000x32xf32, #tpu.memory_space<hbm>>
    tpu.enqueue_indirect_dma source(%dma_start3A_684 : memref<10000x32xf32, #tpu.memory_space<hbm>>) target(%dma_start3A_678 : memref<128x32xf32, #tpu.memory_space<vmem>>) offsets(%dma_start3A_681 : memref<128xi32, #tpu.memory_space<vmem>>) semaphore(%arg7 : memref<!tpu.dma_semaphore, #tpu.memory_space<semaphore_mem>>)
    %dma_start3A_685 = arith.constant 26 : i32
    %dma_start3A_686 = arith.constant 1 : i32
    %dma_start3A_687 = arith.constant 256 : i32
    %dma_start3A_688 = arith.constant 0 : i32
    %dma_start3A_689 = tpu.memref_slice %arg6[%dma_start3A_686, %dma_start3A_687, %dma_start3A_688] : memref<2x1024x32xf32, #tpu.memory_space<vmem>> -> memref<1x128x32xf32, #tpu.memory_space<vmem>>
    %dma_start3A_690 = tpu.memref_squeeze %dma_start3A_689 : memref<1x128x32xf32, #tpu.memory_space<vmem>> -> memref<128x32xf32, #tpu.memory_space<vmem>>
    %dma_start3A_691 = arith.constant 0 : i32
    %dma_start3A_692 = tpu.memref_slice %arg5[%dma_start3A_685, %dma_start3A_691] : memref<40x128xi32, #tpu.memory_space<vmem>> -> memref<1x128xi32, #tpu.memory_space<vmem>>
    %dma_start3A_693 = tpu.memref_squeeze %dma_start3A_692 : memref<1x128xi32, #tpu.memory_space<vmem>> -> memref<128xi32, #tpu.memory_space<vmem>>
    %dma_start3A_694 = arith.constant 0 : i32
    %dma_start3A_695 = arith.constant 0 : i32
    %dma_start3A_696 = tpu.memref_slice %arg2[%dma_start3A_694, %dma_start3A_695] : memref<10000x32xf32, #tpu.memory_space<hbm>> -> memref<10000x32xf32, #tpu.memory_space<hbm>>
    tpu.enqueue_indirect_dma source(%dma_start3A_696 : memref<10000x32xf32, #tpu.memory_space<hbm>>) target(%dma_start3A_690 : memref<128x32xf32, #tpu.memory_space<vmem>>) offsets(%dma_start3A_693 : memref<128xi32, #tpu.memory_space<vmem>>) semaphore(%arg7 : memref<!tpu.dma_semaphore, #tpu.memory_space<semaphore_mem>>)
    %dma_start3A_697 = arith.constant 27 : i32
    %dma_start3A_698 = arith.constant 1 : i32
    %dma_start3A_699 = arith.constant 384 : i32
    %dma_start3A_700 = arith.constant 0 : i32
    %dma_start3A_701 = tpu.memref_slice %arg6[%dma_start3A_698, %dma_start3A_699, %dma_start3A_700] : memref<2x1024x32xf32, #tpu.memory_space<vmem>> -> memref<1x128x32xf32, #tpu.memory_space<vmem>>
    %dma_start3A_702 = tpu.memref_squeeze %dma_start3A_701 : memref<1x128x32xf32, #tpu.memory_space<vmem>> -> memref<128x32xf32, #tpu.memory_space<vmem>>
    %dma_start3A_703 = arith.constant 0 : i32
    %dma_start3A_704 = tpu.memref_slice %arg5[%dma_start3A_697, %dma_start3A_703] : memref<40x128xi32, #tpu.memory_space<vmem>> -> memref<1x128xi32, #tpu.memory_space<vmem>>
    %dma_start3A_705 = tpu.memref_squeeze %dma_start3A_704 : memref<1x128xi32, #tpu.memory_space<vmem>> -> memref<128xi32, #tpu.memory_space<vmem>>
    %dma_start3A_706 = arith.constant 0 : i32
    %dma_start3A_707 = arith.constant 0 : i32
    %dma_start3A_708 = tpu.memref_slice %arg2[%dma_start3A_706, %dma_start3A_707] : memref<10000x32xf32, #tpu.memory_space<hbm>> -> memref<10000x32xf32, #tpu.memory_space<hbm>>
    tpu.enqueue_indirect_dma source(%dma_start3A_708 : memref<10000x32xf32, #tpu.memory_space<hbm>>) target(%dma_start3A_702 : memref<128x32xf32, #tpu.memory_space<vmem>>) offsets(%dma_start3A_705 : memref<128xi32, #tpu.memory_space<vmem>>) semaphore(%arg7 : memref<!tpu.dma_semaphore, #tpu.memory_space<semaphore_mem>>)
    %dma_start3A_709 = arith.constant 28 : i32
    %dma_start3A_710 = arith.constant 1 : i32
    %dma_start3A_711 = arith.constant 512 : i32
    %dma_start3A_712 = arith.constant 0 : i32
    %dma_start3A_713 = tpu.memref_slice %arg6[%dma_start3A_710, %dma_start3A_711, %dma_start3A_712] : memref<2x1024x32xf32, #tpu.memory_space<vmem>> -> memref<1x128x32xf32, #tpu.memory_space<vmem>>
    %dma_start3A_714 = tpu.memref_squeeze %dma_start3A_713 : memref<1x128x32xf32, #tpu.memory_space<vmem>> -> memref<128x32xf32, #tpu.memory_space<vmem>>
    %dma_start3A_715 = arith.constant 0 : i32
    %dma_start3A_716 = tpu.memref_slice %arg5[%dma_start3A_709, %dma_start3A_715] : memref<40x128xi32, #tpu.memory_space<vmem>> -> memref<1x128xi32, #tpu.memory_space<vmem>>
    %dma_start3A_717 = tpu.memref_squeeze %dma_start3A_716 : memref<1x128xi32, #tpu.memory_space<vmem>> -> memref<128xi32, #tpu.memory_space<vmem>>
    %dma_start3A_718 = arith.constant 0 : i32
    %dma_start3A_719 = arith.constant 0 : i32
    %dma_start3A_720 = tpu.memref_slice %arg2[%dma_start3A_718, %dma_start3A_719] : memref<10000x32xf32, #tpu.memory_space<hbm>> -> memref<10000x32xf32, #tpu.memory_space<hbm>>
    tpu.enqueue_indirect_dma source(%dma_start3A_720 : memref<10000x32xf32, #tpu.memory_space<hbm>>) target(%dma_start3A_714 : memref<128x32xf32, #tpu.memory_space<vmem>>) offsets(%dma_start3A_717 : memref<128xi32, #tpu.memory_space<vmem>>) semaphore(%arg7 : memref<!tpu.dma_semaphore, #tpu.memory_space<semaphore_mem>>)
    %dma_start3A_721 = arith.constant 29 : i32
    %dma_start3A_722 = arith.constant 1 : i32
    %dma_start3A_723 = arith.constant 640 : i32
    %dma_start3A_724 = arith.constant 0 : i32
    %dma_start3A_725 = tpu.memref_slice %arg6[%dma_start3A_722, %dma_start3A_723, %dma_start3A_724] : memref<2x1024x32xf32, #tpu.memory_space<vmem>> -> memref<1x128x32xf32, #tpu.memory_space<vmem>>
    %dma_start3A_726 = tpu.memref_squeeze %dma_start3A_725 : memref<1x128x32xf32, #tpu.memory_space<vmem>> -> memref<128x32xf32, #tpu.memory_space<vmem>>
    %dma_start3A_727 = arith.constant 0 : i32
    %dma_start3A_728 = tpu.memref_slice %arg5[%dma_start3A_721, %dma_start3A_727] : memref<40x128xi32, #tpu.memory_space<vmem>> -> memref<1x128xi32, #tpu.memory_space<vmem>>
    %dma_start3A_729 = tpu.memref_squeeze %dma_start3A_728 : memref<1x128xi32, #tpu.memory_space<vmem>> -> memref<128xi32, #tpu.memory_space<vmem>>
    %dma_start3A_730 = arith.constant 0 : i32
    %dma_start3A_731 = arith.constant 0 : i32
    %dma_start3A_732 = tpu.memref_slice %arg2[%dma_start3A_730, %dma_start3A_731] : memref<10000x32xf32, #tpu.memory_space<hbm>> -> memref<10000x32xf32, #tpu.memory_space<hbm>>
    tpu.enqueue_indirect_dma source(%dma_start3A_732 : memref<10000x32xf32, #tpu.memory_space<hbm>>) target(%dma_start3A_726 : memref<128x32xf32, #tpu.memory_space<vmem>>) offsets(%dma_start3A_729 : memref<128xi32, #tpu.memory_space<vmem>>) semaphore(%arg7 : memref<!tpu.dma_semaphore, #tpu.memory_space<semaphore_mem>>)
    %dma_start3A_733 = arith.constant 30 : i32
    %dma_start3A_734 = arith.constant 1 : i32
    %dma_start3A_735 = arith.constant 768 : i32
    %dma_start3A_736 = arith.constant 0 : i32
    %dma_start3A_737 = tpu.memref_slice %arg6[%dma_start3A_734, %dma_start3A_735, %dma_start3A_736] : memref<2x1024x32xf32, #tpu.memory_space<vmem>> -> memref<1x128x32xf32, #tpu.memory_space<vmem>>
    %dma_start3A_738 = tpu.memref_squeeze %dma_start3A_737 : memref<1x128x32xf32, #tpu.memory_space<vmem>> -> memref<128x32xf32, #tpu.memory_space<vmem>>
    %dma_start3A_739 = arith.constant 0 : i32
    %dma_start3A_740 = tpu.memref_slice %arg5[%dma_start3A_733, %dma_start3A_739] : memref<40x128xi32, #tpu.memory_space<vmem>> -> memref<1x128xi32, #tpu.memory_space<vmem>>
    %dma_start3A_741 = tpu.memref_squeeze %dma_start3A_740 : memref<1x128xi32, #tpu.memory_space<vmem>> -> memref<128xi32, #tpu.memory_space<vmem>>
    %dma_start3A_742 = arith.constant 0 : i32
    %dma_start3A_743 = arith.constant 0 : i32
    %dma_start3A_744 = tpu.memref_slice %arg2[%dma_start3A_742, %dma_start3A_743] : memref<10000x32xf32, #tpu.memory_space<hbm>> -> memref<10000x32xf32, #tpu.memory_space<hbm>>
    tpu.enqueue_indirect_dma source(%dma_start3A_744 : memref<10000x32xf32, #tpu.memory_space<hbm>>) target(%dma_start3A_738 : memref<128x32xf32, #tpu.memory_space<vmem>>) offsets(%dma_start3A_741 : memref<128xi32, #tpu.memory_space<vmem>>) semaphore(%arg7 : memref<!tpu.dma_semaphore, #tpu.memory_space<semaphore_mem>>)
    %dma_start3A_745 = arith.constant 31 : i32
    %dma_start3A_746 = arith.constant 1 : i32
    %dma_start3A_747 = arith.constant 896 : i32
    %dma_start3A_748 = arith.constant 0 : i32
    %dma_start3A_749 = tpu.memref_slice %arg6[%dma_start3A_746, %dma_start3A_747, %dma_start3A_748] : memref<2x1024x32xf32, #tpu.memory_space<vmem>> -> memref<1x128x32xf32, #tpu.memory_space<vmem>>
    %dma_start3A_750 = tpu.memref_squeeze %dma_start3A_749 : memref<1x128x32xf32, #tpu.memory_space<vmem>> -> memref<128x32xf32, #tpu.memory_space<vmem>>
    %dma_start3A_751 = arith.constant 0 : i32
    %dma_start3A_752 = tpu.memref_slice %arg5[%dma_start3A_745, %dma_start3A_751] : memref<40x128xi32, #tpu.memory_space<vmem>> -> memref<1x128xi32, #tpu.memory_space<vmem>>
    %dma_start3A_753 = tpu.memref_squeeze %dma_start3A_752 : memref<1x128xi32, #tpu.memory_space<vmem>> -> memref<128xi32, #tpu.memory_space<vmem>>
    %dma_start3A_754 = arith.constant 0 : i32
    %dma_start3A_755 = arith.constant 0 : i32
    %dma_start3A_756 = tpu.memref_slice %arg2[%dma_start3A_754, %dma_start3A_755] : memref<10000x32xf32, #tpu.memory_space<hbm>> -> memref<10000x32xf32, #tpu.memory_space<hbm>>
    tpu.enqueue_indirect_dma source(%dma_start3A_756 : memref<10000x32xf32, #tpu.memory_space<hbm>>) target(%dma_start3A_750 : memref<128x32xf32, #tpu.memory_space<vmem>>) offsets(%dma_start3A_753 : memref<128xi32, #tpu.memory_space<vmem>>) semaphore(%arg7 : memref<!tpu.dma_semaphore, #tpu.memory_space<semaphore_mem>>)
    %dma_wait3A_757 = arith.constant 24 : i32
    %dma_wait3A_758 = arith.constant 1 : i32
    %dma_wait3A_759 = arith.constant 0 : i32
    %dma_wait3A_760 = arith.constant 0 : i32
    %dma_wait3A_761 = tpu.memref_slice %arg6[%dma_wait3A_758, %dma_wait3A_759, %dma_wait3A_760] : memref<2x1024x32xf32, #tpu.memory_space<vmem>> -> memref<1x128x32xf32, #tpu.memory_space<vmem>>
    %dma_wait3A_762 = tpu.memref_squeeze %dma_wait3A_761 : memref<1x128x32xf32, #tpu.memory_space<vmem>> -> memref<128x32xf32, #tpu.memory_space<vmem>>
    %dma_wait3A_763 = arith.constant 0 : i32
    %dma_wait3A_764 = tpu.memref_slice %arg5[%dma_wait3A_757, %dma_wait3A_763] : memref<40x128xi32, #tpu.memory_space<vmem>> -> memref<1x128xi32, #tpu.memory_space<vmem>>
    %dma_wait3A_765 = tpu.memref_squeeze %dma_wait3A_764 : memref<1x128xi32, #tpu.memory_space<vmem>> -> memref<128xi32, #tpu.memory_space<vmem>>
    %dma_wait3A_766 = arith.constant 0 : i32
    %dma_wait3A_767 = arith.constant 0 : i32
    %dma_wait3A_768 = tpu.memref_slice %arg2[%dma_wait3A_766, %dma_wait3A_767] : memref<10000x32xf32, #tpu.memory_space<hbm>> -> memref<10000x32xf32, #tpu.memory_space<hbm>>
    tpu.wait_indirect_dma semaphore(%arg7 : memref<!tpu.dma_semaphore, #tpu.memory_space<semaphore_mem>>) src(%dma_wait3A_768 : memref<10000x32xf32, #tpu.memory_space<hbm>>) dst(%dma_wait3A_762 : memref<128x32xf32, #tpu.memory_space<vmem>>)
    %dma_wait3A_769 = arith.constant 25 : i32
    %dma_wait3A_770 = arith.constant 1 : i32
    %dma_wait3A_771 = arith.constant 128 : i32
    %dma_wait3A_772 = arith.constant 0 : i32
    %dma_wait3A_773 = tpu.memref_slice %arg6[%dma_wait3A_770, %dma_wait3A_771, %dma_wait3A_772] : memref<2x1024x32xf32, #tpu.memory_space<vmem>> -> memref<1x128x32xf32, #tpu.memory_space<vmem>>
    %dma_wait3A_774 = tpu.memref_squeeze %dma_wait3A_773 : memref<1x128x32xf32, #tpu.memory_space<vmem>> -> memref<128x32xf32, #tpu.memory_space<vmem>>
    %dma_wait3A_775 = arith.constant 0 : i32
    %dma_wait3A_776 = tpu.memref_slice %arg5[%dma_wait3A_769, %dma_wait3A_775] : memref<40x128xi32, #tpu.memory_space<vmem>> -> memref<1x128xi32, #tpu.memory_space<vmem>>
    %dma_wait3A_777 = tpu.memref_squeeze %dma_wait3A_776 : memref<1x128xi32, #tpu.memory_space<vmem>> -> memref<128xi32, #tpu.memory_space<vmem>>
    %dma_wait3A_778 = arith.constant 0 : i32
    %dma_wait3A_779 = arith.constant 0 : i32
    %dma_wait3A_780 = tpu.memref_slice %arg2[%dma_wait3A_778, %dma_wait3A_779] : memref<10000x32xf32, #tpu.memory_space<hbm>> -> memref<10000x32xf32, #tpu.memory_space<hbm>>
    tpu.wait_indirect_dma semaphore(%arg7 : memref<!tpu.dma_semaphore, #tpu.memory_space<semaphore_mem>>) src(%dma_wait3A_780 : memref<10000x32xf32, #tpu.memory_space<hbm>>) dst(%dma_wait3A_774 : memref<128x32xf32, #tpu.memory_space<vmem>>)
    %dma_wait3A_781 = arith.constant 26 : i32
    %dma_wait3A_782 = arith.constant 1 : i32
    %dma_wait3A_783 = arith.constant 256 : i32
    %dma_wait3A_784 = arith.constant 0 : i32
    %dma_wait3A_785 = tpu.memref_slice %arg6[%dma_wait3A_782, %dma_wait3A_783, %dma_wait3A_784] : memref<2x1024x32xf32, #tpu.memory_space<vmem>> -> memref<1x128x32xf32, #tpu.memory_space<vmem>>
    %dma_wait3A_786 = tpu.memref_squeeze %dma_wait3A_785 : memref<1x128x32xf32, #tpu.memory_space<vmem>> -> memref<128x32xf32, #tpu.memory_space<vmem>>
    %dma_wait3A_787 = arith.constant 0 : i32
    %dma_wait3A_788 = tpu.memref_slice %arg5[%dma_wait3A_781, %dma_wait3A_787] : memref<40x128xi32, #tpu.memory_space<vmem>> -> memref<1x128xi32, #tpu.memory_space<vmem>>
    %dma_wait3A_789 = tpu.memref_squeeze %dma_wait3A_788 : memref<1x128xi32, #tpu.memory_space<vmem>> -> memref<128xi32, #tpu.memory_space<vmem>>
    %dma_wait3A_790 = arith.constant 0 : i32
    %dma_wait3A_791 = arith.constant 0 : i32
    %dma_wait3A_792 = tpu.memref_slice %arg2[%dma_wait3A_790, %dma_wait3A_791] : memref<10000x32xf32, #tpu.memory_space<hbm>> -> memref<10000x32xf32, #tpu.memory_space<hbm>>
    tpu.wait_indirect_dma semaphore(%arg7 : memref<!tpu.dma_semaphore, #tpu.memory_space<semaphore_mem>>) src(%dma_wait3A_792 : memref<10000x32xf32, #tpu.memory_space<hbm>>) dst(%dma_wait3A_786 : memref<128x32xf32, #tpu.memory_space<vmem>>)
    %dma_wait3A_793 = arith.constant 27 : i32
    %dma_wait3A_794 = arith.constant 1 : i32
    %dma_wait3A_795 = arith.constant 384 : i32
    %dma_wait3A_796 = arith.constant 0 : i32
    %dma_wait3A_797 = tpu.memref_slice %arg6[%dma_wait3A_794, %dma_wait3A_795, %dma_wait3A_796] : memref<2x1024x32xf32, #tpu.memory_space<vmem>> -> memref<1x128x32xf32, #tpu.memory_space<vmem>>
    %dma_wait3A_798 = tpu.memref_squeeze %dma_wait3A_797 : memref<1x128x32xf32, #tpu.memory_space<vmem>> -> memref<128x32xf32, #tpu.memory_space<vmem>>
    %dma_wait3A_799 = arith.constant 0 : i32
    %dma_wait3A_800 = tpu.memref_slice %arg5[%dma_wait3A_793, %dma_wait3A_799] : memref<40x128xi32, #tpu.memory_space<vmem>> -> memref<1x128xi32, #tpu.memory_space<vmem>>
    %dma_wait3A_801 = tpu.memref_squeeze %dma_wait3A_800 : memref<1x128xi32, #tpu.memory_space<vmem>> -> memref<128xi32, #tpu.memory_space<vmem>>
    %dma_wait3A_802 = arith.constant 0 : i32
    %dma_wait3A_803 = arith.constant 0 : i32
    %dma_wait3A_804 = tpu.memref_slice %arg2[%dma_wait3A_802, %dma_wait3A_803] : memref<10000x32xf32, #tpu.memory_space<hbm>> -> memref<10000x32xf32, #tpu.memory_space<hbm>>
    tpu.wait_indirect_dma semaphore(%arg7 : memref<!tpu.dma_semaphore, #tpu.memory_space<semaphore_mem>>) src(%dma_wait3A_804 : memref<10000x32xf32, #tpu.memory_space<hbm>>) dst(%dma_wait3A_798 : memref<128x32xf32, #tpu.memory_space<vmem>>)
    %dma_wait3A_805 = arith.constant 28 : i32
    %dma_wait3A_806 = arith.constant 1 : i32
    %dma_wait3A_807 = arith.constant 512 : i32
    %dma_wait3A_808 = arith.constant 0 : i32
    %dma_wait3A_809 = tpu.memref_slice %arg6[%dma_wait3A_806, %dma_wait3A_807, %dma_wait3A_808] : memref<2x1024x32xf32, #tpu.memory_space<vmem>> -> memref<1x128x32xf32, #tpu.memory_space<vmem>>
    %dma_wait3A_810 = tpu.memref_squeeze %dma_wait3A_809 : memref<1x128x32xf32, #tpu.memory_space<vmem>> -> memref<128x32xf32, #tpu.memory_space<vmem>>
    %dma_wait3A_811 = arith.constant 0 : i32
    %dma_wait3A_812 = tpu.memref_slice %arg5[%dma_wait3A_805, %dma_wait3A_811] : memref<40x128xi32, #tpu.memory_space<vmem>> -> memref<1x128xi32, #tpu.memory_space<vmem>>
    %dma_wait3A_813 = tpu.memref_squeeze %dma_wait3A_812 : memref<1x128xi32, #tpu.memory_space<vmem>> -> memref<128xi32, #tpu.memory_space<vmem>>
    %dma_wait3A_814 = arith.constant 0 : i32
    %dma_wait3A_815 = arith.constant 0 : i32
    %dma_wait3A_816 = tpu.memref_slice %arg2[%dma_wait3A_814, %dma_wait3A_815] : memref<10000x32xf32, #tpu.memory_space<hbm>> -> memref<10000x32xf32, #tpu.memory_space<hbm>>
    tpu.wait_indirect_dma semaphore(%arg7 : memref<!tpu.dma_semaphore, #tpu.memory_space<semaphore_mem>>) src(%dma_wait3A_816 : memref<10000x32xf32, #tpu.memory_space<hbm>>) dst(%dma_wait3A_810 : memref<128x32xf32, #tpu.memory_space<vmem>>)
    %dma_wait3A_817 = arith.constant 29 : i32
    %dma_wait3A_818 = arith.constant 1 : i32
    %dma_wait3A_819 = arith.constant 640 : i32
    %dma_wait3A_820 = arith.constant 0 : i32
    %dma_wait3A_821 = tpu.memref_slice %arg6[%dma_wait3A_818, %dma_wait3A_819, %dma_wait3A_820] : memref<2x1024x32xf32, #tpu.memory_space<vmem>> -> memref<1x128x32xf32, #tpu.memory_space<vmem>>
    %dma_wait3A_822 = tpu.memref_squeeze %dma_wait3A_821 : memref<1x128x32xf32, #tpu.memory_space<vmem>> -> memref<128x32xf32, #tpu.memory_space<vmem>>
    %dma_wait3A_823 = arith.constant 0 : i32
    %dma_wait3A_824 = tpu.memref_slice %arg5[%dma_wait3A_817, %dma_wait3A_823] : memref<40x128xi32, #tpu.memory_space<vmem>> -> memref<1x128xi32, #tpu.memory_space<vmem>>
    %dma_wait3A_825 = tpu.memref_squeeze %dma_wait3A_824 : memref<1x128xi32, #tpu.memory_space<vmem>> -> memref<128xi32, #tpu.memory_space<vmem>>
    %dma_wait3A_826 = arith.constant 0 : i32
    %dma_wait3A_827 = arith.constant 0 : i32
    %dma_wait3A_828 = tpu.memref_slice %arg2[%dma_wait3A_826, %dma_wait3A_827] : memref<10000x32xf32, #tpu.memory_space<hbm>> -> memref<10000x32xf32, #tpu.memory_space<hbm>>
    tpu.wait_indirect_dma semaphore(%arg7 : memref<!tpu.dma_semaphore, #tpu.memory_space<semaphore_mem>>) src(%dma_wait3A_828 : memref<10000x32xf32, #tpu.memory_space<hbm>>) dst(%dma_wait3A_822 : memref<128x32xf32, #tpu.memory_space<vmem>>)
    %dma_wait3A_829 = arith.constant 30 : i32
    %dma_wait3A_830 = arith.constant 1 : i32
    %dma_wait3A_831 = arith.constant 768 : i32
    %dma_wait3A_832 = arith.constant 0 : i32
    %dma_wait3A_833 = tpu.memref_slice %arg6[%dma_wait3A_830, %dma_wait3A_831, %dma_wait3A_832] : memref<2x1024x32xf32, #tpu.memory_space<vmem>> -> memref<1x128x32xf32, #tpu.memory_space<vmem>>
    %dma_wait3A_834 = tpu.memref_squeeze %dma_wait3A_833 : memref<1x128x32xf32, #tpu.memory_space<vmem>> -> memref<128x32xf32, #tpu.memory_space<vmem>>
    %dma_wait3A_835 = arith.constant 0 : i32
    %dma_wait3A_836 = tpu.memref_slice %arg5[%dma_wait3A_829, %dma_wait3A_835] : memref<40x128xi32, #tpu.memory_space<vmem>> -> memref<1x128xi32, #tpu.memory_space<vmem>>
    %dma_wait3A_837 = tpu.memref_squeeze %dma_wait3A_836 : memref<1x128xi32, #tpu.memory_space<vmem>> -> memref<128xi32, #tpu.memory_space<vmem>>
    %dma_wait3A_838 = arith.constant 0 : i32
    %dma_wait3A_839 = arith.constant 0 : i32
    %dma_wait3A_840 = tpu.memref_slice %arg2[%dma_wait3A_838, %dma_wait3A_839] : memref<10000x32xf32, #tpu.memory_space<hbm>> -> memref<10000x32xf32, #tpu.memory_space<hbm>>
    tpu.wait_indirect_dma semaphore(%arg7 : memref<!tpu.dma_semaphore, #tpu.memory_space<semaphore_mem>>) src(%dma_wait3A_840 : memref<10000x32xf32, #tpu.memory_space<hbm>>) dst(%dma_wait3A_834 : memref<128x32xf32, #tpu.memory_space<vmem>>)
    %dma_wait3A_841 = arith.constant 31 : i32
    %dma_wait3A_842 = arith.constant 1 : i32
    %dma_wait3A_843 = arith.constant 896 : i32
    %dma_wait3A_844 = arith.constant 0 : i32
    %dma_wait3A_845 = tpu.memref_slice %arg6[%dma_wait3A_842, %dma_wait3A_843, %dma_wait3A_844] : memref<2x1024x32xf32, #tpu.memory_space<vmem>> -> memref<1x128x32xf32, #tpu.memory_space<vmem>>
    %dma_wait3A_846 = tpu.memref_squeeze %dma_wait3A_845 : memref<1x128x32xf32, #tpu.memory_space<vmem>> -> memref<128x32xf32, #tpu.memory_space<vmem>>
    %dma_wait3A_847 = arith.constant 0 : i32
    %dma_wait3A_848 = tpu.memref_slice %arg5[%dma_wait3A_841, %dma_wait3A_847] : memref<40x128xi32, #tpu.memory_space<vmem>> -> memref<1x128xi32, #tpu.memory_space<vmem>>
    %dma_wait3A_849 = tpu.memref_squeeze %dma_wait3A_848 : memref<1x128xi32, #tpu.memory_space<vmem>> -> memref<128xi32, #tpu.memory_space<vmem>>
    %dma_wait3A_850 = arith.constant 0 : i32
    %dma_wait3A_851 = arith.constant 0 : i32
    %dma_wait3A_852 = tpu.memref_slice %arg2[%dma_wait3A_850, %dma_wait3A_851] : memref<10000x32xf32, #tpu.memory_space<hbm>> -> memref<10000x32xf32, #tpu.memory_space<hbm>>
    tpu.wait_indirect_dma semaphore(%arg7 : memref<!tpu.dma_semaphore, #tpu.memory_space<semaphore_mem>>) src(%dma_wait3A_852 : memref<10000x32xf32, #tpu.memory_space<hbm>>) dst(%dma_wait3A_846 : memref<128x32xf32, #tpu.memory_space<vmem>>)
    %add3A_853 = arith.constant 3072 : i32
    %add3A_854 = arith.addi %mul3A_2, %add3A_853 : i32
    %dma_start3A_855 = arith.constant 1 : i32
    %dma_start3A_856 = arith.constant 0 : i32
    %dma_start3A_857 = arith.constant 0 : i32
    %dma_start3A_858 = tpu.memref_slice %arg6[%dma_start3A_855, %dma_start3A_856, %dma_start3A_857] : memref<2x1024x32xf32, #tpu.memory_space<vmem>> -> memref<1x1024x32xf32, #tpu.memory_space<vmem>>
    %dma_start3A_859 = tpu.memref_squeeze %dma_start3A_858 : memref<1x1024x32xf32, #tpu.memory_space<vmem>> -> memref<1024x32xf32, #tpu.memory_space<vmem>>
    %dma_start3A_860 = arith.constant 0 : i32
    %dma_start3A_861 = tpu.memref_slice %arg4[%add3A_854, %dma_start3A_860] : memref<163840x32xf32, #tpu.memory_space<hbm>> -> memref<1024x32xf32, #tpu.memory_space<hbm>>
    %dma_start3A_862 = arith.constant 0 : i32
    %dma_start3A_863 = tpu.memref_slice %arg4[%add3A_854, %dma_start3A_862] : memref<163840x32xf32, #tpu.memory_space<hbm>> -> memref<1024x32xf32, #tpu.memory_space<hbm>>
    %dma_start3A_864 = arith.constant 0 : i32
    %dma_start3A_865 = arith.constant 0 : i32
    %dma_start3A_866 = tpu.memref_slice %arg6[%dma_start3A_855, %dma_start3A_864, %dma_start3A_865] : memref<2x1024x32xf32, #tpu.memory_space<vmem>> -> memref<1x1024x32xf32, #tpu.memory_space<vmem>>
    %dma_start3A_867 = tpu.memref_squeeze %dma_start3A_866 : memref<1x1024x32xf32, #tpu.memory_space<vmem>> -> memref<1024x32xf32, #tpu.memory_space<vmem>>
    tpu.enqueue_dma source(%dma_start3A_867 : memref<1024x32xf32, #tpu.memory_space<vmem>>) target(%dma_start3A_863 : memref<1024x32xf32, #tpu.memory_space<hbm>>) target_semaphore(%arg8 : memref<!tpu.dma_semaphore, #tpu.memory_space<semaphore_mem>>)
    %dma_wait3A_868 = arith.constant 1 : i32
    %dma_wait3A_869 = arith.constant 0 : i32
    %dma_wait3A_870 = arith.constant 0 : i32
    %dma_wait3A_871 = tpu.memref_slice %arg6[%dma_wait3A_868, %dma_wait3A_869, %dma_wait3A_870] : memref<2x1024x32xf32, #tpu.memory_space<vmem>> -> memref<1x1024x32xf32, #tpu.memory_space<vmem>>
    %dma_wait3A_872 = tpu.memref_squeeze %dma_wait3A_871 : memref<1x1024x32xf32, #tpu.memory_space<vmem>> -> memref<1024x32xf32, #tpu.memory_space<vmem>>
    %dma_wait3A_873 = arith.constant 0 : i32
    %dma_wait3A_874 = tpu.memref_slice %arg4[%add3A_854, %dma_wait3A_873] : memref<163840x32xf32, #tpu.memory_space<hbm>> -> memref<1024x32xf32, #tpu.memory_space<hbm>>
    %dma_wait3A_875 = arith.constant 0 : i32
    %dma_wait3A_876 = tpu.memref_slice %arg4[%add3A_854, %dma_wait3A_875] : memref<163840x32xf32, #tpu.memory_space<hbm>> -> memref<1024x32xf32, #tpu.memory_space<hbm>>
    %dma_wait3A_877 = arith.constant 0 : i32
    %dma_wait3A_878 = arith.constant 0 : i32
    %dma_wait3A_879 = tpu.memref_slice %arg6[%dma_wait3A_868, %dma_wait3A_877, %dma_wait3A_878] : memref<2x1024x32xf32, #tpu.memory_space<vmem>> -> memref<1x1024x32xf32, #tpu.memory_space<vmem>>
    %dma_wait3A_880 = tpu.memref_squeeze %dma_wait3A_879 : memref<1x1024x32xf32, #tpu.memory_space<vmem>> -> memref<1024x32xf32, #tpu.memory_space<vmem>>
    tpu.wait_dma2 semaphore(%arg8 : memref<!tpu.dma_semaphore, #tpu.memory_space<semaphore_mem>>) src(%dma_wait3A_880 : memref<1024x32xf32, #tpu.memory_space<vmem>>) dst(%dma_wait3A_876 : memref<1024x32xf32, #tpu.memory_space<hbm>>)
    %dma_start3A_881 = arith.constant 32 : i32
    %dma_start3A_882 = arith.constant 0 : i32
    %dma_start3A_883 = arith.constant 0 : i32
    %dma_start3A_884 = arith.constant 0 : i32
    %dma_start3A_885 = tpu.memref_slice %arg6[%dma_start3A_882, %dma_start3A_883, %dma_start3A_884] : memref<2x1024x32xf32, #tpu.memory_space<vmem>> -> memref<1x128x32xf32, #tpu.memory_space<vmem>>
    %dma_start3A_886 = tpu.memref_squeeze %dma_start3A_885 : memref<1x128x32xf32, #tpu.memory_space<vmem>> -> memref<128x32xf32, #tpu.memory_space<vmem>>
    %dma_start3A_887 = arith.constant 0 : i32
    %dma_start3A_888 = tpu.memref_slice %arg5[%dma_start3A_881, %dma_start3A_887] : memref<40x128xi32, #tpu.memory_space<vmem>> -> memref<1x128xi32, #tpu.memory_space<vmem>>
    %dma_start3A_889 = tpu.memref_squeeze %dma_start3A_888 : memref<1x128xi32, #tpu.memory_space<vmem>> -> memref<128xi32, #tpu.memory_space<vmem>>
    %dma_start3A_890 = arith.constant 0 : i32
    %dma_start3A_891 = arith.constant 0 : i32
    %dma_start3A_892 = tpu.memref_slice %arg2[%dma_start3A_890, %dma_start3A_891] : memref<10000x32xf32, #tpu.memory_space<hbm>> -> memref<10000x32xf32, #tpu.memory_space<hbm>>
    tpu.enqueue_indirect_dma source(%dma_start3A_892 : memref<10000x32xf32, #tpu.memory_space<hbm>>) target(%dma_start3A_886 : memref<128x32xf32, #tpu.memory_space<vmem>>) offsets(%dma_start3A_889 : memref<128xi32, #tpu.memory_space<vmem>>) semaphore(%arg7 : memref<!tpu.dma_semaphore, #tpu.memory_space<semaphore_mem>>)
    %dma_start3A_893 = arith.constant 33 : i32
    %dma_start3A_894 = arith.constant 0 : i32
    %dma_start3A_895 = arith.constant 128 : i32
    %dma_start3A_896 = arith.constant 0 : i32
    %dma_start3A_897 = tpu.memref_slice %arg6[%dma_start3A_894, %dma_start3A_895, %dma_start3A_896] : memref<2x1024x32xf32, #tpu.memory_space<vmem>> -> memref<1x128x32xf32, #tpu.memory_space<vmem>>
    %dma_start3A_898 = tpu.memref_squeeze %dma_start3A_897 : memref<1x128x32xf32, #tpu.memory_space<vmem>> -> memref<128x32xf32, #tpu.memory_space<vmem>>
    %dma_start3A_899 = arith.constant 0 : i32
    %dma_start3A_900 = tpu.memref_slice %arg5[%dma_start3A_893, %dma_start3A_899] : memref<40x128xi32, #tpu.memory_space<vmem>> -> memref<1x128xi32, #tpu.memory_space<vmem>>
    %dma_start3A_901 = tpu.memref_squeeze %dma_start3A_900 : memref<1x128xi32, #tpu.memory_space<vmem>> -> memref<128xi32, #tpu.memory_space<vmem>>
    %dma_start3A_902 = arith.constant 0 : i32
    %dma_start3A_903 = arith.constant 0 : i32
    %dma_start3A_904 = tpu.memref_slice %arg2[%dma_start3A_902, %dma_start3A_903] : memref<10000x32xf32, #tpu.memory_space<hbm>> -> memref<10000x32xf32, #tpu.memory_space<hbm>>
    tpu.enqueue_indirect_dma source(%dma_start3A_904 : memref<10000x32xf32, #tpu.memory_space<hbm>>) target(%dma_start3A_898 : memref<128x32xf32, #tpu.memory_space<vmem>>) offsets(%dma_start3A_901 : memref<128xi32, #tpu.memory_space<vmem>>) semaphore(%arg7 : memref<!tpu.dma_semaphore, #tpu.memory_space<semaphore_mem>>)
    %dma_start3A_905 = arith.constant 34 : i32
    %dma_start3A_906 = arith.constant 0 : i32
    %dma_start3A_907 = arith.constant 256 : i32
    %dma_start3A_908 = arith.constant 0 : i32
    %dma_start3A_909 = tpu.memref_slice %arg6[%dma_start3A_906, %dma_start3A_907, %dma_start3A_908] : memref<2x1024x32xf32, #tpu.memory_space<vmem>> -> memref<1x128x32xf32, #tpu.memory_space<vmem>>
    %dma_start3A_910 = tpu.memref_squeeze %dma_start3A_909 : memref<1x128x32xf32, #tpu.memory_space<vmem>> -> memref<128x32xf32, #tpu.memory_space<vmem>>
    %dma_start3A_911 = arith.constant 0 : i32
    %dma_start3A_912 = tpu.memref_slice %arg5[%dma_start3A_905, %dma_start3A_911] : memref<40x128xi32, #tpu.memory_space<vmem>> -> memref<1x128xi32, #tpu.memory_space<vmem>>
    %dma_start3A_913 = tpu.memref_squeeze %dma_start3A_912 : memref<1x128xi32, #tpu.memory_space<vmem>> -> memref<128xi32, #tpu.memory_space<vmem>>
    %dma_start3A_914 = arith.constant 0 : i32
    %dma_start3A_915 = arith.constant 0 : i32
    %dma_start3A_916 = tpu.memref_slice %arg2[%dma_start3A_914, %dma_start3A_915] : memref<10000x32xf32, #tpu.memory_space<hbm>> -> memref<10000x32xf32, #tpu.memory_space<hbm>>
    tpu.enqueue_indirect_dma source(%dma_start3A_916 : memref<10000x32xf32, #tpu.memory_space<hbm>>) target(%dma_start3A_910 : memref<128x32xf32, #tpu.memory_space<vmem>>) offsets(%dma_start3A_913 : memref<128xi32, #tpu.memory_space<vmem>>) semaphore(%arg7 : memref<!tpu.dma_semaphore, #tpu.memory_space<semaphore_mem>>)
    %dma_start3A_917 = arith.constant 35 : i32
    %dma_start3A_918 = arith.constant 0 : i32
    %dma_start3A_919 = arith.constant 384 : i32
    %dma_start3A_920 = arith.constant 0 : i32
    %dma_start3A_921 = tpu.memref_slice %arg6[%dma_start3A_918, %dma_start3A_919, %dma_start3A_920] : memref<2x1024x32xf32, #tpu.memory_space<vmem>> -> memref<1x128x32xf32, #tpu.memory_space<vmem>>
    %dma_start3A_922 = tpu.memref_squeeze %dma_start3A_921 : memref<1x128x32xf32, #tpu.memory_space<vmem>> -> memref<128x32xf32, #tpu.memory_space<vmem>>
    %dma_start3A_923 = arith.constant 0 : i32
    %dma_start3A_924 = tpu.memref_slice %arg5[%dma_start3A_917, %dma_start3A_923] : memref<40x128xi32, #tpu.memory_space<vmem>> -> memref<1x128xi32, #tpu.memory_space<vmem>>
    %dma_start3A_925 = tpu.memref_squeeze %dma_start3A_924 : memref<1x128xi32, #tpu.memory_space<vmem>> -> memref<128xi32, #tpu.memory_space<vmem>>
    %dma_start3A_926 = arith.constant 0 : i32
    %dma_start3A_927 = arith.constant 0 : i32
    %dma_start3A_928 = tpu.memref_slice %arg2[%dma_start3A_926, %dma_start3A_927] : memref<10000x32xf32, #tpu.memory_space<hbm>> -> memref<10000x32xf32, #tpu.memory_space<hbm>>
    tpu.enqueue_indirect_dma source(%dma_start3A_928 : memref<10000x32xf32, #tpu.memory_space<hbm>>) target(%dma_start3A_922 : memref<128x32xf32, #tpu.memory_space<vmem>>) offsets(%dma_start3A_925 : memref<128xi32, #tpu.memory_space<vmem>>) semaphore(%arg7 : memref<!tpu.dma_semaphore, #tpu.memory_space<semaphore_mem>>)
    %dma_start3A_929 = arith.constant 36 : i32
    %dma_start3A_930 = arith.constant 0 : i32
    %dma_start3A_931 = arith.constant 512 : i32
    %dma_start3A_932 = arith.constant 0 : i32
    %dma_start3A_933 = tpu.memref_slice %arg6[%dma_start3A_930, %dma_start3A_931, %dma_start3A_932] : memref<2x1024x32xf32, #tpu.memory_space<vmem>> -> memref<1x128x32xf32, #tpu.memory_space<vmem>>
    %dma_start3A_934 = tpu.memref_squeeze %dma_start3A_933 : memref<1x128x32xf32, #tpu.memory_space<vmem>> -> memref<128x32xf32, #tpu.memory_space<vmem>>
    %dma_start3A_935 = arith.constant 0 : i32
    %dma_start3A_936 = tpu.memref_slice %arg5[%dma_start3A_929, %dma_start3A_935] : memref<40x128xi32, #tpu.memory_space<vmem>> -> memref<1x128xi32, #tpu.memory_space<vmem>>
    %dma_start3A_937 = tpu.memref_squeeze %dma_start3A_936 : memref<1x128xi32, #tpu.memory_space<vmem>> -> memref<128xi32, #tpu.memory_space<vmem>>
    %dma_start3A_938 = arith.constant 0 : i32
    %dma_start3A_939 = arith.constant 0 : i32
    %dma_start3A_940 = tpu.memref_slice %arg2[%dma_start3A_938, %dma_start3A_939] : memref<10000x32xf32, #tpu.memory_space<hbm>> -> memref<10000x32xf32, #tpu.memory_space<hbm>>
    tpu.enqueue_indirect_dma source(%dma_start3A_940 : memref<10000x32xf32, #tpu.memory_space<hbm>>) target(%dma_start3A_934 : memref<128x32xf32, #tpu.memory_space<vmem>>) offsets(%dma_start3A_937 : memref<128xi32, #tpu.memory_space<vmem>>) semaphore(%arg7 : memref<!tpu.dma_semaphore, #tpu.memory_space<semaphore_mem>>)
    %dma_start3A_941 = arith.constant 37 : i32
    %dma_start3A_942 = arith.constant 0 : i32
    %dma_start3A_943 = arith.constant 640 : i32
    %dma_start3A_944 = arith.constant 0 : i32
    %dma_start3A_945 = tpu.memref_slice %arg6[%dma_start3A_942, %dma_start3A_943, %dma_start3A_944] : memref<2x1024x32xf32, #tpu.memory_space<vmem>> -> memref<1x128x32xf32, #tpu.memory_space<vmem>>
    %dma_start3A_946 = tpu.memref_squeeze %dma_start3A_945 : memref<1x128x32xf32, #tpu.memory_space<vmem>> -> memref<128x32xf32, #tpu.memory_space<vmem>>
    %dma_start3A_947 = arith.constant 0 : i32
    %dma_start3A_948 = tpu.memref_slice %arg5[%dma_start3A_941, %dma_start3A_947] : memref<40x128xi32, #tpu.memory_space<vmem>> -> memref<1x128xi32, #tpu.memory_space<vmem>>
    %dma_start3A_949 = tpu.memref_squeeze %dma_start3A_948 : memref<1x128xi32, #tpu.memory_space<vmem>> -> memref<128xi32, #tpu.memory_space<vmem>>
    %dma_start3A_950 = arith.constant 0 : i32
    %dma_start3A_951 = arith.constant 0 : i32
    %dma_start3A_952 = tpu.memref_slice %arg2[%dma_start3A_950, %dma_start3A_951] : memref<10000x32xf32, #tpu.memory_space<hbm>> -> memref<10000x32xf32, #tpu.memory_space<hbm>>
    tpu.enqueue_indirect_dma source(%dma_start3A_952 : memref<10000x32xf32, #tpu.memory_space<hbm>>) target(%dma_start3A_946 : memref<128x32xf32, #tpu.memory_space<vmem>>) offsets(%dma_start3A_949 : memref<128xi32, #tpu.memory_space<vmem>>) semaphore(%arg7 : memref<!tpu.dma_semaphore, #tpu.memory_space<semaphore_mem>>)
    %dma_start3A_953 = arith.constant 38 : i32
    %dma_start3A_954 = arith.constant 0 : i32
    %dma_start3A_955 = arith.constant 768 : i32
    %dma_start3A_956 = arith.constant 0 : i32
    %dma_start3A_957 = tpu.memref_slice %arg6[%dma_start3A_954, %dma_start3A_955, %dma_start3A_956] : memref<2x1024x32xf32, #tpu.memory_space<vmem>> -> memref<1x128x32xf32, #tpu.memory_space<vmem>>
    %dma_start3A_958 = tpu.memref_squeeze %dma_start3A_957 : memref<1x128x32xf32, #tpu.memory_space<vmem>> -> memref<128x32xf32, #tpu.memory_space<vmem>>
    %dma_start3A_959 = arith.constant 0 : i32
    %dma_start3A_960 = tpu.memref_slice %arg5[%dma_start3A_953, %dma_start3A_959] : memref<40x128xi32, #tpu.memory_space<vmem>> -> memref<1x128xi32, #tpu.memory_space<vmem>>
    %dma_start3A_961 = tpu.memref_squeeze %dma_start3A_960 : memref<1x128xi32, #tpu.memory_space<vmem>> -> memref<128xi32, #tpu.memory_space<vmem>>
    %dma_start3A_962 = arith.constant 0 : i32
    %dma_start3A_963 = arith.constant 0 : i32
    %dma_start3A_964 = tpu.memref_slice %arg2[%dma_start3A_962, %dma_start3A_963] : memref<10000x32xf32, #tpu.memory_space<hbm>> -> memref<10000x32xf32, #tpu.memory_space<hbm>>
    tpu.enqueue_indirect_dma source(%dma_start3A_964 : memref<10000x32xf32, #tpu.memory_space<hbm>>) target(%dma_start3A_958 : memref<128x32xf32, #tpu.memory_space<vmem>>) offsets(%dma_start3A_961 : memref<128xi32, #tpu.memory_space<vmem>>) semaphore(%arg7 : memref<!tpu.dma_semaphore, #tpu.memory_space<semaphore_mem>>)
    %dma_start3A_965 = arith.constant 39 : i32
    %dma_start3A_966 = arith.constant 0 : i32
    %dma_start3A_967 = arith.constant 896 : i32
    %dma_start3A_968 = arith.constant 0 : i32
    %dma_start3A_969 = tpu.memref_slice %arg6[%dma_start3A_966, %dma_start3A_967, %dma_start3A_968] : memref<2x1024x32xf32, #tpu.memory_space<vmem>> -> memref<1x128x32xf32, #tpu.memory_space<vmem>>
    %dma_start3A_970 = tpu.memref_squeeze %dma_start3A_969 : memref<1x128x32xf32, #tpu.memory_space<vmem>> -> memref<128x32xf32, #tpu.memory_space<vmem>>
    %dma_start3A_971 = arith.constant 0 : i32
    %dma_start3A_972 = tpu.memref_slice %arg5[%dma_start3A_965, %dma_start3A_971] : memref<40x128xi32, #tpu.memory_space<vmem>> -> memref<1x128xi32, #tpu.memory_space<vmem>>
    %dma_start3A_973 = tpu.memref_squeeze %dma_start3A_972 : memref<1x128xi32, #tpu.memory_space<vmem>> -> memref<128xi32, #tpu.memory_space<vmem>>
    %dma_start3A_974 = arith.constant 0 : i32
    %dma_start3A_975 = arith.constant 0 : i32
    %dma_start3A_976 = tpu.memref_slice %arg2[%dma_start3A_974, %dma_start3A_975] : memref<10000x32xf32, #tpu.memory_space<hbm>> -> memref<10000x32xf32, #tpu.memory_space<hbm>>
    tpu.enqueue_indirect_dma source(%dma_start3A_976 : memref<10000x32xf32, #tpu.memory_space<hbm>>) target(%dma_start3A_970 : memref<128x32xf32, #tpu.memory_space<vmem>>) offsets(%dma_start3A_973 : memref<128xi32, #tpu.memory_space<vmem>>) semaphore(%arg7 : memref<!tpu.dma_semaphore, #tpu.memory_space<semaphore_mem>>)
    %dma_wait3A_977 = arith.constant 32 : i32
    %dma_wait3A_978 = arith.constant 0 : i32
    %dma_wait3A_979 = arith.constant 0 : i32
    %dma_wait3A_980 = arith.constant 0 : i32
    %dma_wait3A_981 = tpu.memref_slice %arg6[%dma_wait3A_978, %dma_wait3A_979, %dma_wait3A_980] : memref<2x1024x32xf32, #tpu.memory_space<vmem>> -> memref<1x128x32xf32, #tpu.memory_space<vmem>>
    %dma_wait3A_982 = tpu.memref_squeeze %dma_wait3A_981 : memref<1x128x32xf32, #tpu.memory_space<vmem>> -> memref<128x32xf32, #tpu.memory_space<vmem>>
    %dma_wait3A_983 = arith.constant 0 : i32
    %dma_wait3A_984 = tpu.memref_slice %arg5[%dma_wait3A_977, %dma_wait3A_983] : memref<40x128xi32, #tpu.memory_space<vmem>> -> memref<1x128xi32, #tpu.memory_space<vmem>>
    %dma_wait3A_985 = tpu.memref_squeeze %dma_wait3A_984 : memref<1x128xi32, #tpu.memory_space<vmem>> -> memref<128xi32, #tpu.memory_space<vmem>>
    %dma_wait3A_986 = arith.constant 0 : i32
    %dma_wait3A_987 = arith.constant 0 : i32
    %dma_wait3A_988 = tpu.memref_slice %arg2[%dma_wait3A_986, %dma_wait3A_987] : memref<10000x32xf32, #tpu.memory_space<hbm>> -> memref<10000x32xf32, #tpu.memory_space<hbm>>
    tpu.wait_indirect_dma semaphore(%arg7 : memref<!tpu.dma_semaphore, #tpu.memory_space<semaphore_mem>>) src(%dma_wait3A_988 : memref<10000x32xf32, #tpu.memory_space<hbm>>) dst(%dma_wait3A_982 : memref<128x32xf32, #tpu.memory_space<vmem>>)
    %dma_wait3A_989 = arith.constant 33 : i32
    %dma_wait3A_990 = arith.constant 0 : i32
    %dma_wait3A_991 = arith.constant 128 : i32
    %dma_wait3A_992 = arith.constant 0 : i32
    %dma_wait3A_993 = tpu.memref_slice %arg6[%dma_wait3A_990, %dma_wait3A_991, %dma_wait3A_992] : memref<2x1024x32xf32, #tpu.memory_space<vmem>> -> memref<1x128x32xf32, #tpu.memory_space<vmem>>
    %dma_wait3A_994 = tpu.memref_squeeze %dma_wait3A_993 : memref<1x128x32xf32, #tpu.memory_space<vmem>> -> memref<128x32xf32, #tpu.memory_space<vmem>>
    %dma_wait3A_995 = arith.constant 0 : i32
    %dma_wait3A_996 = tpu.memref_slice %arg5[%dma_wait3A_989, %dma_wait3A_995] : memref<40x128xi32, #tpu.memory_space<vmem>> -> memref<1x128xi32, #tpu.memory_space<vmem>>
    %dma_wait3A_997 = tpu.memref_squeeze %dma_wait3A_996 : memref<1x128xi32, #tpu.memory_space<vmem>> -> memref<128xi32, #tpu.memory_space<vmem>>
    %dma_wait3A_998 = arith.constant 0 : i32
    %dma_wait3A_999 = arith.constant 0 : i32
    %dma_wait3A_1000 = tpu.memref_slice %arg2[%dma_wait3A_998, %dma_wait3A_999] : memref<10000x32xf32, #tpu.memory_space<hbm>> -> memref<10000x32xf32, #tpu.memory_space<hbm>>
    tpu.wait_indirect_dma semaphore(%arg7 : memref<!tpu.dma_semaphore, #tpu.memory_space<semaphore_mem>>) src(%dma_wait3A_1000 : memref<10000x32xf32, #tpu.memory_space<hbm>>) dst(%dma_wait3A_994 : memref<128x32xf32, #tpu.memory_space<vmem>>)
    %dma_wait3A_1001 = arith.constant 34 : i32
    %dma_wait3A_1002 = arith.constant 0 : i32
    %dma_wait3A_1003 = arith.constant 256 : i32
    %dma_wait3A_1004 = arith.constant 0 : i32
    %dma_wait3A_1005 = tpu.memref_slice %arg6[%dma_wait3A_1002, %dma_wait3A_1003, %dma_wait3A_1004] : memref<2x1024x32xf32, #tpu.memory_space<vmem>> -> memref<1x128x32xf32, #tpu.memory_space<vmem>>
    %dma_wait3A_1006 = tpu.memref_squeeze %dma_wait3A_1005 : memref<1x128x32xf32, #tpu.memory_space<vmem>> -> memref<128x32xf32, #tpu.memory_space<vmem>>
    %dma_wait3A_1007 = arith.constant 0 : i32
    %dma_wait3A_1008 = tpu.memref_slice %arg5[%dma_wait3A_1001, %dma_wait3A_1007] : memref<40x128xi32, #tpu.memory_space<vmem>> -> memref<1x128xi32, #tpu.memory_space<vmem>>
    %dma_wait3A_1009 = tpu.memref_squeeze %dma_wait3A_1008 : memref<1x128xi32, #tpu.memory_space<vmem>> -> memref<128xi32, #tpu.memory_space<vmem>>
    %dma_wait3A_1010 = arith.constant 0 : i32
    %dma_wait3A_1011 = arith.constant 0 : i32
    %dma_wait3A_1012 = tpu.memref_slice %arg2[%dma_wait3A_1010, %dma_wait3A_1011] : memref<10000x32xf32, #tpu.memory_space<hbm>> -> memref<10000x32xf32, #tpu.memory_space<hbm>>
    tpu.wait_indirect_dma semaphore(%arg7 : memref<!tpu.dma_semaphore, #tpu.memory_space<semaphore_mem>>) src(%dma_wait3A_1012 : memref<10000x32xf32, #tpu.memory_space<hbm>>) dst(%dma_wait3A_1006 : memref<128x32xf32, #tpu.memory_space<vmem>>)
    %dma_wait3A_1013 = arith.constant 35 : i32
    %dma_wait3A_1014 = arith.constant 0 : i32
    %dma_wait3A_1015 = arith.constant 384 : i32
    %dma_wait3A_1016 = arith.constant 0 : i32
    %dma_wait3A_1017 = tpu.memref_slice %arg6[%dma_wait3A_1014, %dma_wait3A_1015, %dma_wait3A_1016] : memref<2x1024x32xf32, #tpu.memory_space<vmem>> -> memref<1x128x32xf32, #tpu.memory_space<vmem>>
    %dma_wait3A_1018 = tpu.memref_squeeze %dma_wait3A_1017 : memref<1x128x32xf32, #tpu.memory_space<vmem>> -> memref<128x32xf32, #tpu.memory_space<vmem>>
    %dma_wait3A_1019 = arith.constant 0 : i32
    %dma_wait3A_1020 = tpu.memref_slice %arg5[%dma_wait3A_1013, %dma_wait3A_1019] : memref<40x128xi32, #tpu.memory_space<vmem>> -> memref<1x128xi32, #tpu.memory_space<vmem>>
    %dma_wait3A_1021 = tpu.memref_squeeze %dma_wait3A_1020 : memref<1x128xi32, #tpu.memory_space<vmem>> -> memref<128xi32, #tpu.memory_space<vmem>>
    %dma_wait3A_1022 = arith.constant 0 : i32
    %dma_wait3A_1023 = arith.constant 0 : i32
    %dma_wait3A_1024 = tpu.memref_slice %arg2[%dma_wait3A_1022, %dma_wait3A_1023] : memref<10000x32xf32, #tpu.memory_space<hbm>> -> memref<10000x32xf32, #tpu.memory_space<hbm>>
    tpu.wait_indirect_dma semaphore(%arg7 : memref<!tpu.dma_semaphore, #tpu.memory_space<semaphore_mem>>) src(%dma_wait3A_1024 : memref<10000x32xf32, #tpu.memory_space<hbm>>) dst(%dma_wait3A_1018 : memref<128x32xf32, #tpu.memory_space<vmem>>)
    %dma_wait3A_1025 = arith.constant 36 : i32
    %dma_wait3A_1026 = arith.constant 0 : i32
    %dma_wait3A_1027 = arith.constant 512 : i32
    %dma_wait3A_1028 = arith.constant 0 : i32
    %dma_wait3A_1029 = tpu.memref_slice %arg6[%dma_wait3A_1026, %dma_wait3A_1027, %dma_wait3A_1028] : memref<2x1024x32xf32, #tpu.memory_space<vmem>> -> memref<1x128x32xf32, #tpu.memory_space<vmem>>
    %dma_wait3A_1030 = tpu.memref_squeeze %dma_wait3A_1029 : memref<1x128x32xf32, #tpu.memory_space<vmem>> -> memref<128x32xf32, #tpu.memory_space<vmem>>
    %dma_wait3A_1031 = arith.constant 0 : i32
    %dma_wait3A_1032 = tpu.memref_slice %arg5[%dma_wait3A_1025, %dma_wait3A_1031] : memref<40x128xi32, #tpu.memory_space<vmem>> -> memref<1x128xi32, #tpu.memory_space<vmem>>
    %dma_wait3A_1033 = tpu.memref_squeeze %dma_wait3A_1032 : memref<1x128xi32, #tpu.memory_space<vmem>> -> memref<128xi32, #tpu.memory_space<vmem>>
    %dma_wait3A_1034 = arith.constant 0 : i32
    %dma_wait3A_1035 = arith.constant 0 : i32
    %dma_wait3A_1036 = tpu.memref_slice %arg2[%dma_wait3A_1034, %dma_wait3A_1035] : memref<10000x32xf32, #tpu.memory_space<hbm>> -> memref<10000x32xf32, #tpu.memory_space<hbm>>
    tpu.wait_indirect_dma semaphore(%arg7 : memref<!tpu.dma_semaphore, #tpu.memory_space<semaphore_mem>>) src(%dma_wait3A_1036 : memref<10000x32xf32, #tpu.memory_space<hbm>>) dst(%dma_wait3A_1030 : memref<128x32xf32, #tpu.memory_space<vmem>>)
    %dma_wait3A_1037 = arith.constant 37 : i32
    %dma_wait3A_1038 = arith.constant 0 : i32
    %dma_wait3A_1039 = arith.constant 640 : i32
    %dma_wait3A_1040 = arith.constant 0 : i32
    %dma_wait3A_1041 = tpu.memref_slice %arg6[%dma_wait3A_1038, %dma_wait3A_1039, %dma_wait3A_1040] : memref<2x1024x32xf32, #tpu.memory_space<vmem>> -> memref<1x128x32xf32, #tpu.memory_space<vmem>>
    %dma_wait3A_1042 = tpu.memref_squeeze %dma_wait3A_1041 : memref<1x128x32xf32, #tpu.memory_space<vmem>> -> memref<128x32xf32, #tpu.memory_space<vmem>>
    %dma_wait3A_1043 = arith.constant 0 : i32
    %dma_wait3A_1044 = tpu.memref_slice %arg5[%dma_wait3A_1037, %dma_wait3A_1043] : memref<40x128xi32, #tpu.memory_space<vmem>> -> memref<1x128xi32, #tpu.memory_space<vmem>>
    %dma_wait3A_1045 = tpu.memref_squeeze %dma_wait3A_1044 : memref<1x128xi32, #tpu.memory_space<vmem>> -> memref<128xi32, #tpu.memory_space<vmem>>
    %dma_wait3A_1046 = arith.constant 0 : i32
    %dma_wait3A_1047 = arith.constant 0 : i32
    %dma_wait3A_1048 = tpu.memref_slice %arg2[%dma_wait3A_1046, %dma_wait3A_1047] : memref<10000x32xf32, #tpu.memory_space<hbm>> -> memref<10000x32xf32, #tpu.memory_space<hbm>>
    tpu.wait_indirect_dma semaphore(%arg7 : memref<!tpu.dma_semaphore, #tpu.memory_space<semaphore_mem>>) src(%dma_wait3A_1048 : memref<10000x32xf32, #tpu.memory_space<hbm>>) dst(%dma_wait3A_1042 : memref<128x32xf32, #tpu.memory_space<vmem>>)
    %dma_wait3A_1049 = arith.constant 38 : i32
    %dma_wait3A_1050 = arith.constant 0 : i32
    %dma_wait3A_1051 = arith.constant 768 : i32
    %dma_wait3A_1052 = arith.constant 0 : i32
    %dma_wait3A_1053 = tpu.memref_slice %arg6[%dma_wait3A_1050, %dma_wait3A_1051, %dma_wait3A_1052] : memref<2x1024x32xf32, #tpu.memory_space<vmem>> -> memref<1x128x32xf32, #tpu.memory_space<vmem>>
    %dma_wait3A_1054 = tpu.memref_squeeze %dma_wait3A_1053 : memref<1x128x32xf32, #tpu.memory_space<vmem>> -> memref<128x32xf32, #tpu.memory_space<vmem>>
    %dma_wait3A_1055 = arith.constant 0 : i32
    %dma_wait3A_1056 = tpu.memref_slice %arg5[%dma_wait3A_1049, %dma_wait3A_1055] : memref<40x128xi32, #tpu.memory_space<vmem>> -> memref<1x128xi32, #tpu.memory_space<vmem>>
    %dma_wait3A_1057 = tpu.memref_squeeze %dma_wait3A_1056 : memref<1x128xi32, #tpu.memory_space<vmem>> -> memref<128xi32, #tpu.memory_space<vmem>>
    %dma_wait3A_1058 = arith.constant 0 : i32
    %dma_wait3A_1059 = arith.constant 0 : i32
    %dma_wait3A_1060 = tpu.memref_slice %arg2[%dma_wait3A_1058, %dma_wait3A_1059] : memref<10000x32xf32, #tpu.memory_space<hbm>> -> memref<10000x32xf32, #tpu.memory_space<hbm>>
    tpu.wait_indirect_dma semaphore(%arg7 : memref<!tpu.dma_semaphore, #tpu.memory_space<semaphore_mem>>) src(%dma_wait3A_1060 : memref<10000x32xf32, #tpu.memory_space<hbm>>) dst(%dma_wait3A_1054 : memref<128x32xf32, #tpu.memory_space<vmem>>)
    %dma_wait3A_1061 = arith.constant 39 : i32
    %dma_wait3A_1062 = arith.constant 0 : i32
    %dma_wait3A_1063 = arith.constant 896 : i32
    %dma_wait3A_1064 = arith.constant 0 : i32
    %dma_wait3A_1065 = tpu.memref_slice %arg6[%dma_wait3A_1062, %dma_wait3A_1063, %dma_wait3A_1064] : memref<2x1024x32xf32, #tpu.memory_space<vmem>> -> memref<1x128x32xf32, #tpu.memory_space<vmem>>
    %dma_wait3A_1066 = tpu.memref_squeeze %dma_wait3A_1065 : memref<1x128x32xf32, #tpu.memory_space<vmem>> -> memref<128x32xf32, #tpu.memory_space<vmem>>
    %dma_wait3A_1067 = arith.constant 0 : i32
    %dma_wait3A_1068 = tpu.memref_slice %arg5[%dma_wait3A_1061, %dma_wait3A_1067] : memref<40x128xi32, #tpu.memory_space<vmem>> -> memref<1x128xi32, #tpu.memory_space<vmem>>
    %dma_wait3A_1069 = tpu.memref_squeeze %dma_wait3A_1068 : memref<1x128xi32, #tpu.memory_space<vmem>> -> memref<128xi32, #tpu.memory_space<vmem>>
    %dma_wait3A_1070 = arith.constant 0 : i32
    %dma_wait3A_1071 = arith.constant 0 : i32
    %dma_wait3A_1072 = tpu.memref_slice %arg2[%dma_wait3A_1070, %dma_wait3A_1071] : memref<10000x32xf32, #tpu.memory_space<hbm>> -> memref<10000x32xf32, #tpu.memory_space<hbm>>
    tpu.wait_indirect_dma semaphore(%arg7 : memref<!tpu.dma_semaphore, #tpu.memory_space<semaphore_mem>>) src(%dma_wait3A_1072 : memref<10000x32xf32, #tpu.memory_space<hbm>>) dst(%dma_wait3A_1066 : memref<128x32xf32, #tpu.memory_space<vmem>>)
    %add3A_1073 = arith.constant 4096 : i32
    %add3A_1074 = arith.addi %mul3A_2, %add3A_1073 : i32
    %dma_start3A_1075 = arith.constant 0 : i32
    %dma_start3A_1076 = arith.constant 0 : i32
    %dma_start3A_1077 = arith.constant 0 : i32
    %dma_start3A_1078 = tpu.memref_slice %arg6[%dma_start3A_1075, %dma_start3A_1076, %dma_start3A_1077] : memref<2x1024x32xf32, #tpu.memory_space<vmem>> -> memref<1x1024x32xf32, #tpu.memory_space<vmem>>
    %dma_start3A_1079 = tpu.memref_squeeze %dma_start3A_1078 : memref<1x1024x32xf32, #tpu.memory_space<vmem>> -> memref<1024x32xf32, #tpu.memory_space<vmem>>
    %dma_start3A_1080 = arith.constant 0 : i32
    %dma_start3A_1081 = tpu.memref_slice %arg4[%add3A_1074, %dma_start3A_1080] : memref<163840x32xf32, #tpu.memory_space<hbm>> -> memref<1024x32xf32, #tpu.memory_space<hbm>>
    %dma_start3A_1082 = arith.constant 0 : i32
    %dma_start3A_1083 = tpu.memref_slice %arg4[%add3A_1074, %dma_start3A_1082] : memref<163840x32xf32, #tpu.memory_space<hbm>> -> memref<1024x32xf32, #tpu.memory_space<hbm>>
    %dma_start3A_1084 = arith.constant 0 : i32
    %dma_start3A_1085 = arith.constant 0 : i32
    %dma_start3A_1086 = tpu.memref_slice %arg6[%dma_start3A_1075, %dma_start3A_1084, %dma_start3A_1085] : memref<2x1024x32xf32, #tpu.memory_space<vmem>> -> memref<1x1024x32xf32, #tpu.memory_space<vmem>>
    %dma_start3A_1087 = tpu.memref_squeeze %dma_start3A_1086 : memref<1x1024x32xf32, #tpu.memory_space<vmem>> -> memref<1024x32xf32, #tpu.memory_space<vmem>>
    tpu.enqueue_dma source(%dma_start3A_1087 : memref<1024x32xf32, #tpu.memory_space<vmem>>) target(%dma_start3A_1083 : memref<1024x32xf32, #tpu.memory_space<hbm>>) target_semaphore(%arg8 : memref<!tpu.dma_semaphore, #tpu.memory_space<semaphore_mem>>)
    %dma_wait3A_1088 = arith.constant 0 : i32
    %dma_wait3A_1089 = arith.constant 0 : i32
    %dma_wait3A_1090 = arith.constant 0 : i32
    %dma_wait3A_1091 = tpu.memref_slice %arg6[%dma_wait3A_1088, %dma_wait3A_1089, %dma_wait3A_1090] : memref<2x1024x32xf32, #tpu.memory_space<vmem>> -> memref<1x1024x32xf32, #tpu.memory_space<vmem>>
    %dma_wait3A_1092 = tpu.memref_squeeze %dma_wait3A_1091 : memref<1x1024x32xf32, #tpu.memory_space<vmem>> -> memref<1024x32xf32, #tpu.memory_space<vmem>>
    %dma_wait3A_1093 = arith.constant 0 : i32
    %dma_wait3A_1094 = tpu.memref_slice %arg4[%add3A_1074, %dma_wait3A_1093] : memref<163840x32xf32, #tpu.memory_space<hbm>> -> memref<1024x32xf32, #tpu.memory_space<hbm>>
    %dma_wait3A_1095 = arith.constant 0 : i32
    %dma_wait3A_1096 = tpu.memref_slice %arg4[%add3A_1074, %dma_wait3A_1095] : memref<163840x32xf32, #tpu.memory_space<hbm>> -> memref<1024x32xf32, #tpu.memory_space<hbm>>
    %dma_wait3A_1097 = arith.constant 0 : i32
    %dma_wait3A_1098 = arith.constant 0 : i32
    %dma_wait3A_1099 = tpu.memref_slice %arg6[%dma_wait3A_1088, %dma_wait3A_1097, %dma_wait3A_1098] : memref<2x1024x32xf32, #tpu.memory_space<vmem>> -> memref<1x1024x32xf32, #tpu.memory_space<vmem>>
    %dma_wait3A_1100 = tpu.memref_squeeze %dma_wait3A_1099 : memref<1x1024x32xf32, #tpu.memory_space<vmem>> -> memref<1024x32xf32, #tpu.memory_space<vmem>>
    tpu.wait_dma2 semaphore(%arg8 : memref<!tpu.dma_semaphore, #tpu.memory_space<semaphore_mem>>) src(%dma_wait3A_1100 : memref<1024x32xf32, #tpu.memory_space<vmem>>) dst(%dma_wait3A_1096 : memref<1024x32xf32, #tpu.memory_space<hbm>>)
    return
  }
}

#map = affine_map<(d0, d1) -> (0, 0)>
#map1 = affine_map<(d0, d1) -> (0, 0, 0)>
module attributes {stable_mosaic.version = 14 : i64} {
  func.func @_scatter_body(%arg0: i32, %arg1: i32, %arg2: memref<163840x32xf32, #tpu.memory_space<hbm>>, %arg3: memref<32x40x128xi32, #tpu.memory_space<hbm>>, %arg4: memref<10240x32xf32, #tpu.memory_space<hbm>>, %arg5: memref<2x10000x32xf32, #tpu.memory_space<hbm>>, %arg6: memref<40x128xi32, #tpu.memory_space<vmem>>, %arg7: memref<2x1024x32xf32, #tpu.memory_space<vmem>>, %arg8: memref<10240x32xf32, #tpu.memory_space<vmem_shared>>, %arg9: memref<!tpu.dma_semaphore, #tpu.memory_space<semaphore_mem>>, %arg10: memref<!tpu.dma_semaphore, #tpu.memory_space<semaphore_mem>>) attributes {dimension_semantics = [#tpu.dimension_semantics<core_parallel>, #tpu.dimension_semantics<subcore_parallel>], iteration_bounds = array<i64: 2, 16>, scalar_prefetch = 0 : i64, scratch_operands = 5 : i64, tpu.core_type = #tpu.core_type<sc_vector_subcore>, window_params = [{transform_indices = #map}, {transform_indices = #map1}, {transform_indices = #map}, {transform_indices = #map1}]} {
    %mul3A = arith.constant 2 : i32
    %mul3A_0 = arith.muli %arg1, %mul3A : i32
    %add3A = arith.addi %mul3A_0, %arg0 : i32
    %mul3A_1 = arith.constant 640 : i32
    %mul3A_2 = arith.muli %arg1, %mul3A_1 : i32
    %mul3A_3 = arith.constant 640 : i32
    %mul3A_4 = arith.muli %arg1, %mul3A_3 : i32
    "tpu.region"() ({
      %run_scoped3A_106 = tpu.sem_alloc : memref<!tpu.dma_semaphore, #tpu.memory_space<semaphore_mem>>
      %dma_start3A = arith.constant 0 : i32
      %dma_start3A_107 = tpu.memref_slice %arg8[%mul3A_4, %dma_start3A] : memref<10240x32xf32, #tpu.memory_space<vmem_shared>> -> memref<640x32xf32, #tpu.memory_space<vmem_shared>>
      %dma_start3A_108 = arith.constant 0 : i32
      %dma_start3A_109 = tpu.memref_slice %arg4[%mul3A_2, %dma_start3A_108] : memref<10240x32xf32, #tpu.memory_space<hbm>> -> memref<640x32xf32, #tpu.memory_space<hbm>>
      tpu.enqueue_dma source(%dma_start3A_109 : memref<640x32xf32, #tpu.memory_space<hbm>>) target(%dma_start3A_107 : memref<640x32xf32, #tpu.memory_space<vmem_shared>>) target_semaphore(%run_scoped3A_106 : memref<!tpu.dma_semaphore, #tpu.memory_space<semaphore_mem>>)
      %dma_wait3A = arith.constant 0 : i32
      %dma_wait3A_110 = tpu.memref_slice %arg8[%mul3A_4, %dma_wait3A] : memref<10240x32xf32, #tpu.memory_space<vmem_shared>> -> memref<640x32xf32, #tpu.memory_space<vmem_shared>>
      %dma_wait3A_111 = arith.constant 0 : i32
      %dma_wait3A_112 = tpu.memref_slice %arg4[%mul3A_2, %dma_wait3A_111] : memref<10240x32xf32, #tpu.memory_space<hbm>> -> memref<640x32xf32, #tpu.memory_space<hbm>>
      tpu.wait_dma2 semaphore(%run_scoped3A_106 : memref<!tpu.dma_semaphore, #tpu.memory_space<semaphore_mem>>) src(%dma_wait3A_112 : memref<640x32xf32, #tpu.memory_space<hbm>>) dst(%dma_wait3A_110 : memref<640x32xf32, #tpu.memory_space<vmem_shared>>)
      tpu.yield
    }) : () -> ()
    %barrier3A = arith.constant 0 : index
    tpu.barrier barrier_id(%barrier3A)
    "tpu.region"() ({
      %run_scoped3A_106 = tpu.sem_alloc : memref<!tpu.dma_semaphore, #tpu.memory_space<semaphore_mem>>
      %dma_start3A = arith.constant 0 : i32
      %dma_start3A_107 = arith.constant 0 : i32
      %dma_start3A_108 = tpu.memref_slice %arg3[%add3A, %dma_start3A, %dma_start3A_107] : memref<32x40x128xi32, #tpu.memory_space<hbm>> -> memref<1x40x128xi32, #tpu.memory_space<hbm>>
      %dma_start3A_109 = tpu.memref_squeeze %dma_start3A_108 : memref<1x40x128xi32, #tpu.memory_space<hbm>> -> memref<40x128xi32, #tpu.memory_space<hbm>>
      %dma_start3A_110 = arith.constant 0 : i32
      %dma_start3A_111 = arith.constant 0 : i32
      %dma_start3A_112 = tpu.memref_slice %arg3[%add3A, %dma_start3A_110, %dma_start3A_111] : memref<32x40x128xi32, #tpu.memory_space<hbm>> -> memref<1x40x128xi32, #tpu.memory_space<hbm>>
      %dma_start3A_113 = tpu.memref_squeeze %dma_start3A_112 : memref<1x40x128xi32, #tpu.memory_space<hbm>> -> memref<40x128xi32, #tpu.memory_space<hbm>>
      tpu.enqueue_dma source(%dma_start3A_113 : memref<40x128xi32, #tpu.memory_space<hbm>>) target(%arg6 : memref<40x128xi32, #tpu.memory_space<vmem>>) target_semaphore(%run_scoped3A_106 : memref<!tpu.dma_semaphore, #tpu.memory_space<semaphore_mem>>)
      %dma_wait3A = arith.constant 0 : i32
      %dma_wait3A_114 = arith.constant 0 : i32
      %dma_wait3A_115 = tpu.memref_slice %arg3[%add3A, %dma_wait3A, %dma_wait3A_114] : memref<32x40x128xi32, #tpu.memory_space<hbm>> -> memref<1x40x128xi32, #tpu.memory_space<hbm>>
      %dma_wait3A_116 = tpu.memref_squeeze %dma_wait3A_115 : memref<1x40x128xi32, #tpu.memory_space<hbm>> -> memref<40x128xi32, #tpu.memory_space<hbm>>
      %dma_wait3A_117 = arith.constant 0 : i32
      %dma_wait3A_118 = arith.constant 0 : i32
      %dma_wait3A_119 = tpu.memref_slice %arg3[%add3A, %dma_wait3A_117, %dma_wait3A_118] : memref<32x40x128xi32, #tpu.memory_space<hbm>> -> memref<1x40x128xi32, #tpu.memory_space<hbm>>
      %dma_wait3A_120 = tpu.memref_squeeze %dma_wait3A_119 : memref<1x40x128xi32, #tpu.memory_space<hbm>> -> memref<40x128xi32, #tpu.memory_space<hbm>>
      tpu.wait_dma2 semaphore(%run_scoped3A_106 : memref<!tpu.dma_semaphore, #tpu.memory_space<semaphore_mem>>) src(%dma_wait3A_120 : memref<40x128xi32, #tpu.memory_space<hbm>>) dst(%arg6 : memref<40x128xi32, #tpu.memory_space<vmem>>)
      tpu.yield
    }) : () -> ()
    %mul3A_5 = arith.constant 5120 : i32
    %mul3A_6 = arith.muli %add3A, %mul3A_5 : i32
    %add3A_7 = arith.constant 0 : i32
    %add3A_8 = arith.addi %mul3A_6, %add3A_7 : i32
    %run_scoped3A = arith.constant 0 : i32
    "tpu.region"() ({
      %run_scoped3A_106 = tpu.sem_alloc : memref<!tpu.dma_semaphore, #tpu.memory_space<semaphore_mem>>
      %dma_start3A = arith.constant 0 : i32
      %dma_start3A_107 = arith.constant 0 : i32
      %dma_start3A_108 = tpu.memref_slice %arg7[%run_scoped3A, %dma_start3A, %dma_start3A_107] : memref<2x1024x32xf32, #tpu.memory_space<vmem>> -> memref<1x1024x32xf32, #tpu.memory_space<vmem>>
      %dma_start3A_109 = tpu.memref_squeeze %dma_start3A_108 : memref<1x1024x32xf32, #tpu.memory_space<vmem>> -> memref<1024x32xf32, #tpu.memory_space<vmem>>
      %dma_start3A_110 = arith.constant 0 : i32
      %dma_start3A_111 = tpu.memref_slice %arg2[%add3A_8, %dma_start3A_110] : memref<163840x32xf32, #tpu.memory_space<hbm>> -> memref<1024x32xf32, #tpu.memory_space<hbm>>
      %dma_start3A_112 = arith.constant 0 : i32
      %dma_start3A_113 = arith.constant 0 : i32
      %dma_start3A_114 = tpu.memref_slice %arg7[%run_scoped3A, %dma_start3A_112, %dma_start3A_113] : memref<2x1024x32xf32, #tpu.memory_space<vmem>> -> memref<1x1024x32xf32, #tpu.memory_space<vmem>>
      %dma_start3A_115 = tpu.memref_squeeze %dma_start3A_114 : memref<1x1024x32xf32, #tpu.memory_space<vmem>> -> memref<1024x32xf32, #tpu.memory_space<vmem>>
      %dma_start3A_116 = arith.constant 0 : i32
      %dma_start3A_117 = tpu.memref_slice %arg2[%add3A_8, %dma_start3A_116] : memref<163840x32xf32, #tpu.memory_space<hbm>> -> memref<1024x32xf32, #tpu.memory_space<hbm>>
      tpu.enqueue_dma source(%dma_start3A_117 : memref<1024x32xf32, #tpu.memory_space<hbm>>) target(%dma_start3A_115 : memref<1024x32xf32, #tpu.memory_space<vmem>>) target_semaphore(%run_scoped3A_106 : memref<!tpu.dma_semaphore, #tpu.memory_space<semaphore_mem>>)
      %dma_wait3A = arith.constant 0 : i32
      %dma_wait3A_118 = arith.constant 0 : i32
      %dma_wait3A_119 = tpu.memref_slice %arg7[%run_scoped3A, %dma_wait3A, %dma_wait3A_118] : memref<2x1024x32xf32, #tpu.memory_space<vmem>> -> memref<1x1024x32xf32, #tpu.memory_space<vmem>>
      %dma_wait3A_120 = tpu.memref_squeeze %dma_wait3A_119 : memref<1x1024x32xf32, #tpu.memory_space<vmem>> -> memref<1024x32xf32, #tpu.memory_space<vmem>>
      %dma_wait3A_121 = arith.constant 0 : i32
      %dma_wait3A_122 = tpu.memref_slice %arg2[%add3A_8, %dma_wait3A_121] : memref<163840x32xf32, #tpu.memory_space<hbm>> -> memref<1024x32xf32, #tpu.memory_space<hbm>>
      %dma_wait3A_123 = arith.constant 0 : i32
      %dma_wait3A_124 = arith.constant 0 : i32
      %dma_wait3A_125 = tpu.memref_slice %arg7[%run_scoped3A, %dma_wait3A_123, %dma_wait3A_124] : memref<2x1024x32xf32, #tpu.memory_space<vmem>> -> memref<1x1024x32xf32, #tpu.memory_space<vmem>>
      %dma_wait3A_126 = tpu.memref_squeeze %dma_wait3A_125 : memref<1x1024x32xf32, #tpu.memory_space<vmem>> -> memref<1024x32xf32, #tpu.memory_space<vmem>>
      %dma_wait3A_127 = arith.constant 0 : i32
      %dma_wait3A_128 = tpu.memref_slice %arg2[%add3A_8, %dma_wait3A_127] : memref<163840x32xf32, #tpu.memory_space<hbm>> -> memref<1024x32xf32, #tpu.memory_space<hbm>>
      tpu.wait_dma2 semaphore(%run_scoped3A_106 : memref<!tpu.dma_semaphore, #tpu.memory_space<semaphore_mem>>) src(%dma_wait3A_128 : memref<1024x32xf32, #tpu.memory_space<hbm>>) dst(%dma_wait3A_126 : memref<1024x32xf32, #tpu.memory_space<vmem>>)
      tpu.yield
    }) : () -> ()
    %run_scoped3A_9 = arith.constant 0 : i32
    %run_scoped3A_10 = arith.constant 0 : i32
    "tpu.region"() ({
      %run_scoped3A_106 = tpu.sem_alloc : memref<!tpu.dma_semaphore, #tpu.memory_space<semaphore_mem>>
      %dma_start3A = arith.constant 0 : i32
      %dma_start3A_107 = arith.constant 0 : i32
      %dma_start3A_108 = tpu.memref_slice %arg7[%run_scoped3A_9, %dma_start3A, %dma_start3A_107] : memref<2x1024x32xf32, #tpu.memory_space<vmem>> -> memref<1x128x32xf32, #tpu.memory_space<vmem>>
      %dma_start3A_109 = tpu.memref_squeeze %dma_start3A_108 : memref<1x128x32xf32, #tpu.memory_space<vmem>> -> memref<128x32xf32, #tpu.memory_space<vmem>>
      %dma_start3A_110 = arith.constant 0 : i32
      %dma_start3A_111 = tpu.memref_slice %arg6[%run_scoped3A_10, %dma_start3A_110] : memref<40x128xi32, #tpu.memory_space<vmem>> -> memref<1x128xi32, #tpu.memory_space<vmem>>
      %dma_start3A_112 = tpu.memref_squeeze %dma_start3A_111 : memref<1x128xi32, #tpu.memory_space<vmem>> -> memref<128xi32, #tpu.memory_space<vmem>>
      %dma_start3A_113 = arith.constant 0 : i32
      %dma_start3A_114 = arith.constant 0 : i32
      %dma_start3A_115 = tpu.memref_slice %arg8[%dma_start3A_113, %dma_start3A_114] : memref<10240x32xf32, #tpu.memory_space<vmem_shared>> -> memref<10240x32xf32, #tpu.memory_space<vmem_shared>>
      tpu.enqueue_indirect_dma source(%dma_start3A_109 : memref<128x32xf32, #tpu.memory_space<vmem>>) target(%dma_start3A_115 : memref<10240x32xf32, #tpu.memory_space<vmem_shared>>) offsets(%dma_start3A_112 : memref<128xi32, #tpu.memory_space<vmem>>) semaphore(%run_scoped3A_106 : memref<!tpu.dma_semaphore, #tpu.memory_space<semaphore_mem>>) {add = true}
      %dma_wait3A = arith.constant 0 : i32
      %dma_wait3A_116 = arith.constant 0 : i32
      %dma_wait3A_117 = tpu.memref_slice %arg7[%run_scoped3A_9, %dma_wait3A, %dma_wait3A_116] : memref<2x1024x32xf32, #tpu.memory_space<vmem>> -> memref<1x128x32xf32, #tpu.memory_space<vmem>>
      %dma_wait3A_118 = tpu.memref_squeeze %dma_wait3A_117 : memref<1x128x32xf32, #tpu.memory_space<vmem>> -> memref<128x32xf32, #tpu.memory_space<vmem>>
      %dma_wait3A_119 = arith.constant 0 : i32
      %dma_wait3A_120 = tpu.memref_slice %arg6[%run_scoped3A_10, %dma_wait3A_119] : memref<40x128xi32, #tpu.memory_space<vmem>> -> memref<1x128xi32, #tpu.memory_space<vmem>>
      %dma_wait3A_121 = tpu.memref_squeeze %dma_wait3A_120 : memref<1x128xi32, #tpu.memory_space<vmem>> -> memref<128xi32, #tpu.memory_space<vmem>>
      %dma_wait3A_122 = arith.constant 0 : i32
      %dma_wait3A_123 = arith.constant 0 : i32
      %dma_wait3A_124 = tpu.memref_slice %arg8[%dma_wait3A_122, %dma_wait3A_123] : memref<10240x32xf32, #tpu.memory_space<vmem_shared>> -> memref<10240x32xf32, #tpu.memory_space<vmem_shared>>
      tpu.wait_indirect_dma semaphore(%run_scoped3A_106 : memref<!tpu.dma_semaphore, #tpu.memory_space<semaphore_mem>>) src(%dma_wait3A_118 : memref<128x32xf32, #tpu.memory_space<vmem>>) dst(%dma_wait3A_124 : memref<10240x32xf32, #tpu.memory_space<vmem_shared>>)
      tpu.yield
    }) : () -> ()
    %run_scoped3A_11 = arith.constant 0 : i32
    %run_scoped3A_12 = arith.constant 1 : i32
    "tpu.region"() ({
      %run_scoped3A_106 = tpu.sem_alloc : memref<!tpu.dma_semaphore, #tpu.memory_space<semaphore_mem>>
      %dma_start3A = arith.constant 128 : i32
      %dma_start3A_107 = arith.constant 0 : i32
      %dma_start3A_108 = tpu.memref_slice %arg7[%run_scoped3A_11, %dma_start3A, %dma_start3A_107] : memref<2x1024x32xf32, #tpu.memory_space<vmem>> -> memref<1x128x32xf32, #tpu.memory_space<vmem>>
      %dma_start3A_109 = tpu.memref_squeeze %dma_start3A_108 : memref<1x128x32xf32, #tpu.memory_space<vmem>> -> memref<128x32xf32, #tpu.memory_space<vmem>>
      %dma_start3A_110 = arith.constant 0 : i32
      %dma_start3A_111 = tpu.memref_slice %arg6[%run_scoped3A_12, %dma_start3A_110] : memref<40x128xi32, #tpu.memory_space<vmem>> -> memref<1x128xi32, #tpu.memory_space<vmem>>
      %dma_start3A_112 = tpu.memref_squeeze %dma_start3A_111 : memref<1x128xi32, #tpu.memory_space<vmem>> -> memref<128xi32, #tpu.memory_space<vmem>>
      %dma_start3A_113 = arith.constant 0 : i32
      %dma_start3A_114 = arith.constant 0 : i32
      %dma_start3A_115 = tpu.memref_slice %arg8[%dma_start3A_113, %dma_start3A_114] : memref<10240x32xf32, #tpu.memory_space<vmem_shared>> -> memref<10240x32xf32, #tpu.memory_space<vmem_shared>>
      tpu.enqueue_indirect_dma source(%dma_start3A_109 : memref<128x32xf32, #tpu.memory_space<vmem>>) target(%dma_start3A_115 : memref<10240x32xf32, #tpu.memory_space<vmem_shared>>) offsets(%dma_start3A_112 : memref<128xi32, #tpu.memory_space<vmem>>) semaphore(%run_scoped3A_106 : memref<!tpu.dma_semaphore, #tpu.memory_space<semaphore_mem>>) {add = true}
      %dma_wait3A = arith.constant 128 : i32
      %dma_wait3A_116 = arith.constant 0 : i32
      %dma_wait3A_117 = tpu.memref_slice %arg7[%run_scoped3A_11, %dma_wait3A, %dma_wait3A_116] : memref<2x1024x32xf32, #tpu.memory_space<vmem>> -> memref<1x128x32xf32, #tpu.memory_space<vmem>>
      %dma_wait3A_118 = tpu.memref_squeeze %dma_wait3A_117 : memref<1x128x32xf32, #tpu.memory_space<vmem>> -> memref<128x32xf32, #tpu.memory_space<vmem>>
      %dma_wait3A_119 = arith.constant 0 : i32
      %dma_wait3A_120 = tpu.memref_slice %arg6[%run_scoped3A_12, %dma_wait3A_119] : memref<40x128xi32, #tpu.memory_space<vmem>> -> memref<1x128xi32, #tpu.memory_space<vmem>>
      %dma_wait3A_121 = tpu.memref_squeeze %dma_wait3A_120 : memref<1x128xi32, #tpu.memory_space<vmem>> -> memref<128xi32, #tpu.memory_space<vmem>>
      %dma_wait3A_122 = arith.constant 0 : i32
      %dma_wait3A_123 = arith.constant 0 : i32
      %dma_wait3A_124 = tpu.memref_slice %arg8[%dma_wait3A_122, %dma_wait3A_123] : memref<10240x32xf32, #tpu.memory_space<vmem_shared>> -> memref<10240x32xf32, #tpu.memory_space<vmem_shared>>
      tpu.wait_indirect_dma semaphore(%run_scoped3A_106 : memref<!tpu.dma_semaphore, #tpu.memory_space<semaphore_mem>>) src(%dma_wait3A_118 : memref<128x32xf32, #tpu.memory_space<vmem>>) dst(%dma_wait3A_124 : memref<10240x32xf32, #tpu.memory_space<vmem_shared>>)
      tpu.yield
    }) : () -> ()
    %run_scoped3A_13 = arith.constant 0 : i32
    %run_scoped3A_14 = arith.constant 2 : i32
    "tpu.region"() ({
      %run_scoped3A_106 = tpu.sem_alloc : memref<!tpu.dma_semaphore, #tpu.memory_space<semaphore_mem>>
      %dma_start3A = arith.constant 256 : i32
      %dma_start3A_107 = arith.constant 0 : i32
      %dma_start3A_108 = tpu.memref_slice %arg7[%run_scoped3A_13, %dma_start3A, %dma_start3A_107] : memref<2x1024x32xf32, #tpu.memory_space<vmem>> -> memref<1x128x32xf32, #tpu.memory_space<vmem>>
      %dma_start3A_109 = tpu.memref_squeeze %dma_start3A_108 : memref<1x128x32xf32, #tpu.memory_space<vmem>> -> memref<128x32xf32, #tpu.memory_space<vmem>>
      %dma_start3A_110 = arith.constant 0 : i32
      %dma_start3A_111 = tpu.memref_slice %arg6[%run_scoped3A_14, %dma_start3A_110] : memref<40x128xi32, #tpu.memory_space<vmem>> -> memref<1x128xi32, #tpu.memory_space<vmem>>
      %dma_start3A_112 = tpu.memref_squeeze %dma_start3A_111 : memref<1x128xi32, #tpu.memory_space<vmem>> -> memref<128xi32, #tpu.memory_space<vmem>>
      %dma_start3A_113 = arith.constant 0 : i32
      %dma_start3A_114 = arith.constant 0 : i32
      %dma_start3A_115 = tpu.memref_slice %arg8[%dma_start3A_113, %dma_start3A_114] : memref<10240x32xf32, #tpu.memory_space<vmem_shared>> -> memref<10240x32xf32, #tpu.memory_space<vmem_shared>>
      tpu.enqueue_indirect_dma source(%dma_start3A_109 : memref<128x32xf32, #tpu.memory_space<vmem>>) target(%dma_start3A_115 : memref<10240x32xf32, #tpu.memory_space<vmem_shared>>) offsets(%dma_start3A_112 : memref<128xi32, #tpu.memory_space<vmem>>) semaphore(%run_scoped3A_106 : memref<!tpu.dma_semaphore, #tpu.memory_space<semaphore_mem>>) {add = true}
      %dma_wait3A = arith.constant 256 : i32
      %dma_wait3A_116 = arith.constant 0 : i32
      %dma_wait3A_117 = tpu.memref_slice %arg7[%run_scoped3A_13, %dma_wait3A, %dma_wait3A_116] : memref<2x1024x32xf32, #tpu.memory_space<vmem>> -> memref<1x128x32xf32, #tpu.memory_space<vmem>>
      %dma_wait3A_118 = tpu.memref_squeeze %dma_wait3A_117 : memref<1x128x32xf32, #tpu.memory_space<vmem>> -> memref<128x32xf32, #tpu.memory_space<vmem>>
      %dma_wait3A_119 = arith.constant 0 : i32
      %dma_wait3A_120 = tpu.memref_slice %arg6[%run_scoped3A_14, %dma_wait3A_119] : memref<40x128xi32, #tpu.memory_space<vmem>> -> memref<1x128xi32, #tpu.memory_space<vmem>>
      %dma_wait3A_121 = tpu.memref_squeeze %dma_wait3A_120 : memref<1x128xi32, #tpu.memory_space<vmem>> -> memref<128xi32, #tpu.memory_space<vmem>>
      %dma_wait3A_122 = arith.constant 0 : i32
      %dma_wait3A_123 = arith.constant 0 : i32
      %dma_wait3A_124 = tpu.memref_slice %arg8[%dma_wait3A_122, %dma_wait3A_123] : memref<10240x32xf32, #tpu.memory_space<vmem_shared>> -> memref<10240x32xf32, #tpu.memory_space<vmem_shared>>
      tpu.wait_indirect_dma semaphore(%run_scoped3A_106 : memref<!tpu.dma_semaphore, #tpu.memory_space<semaphore_mem>>) src(%dma_wait3A_118 : memref<128x32xf32, #tpu.memory_space<vmem>>) dst(%dma_wait3A_124 : memref<10240x32xf32, #tpu.memory_space<vmem_shared>>)
      tpu.yield
    }) : () -> ()
    %run_scoped3A_15 = arith.constant 0 : i32
    %run_scoped3A_16 = arith.constant 3 : i32
    "tpu.region"() ({
      %run_scoped3A_106 = tpu.sem_alloc : memref<!tpu.dma_semaphore, #tpu.memory_space<semaphore_mem>>
      %dma_start3A = arith.constant 384 : i32
      %dma_start3A_107 = arith.constant 0 : i32
      %dma_start3A_108 = tpu.memref_slice %arg7[%run_scoped3A_15, %dma_start3A, %dma_start3A_107] : memref<2x1024x32xf32, #tpu.memory_space<vmem>> -> memref<1x128x32xf32, #tpu.memory_space<vmem>>
      %dma_start3A_109 = tpu.memref_squeeze %dma_start3A_108 : memref<1x128x32xf32, #tpu.memory_space<vmem>> -> memref<128x32xf32, #tpu.memory_space<vmem>>
      %dma_start3A_110 = arith.constant 0 : i32
      %dma_start3A_111 = tpu.memref_slice %arg6[%run_scoped3A_16, %dma_start3A_110] : memref<40x128xi32, #tpu.memory_space<vmem>> -> memref<1x128xi32, #tpu.memory_space<vmem>>
      %dma_start3A_112 = tpu.memref_squeeze %dma_start3A_111 : memref<1x128xi32, #tpu.memory_space<vmem>> -> memref<128xi32, #tpu.memory_space<vmem>>
      %dma_start3A_113 = arith.constant 0 : i32
      %dma_start3A_114 = arith.constant 0 : i32
      %dma_start3A_115 = tpu.memref_slice %arg8[%dma_start3A_113, %dma_start3A_114] : memref<10240x32xf32, #tpu.memory_space<vmem_shared>> -> memref<10240x32xf32, #tpu.memory_space<vmem_shared>>
      tpu.enqueue_indirect_dma source(%dma_start3A_109 : memref<128x32xf32, #tpu.memory_space<vmem>>) target(%dma_start3A_115 : memref<10240x32xf32, #tpu.memory_space<vmem_shared>>) offsets(%dma_start3A_112 : memref<128xi32, #tpu.memory_space<vmem>>) semaphore(%run_scoped3A_106 : memref<!tpu.dma_semaphore, #tpu.memory_space<semaphore_mem>>) {add = true}
      %dma_wait3A = arith.constant 384 : i32
      %dma_wait3A_116 = arith.constant 0 : i32
      %dma_wait3A_117 = tpu.memref_slice %arg7[%run_scoped3A_15, %dma_wait3A, %dma_wait3A_116] : memref<2x1024x32xf32, #tpu.memory_space<vmem>> -> memref<1x128x32xf32, #tpu.memory_space<vmem>>
      %dma_wait3A_118 = tpu.memref_squeeze %dma_wait3A_117 : memref<1x128x32xf32, #tpu.memory_space<vmem>> -> memref<128x32xf32, #tpu.memory_space<vmem>>
      %dma_wait3A_119 = arith.constant 0 : i32
      %dma_wait3A_120 = tpu.memref_slice %arg6[%run_scoped3A_16, %dma_wait3A_119] : memref<40x128xi32, #tpu.memory_space<vmem>> -> memref<1x128xi32, #tpu.memory_space<vmem>>
      %dma_wait3A_121 = tpu.memref_squeeze %dma_wait3A_120 : memref<1x128xi32, #tpu.memory_space<vmem>> -> memref<128xi32, #tpu.memory_space<vmem>>
      %dma_wait3A_122 = arith.constant 0 : i32
      %dma_wait3A_123 = arith.constant 0 : i32
      %dma_wait3A_124 = tpu.memref_slice %arg8[%dma_wait3A_122, %dma_wait3A_123] : memref<10240x32xf32, #tpu.memory_space<vmem_shared>> -> memref<10240x32xf32, #tpu.memory_space<vmem_shared>>
      tpu.wait_indirect_dma semaphore(%run_scoped3A_106 : memref<!tpu.dma_semaphore, #tpu.memory_space<semaphore_mem>>) src(%dma_wait3A_118 : memref<128x32xf32, #tpu.memory_space<vmem>>) dst(%dma_wait3A_124 : memref<10240x32xf32, #tpu.memory_space<vmem_shared>>)
      tpu.yield
    }) : () -> ()
    %run_scoped3A_17 = arith.constant 0 : i32
    %run_scoped3A_18 = arith.constant 4 : i32
    "tpu.region"() ({
      %run_scoped3A_106 = tpu.sem_alloc : memref<!tpu.dma_semaphore, #tpu.memory_space<semaphore_mem>>
      %dma_start3A = arith.constant 512 : i32
      %dma_start3A_107 = arith.constant 0 : i32
      %dma_start3A_108 = tpu.memref_slice %arg7[%run_scoped3A_17, %dma_start3A, %dma_start3A_107] : memref<2x1024x32xf32, #tpu.memory_space<vmem>> -> memref<1x128x32xf32, #tpu.memory_space<vmem>>
      %dma_start3A_109 = tpu.memref_squeeze %dma_start3A_108 : memref<1x128x32xf32, #tpu.memory_space<vmem>> -> memref<128x32xf32, #tpu.memory_space<vmem>>
      %dma_start3A_110 = arith.constant 0 : i32
      %dma_start3A_111 = tpu.memref_slice %arg6[%run_scoped3A_18, %dma_start3A_110] : memref<40x128xi32, #tpu.memory_space<vmem>> -> memref<1x128xi32, #tpu.memory_space<vmem>>
      %dma_start3A_112 = tpu.memref_squeeze %dma_start3A_111 : memref<1x128xi32, #tpu.memory_space<vmem>> -> memref<128xi32, #tpu.memory_space<vmem>>
      %dma_start3A_113 = arith.constant 0 : i32
      %dma_start3A_114 = arith.constant 0 : i32
      %dma_start3A_115 = tpu.memref_slice %arg8[%dma_start3A_113, %dma_start3A_114] : memref<10240x32xf32, #tpu.memory_space<vmem_shared>> -> memref<10240x32xf32, #tpu.memory_space<vmem_shared>>
      tpu.enqueue_indirect_dma source(%dma_start3A_109 : memref<128x32xf32, #tpu.memory_space<vmem>>) target(%dma_start3A_115 : memref<10240x32xf32, #tpu.memory_space<vmem_shared>>) offsets(%dma_start3A_112 : memref<128xi32, #tpu.memory_space<vmem>>) semaphore(%run_scoped3A_106 : memref<!tpu.dma_semaphore, #tpu.memory_space<semaphore_mem>>) {add = true}
      %dma_wait3A = arith.constant 512 : i32
      %dma_wait3A_116 = arith.constant 0 : i32
      %dma_wait3A_117 = tpu.memref_slice %arg7[%run_scoped3A_17, %dma_wait3A, %dma_wait3A_116] : memref<2x1024x32xf32, #tpu.memory_space<vmem>> -> memref<1x128x32xf32, #tpu.memory_space<vmem>>
      %dma_wait3A_118 = tpu.memref_squeeze %dma_wait3A_117 : memref<1x128x32xf32, #tpu.memory_space<vmem>> -> memref<128x32xf32, #tpu.memory_space<vmem>>
      %dma_wait3A_119 = arith.constant 0 : i32
      %dma_wait3A_120 = tpu.memref_slice %arg6[%run_scoped3A_18, %dma_wait3A_119] : memref<40x128xi32, #tpu.memory_space<vmem>> -> memref<1x128xi32, #tpu.memory_space<vmem>>
      %dma_wait3A_121 = tpu.memref_squeeze %dma_wait3A_120 : memref<1x128xi32, #tpu.memory_space<vmem>> -> memref<128xi32, #tpu.memory_space<vmem>>
      %dma_wait3A_122 = arith.constant 0 : i32
      %dma_wait3A_123 = arith.constant 0 : i32
      %dma_wait3A_124 = tpu.memref_slice %arg8[%dma_wait3A_122, %dma_wait3A_123] : memref<10240x32xf32, #tpu.memory_space<vmem_shared>> -> memref<10240x32xf32, #tpu.memory_space<vmem_shared>>
      tpu.wait_indirect_dma semaphore(%run_scoped3A_106 : memref<!tpu.dma_semaphore, #tpu.memory_space<semaphore_mem>>) src(%dma_wait3A_118 : memref<128x32xf32, #tpu.memory_space<vmem>>) dst(%dma_wait3A_124 : memref<10240x32xf32, #tpu.memory_space<vmem_shared>>)
      tpu.yield
    }) : () -> ()
    %run_scoped3A_19 = arith.constant 0 : i32
    %run_scoped3A_20 = arith.constant 5 : i32
    "tpu.region"() ({
      %run_scoped3A_106 = tpu.sem_alloc : memref<!tpu.dma_semaphore, #tpu.memory_space<semaphore_mem>>
      %dma_start3A = arith.constant 640 : i32
      %dma_start3A_107 = arith.constant 0 : i32
      %dma_start3A_108 = tpu.memref_slice %arg7[%run_scoped3A_19, %dma_start3A, %dma_start3A_107] : memref<2x1024x32xf32, #tpu.memory_space<vmem>> -> memref<1x128x32xf32, #tpu.memory_space<vmem>>
      %dma_start3A_109 = tpu.memref_squeeze %dma_start3A_108 : memref<1x128x32xf32, #tpu.memory_space<vmem>> -> memref<128x32xf32, #tpu.memory_space<vmem>>
      %dma_start3A_110 = arith.constant 0 : i32
      %dma_start3A_111 = tpu.memref_slice %arg6[%run_scoped3A_20, %dma_start3A_110] : memref<40x128xi32, #tpu.memory_space<vmem>> -> memref<1x128xi32, #tpu.memory_space<vmem>>
      %dma_start3A_112 = tpu.memref_squeeze %dma_start3A_111 : memref<1x128xi32, #tpu.memory_space<vmem>> -> memref<128xi32, #tpu.memory_space<vmem>>
      %dma_start3A_113 = arith.constant 0 : i32
      %dma_start3A_114 = arith.constant 0 : i32
      %dma_start3A_115 = tpu.memref_slice %arg8[%dma_start3A_113, %dma_start3A_114] : memref<10240x32xf32, #tpu.memory_space<vmem_shared>> -> memref<10240x32xf32, #tpu.memory_space<vmem_shared>>
      tpu.enqueue_indirect_dma source(%dma_start3A_109 : memref<128x32xf32, #tpu.memory_space<vmem>>) target(%dma_start3A_115 : memref<10240x32xf32, #tpu.memory_space<vmem_shared>>) offsets(%dma_start3A_112 : memref<128xi32, #tpu.memory_space<vmem>>) semaphore(%run_scoped3A_106 : memref<!tpu.dma_semaphore, #tpu.memory_space<semaphore_mem>>) {add = true}
      %dma_wait3A = arith.constant 640 : i32
      %dma_wait3A_116 = arith.constant 0 : i32
      %dma_wait3A_117 = tpu.memref_slice %arg7[%run_scoped3A_19, %dma_wait3A, %dma_wait3A_116] : memref<2x1024x32xf32, #tpu.memory_space<vmem>> -> memref<1x128x32xf32, #tpu.memory_space<vmem>>
      %dma_wait3A_118 = tpu.memref_squeeze %dma_wait3A_117 : memref<1x128x32xf32, #tpu.memory_space<vmem>> -> memref<128x32xf32, #tpu.memory_space<vmem>>
      %dma_wait3A_119 = arith.constant 0 : i32
      %dma_wait3A_120 = tpu.memref_slice %arg6[%run_scoped3A_20, %dma_wait3A_119] : memref<40x128xi32, #tpu.memory_space<vmem>> -> memref<1x128xi32, #tpu.memory_space<vmem>>
      %dma_wait3A_121 = tpu.memref_squeeze %dma_wait3A_120 : memref<1x128xi32, #tpu.memory_space<vmem>> -> memref<128xi32, #tpu.memory_space<vmem>>
      %dma_wait3A_122 = arith.constant 0 : i32
      %dma_wait3A_123 = arith.constant 0 : i32
      %dma_wait3A_124 = tpu.memref_slice %arg8[%dma_wait3A_122, %dma_wait3A_123] : memref<10240x32xf32, #tpu.memory_space<vmem_shared>> -> memref<10240x32xf32, #tpu.memory_space<vmem_shared>>
      tpu.wait_indirect_dma semaphore(%run_scoped3A_106 : memref<!tpu.dma_semaphore, #tpu.memory_space<semaphore_mem>>) src(%dma_wait3A_118 : memref<128x32xf32, #tpu.memory_space<vmem>>) dst(%dma_wait3A_124 : memref<10240x32xf32, #tpu.memory_space<vmem_shared>>)
      tpu.yield
    }) : () -> ()
    %run_scoped3A_21 = arith.constant 0 : i32
    %run_scoped3A_22 = arith.constant 6 : i32
    "tpu.region"() ({
      %run_scoped3A_106 = tpu.sem_alloc : memref<!tpu.dma_semaphore, #tpu.memory_space<semaphore_mem>>
      %dma_start3A = arith.constant 768 : i32
      %dma_start3A_107 = arith.constant 0 : i32
      %dma_start3A_108 = tpu.memref_slice %arg7[%run_scoped3A_21, %dma_start3A, %dma_start3A_107] : memref<2x1024x32xf32, #tpu.memory_space<vmem>> -> memref<1x128x32xf32, #tpu.memory_space<vmem>>
      %dma_start3A_109 = tpu.memref_squeeze %dma_start3A_108 : memref<1x128x32xf32, #tpu.memory_space<vmem>> -> memref<128x32xf32, #tpu.memory_space<vmem>>
      %dma_start3A_110 = arith.constant 0 : i32
      %dma_start3A_111 = tpu.memref_slice %arg6[%run_scoped3A_22, %dma_start3A_110] : memref<40x128xi32, #tpu.memory_space<vmem>> -> memref<1x128xi32, #tpu.memory_space<vmem>>
      %dma_start3A_112 = tpu.memref_squeeze %dma_start3A_111 : memref<1x128xi32, #tpu.memory_space<vmem>> -> memref<128xi32, #tpu.memory_space<vmem>>
      %dma_start3A_113 = arith.constant 0 : i32
      %dma_start3A_114 = arith.constant 0 : i32
      %dma_start3A_115 = tpu.memref_slice %arg8[%dma_start3A_113, %dma_start3A_114] : memref<10240x32xf32, #tpu.memory_space<vmem_shared>> -> memref<10240x32xf32, #tpu.memory_space<vmem_shared>>
      tpu.enqueue_indirect_dma source(%dma_start3A_109 : memref<128x32xf32, #tpu.memory_space<vmem>>) target(%dma_start3A_115 : memref<10240x32xf32, #tpu.memory_space<vmem_shared>>) offsets(%dma_start3A_112 : memref<128xi32, #tpu.memory_space<vmem>>) semaphore(%run_scoped3A_106 : memref<!tpu.dma_semaphore, #tpu.memory_space<semaphore_mem>>) {add = true}
      %dma_wait3A = arith.constant 768 : i32
      %dma_wait3A_116 = arith.constant 0 : i32
      %dma_wait3A_117 = tpu.memref_slice %arg7[%run_scoped3A_21, %dma_wait3A, %dma_wait3A_116] : memref<2x1024x32xf32, #tpu.memory_space<vmem>> -> memref<1x128x32xf32, #tpu.memory_space<vmem>>
      %dma_wait3A_118 = tpu.memref_squeeze %dma_wait3A_117 : memref<1x128x32xf32, #tpu.memory_space<vmem>> -> memref<128x32xf32, #tpu.memory_space<vmem>>
      %dma_wait3A_119 = arith.constant 0 : i32
      %dma_wait3A_120 = tpu.memref_slice %arg6[%run_scoped3A_22, %dma_wait3A_119] : memref<40x128xi32, #tpu.memory_space<vmem>> -> memref<1x128xi32, #tpu.memory_space<vmem>>
      %dma_wait3A_121 = tpu.memref_squeeze %dma_wait3A_120 : memref<1x128xi32, #tpu.memory_space<vmem>> -> memref<128xi32, #tpu.memory_space<vmem>>
      %dma_wait3A_122 = arith.constant 0 : i32
      %dma_wait3A_123 = arith.constant 0 : i32
      %dma_wait3A_124 = tpu.memref_slice %arg8[%dma_wait3A_122, %dma_wait3A_123] : memref<10240x32xf32, #tpu.memory_space<vmem_shared>> -> memref<10240x32xf32, #tpu.memory_space<vmem_shared>>
      tpu.wait_indirect_dma semaphore(%run_scoped3A_106 : memref<!tpu.dma_semaphore, #tpu.memory_space<semaphore_mem>>) src(%dma_wait3A_118 : memref<128x32xf32, #tpu.memory_space<vmem>>) dst(%dma_wait3A_124 : memref<10240x32xf32, #tpu.memory_space<vmem_shared>>)
      tpu.yield
    }) : () -> ()
    %run_scoped3A_23 = arith.constant 0 : i32
    %run_scoped3A_24 = arith.constant 7 : i32
    "tpu.region"() ({
      %run_scoped3A_106 = tpu.sem_alloc : memref<!tpu.dma_semaphore, #tpu.memory_space<semaphore_mem>>
      %dma_start3A = arith.constant 896 : i32
      %dma_start3A_107 = arith.constant 0 : i32
      %dma_start3A_108 = tpu.memref_slice %arg7[%run_scoped3A_23, %dma_start3A, %dma_start3A_107] : memref<2x1024x32xf32, #tpu.memory_space<vmem>> -> memref<1x128x32xf32, #tpu.memory_space<vmem>>
      %dma_start3A_109 = tpu.memref_squeeze %dma_start3A_108 : memref<1x128x32xf32, #tpu.memory_space<vmem>> -> memref<128x32xf32, #tpu.memory_space<vmem>>
      %dma_start3A_110 = arith.constant 0 : i32
      %dma_start3A_111 = tpu.memref_slice %arg6[%run_scoped3A_24, %dma_start3A_110] : memref<40x128xi32, #tpu.memory_space<vmem>> -> memref<1x128xi32, #tpu.memory_space<vmem>>
      %dma_start3A_112 = tpu.memref_squeeze %dma_start3A_111 : memref<1x128xi32, #tpu.memory_space<vmem>> -> memref<128xi32, #tpu.memory_space<vmem>>
      %dma_start3A_113 = arith.constant 0 : i32
      %dma_start3A_114 = arith.constant 0 : i32
      %dma_start3A_115 = tpu.memref_slice %arg8[%dma_start3A_113, %dma_start3A_114] : memref<10240x32xf32, #tpu.memory_space<vmem_shared>> -> memref<10240x32xf32, #tpu.memory_space<vmem_shared>>
      tpu.enqueue_indirect_dma source(%dma_start3A_109 : memref<128x32xf32, #tpu.memory_space<vmem>>) target(%dma_start3A_115 : memref<10240x32xf32, #tpu.memory_space<vmem_shared>>) offsets(%dma_start3A_112 : memref<128xi32, #tpu.memory_space<vmem>>) semaphore(%run_scoped3A_106 : memref<!tpu.dma_semaphore, #tpu.memory_space<semaphore_mem>>) {add = true}
      %dma_wait3A = arith.constant 896 : i32
      %dma_wait3A_116 = arith.constant 0 : i32
      %dma_wait3A_117 = tpu.memref_slice %arg7[%run_scoped3A_23, %dma_wait3A, %dma_wait3A_116] : memref<2x1024x32xf32, #tpu.memory_space<vmem>> -> memref<1x128x32xf32, #tpu.memory_space<vmem>>
      %dma_wait3A_118 = tpu.memref_squeeze %dma_wait3A_117 : memref<1x128x32xf32, #tpu.memory_space<vmem>> -> memref<128x32xf32, #tpu.memory_space<vmem>>
      %dma_wait3A_119 = arith.constant 0 : i32
      %dma_wait3A_120 = tpu.memref_slice %arg6[%run_scoped3A_24, %dma_wait3A_119] : memref<40x128xi32, #tpu.memory_space<vmem>> -> memref<1x128xi32, #tpu.memory_space<vmem>>
      %dma_wait3A_121 = tpu.memref_squeeze %dma_wait3A_120 : memref<1x128xi32, #tpu.memory_space<vmem>> -> memref<128xi32, #tpu.memory_space<vmem>>
      %dma_wait3A_122 = arith.constant 0 : i32
      %dma_wait3A_123 = arith.constant 0 : i32
      %dma_wait3A_124 = tpu.memref_slice %arg8[%dma_wait3A_122, %dma_wait3A_123] : memref<10240x32xf32, #tpu.memory_space<vmem_shared>> -> memref<10240x32xf32, #tpu.memory_space<vmem_shared>>
      tpu.wait_indirect_dma semaphore(%run_scoped3A_106 : memref<!tpu.dma_semaphore, #tpu.memory_space<semaphore_mem>>) src(%dma_wait3A_118 : memref<128x32xf32, #tpu.memory_space<vmem>>) dst(%dma_wait3A_124 : memref<10240x32xf32, #tpu.memory_space<vmem_shared>>)
      tpu.yield
    }) : () -> ()
    %add3A_25 = arith.constant 1024 : i32
    %add3A_26 = arith.addi %mul3A_6, %add3A_25 : i32
    %run_scoped3A_27 = arith.constant 1 : i32
    "tpu.region"() ({
      %run_scoped3A_106 = tpu.sem_alloc : memref<!tpu.dma_semaphore, #tpu.memory_space<semaphore_mem>>
      %dma_start3A = arith.constant 0 : i32
      %dma_start3A_107 = arith.constant 0 : i32
      %dma_start3A_108 = tpu.memref_slice %arg7[%run_scoped3A_27, %dma_start3A, %dma_start3A_107] : memref<2x1024x32xf32, #tpu.memory_space<vmem>> -> memref<1x1024x32xf32, #tpu.memory_space<vmem>>
      %dma_start3A_109 = tpu.memref_squeeze %dma_start3A_108 : memref<1x1024x32xf32, #tpu.memory_space<vmem>> -> memref<1024x32xf32, #tpu.memory_space<vmem>>
      %dma_start3A_110 = arith.constant 0 : i32
      %dma_start3A_111 = tpu.memref_slice %arg2[%add3A_26, %dma_start3A_110] : memref<163840x32xf32, #tpu.memory_space<hbm>> -> memref<1024x32xf32, #tpu.memory_space<hbm>>
      %dma_start3A_112 = arith.constant 0 : i32
      %dma_start3A_113 = arith.constant 0 : i32
      %dma_start3A_114 = tpu.memref_slice %arg7[%run_scoped3A_27, %dma_start3A_112, %dma_start3A_113] : memref<2x1024x32xf32, #tpu.memory_space<vmem>> -> memref<1x1024x32xf32, #tpu.memory_space<vmem>>
      %dma_start3A_115 = tpu.memref_squeeze %dma_start3A_114 : memref<1x1024x32xf32, #tpu.memory_space<vmem>> -> memref<1024x32xf32, #tpu.memory_space<vmem>>
      %dma_start3A_116 = arith.constant 0 : i32
      %dma_start3A_117 = tpu.memref_slice %arg2[%add3A_26, %dma_start3A_116] : memref<163840x32xf32, #tpu.memory_space<hbm>> -> memref<1024x32xf32, #tpu.memory_space<hbm>>
      tpu.enqueue_dma source(%dma_start3A_117 : memref<1024x32xf32, #tpu.memory_space<hbm>>) target(%dma_start3A_115 : memref<1024x32xf32, #tpu.memory_space<vmem>>) target_semaphore(%run_scoped3A_106 : memref<!tpu.dma_semaphore, #tpu.memory_space<semaphore_mem>>)
      %dma_wait3A = arith.constant 0 : i32
      %dma_wait3A_118 = arith.constant 0 : i32
      %dma_wait3A_119 = tpu.memref_slice %arg7[%run_scoped3A_27, %dma_wait3A, %dma_wait3A_118] : memref<2x1024x32xf32, #tpu.memory_space<vmem>> -> memref<1x1024x32xf32, #tpu.memory_space<vmem>>
      %dma_wait3A_120 = tpu.memref_squeeze %dma_wait3A_119 : memref<1x1024x32xf32, #tpu.memory_space<vmem>> -> memref<1024x32xf32, #tpu.memory_space<vmem>>
      %dma_wait3A_121 = arith.constant 0 : i32
      %dma_wait3A_122 = tpu.memref_slice %arg2[%add3A_26, %dma_wait3A_121] : memref<163840x32xf32, #tpu.memory_space<hbm>> -> memref<1024x32xf32, #tpu.memory_space<hbm>>
      %dma_wait3A_123 = arith.constant 0 : i32
      %dma_wait3A_124 = arith.constant 0 : i32
      %dma_wait3A_125 = tpu.memref_slice %arg7[%run_scoped3A_27, %dma_wait3A_123, %dma_wait3A_124] : memref<2x1024x32xf32, #tpu.memory_space<vmem>> -> memref<1x1024x32xf32, #tpu.memory_space<vmem>>
      %dma_wait3A_126 = tpu.memref_squeeze %dma_wait3A_125 : memref<1x1024x32xf32, #tpu.memory_space<vmem>> -> memref<1024x32xf32, #tpu.memory_space<vmem>>
      %dma_wait3A_127 = arith.constant 0 : i32
      %dma_wait3A_128 = tpu.memref_slice %arg2[%add3A_26, %dma_wait3A_127] : memref<163840x32xf32, #tpu.memory_space<hbm>> -> memref<1024x32xf32, #tpu.memory_space<hbm>>
      tpu.wait_dma2 semaphore(%run_scoped3A_106 : memref<!tpu.dma_semaphore, #tpu.memory_space<semaphore_mem>>) src(%dma_wait3A_128 : memref<1024x32xf32, #tpu.memory_space<hbm>>) dst(%dma_wait3A_126 : memref<1024x32xf32, #tpu.memory_space<vmem>>)
      tpu.yield
    }) : () -> ()
    %run_scoped3A_28 = arith.constant 1 : i32
    %run_scoped3A_29 = arith.constant 8 : i32
    "tpu.region"() ({
      %run_scoped3A_106 = tpu.sem_alloc : memref<!tpu.dma_semaphore, #tpu.memory_space<semaphore_mem>>
      %dma_start3A = arith.constant 0 : i32
      %dma_start3A_107 = arith.constant 0 : i32
      %dma_start3A_108 = tpu.memref_slice %arg7[%run_scoped3A_28, %dma_start3A, %dma_start3A_107] : memref<2x1024x32xf32, #tpu.memory_space<vmem>> -> memref<1x128x32xf32, #tpu.memory_space<vmem>>
      %dma_start3A_109 = tpu.memref_squeeze %dma_start3A_108 : memref<1x128x32xf32, #tpu.memory_space<vmem>> -> memref<128x32xf32, #tpu.memory_space<vmem>>
      %dma_start3A_110 = arith.constant 0 : i32
      %dma_start3A_111 = tpu.memref_slice %arg6[%run_scoped3A_29, %dma_start3A_110] : memref<40x128xi32, #tpu.memory_space<vmem>> -> memref<1x128xi32, #tpu.memory_space<vmem>>
      %dma_start3A_112 = tpu.memref_squeeze %dma_start3A_111 : memref<1x128xi32, #tpu.memory_space<vmem>> -> memref<128xi32, #tpu.memory_space<vmem>>
      %dma_start3A_113 = arith.constant 0 : i32
      %dma_start3A_114 = arith.constant 0 : i32
      %dma_start3A_115 = tpu.memref_slice %arg8[%dma_start3A_113, %dma_start3A_114] : memref<10240x32xf32, #tpu.memory_space<vmem_shared>> -> memref<10240x32xf32, #tpu.memory_space<vmem_shared>>
      tpu.enqueue_indirect_dma source(%dma_start3A_109 : memref<128x32xf32, #tpu.memory_space<vmem>>) target(%dma_start3A_115 : memref<10240x32xf32, #tpu.memory_space<vmem_shared>>) offsets(%dma_start3A_112 : memref<128xi32, #tpu.memory_space<vmem>>) semaphore(%run_scoped3A_106 : memref<!tpu.dma_semaphore, #tpu.memory_space<semaphore_mem>>) {add = true}
      %dma_wait3A = arith.constant 0 : i32
      %dma_wait3A_116 = arith.constant 0 : i32
      %dma_wait3A_117 = tpu.memref_slice %arg7[%run_scoped3A_28, %dma_wait3A, %dma_wait3A_116] : memref<2x1024x32xf32, #tpu.memory_space<vmem>> -> memref<1x128x32xf32, #tpu.memory_space<vmem>>
      %dma_wait3A_118 = tpu.memref_squeeze %dma_wait3A_117 : memref<1x128x32xf32, #tpu.memory_space<vmem>> -> memref<128x32xf32, #tpu.memory_space<vmem>>
      %dma_wait3A_119 = arith.constant 0 : i32
      %dma_wait3A_120 = tpu.memref_slice %arg6[%run_scoped3A_29, %dma_wait3A_119] : memref<40x128xi32, #tpu.memory_space<vmem>> -> memref<1x128xi32, #tpu.memory_space<vmem>>
      %dma_wait3A_121 = tpu.memref_squeeze %dma_wait3A_120 : memref<1x128xi32, #tpu.memory_space<vmem>> -> memref<128xi32, #tpu.memory_space<vmem>>
      %dma_wait3A_122 = arith.constant 0 : i32
      %dma_wait3A_123 = arith.constant 0 : i32
      %dma_wait3A_124 = tpu.memref_slice %arg8[%dma_wait3A_122, %dma_wait3A_123] : memref<10240x32xf32, #tpu.memory_space<vmem_shared>> -> memref<10240x32xf32, #tpu.memory_space<vmem_shared>>
      tpu.wait_indirect_dma semaphore(%run_scoped3A_106 : memref<!tpu.dma_semaphore, #tpu.memory_space<semaphore_mem>>) src(%dma_wait3A_118 : memref<128x32xf32, #tpu.memory_space<vmem>>) dst(%dma_wait3A_124 : memref<10240x32xf32, #tpu.memory_space<vmem_shared>>)
      tpu.yield
    }) : () -> ()
    %run_scoped3A_30 = arith.constant 1 : i32
    %run_scoped3A_31 = arith.constant 9 : i32
    "tpu.region"() ({
      %run_scoped3A_106 = tpu.sem_alloc : memref<!tpu.dma_semaphore, #tpu.memory_space<semaphore_mem>>
      %dma_start3A = arith.constant 128 : i32
      %dma_start3A_107 = arith.constant 0 : i32
      %dma_start3A_108 = tpu.memref_slice %arg7[%run_scoped3A_30, %dma_start3A, %dma_start3A_107] : memref<2x1024x32xf32, #tpu.memory_space<vmem>> -> memref<1x128x32xf32, #tpu.memory_space<vmem>>
      %dma_start3A_109 = tpu.memref_squeeze %dma_start3A_108 : memref<1x128x32xf32, #tpu.memory_space<vmem>> -> memref<128x32xf32, #tpu.memory_space<vmem>>
      %dma_start3A_110 = arith.constant 0 : i32
      %dma_start3A_111 = tpu.memref_slice %arg6[%run_scoped3A_31, %dma_start3A_110] : memref<40x128xi32, #tpu.memory_space<vmem>> -> memref<1x128xi32, #tpu.memory_space<vmem>>
      %dma_start3A_112 = tpu.memref_squeeze %dma_start3A_111 : memref<1x128xi32, #tpu.memory_space<vmem>> -> memref<128xi32, #tpu.memory_space<vmem>>
      %dma_start3A_113 = arith.constant 0 : i32
      %dma_start3A_114 = arith.constant 0 : i32
      %dma_start3A_115 = tpu.memref_slice %arg8[%dma_start3A_113, %dma_start3A_114] : memref<10240x32xf32, #tpu.memory_space<vmem_shared>> -> memref<10240x32xf32, #tpu.memory_space<vmem_shared>>
      tpu.enqueue_indirect_dma source(%dma_start3A_109 : memref<128x32xf32, #tpu.memory_space<vmem>>) target(%dma_start3A_115 : memref<10240x32xf32, #tpu.memory_space<vmem_shared>>) offsets(%dma_start3A_112 : memref<128xi32, #tpu.memory_space<vmem>>) semaphore(%run_scoped3A_106 : memref<!tpu.dma_semaphore, #tpu.memory_space<semaphore_mem>>) {add = true}
      %dma_wait3A = arith.constant 128 : i32
      %dma_wait3A_116 = arith.constant 0 : i32
      %dma_wait3A_117 = tpu.memref_slice %arg7[%run_scoped3A_30, %dma_wait3A, %dma_wait3A_116] : memref<2x1024x32xf32, #tpu.memory_space<vmem>> -> memref<1x128x32xf32, #tpu.memory_space<vmem>>
      %dma_wait3A_118 = tpu.memref_squeeze %dma_wait3A_117 : memref<1x128x32xf32, #tpu.memory_space<vmem>> -> memref<128x32xf32, #tpu.memory_space<vmem>>
      %dma_wait3A_119 = arith.constant 0 : i32
      %dma_wait3A_120 = tpu.memref_slice %arg6[%run_scoped3A_31, %dma_wait3A_119] : memref<40x128xi32, #tpu.memory_space<vmem>> -> memref<1x128xi32, #tpu.memory_space<vmem>>
      %dma_wait3A_121 = tpu.memref_squeeze %dma_wait3A_120 : memref<1x128xi32, #tpu.memory_space<vmem>> -> memref<128xi32, #tpu.memory_space<vmem>>
      %dma_wait3A_122 = arith.constant 0 : i32
      %dma_wait3A_123 = arith.constant 0 : i32
      %dma_wait3A_124 = tpu.memref_slice %arg8[%dma_wait3A_122, %dma_wait3A_123] : memref<10240x32xf32, #tpu.memory_space<vmem_shared>> -> memref<10240x32xf32, #tpu.memory_space<vmem_shared>>
      tpu.wait_indirect_dma semaphore(%run_scoped3A_106 : memref<!tpu.dma_semaphore, #tpu.memory_space<semaphore_mem>>) src(%dma_wait3A_118 : memref<128x32xf32, #tpu.memory_space<vmem>>) dst(%dma_wait3A_124 : memref<10240x32xf32, #tpu.memory_space<vmem_shared>>)
      tpu.yield
    }) : () -> ()
    %run_scoped3A_32 = arith.constant 1 : i32
    %run_scoped3A_33 = arith.constant 10 : i32
    "tpu.region"() ({
      %run_scoped3A_106 = tpu.sem_alloc : memref<!tpu.dma_semaphore, #tpu.memory_space<semaphore_mem>>
      %dma_start3A = arith.constant 256 : i32
      %dma_start3A_107 = arith.constant 0 : i32
      %dma_start3A_108 = tpu.memref_slice %arg7[%run_scoped3A_32, %dma_start3A, %dma_start3A_107] : memref<2x1024x32xf32, #tpu.memory_space<vmem>> -> memref<1x128x32xf32, #tpu.memory_space<vmem>>
      %dma_start3A_109 = tpu.memref_squeeze %dma_start3A_108 : memref<1x128x32xf32, #tpu.memory_space<vmem>> -> memref<128x32xf32, #tpu.memory_space<vmem>>
      %dma_start3A_110 = arith.constant 0 : i32
      %dma_start3A_111 = tpu.memref_slice %arg6[%run_scoped3A_33, %dma_start3A_110] : memref<40x128xi32, #tpu.memory_space<vmem>> -> memref<1x128xi32, #tpu.memory_space<vmem>>
      %dma_start3A_112 = tpu.memref_squeeze %dma_start3A_111 : memref<1x128xi32, #tpu.memory_space<vmem>> -> memref<128xi32, #tpu.memory_space<vmem>>
      %dma_start3A_113 = arith.constant 0 : i32
      %dma_start3A_114 = arith.constant 0 : i32
      %dma_start3A_115 = tpu.memref_slice %arg8[%dma_start3A_113, %dma_start3A_114] : memref<10240x32xf32, #tpu.memory_space<vmem_shared>> -> memref<10240x32xf32, #tpu.memory_space<vmem_shared>>
      tpu.enqueue_indirect_dma source(%dma_start3A_109 : memref<128x32xf32, #tpu.memory_space<vmem>>) target(%dma_start3A_115 : memref<10240x32xf32, #tpu.memory_space<vmem_shared>>) offsets(%dma_start3A_112 : memref<128xi32, #tpu.memory_space<vmem>>) semaphore(%run_scoped3A_106 : memref<!tpu.dma_semaphore, #tpu.memory_space<semaphore_mem>>) {add = true}
      %dma_wait3A = arith.constant 256 : i32
      %dma_wait3A_116 = arith.constant 0 : i32
      %dma_wait3A_117 = tpu.memref_slice %arg7[%run_scoped3A_32, %dma_wait3A, %dma_wait3A_116] : memref<2x1024x32xf32, #tpu.memory_space<vmem>> -> memref<1x128x32xf32, #tpu.memory_space<vmem>>
      %dma_wait3A_118 = tpu.memref_squeeze %dma_wait3A_117 : memref<1x128x32xf32, #tpu.memory_space<vmem>> -> memref<128x32xf32, #tpu.memory_space<vmem>>
      %dma_wait3A_119 = arith.constant 0 : i32
      %dma_wait3A_120 = tpu.memref_slice %arg6[%run_scoped3A_33, %dma_wait3A_119] : memref<40x128xi32, #tpu.memory_space<vmem>> -> memref<1x128xi32, #tpu.memory_space<vmem>>
      %dma_wait3A_121 = tpu.memref_squeeze %dma_wait3A_120 : memref<1x128xi32, #tpu.memory_space<vmem>> -> memref<128xi32, #tpu.memory_space<vmem>>
      %dma_wait3A_122 = arith.constant 0 : i32
      %dma_wait3A_123 = arith.constant 0 : i32
      %dma_wait3A_124 = tpu.memref_slice %arg8[%dma_wait3A_122, %dma_wait3A_123] : memref<10240x32xf32, #tpu.memory_space<vmem_shared>> -> memref<10240x32xf32, #tpu.memory_space<vmem_shared>>
      tpu.wait_indirect_dma semaphore(%run_scoped3A_106 : memref<!tpu.dma_semaphore, #tpu.memory_space<semaphore_mem>>) src(%dma_wait3A_118 : memref<128x32xf32, #tpu.memory_space<vmem>>) dst(%dma_wait3A_124 : memref<10240x32xf32, #tpu.memory_space<vmem_shared>>)
      tpu.yield
    }) : () -> ()
    %run_scoped3A_34 = arith.constant 1 : i32
    %run_scoped3A_35 = arith.constant 11 : i32
    "tpu.region"() ({
      %run_scoped3A_106 = tpu.sem_alloc : memref<!tpu.dma_semaphore, #tpu.memory_space<semaphore_mem>>
      %dma_start3A = arith.constant 384 : i32
      %dma_start3A_107 = arith.constant 0 : i32
      %dma_start3A_108 = tpu.memref_slice %arg7[%run_scoped3A_34, %dma_start3A, %dma_start3A_107] : memref<2x1024x32xf32, #tpu.memory_space<vmem>> -> memref<1x128x32xf32, #tpu.memory_space<vmem>>
      %dma_start3A_109 = tpu.memref_squeeze %dma_start3A_108 : memref<1x128x32xf32, #tpu.memory_space<vmem>> -> memref<128x32xf32, #tpu.memory_space<vmem>>
      %dma_start3A_110 = arith.constant 0 : i32
      %dma_start3A_111 = tpu.memref_slice %arg6[%run_scoped3A_35, %dma_start3A_110] : memref<40x128xi32, #tpu.memory_space<vmem>> -> memref<1x128xi32, #tpu.memory_space<vmem>>
      %dma_start3A_112 = tpu.memref_squeeze %dma_start3A_111 : memref<1x128xi32, #tpu.memory_space<vmem>> -> memref<128xi32, #tpu.memory_space<vmem>>
      %dma_start3A_113 = arith.constant 0 : i32
      %dma_start3A_114 = arith.constant 0 : i32
      %dma_start3A_115 = tpu.memref_slice %arg8[%dma_start3A_113, %dma_start3A_114] : memref<10240x32xf32, #tpu.memory_space<vmem_shared>> -> memref<10240x32xf32, #tpu.memory_space<vmem_shared>>
      tpu.enqueue_indirect_dma source(%dma_start3A_109 : memref<128x32xf32, #tpu.memory_space<vmem>>) target(%dma_start3A_115 : memref<10240x32xf32, #tpu.memory_space<vmem_shared>>) offsets(%dma_start3A_112 : memref<128xi32, #tpu.memory_space<vmem>>) semaphore(%run_scoped3A_106 : memref<!tpu.dma_semaphore, #tpu.memory_space<semaphore_mem>>) {add = true}
      %dma_wait3A = arith.constant 384 : i32
      %dma_wait3A_116 = arith.constant 0 : i32
      %dma_wait3A_117 = tpu.memref_slice %arg7[%run_scoped3A_34, %dma_wait3A, %dma_wait3A_116] : memref<2x1024x32xf32, #tpu.memory_space<vmem>> -> memref<1x128x32xf32, #tpu.memory_space<vmem>>
      %dma_wait3A_118 = tpu.memref_squeeze %dma_wait3A_117 : memref<1x128x32xf32, #tpu.memory_space<vmem>> -> memref<128x32xf32, #tpu.memory_space<vmem>>
      %dma_wait3A_119 = arith.constant 0 : i32
      %dma_wait3A_120 = tpu.memref_slice %arg6[%run_scoped3A_35, %dma_wait3A_119] : memref<40x128xi32, #tpu.memory_space<vmem>> -> memref<1x128xi32, #tpu.memory_space<vmem>>
      %dma_wait3A_121 = tpu.memref_squeeze %dma_wait3A_120 : memref<1x128xi32, #tpu.memory_space<vmem>> -> memref<128xi32, #tpu.memory_space<vmem>>
      %dma_wait3A_122 = arith.constant 0 : i32
      %dma_wait3A_123 = arith.constant 0 : i32
      %dma_wait3A_124 = tpu.memref_slice %arg8[%dma_wait3A_122, %dma_wait3A_123] : memref<10240x32xf32, #tpu.memory_space<vmem_shared>> -> memref<10240x32xf32, #tpu.memory_space<vmem_shared>>
      tpu.wait_indirect_dma semaphore(%run_scoped3A_106 : memref<!tpu.dma_semaphore, #tpu.memory_space<semaphore_mem>>) src(%dma_wait3A_118 : memref<128x32xf32, #tpu.memory_space<vmem>>) dst(%dma_wait3A_124 : memref<10240x32xf32, #tpu.memory_space<vmem_shared>>)
      tpu.yield
    }) : () -> ()
    %run_scoped3A_36 = arith.constant 1 : i32
    %run_scoped3A_37 = arith.constant 12 : i32
    "tpu.region"() ({
      %run_scoped3A_106 = tpu.sem_alloc : memref<!tpu.dma_semaphore, #tpu.memory_space<semaphore_mem>>
      %dma_start3A = arith.constant 512 : i32
      %dma_start3A_107 = arith.constant 0 : i32
      %dma_start3A_108 = tpu.memref_slice %arg7[%run_scoped3A_36, %dma_start3A, %dma_start3A_107] : memref<2x1024x32xf32, #tpu.memory_space<vmem>> -> memref<1x128x32xf32, #tpu.memory_space<vmem>>
      %dma_start3A_109 = tpu.memref_squeeze %dma_start3A_108 : memref<1x128x32xf32, #tpu.memory_space<vmem>> -> memref<128x32xf32, #tpu.memory_space<vmem>>
      %dma_start3A_110 = arith.constant 0 : i32
      %dma_start3A_111 = tpu.memref_slice %arg6[%run_scoped3A_37, %dma_start3A_110] : memref<40x128xi32, #tpu.memory_space<vmem>> -> memref<1x128xi32, #tpu.memory_space<vmem>>
      %dma_start3A_112 = tpu.memref_squeeze %dma_start3A_111 : memref<1x128xi32, #tpu.memory_space<vmem>> -> memref<128xi32, #tpu.memory_space<vmem>>
      %dma_start3A_113 = arith.constant 0 : i32
      %dma_start3A_114 = arith.constant 0 : i32
      %dma_start3A_115 = tpu.memref_slice %arg8[%dma_start3A_113, %dma_start3A_114] : memref<10240x32xf32, #tpu.memory_space<vmem_shared>> -> memref<10240x32xf32, #tpu.memory_space<vmem_shared>>
      tpu.enqueue_indirect_dma source(%dma_start3A_109 : memref<128x32xf32, #tpu.memory_space<vmem>>) target(%dma_start3A_115 : memref<10240x32xf32, #tpu.memory_space<vmem_shared>>) offsets(%dma_start3A_112 : memref<128xi32, #tpu.memory_space<vmem>>) semaphore(%run_scoped3A_106 : memref<!tpu.dma_semaphore, #tpu.memory_space<semaphore_mem>>) {add = true}
      %dma_wait3A = arith.constant 512 : i32
      %dma_wait3A_116 = arith.constant 0 : i32
      %dma_wait3A_117 = tpu.memref_slice %arg7[%run_scoped3A_36, %dma_wait3A, %dma_wait3A_116] : memref<2x1024x32xf32, #tpu.memory_space<vmem>> -> memref<1x128x32xf32, #tpu.memory_space<vmem>>
      %dma_wait3A_118 = tpu.memref_squeeze %dma_wait3A_117 : memref<1x128x32xf32, #tpu.memory_space<vmem>> -> memref<128x32xf32, #tpu.memory_space<vmem>>
      %dma_wait3A_119 = arith.constant 0 : i32
      %dma_wait3A_120 = tpu.memref_slice %arg6[%run_scoped3A_37, %dma_wait3A_119] : memref<40x128xi32, #tpu.memory_space<vmem>> -> memref<1x128xi32, #tpu.memory_space<vmem>>
      %dma_wait3A_121 = tpu.memref_squeeze %dma_wait3A_120 : memref<1x128xi32, #tpu.memory_space<vmem>> -> memref<128xi32, #tpu.memory_space<vmem>>
      %dma_wait3A_122 = arith.constant 0 : i32
      %dma_wait3A_123 = arith.constant 0 : i32
      %dma_wait3A_124 = tpu.memref_slice %arg8[%dma_wait3A_122, %dma_wait3A_123] : memref<10240x32xf32, #tpu.memory_space<vmem_shared>> -> memref<10240x32xf32, #tpu.memory_space<vmem_shared>>
      tpu.wait_indirect_dma semaphore(%run_scoped3A_106 : memref<!tpu.dma_semaphore, #tpu.memory_space<semaphore_mem>>) src(%dma_wait3A_118 : memref<128x32xf32, #tpu.memory_space<vmem>>) dst(%dma_wait3A_124 : memref<10240x32xf32, #tpu.memory_space<vmem_shared>>)
      tpu.yield
    }) : () -> ()
    %run_scoped3A_38 = arith.constant 1 : i32
    %run_scoped3A_39 = arith.constant 13 : i32
    "tpu.region"() ({
      %run_scoped3A_106 = tpu.sem_alloc : memref<!tpu.dma_semaphore, #tpu.memory_space<semaphore_mem>>
      %dma_start3A = arith.constant 640 : i32
      %dma_start3A_107 = arith.constant 0 : i32
      %dma_start3A_108 = tpu.memref_slice %arg7[%run_scoped3A_38, %dma_start3A, %dma_start3A_107] : memref<2x1024x32xf32, #tpu.memory_space<vmem>> -> memref<1x128x32xf32, #tpu.memory_space<vmem>>
      %dma_start3A_109 = tpu.memref_squeeze %dma_start3A_108 : memref<1x128x32xf32, #tpu.memory_space<vmem>> -> memref<128x32xf32, #tpu.memory_space<vmem>>
      %dma_start3A_110 = arith.constant 0 : i32
      %dma_start3A_111 = tpu.memref_slice %arg6[%run_scoped3A_39, %dma_start3A_110] : memref<40x128xi32, #tpu.memory_space<vmem>> -> memref<1x128xi32, #tpu.memory_space<vmem>>
      %dma_start3A_112 = tpu.memref_squeeze %dma_start3A_111 : memref<1x128xi32, #tpu.memory_space<vmem>> -> memref<128xi32, #tpu.memory_space<vmem>>
      %dma_start3A_113 = arith.constant 0 : i32
      %dma_start3A_114 = arith.constant 0 : i32
      %dma_start3A_115 = tpu.memref_slice %arg8[%dma_start3A_113, %dma_start3A_114] : memref<10240x32xf32, #tpu.memory_space<vmem_shared>> -> memref<10240x32xf32, #tpu.memory_space<vmem_shared>>
      tpu.enqueue_indirect_dma source(%dma_start3A_109 : memref<128x32xf32, #tpu.memory_space<vmem>>) target(%dma_start3A_115 : memref<10240x32xf32, #tpu.memory_space<vmem_shared>>) offsets(%dma_start3A_112 : memref<128xi32, #tpu.memory_space<vmem>>) semaphore(%run_scoped3A_106 : memref<!tpu.dma_semaphore, #tpu.memory_space<semaphore_mem>>) {add = true}
      %dma_wait3A = arith.constant 640 : i32
      %dma_wait3A_116 = arith.constant 0 : i32
      %dma_wait3A_117 = tpu.memref_slice %arg7[%run_scoped3A_38, %dma_wait3A, %dma_wait3A_116] : memref<2x1024x32xf32, #tpu.memory_space<vmem>> -> memref<1x128x32xf32, #tpu.memory_space<vmem>>
      %dma_wait3A_118 = tpu.memref_squeeze %dma_wait3A_117 : memref<1x128x32xf32, #tpu.memory_space<vmem>> -> memref<128x32xf32, #tpu.memory_space<vmem>>
      %dma_wait3A_119 = arith.constant 0 : i32
      %dma_wait3A_120 = tpu.memref_slice %arg6[%run_scoped3A_39, %dma_wait3A_119] : memref<40x128xi32, #tpu.memory_space<vmem>> -> memref<1x128xi32, #tpu.memory_space<vmem>>
      %dma_wait3A_121 = tpu.memref_squeeze %dma_wait3A_120 : memref<1x128xi32, #tpu.memory_space<vmem>> -> memref<128xi32, #tpu.memory_space<vmem>>
      %dma_wait3A_122 = arith.constant 0 : i32
      %dma_wait3A_123 = arith.constant 0 : i32
      %dma_wait3A_124 = tpu.memref_slice %arg8[%dma_wait3A_122, %dma_wait3A_123] : memref<10240x32xf32, #tpu.memory_space<vmem_shared>> -> memref<10240x32xf32, #tpu.memory_space<vmem_shared>>
      tpu.wait_indirect_dma semaphore(%run_scoped3A_106 : memref<!tpu.dma_semaphore, #tpu.memory_space<semaphore_mem>>) src(%dma_wait3A_118 : memref<128x32xf32, #tpu.memory_space<vmem>>) dst(%dma_wait3A_124 : memref<10240x32xf32, #tpu.memory_space<vmem_shared>>)
      tpu.yield
    }) : () -> ()
    %run_scoped3A_40 = arith.constant 1 : i32
    %run_scoped3A_41 = arith.constant 14 : i32
    "tpu.region"() ({
      %run_scoped3A_106 = tpu.sem_alloc : memref<!tpu.dma_semaphore, #tpu.memory_space<semaphore_mem>>
      %dma_start3A = arith.constant 768 : i32
      %dma_start3A_107 = arith.constant 0 : i32
      %dma_start3A_108 = tpu.memref_slice %arg7[%run_scoped3A_40, %dma_start3A, %dma_start3A_107] : memref<2x1024x32xf32, #tpu.memory_space<vmem>> -> memref<1x128x32xf32, #tpu.memory_space<vmem>>
      %dma_start3A_109 = tpu.memref_squeeze %dma_start3A_108 : memref<1x128x32xf32, #tpu.memory_space<vmem>> -> memref<128x32xf32, #tpu.memory_space<vmem>>
      %dma_start3A_110 = arith.constant 0 : i32
      %dma_start3A_111 = tpu.memref_slice %arg6[%run_scoped3A_41, %dma_start3A_110] : memref<40x128xi32, #tpu.memory_space<vmem>> -> memref<1x128xi32, #tpu.memory_space<vmem>>
      %dma_start3A_112 = tpu.memref_squeeze %dma_start3A_111 : memref<1x128xi32, #tpu.memory_space<vmem>> -> memref<128xi32, #tpu.memory_space<vmem>>
      %dma_start3A_113 = arith.constant 0 : i32
      %dma_start3A_114 = arith.constant 0 : i32
      %dma_start3A_115 = tpu.memref_slice %arg8[%dma_start3A_113, %dma_start3A_114] : memref<10240x32xf32, #tpu.memory_space<vmem_shared>> -> memref<10240x32xf32, #tpu.memory_space<vmem_shared>>
      tpu.enqueue_indirect_dma source(%dma_start3A_109 : memref<128x32xf32, #tpu.memory_space<vmem>>) target(%dma_start3A_115 : memref<10240x32xf32, #tpu.memory_space<vmem_shared>>) offsets(%dma_start3A_112 : memref<128xi32, #tpu.memory_space<vmem>>) semaphore(%run_scoped3A_106 : memref<!tpu.dma_semaphore, #tpu.memory_space<semaphore_mem>>) {add = true}
      %dma_wait3A = arith.constant 768 : i32
      %dma_wait3A_116 = arith.constant 0 : i32
      %dma_wait3A_117 = tpu.memref_slice %arg7[%run_scoped3A_40, %dma_wait3A, %dma_wait3A_116] : memref<2x1024x32xf32, #tpu.memory_space<vmem>> -> memref<1x128x32xf32, #tpu.memory_space<vmem>>
      %dma_wait3A_118 = tpu.memref_squeeze %dma_wait3A_117 : memref<1x128x32xf32, #tpu.memory_space<vmem>> -> memref<128x32xf32, #tpu.memory_space<vmem>>
      %dma_wait3A_119 = arith.constant 0 : i32
      %dma_wait3A_120 = tpu.memref_slice %arg6[%run_scoped3A_41, %dma_wait3A_119] : memref<40x128xi32, #tpu.memory_space<vmem>> -> memref<1x128xi32, #tpu.memory_space<vmem>>
      %dma_wait3A_121 = tpu.memref_squeeze %dma_wait3A_120 : memref<1x128xi32, #tpu.memory_space<vmem>> -> memref<128xi32, #tpu.memory_space<vmem>>
      %dma_wait3A_122 = arith.constant 0 : i32
      %dma_wait3A_123 = arith.constant 0 : i32
      %dma_wait3A_124 = tpu.memref_slice %arg8[%dma_wait3A_122, %dma_wait3A_123] : memref<10240x32xf32, #tpu.memory_space<vmem_shared>> -> memref<10240x32xf32, #tpu.memory_space<vmem_shared>>
      tpu.wait_indirect_dma semaphore(%run_scoped3A_106 : memref<!tpu.dma_semaphore, #tpu.memory_space<semaphore_mem>>) src(%dma_wait3A_118 : memref<128x32xf32, #tpu.memory_space<vmem>>) dst(%dma_wait3A_124 : memref<10240x32xf32, #tpu.memory_space<vmem_shared>>)
      tpu.yield
    }) : () -> ()
    %run_scoped3A_42 = arith.constant 1 : i32
    %run_scoped3A_43 = arith.constant 15 : i32
    "tpu.region"() ({
      %run_scoped3A_106 = tpu.sem_alloc : memref<!tpu.dma_semaphore, #tpu.memory_space<semaphore_mem>>
      %dma_start3A = arith.constant 896 : i32
      %dma_start3A_107 = arith.constant 0 : i32
      %dma_start3A_108 = tpu.memref_slice %arg7[%run_scoped3A_42, %dma_start3A, %dma_start3A_107] : memref<2x1024x32xf32, #tpu.memory_space<vmem>> -> memref<1x128x32xf32, #tpu.memory_space<vmem>>
      %dma_start3A_109 = tpu.memref_squeeze %dma_start3A_108 : memref<1x128x32xf32, #tpu.memory_space<vmem>> -> memref<128x32xf32, #tpu.memory_space<vmem>>
      %dma_start3A_110 = arith.constant 0 : i32
      %dma_start3A_111 = tpu.memref_slice %arg6[%run_scoped3A_43, %dma_start3A_110] : memref<40x128xi32, #tpu.memory_space<vmem>> -> memref<1x128xi32, #tpu.memory_space<vmem>>
      %dma_start3A_112 = tpu.memref_squeeze %dma_start3A_111 : memref<1x128xi32, #tpu.memory_space<vmem>> -> memref<128xi32, #tpu.memory_space<vmem>>
      %dma_start3A_113 = arith.constant 0 : i32
      %dma_start3A_114 = arith.constant 0 : i32
      %dma_start3A_115 = tpu.memref_slice %arg8[%dma_start3A_113, %dma_start3A_114] : memref<10240x32xf32, #tpu.memory_space<vmem_shared>> -> memref<10240x32xf32, #tpu.memory_space<vmem_shared>>
      tpu.enqueue_indirect_dma source(%dma_start3A_109 : memref<128x32xf32, #tpu.memory_space<vmem>>) target(%dma_start3A_115 : memref<10240x32xf32, #tpu.memory_space<vmem_shared>>) offsets(%dma_start3A_112 : memref<128xi32, #tpu.memory_space<vmem>>) semaphore(%run_scoped3A_106 : memref<!tpu.dma_semaphore, #tpu.memory_space<semaphore_mem>>) {add = true}
      %dma_wait3A = arith.constant 896 : i32
      %dma_wait3A_116 = arith.constant 0 : i32
      %dma_wait3A_117 = tpu.memref_slice %arg7[%run_scoped3A_42, %dma_wait3A, %dma_wait3A_116] : memref<2x1024x32xf32, #tpu.memory_space<vmem>> -> memref<1x128x32xf32, #tpu.memory_space<vmem>>
      %dma_wait3A_118 = tpu.memref_squeeze %dma_wait3A_117 : memref<1x128x32xf32, #tpu.memory_space<vmem>> -> memref<128x32xf32, #tpu.memory_space<vmem>>
      %dma_wait3A_119 = arith.constant 0 : i32
      %dma_wait3A_120 = tpu.memref_slice %arg6[%run_scoped3A_43, %dma_wait3A_119] : memref<40x128xi32, #tpu.memory_space<vmem>> -> memref<1x128xi32, #tpu.memory_space<vmem>>
      %dma_wait3A_121 = tpu.memref_squeeze %dma_wait3A_120 : memref<1x128xi32, #tpu.memory_space<vmem>> -> memref<128xi32, #tpu.memory_space<vmem>>
      %dma_wait3A_122 = arith.constant 0 : i32
      %dma_wait3A_123 = arith.constant 0 : i32
      %dma_wait3A_124 = tpu.memref_slice %arg8[%dma_wait3A_122, %dma_wait3A_123] : memref<10240x32xf32, #tpu.memory_space<vmem_shared>> -> memref<10240x32xf32, #tpu.memory_space<vmem_shared>>
      tpu.wait_indirect_dma semaphore(%run_scoped3A_106 : memref<!tpu.dma_semaphore, #tpu.memory_space<semaphore_mem>>) src(%dma_wait3A_118 : memref<128x32xf32, #tpu.memory_space<vmem>>) dst(%dma_wait3A_124 : memref<10240x32xf32, #tpu.memory_space<vmem_shared>>)
      tpu.yield
    }) : () -> ()
    %add3A_44 = arith.constant 2048 : i32
    %add3A_45 = arith.addi %mul3A_6, %add3A_44 : i32
    %run_scoped3A_46 = arith.constant 0 : i32
    "tpu.region"() ({
      %run_scoped3A_106 = tpu.sem_alloc : memref<!tpu.dma_semaphore, #tpu.memory_space<semaphore_mem>>
      %dma_start3A = arith.constant 0 : i32
      %dma_start3A_107 = arith.constant 0 : i32
      %dma_start3A_108 = tpu.memref_slice %arg7[%run_scoped3A_46, %dma_start3A, %dma_start3A_107] : memref<2x1024x32xf32, #tpu.memory_space<vmem>> -> memref<1x1024x32xf32, #tpu.memory_space<vmem>>
      %dma_start3A_109 = tpu.memref_squeeze %dma_start3A_108 : memref<1x1024x32xf32, #tpu.memory_space<vmem>> -> memref<1024x32xf32, #tpu.memory_space<vmem>>
      %dma_start3A_110 = arith.constant 0 : i32
      %dma_start3A_111 = tpu.memref_slice %arg2[%add3A_45, %dma_start3A_110] : memref<163840x32xf32, #tpu.memory_space<hbm>> -> memref<1024x32xf32, #tpu.memory_space<hbm>>
      %dma_start3A_112 = arith.constant 0 : i32
      %dma_start3A_113 = arith.constant 0 : i32
      %dma_start3A_114 = tpu.memref_slice %arg7[%run_scoped3A_46, %dma_start3A_112, %dma_start3A_113] : memref<2x1024x32xf32, #tpu.memory_space<vmem>> -> memref<1x1024x32xf32, #tpu.memory_space<vmem>>
      %dma_start3A_115 = tpu.memref_squeeze %dma_start3A_114 : memref<1x1024x32xf32, #tpu.memory_space<vmem>> -> memref<1024x32xf32, #tpu.memory_space<vmem>>
      %dma_start3A_116 = arith.constant 0 : i32
      %dma_start3A_117 = tpu.memref_slice %arg2[%add3A_45, %dma_start3A_116] : memref<163840x32xf32, #tpu.memory_space<hbm>> -> memref<1024x32xf32, #tpu.memory_space<hbm>>
      tpu.enqueue_dma source(%dma_start3A_117 : memref<1024x32xf32, #tpu.memory_space<hbm>>) target(%dma_start3A_115 : memref<1024x32xf32, #tpu.memory_space<vmem>>) target_semaphore(%run_scoped3A_106 : memref<!tpu.dma_semaphore, #tpu.memory_space<semaphore_mem>>)
      %dma_wait3A = arith.constant 0 : i32
      %dma_wait3A_118 = arith.constant 0 : i32
      %dma_wait3A_119 = tpu.memref_slice %arg7[%run_scoped3A_46, %dma_wait3A, %dma_wait3A_118] : memref<2x1024x32xf32, #tpu.memory_space<vmem>> -> memref<1x1024x32xf32, #tpu.memory_space<vmem>>
      %dma_wait3A_120 = tpu.memref_squeeze %dma_wait3A_119 : memref<1x1024x32xf32, #tpu.memory_space<vmem>> -> memref<1024x32xf32, #tpu.memory_space<vmem>>
      %dma_wait3A_121 = arith.constant 0 : i32
      %dma_wait3A_122 = tpu.memref_slice %arg2[%add3A_45, %dma_wait3A_121] : memref<163840x32xf32, #tpu.memory_space<hbm>> -> memref<1024x32xf32, #tpu.memory_space<hbm>>
      %dma_wait3A_123 = arith.constant 0 : i32
      %dma_wait3A_124 = arith.constant 0 : i32
      %dma_wait3A_125 = tpu.memref_slice %arg7[%run_scoped3A_46, %dma_wait3A_123, %dma_wait3A_124] : memref<2x1024x32xf32, #tpu.memory_space<vmem>> -> memref<1x1024x32xf32, #tpu.memory_space<vmem>>
      %dma_wait3A_126 = tpu.memref_squeeze %dma_wait3A_125 : memref<1x1024x32xf32, #tpu.memory_space<vmem>> -> memref<1024x32xf32, #tpu.memory_space<vmem>>
      %dma_wait3A_127 = arith.constant 0 : i32
      %dma_wait3A_128 = tpu.memref_slice %arg2[%add3A_45, %dma_wait3A_127] : memref<163840x32xf32, #tpu.memory_space<hbm>> -> memref<1024x32xf32, #tpu.memory_space<hbm>>
      tpu.wait_dma2 semaphore(%run_scoped3A_106 : memref<!tpu.dma_semaphore, #tpu.memory_space<semaphore_mem>>) src(%dma_wait3A_128 : memref<1024x32xf32, #tpu.memory_space<hbm>>) dst(%dma_wait3A_126 : memref<1024x32xf32, #tpu.memory_space<vmem>>)
      tpu.yield
    }) : () -> ()
    %run_scoped3A_47 = arith.constant 0 : i32
    %run_scoped3A_48 = arith.constant 16 : i32
    "tpu.region"() ({
      %run_scoped3A_106 = tpu.sem_alloc : memref<!tpu.dma_semaphore, #tpu.memory_space<semaphore_mem>>
      %dma_start3A = arith.constant 0 : i32
      %dma_start3A_107 = arith.constant 0 : i32
      %dma_start3A_108 = tpu.memref_slice %arg7[%run_scoped3A_47, %dma_start3A, %dma_start3A_107] : memref<2x1024x32xf32, #tpu.memory_space<vmem>> -> memref<1x128x32xf32, #tpu.memory_space<vmem>>
      %dma_start3A_109 = tpu.memref_squeeze %dma_start3A_108 : memref<1x128x32xf32, #tpu.memory_space<vmem>> -> memref<128x32xf32, #tpu.memory_space<vmem>>
      %dma_start3A_110 = arith.constant 0 : i32
      %dma_start3A_111 = tpu.memref_slice %arg6[%run_scoped3A_48, %dma_start3A_110] : memref<40x128xi32, #tpu.memory_space<vmem>> -> memref<1x128xi32, #tpu.memory_space<vmem>>
      %dma_start3A_112 = tpu.memref_squeeze %dma_start3A_111 : memref<1x128xi32, #tpu.memory_space<vmem>> -> memref<128xi32, #tpu.memory_space<vmem>>
      %dma_start3A_113 = arith.constant 0 : i32
      %dma_start3A_114 = arith.constant 0 : i32
      %dma_start3A_115 = tpu.memref_slice %arg8[%dma_start3A_113, %dma_start3A_114] : memref<10240x32xf32, #tpu.memory_space<vmem_shared>> -> memref<10240x32xf32, #tpu.memory_space<vmem_shared>>
      tpu.enqueue_indirect_dma source(%dma_start3A_109 : memref<128x32xf32, #tpu.memory_space<vmem>>) target(%dma_start3A_115 : memref<10240x32xf32, #tpu.memory_space<vmem_shared>>) offsets(%dma_start3A_112 : memref<128xi32, #tpu.memory_space<vmem>>) semaphore(%run_scoped3A_106 : memref<!tpu.dma_semaphore, #tpu.memory_space<semaphore_mem>>) {add = true}
      %dma_wait3A = arith.constant 0 : i32
      %dma_wait3A_116 = arith.constant 0 : i32
      %dma_wait3A_117 = tpu.memref_slice %arg7[%run_scoped3A_47, %dma_wait3A, %dma_wait3A_116] : memref<2x1024x32xf32, #tpu.memory_space<vmem>> -> memref<1x128x32xf32, #tpu.memory_space<vmem>>
      %dma_wait3A_118 = tpu.memref_squeeze %dma_wait3A_117 : memref<1x128x32xf32, #tpu.memory_space<vmem>> -> memref<128x32xf32, #tpu.memory_space<vmem>>
      %dma_wait3A_119 = arith.constant 0 : i32
      %dma_wait3A_120 = tpu.memref_slice %arg6[%run_scoped3A_48, %dma_wait3A_119] : memref<40x128xi32, #tpu.memory_space<vmem>> -> memref<1x128xi32, #tpu.memory_space<vmem>>
      %dma_wait3A_121 = tpu.memref_squeeze %dma_wait3A_120 : memref<1x128xi32, #tpu.memory_space<vmem>> -> memref<128xi32, #tpu.memory_space<vmem>>
      %dma_wait3A_122 = arith.constant 0 : i32
      %dma_wait3A_123 = arith.constant 0 : i32
      %dma_wait3A_124 = tpu.memref_slice %arg8[%dma_wait3A_122, %dma_wait3A_123] : memref<10240x32xf32, #tpu.memory_space<vmem_shared>> -> memref<10240x32xf32, #tpu.memory_space<vmem_shared>>
      tpu.wait_indirect_dma semaphore(%run_scoped3A_106 : memref<!tpu.dma_semaphore, #tpu.memory_space<semaphore_mem>>) src(%dma_wait3A_118 : memref<128x32xf32, #tpu.memory_space<vmem>>) dst(%dma_wait3A_124 : memref<10240x32xf32, #tpu.memory_space<vmem_shared>>)
      tpu.yield
    }) : () -> ()
    %run_scoped3A_49 = arith.constant 0 : i32
    %run_scoped3A_50 = arith.constant 17 : i32
    "tpu.region"() ({
      %run_scoped3A_106 = tpu.sem_alloc : memref<!tpu.dma_semaphore, #tpu.memory_space<semaphore_mem>>
      %dma_start3A = arith.constant 128 : i32
      %dma_start3A_107 = arith.constant 0 : i32
      %dma_start3A_108 = tpu.memref_slice %arg7[%run_scoped3A_49, %dma_start3A, %dma_start3A_107] : memref<2x1024x32xf32, #tpu.memory_space<vmem>> -> memref<1x128x32xf32, #tpu.memory_space<vmem>>
      %dma_start3A_109 = tpu.memref_squeeze %dma_start3A_108 : memref<1x128x32xf32, #tpu.memory_space<vmem>> -> memref<128x32xf32, #tpu.memory_space<vmem>>
      %dma_start3A_110 = arith.constant 0 : i32
      %dma_start3A_111 = tpu.memref_slice %arg6[%run_scoped3A_50, %dma_start3A_110] : memref<40x128xi32, #tpu.memory_space<vmem>> -> memref<1x128xi32, #tpu.memory_space<vmem>>
      %dma_start3A_112 = tpu.memref_squeeze %dma_start3A_111 : memref<1x128xi32, #tpu.memory_space<vmem>> -> memref<128xi32, #tpu.memory_space<vmem>>
      %dma_start3A_113 = arith.constant 0 : i32
      %dma_start3A_114 = arith.constant 0 : i32
      %dma_start3A_115 = tpu.memref_slice %arg8[%dma_start3A_113, %dma_start3A_114] : memref<10240x32xf32, #tpu.memory_space<vmem_shared>> -> memref<10240x32xf32, #tpu.memory_space<vmem_shared>>
      tpu.enqueue_indirect_dma source(%dma_start3A_109 : memref<128x32xf32, #tpu.memory_space<vmem>>) target(%dma_start3A_115 : memref<10240x32xf32, #tpu.memory_space<vmem_shared>>) offsets(%dma_start3A_112 : memref<128xi32, #tpu.memory_space<vmem>>) semaphore(%run_scoped3A_106 : memref<!tpu.dma_semaphore, #tpu.memory_space<semaphore_mem>>) {add = true}
      %dma_wait3A = arith.constant 128 : i32
      %dma_wait3A_116 = arith.constant 0 : i32
      %dma_wait3A_117 = tpu.memref_slice %arg7[%run_scoped3A_49, %dma_wait3A, %dma_wait3A_116] : memref<2x1024x32xf32, #tpu.memory_space<vmem>> -> memref<1x128x32xf32, #tpu.memory_space<vmem>>
      %dma_wait3A_118 = tpu.memref_squeeze %dma_wait3A_117 : memref<1x128x32xf32, #tpu.memory_space<vmem>> -> memref<128x32xf32, #tpu.memory_space<vmem>>
      %dma_wait3A_119 = arith.constant 0 : i32
      %dma_wait3A_120 = tpu.memref_slice %arg6[%run_scoped3A_50, %dma_wait3A_119] : memref<40x128xi32, #tpu.memory_space<vmem>> -> memref<1x128xi32, #tpu.memory_space<vmem>>
      %dma_wait3A_121 = tpu.memref_squeeze %dma_wait3A_120 : memref<1x128xi32, #tpu.memory_space<vmem>> -> memref<128xi32, #tpu.memory_space<vmem>>
      %dma_wait3A_122 = arith.constant 0 : i32
      %dma_wait3A_123 = arith.constant 0 : i32
      %dma_wait3A_124 = tpu.memref_slice %arg8[%dma_wait3A_122, %dma_wait3A_123] : memref<10240x32xf32, #tpu.memory_space<vmem_shared>> -> memref<10240x32xf32, #tpu.memory_space<vmem_shared>>
      tpu.wait_indirect_dma semaphore(%run_scoped3A_106 : memref<!tpu.dma_semaphore, #tpu.memory_space<semaphore_mem>>) src(%dma_wait3A_118 : memref<128x32xf32, #tpu.memory_space<vmem>>) dst(%dma_wait3A_124 : memref<10240x32xf32, #tpu.memory_space<vmem_shared>>)
      tpu.yield
    }) : () -> ()
    %run_scoped3A_51 = arith.constant 0 : i32
    %run_scoped3A_52 = arith.constant 18 : i32
    "tpu.region"() ({
      %run_scoped3A_106 = tpu.sem_alloc : memref<!tpu.dma_semaphore, #tpu.memory_space<semaphore_mem>>
      %dma_start3A = arith.constant 256 : i32
      %dma_start3A_107 = arith.constant 0 : i32
      %dma_start3A_108 = tpu.memref_slice %arg7[%run_scoped3A_51, %dma_start3A, %dma_start3A_107] : memref<2x1024x32xf32, #tpu.memory_space<vmem>> -> memref<1x128x32xf32, #tpu.memory_space<vmem>>
      %dma_start3A_109 = tpu.memref_squeeze %dma_start3A_108 : memref<1x128x32xf32, #tpu.memory_space<vmem>> -> memref<128x32xf32, #tpu.memory_space<vmem>>
      %dma_start3A_110 = arith.constant 0 : i32
      %dma_start3A_111 = tpu.memref_slice %arg6[%run_scoped3A_52, %dma_start3A_110] : memref<40x128xi32, #tpu.memory_space<vmem>> -> memref<1x128xi32, #tpu.memory_space<vmem>>
      %dma_start3A_112 = tpu.memref_squeeze %dma_start3A_111 : memref<1x128xi32, #tpu.memory_space<vmem>> -> memref<128xi32, #tpu.memory_space<vmem>>
      %dma_start3A_113 = arith.constant 0 : i32
      %dma_start3A_114 = arith.constant 0 : i32
      %dma_start3A_115 = tpu.memref_slice %arg8[%dma_start3A_113, %dma_start3A_114] : memref<10240x32xf32, #tpu.memory_space<vmem_shared>> -> memref<10240x32xf32, #tpu.memory_space<vmem_shared>>
      tpu.enqueue_indirect_dma source(%dma_start3A_109 : memref<128x32xf32, #tpu.memory_space<vmem>>) target(%dma_start3A_115 : memref<10240x32xf32, #tpu.memory_space<vmem_shared>>) offsets(%dma_start3A_112 : memref<128xi32, #tpu.memory_space<vmem>>) semaphore(%run_scoped3A_106 : memref<!tpu.dma_semaphore, #tpu.memory_space<semaphore_mem>>) {add = true}
      %dma_wait3A = arith.constant 256 : i32
      %dma_wait3A_116 = arith.constant 0 : i32
      %dma_wait3A_117 = tpu.memref_slice %arg7[%run_scoped3A_51, %dma_wait3A, %dma_wait3A_116] : memref<2x1024x32xf32, #tpu.memory_space<vmem>> -> memref<1x128x32xf32, #tpu.memory_space<vmem>>
      %dma_wait3A_118 = tpu.memref_squeeze %dma_wait3A_117 : memref<1x128x32xf32, #tpu.memory_space<vmem>> -> memref<128x32xf32, #tpu.memory_space<vmem>>
      %dma_wait3A_119 = arith.constant 0 : i32
      %dma_wait3A_120 = tpu.memref_slice %arg6[%run_scoped3A_52, %dma_wait3A_119] : memref<40x128xi32, #tpu.memory_space<vmem>> -> memref<1x128xi32, #tpu.memory_space<vmem>>
      %dma_wait3A_121 = tpu.memref_squeeze %dma_wait3A_120 : memref<1x128xi32, #tpu.memory_space<vmem>> -> memref<128xi32, #tpu.memory_space<vmem>>
      %dma_wait3A_122 = arith.constant 0 : i32
      %dma_wait3A_123 = arith.constant 0 : i32
      %dma_wait3A_124 = tpu.memref_slice %arg8[%dma_wait3A_122, %dma_wait3A_123] : memref<10240x32xf32, #tpu.memory_space<vmem_shared>> -> memref<10240x32xf32, #tpu.memory_space<vmem_shared>>
      tpu.wait_indirect_dma semaphore(%run_scoped3A_106 : memref<!tpu.dma_semaphore, #tpu.memory_space<semaphore_mem>>) src(%dma_wait3A_118 : memref<128x32xf32, #tpu.memory_space<vmem>>) dst(%dma_wait3A_124 : memref<10240x32xf32, #tpu.memory_space<vmem_shared>>)
      tpu.yield
    }) : () -> ()
    %run_scoped3A_53 = arith.constant 0 : i32
    %run_scoped3A_54 = arith.constant 19 : i32
    "tpu.region"() ({
      %run_scoped3A_106 = tpu.sem_alloc : memref<!tpu.dma_semaphore, #tpu.memory_space<semaphore_mem>>
      %dma_start3A = arith.constant 384 : i32
      %dma_start3A_107 = arith.constant 0 : i32
      %dma_start3A_108 = tpu.memref_slice %arg7[%run_scoped3A_53, %dma_start3A, %dma_start3A_107] : memref<2x1024x32xf32, #tpu.memory_space<vmem>> -> memref<1x128x32xf32, #tpu.memory_space<vmem>>
      %dma_start3A_109 = tpu.memref_squeeze %dma_start3A_108 : memref<1x128x32xf32, #tpu.memory_space<vmem>> -> memref<128x32xf32, #tpu.memory_space<vmem>>
      %dma_start3A_110 = arith.constant 0 : i32
      %dma_start3A_111 = tpu.memref_slice %arg6[%run_scoped3A_54, %dma_start3A_110] : memref<40x128xi32, #tpu.memory_space<vmem>> -> memref<1x128xi32, #tpu.memory_space<vmem>>
      %dma_start3A_112 = tpu.memref_squeeze %dma_start3A_111 : memref<1x128xi32, #tpu.memory_space<vmem>> -> memref<128xi32, #tpu.memory_space<vmem>>
      %dma_start3A_113 = arith.constant 0 : i32
      %dma_start3A_114 = arith.constant 0 : i32
      %dma_start3A_115 = tpu.memref_slice %arg8[%dma_start3A_113, %dma_start3A_114] : memref<10240x32xf32, #tpu.memory_space<vmem_shared>> -> memref<10240x32xf32, #tpu.memory_space<vmem_shared>>
      tpu.enqueue_indirect_dma source(%dma_start3A_109 : memref<128x32xf32, #tpu.memory_space<vmem>>) target(%dma_start3A_115 : memref<10240x32xf32, #tpu.memory_space<vmem_shared>>) offsets(%dma_start3A_112 : memref<128xi32, #tpu.memory_space<vmem>>) semaphore(%run_scoped3A_106 : memref<!tpu.dma_semaphore, #tpu.memory_space<semaphore_mem>>) {add = true}
      %dma_wait3A = arith.constant 384 : i32
      %dma_wait3A_116 = arith.constant 0 : i32
      %dma_wait3A_117 = tpu.memref_slice %arg7[%run_scoped3A_53, %dma_wait3A, %dma_wait3A_116] : memref<2x1024x32xf32, #tpu.memory_space<vmem>> -> memref<1x128x32xf32, #tpu.memory_space<vmem>>
      %dma_wait3A_118 = tpu.memref_squeeze %dma_wait3A_117 : memref<1x128x32xf32, #tpu.memory_space<vmem>> -> memref<128x32xf32, #tpu.memory_space<vmem>>
      %dma_wait3A_119 = arith.constant 0 : i32
      %dma_wait3A_120 = tpu.memref_slice %arg6[%run_scoped3A_54, %dma_wait3A_119] : memref<40x128xi32, #tpu.memory_space<vmem>> -> memref<1x128xi32, #tpu.memory_space<vmem>>
      %dma_wait3A_121 = tpu.memref_squeeze %dma_wait3A_120 : memref<1x128xi32, #tpu.memory_space<vmem>> -> memref<128xi32, #tpu.memory_space<vmem>>
      %dma_wait3A_122 = arith.constant 0 : i32
      %dma_wait3A_123 = arith.constant 0 : i32
      %dma_wait3A_124 = tpu.memref_slice %arg8[%dma_wait3A_122, %dma_wait3A_123] : memref<10240x32xf32, #tpu.memory_space<vmem_shared>> -> memref<10240x32xf32, #tpu.memory_space<vmem_shared>>
      tpu.wait_indirect_dma semaphore(%run_scoped3A_106 : memref<!tpu.dma_semaphore, #tpu.memory_space<semaphore_mem>>) src(%dma_wait3A_118 : memref<128x32xf32, #tpu.memory_space<vmem>>) dst(%dma_wait3A_124 : memref<10240x32xf32, #tpu.memory_space<vmem_shared>>)
      tpu.yield
    }) : () -> ()
    %run_scoped3A_55 = arith.constant 0 : i32
    %run_scoped3A_56 = arith.constant 20 : i32
    "tpu.region"() ({
      %run_scoped3A_106 = tpu.sem_alloc : memref<!tpu.dma_semaphore, #tpu.memory_space<semaphore_mem>>
      %dma_start3A = arith.constant 512 : i32
      %dma_start3A_107 = arith.constant 0 : i32
      %dma_start3A_108 = tpu.memref_slice %arg7[%run_scoped3A_55, %dma_start3A, %dma_start3A_107] : memref<2x1024x32xf32, #tpu.memory_space<vmem>> -> memref<1x128x32xf32, #tpu.memory_space<vmem>>
      %dma_start3A_109 = tpu.memref_squeeze %dma_start3A_108 : memref<1x128x32xf32, #tpu.memory_space<vmem>> -> memref<128x32xf32, #tpu.memory_space<vmem>>
      %dma_start3A_110 = arith.constant 0 : i32
      %dma_start3A_111 = tpu.memref_slice %arg6[%run_scoped3A_56, %dma_start3A_110] : memref<40x128xi32, #tpu.memory_space<vmem>> -> memref<1x128xi32, #tpu.memory_space<vmem>>
      %dma_start3A_112 = tpu.memref_squeeze %dma_start3A_111 : memref<1x128xi32, #tpu.memory_space<vmem>> -> memref<128xi32, #tpu.memory_space<vmem>>
      %dma_start3A_113 = arith.constant 0 : i32
      %dma_start3A_114 = arith.constant 0 : i32
      %dma_start3A_115 = tpu.memref_slice %arg8[%dma_start3A_113, %dma_start3A_114] : memref<10240x32xf32, #tpu.memory_space<vmem_shared>> -> memref<10240x32xf32, #tpu.memory_space<vmem_shared>>
      tpu.enqueue_indirect_dma source(%dma_start3A_109 : memref<128x32xf32, #tpu.memory_space<vmem>>) target(%dma_start3A_115 : memref<10240x32xf32, #tpu.memory_space<vmem_shared>>) offsets(%dma_start3A_112 : memref<128xi32, #tpu.memory_space<vmem>>) semaphore(%run_scoped3A_106 : memref<!tpu.dma_semaphore, #tpu.memory_space<semaphore_mem>>) {add = true}
      %dma_wait3A = arith.constant 512 : i32
      %dma_wait3A_116 = arith.constant 0 : i32
      %dma_wait3A_117 = tpu.memref_slice %arg7[%run_scoped3A_55, %dma_wait3A, %dma_wait3A_116] : memref<2x1024x32xf32, #tpu.memory_space<vmem>> -> memref<1x128x32xf32, #tpu.memory_space<vmem>>
      %dma_wait3A_118 = tpu.memref_squeeze %dma_wait3A_117 : memref<1x128x32xf32, #tpu.memory_space<vmem>> -> memref<128x32xf32, #tpu.memory_space<vmem>>
      %dma_wait3A_119 = arith.constant 0 : i32
      %dma_wait3A_120 = tpu.memref_slice %arg6[%run_scoped3A_56, %dma_wait3A_119] : memref<40x128xi32, #tpu.memory_space<vmem>> -> memref<1x128xi32, #tpu.memory_space<vmem>>
      %dma_wait3A_121 = tpu.memref_squeeze %dma_wait3A_120 : memref<1x128xi32, #tpu.memory_space<vmem>> -> memref<128xi32, #tpu.memory_space<vmem>>
      %dma_wait3A_122 = arith.constant 0 : i32
      %dma_wait3A_123 = arith.constant 0 : i32
      %dma_wait3A_124 = tpu.memref_slice %arg8[%dma_wait3A_122, %dma_wait3A_123] : memref<10240x32xf32, #tpu.memory_space<vmem_shared>> -> memref<10240x32xf32, #tpu.memory_space<vmem_shared>>
      tpu.wait_indirect_dma semaphore(%run_scoped3A_106 : memref<!tpu.dma_semaphore, #tpu.memory_space<semaphore_mem>>) src(%dma_wait3A_118 : memref<128x32xf32, #tpu.memory_space<vmem>>) dst(%dma_wait3A_124 : memref<10240x32xf32, #tpu.memory_space<vmem_shared>>)
      tpu.yield
    }) : () -> ()
    %run_scoped3A_57 = arith.constant 0 : i32
    %run_scoped3A_58 = arith.constant 21 : i32
    "tpu.region"() ({
      %run_scoped3A_106 = tpu.sem_alloc : memref<!tpu.dma_semaphore, #tpu.memory_space<semaphore_mem>>
      %dma_start3A = arith.constant 640 : i32
      %dma_start3A_107 = arith.constant 0 : i32
      %dma_start3A_108 = tpu.memref_slice %arg7[%run_scoped3A_57, %dma_start3A, %dma_start3A_107] : memref<2x1024x32xf32, #tpu.memory_space<vmem>> -> memref<1x128x32xf32, #tpu.memory_space<vmem>>
      %dma_start3A_109 = tpu.memref_squeeze %dma_start3A_108 : memref<1x128x32xf32, #tpu.memory_space<vmem>> -> memref<128x32xf32, #tpu.memory_space<vmem>>
      %dma_start3A_110 = arith.constant 0 : i32
      %dma_start3A_111 = tpu.memref_slice %arg6[%run_scoped3A_58, %dma_start3A_110] : memref<40x128xi32, #tpu.memory_space<vmem>> -> memref<1x128xi32, #tpu.memory_space<vmem>>
      %dma_start3A_112 = tpu.memref_squeeze %dma_start3A_111 : memref<1x128xi32, #tpu.memory_space<vmem>> -> memref<128xi32, #tpu.memory_space<vmem>>
      %dma_start3A_113 = arith.constant 0 : i32
      %dma_start3A_114 = arith.constant 0 : i32
      %dma_start3A_115 = tpu.memref_slice %arg8[%dma_start3A_113, %dma_start3A_114] : memref<10240x32xf32, #tpu.memory_space<vmem_shared>> -> memref<10240x32xf32, #tpu.memory_space<vmem_shared>>
      tpu.enqueue_indirect_dma source(%dma_start3A_109 : memref<128x32xf32, #tpu.memory_space<vmem>>) target(%dma_start3A_115 : memref<10240x32xf32, #tpu.memory_space<vmem_shared>>) offsets(%dma_start3A_112 : memref<128xi32, #tpu.memory_space<vmem>>) semaphore(%run_scoped3A_106 : memref<!tpu.dma_semaphore, #tpu.memory_space<semaphore_mem>>) {add = true}
      %dma_wait3A = arith.constant 640 : i32
      %dma_wait3A_116 = arith.constant 0 : i32
      %dma_wait3A_117 = tpu.memref_slice %arg7[%run_scoped3A_57, %dma_wait3A, %dma_wait3A_116] : memref<2x1024x32xf32, #tpu.memory_space<vmem>> -> memref<1x128x32xf32, #tpu.memory_space<vmem>>
      %dma_wait3A_118 = tpu.memref_squeeze %dma_wait3A_117 : memref<1x128x32xf32, #tpu.memory_space<vmem>> -> memref<128x32xf32, #tpu.memory_space<vmem>>
      %dma_wait3A_119 = arith.constant 0 : i32
      %dma_wait3A_120 = tpu.memref_slice %arg6[%run_scoped3A_58, %dma_wait3A_119] : memref<40x128xi32, #tpu.memory_space<vmem>> -> memref<1x128xi32, #tpu.memory_space<vmem>>
      %dma_wait3A_121 = tpu.memref_squeeze %dma_wait3A_120 : memref<1x128xi32, #tpu.memory_space<vmem>> -> memref<128xi32, #tpu.memory_space<vmem>>
      %dma_wait3A_122 = arith.constant 0 : i32
      %dma_wait3A_123 = arith.constant 0 : i32
      %dma_wait3A_124 = tpu.memref_slice %arg8[%dma_wait3A_122, %dma_wait3A_123] : memref<10240x32xf32, #tpu.memory_space<vmem_shared>> -> memref<10240x32xf32, #tpu.memory_space<vmem_shared>>
      tpu.wait_indirect_dma semaphore(%run_scoped3A_106 : memref<!tpu.dma_semaphore, #tpu.memory_space<semaphore_mem>>) src(%dma_wait3A_118 : memref<128x32xf32, #tpu.memory_space<vmem>>) dst(%dma_wait3A_124 : memref<10240x32xf32, #tpu.memory_space<vmem_shared>>)
      tpu.yield
    }) : () -> ()
    %run_scoped3A_59 = arith.constant 0 : i32
    %run_scoped3A_60 = arith.constant 22 : i32
    "tpu.region"() ({
      %run_scoped3A_106 = tpu.sem_alloc : memref<!tpu.dma_semaphore, #tpu.memory_space<semaphore_mem>>
      %dma_start3A = arith.constant 768 : i32
      %dma_start3A_107 = arith.constant 0 : i32
      %dma_start3A_108 = tpu.memref_slice %arg7[%run_scoped3A_59, %dma_start3A, %dma_start3A_107] : memref<2x1024x32xf32, #tpu.memory_space<vmem>> -> memref<1x128x32xf32, #tpu.memory_space<vmem>>
      %dma_start3A_109 = tpu.memref_squeeze %dma_start3A_108 : memref<1x128x32xf32, #tpu.memory_space<vmem>> -> memref<128x32xf32, #tpu.memory_space<vmem>>
      %dma_start3A_110 = arith.constant 0 : i32
      %dma_start3A_111 = tpu.memref_slice %arg6[%run_scoped3A_60, %dma_start3A_110] : memref<40x128xi32, #tpu.memory_space<vmem>> -> memref<1x128xi32, #tpu.memory_space<vmem>>
      %dma_start3A_112 = tpu.memref_squeeze %dma_start3A_111 : memref<1x128xi32, #tpu.memory_space<vmem>> -> memref<128xi32, #tpu.memory_space<vmem>>
      %dma_start3A_113 = arith.constant 0 : i32
      %dma_start3A_114 = arith.constant 0 : i32
      %dma_start3A_115 = tpu.memref_slice %arg8[%dma_start3A_113, %dma_start3A_114] : memref<10240x32xf32, #tpu.memory_space<vmem_shared>> -> memref<10240x32xf32, #tpu.memory_space<vmem_shared>>
      tpu.enqueue_indirect_dma source(%dma_start3A_109 : memref<128x32xf32, #tpu.memory_space<vmem>>) target(%dma_start3A_115 : memref<10240x32xf32, #tpu.memory_space<vmem_shared>>) offsets(%dma_start3A_112 : memref<128xi32, #tpu.memory_space<vmem>>) semaphore(%run_scoped3A_106 : memref<!tpu.dma_semaphore, #tpu.memory_space<semaphore_mem>>) {add = true}
      %dma_wait3A = arith.constant 768 : i32
      %dma_wait3A_116 = arith.constant 0 : i32
      %dma_wait3A_117 = tpu.memref_slice %arg7[%run_scoped3A_59, %dma_wait3A, %dma_wait3A_116] : memref<2x1024x32xf32, #tpu.memory_space<vmem>> -> memref<1x128x32xf32, #tpu.memory_space<vmem>>
      %dma_wait3A_118 = tpu.memref_squeeze %dma_wait3A_117 : memref<1x128x32xf32, #tpu.memory_space<vmem>> -> memref<128x32xf32, #tpu.memory_space<vmem>>
      %dma_wait3A_119 = arith.constant 0 : i32
      %dma_wait3A_120 = tpu.memref_slice %arg6[%run_scoped3A_60, %dma_wait3A_119] : memref<40x128xi32, #tpu.memory_space<vmem>> -> memref<1x128xi32, #tpu.memory_space<vmem>>
      %dma_wait3A_121 = tpu.memref_squeeze %dma_wait3A_120 : memref<1x128xi32, #tpu.memory_space<vmem>> -> memref<128xi32, #tpu.memory_space<vmem>>
      %dma_wait3A_122 = arith.constant 0 : i32
      %dma_wait3A_123 = arith.constant 0 : i32
      %dma_wait3A_124 = tpu.memref_slice %arg8[%dma_wait3A_122, %dma_wait3A_123] : memref<10240x32xf32, #tpu.memory_space<vmem_shared>> -> memref<10240x32xf32, #tpu.memory_space<vmem_shared>>
      tpu.wait_indirect_dma semaphore(%run_scoped3A_106 : memref<!tpu.dma_semaphore, #tpu.memory_space<semaphore_mem>>) src(%dma_wait3A_118 : memref<128x32xf32, #tpu.memory_space<vmem>>) dst(%dma_wait3A_124 : memref<10240x32xf32, #tpu.memory_space<vmem_shared>>)
      tpu.yield
    }) : () -> ()
    %run_scoped3A_61 = arith.constant 0 : i32
    %run_scoped3A_62 = arith.constant 23 : i32
    "tpu.region"() ({
      %run_scoped3A_106 = tpu.sem_alloc : memref<!tpu.dma_semaphore, #tpu.memory_space<semaphore_mem>>
      %dma_start3A = arith.constant 896 : i32
      %dma_start3A_107 = arith.constant 0 : i32
      %dma_start3A_108 = tpu.memref_slice %arg7[%run_scoped3A_61, %dma_start3A, %dma_start3A_107] : memref<2x1024x32xf32, #tpu.memory_space<vmem>> -> memref<1x128x32xf32, #tpu.memory_space<vmem>>
      %dma_start3A_109 = tpu.memref_squeeze %dma_start3A_108 : memref<1x128x32xf32, #tpu.memory_space<vmem>> -> memref<128x32xf32, #tpu.memory_space<vmem>>
      %dma_start3A_110 = arith.constant 0 : i32
      %dma_start3A_111 = tpu.memref_slice %arg6[%run_scoped3A_62, %dma_start3A_110] : memref<40x128xi32, #tpu.memory_space<vmem>> -> memref<1x128xi32, #tpu.memory_space<vmem>>
      %dma_start3A_112 = tpu.memref_squeeze %dma_start3A_111 : memref<1x128xi32, #tpu.memory_space<vmem>> -> memref<128xi32, #tpu.memory_space<vmem>>
      %dma_start3A_113 = arith.constant 0 : i32
      %dma_start3A_114 = arith.constant 0 : i32
      %dma_start3A_115 = tpu.memref_slice %arg8[%dma_start3A_113, %dma_start3A_114] : memref<10240x32xf32, #tpu.memory_space<vmem_shared>> -> memref<10240x32xf32, #tpu.memory_space<vmem_shared>>
      tpu.enqueue_indirect_dma source(%dma_start3A_109 : memref<128x32xf32, #tpu.memory_space<vmem>>) target(%dma_start3A_115 : memref<10240x32xf32, #tpu.memory_space<vmem_shared>>) offsets(%dma_start3A_112 : memref<128xi32, #tpu.memory_space<vmem>>) semaphore(%run_scoped3A_106 : memref<!tpu.dma_semaphore, #tpu.memory_space<semaphore_mem>>) {add = true}
      %dma_wait3A = arith.constant 896 : i32
      %dma_wait3A_116 = arith.constant 0 : i32
      %dma_wait3A_117 = tpu.memref_slice %arg7[%run_scoped3A_61, %dma_wait3A, %dma_wait3A_116] : memref<2x1024x32xf32, #tpu.memory_space<vmem>> -> memref<1x128x32xf32, #tpu.memory_space<vmem>>
      %dma_wait3A_118 = tpu.memref_squeeze %dma_wait3A_117 : memref<1x128x32xf32, #tpu.memory_space<vmem>> -> memref<128x32xf32, #tpu.memory_space<vmem>>
      %dma_wait3A_119 = arith.constant 0 : i32
      %dma_wait3A_120 = tpu.memref_slice %arg6[%run_scoped3A_62, %dma_wait3A_119] : memref<40x128xi32, #tpu.memory_space<vmem>> -> memref<1x128xi32, #tpu.memory_space<vmem>>
      %dma_wait3A_121 = tpu.memref_squeeze %dma_wait3A_120 : memref<1x128xi32, #tpu.memory_space<vmem>> -> memref<128xi32, #tpu.memory_space<vmem>>
      %dma_wait3A_122 = arith.constant 0 : i32
      %dma_wait3A_123 = arith.constant 0 : i32
      %dma_wait3A_124 = tpu.memref_slice %arg8[%dma_wait3A_122, %dma_wait3A_123] : memref<10240x32xf32, #tpu.memory_space<vmem_shared>> -> memref<10240x32xf32, #tpu.memory_space<vmem_shared>>
      tpu.wait_indirect_dma semaphore(%run_scoped3A_106 : memref<!tpu.dma_semaphore, #tpu.memory_space<semaphore_mem>>) src(%dma_wait3A_118 : memref<128x32xf32, #tpu.memory_space<vmem>>) dst(%dma_wait3A_124 : memref<10240x32xf32, #tpu.memory_space<vmem_shared>>)
      tpu.yield
    }) : () -> ()
    %add3A_63 = arith.constant 3072 : i32
    %add3A_64 = arith.addi %mul3A_6, %add3A_63 : i32
    %run_scoped3A_65 = arith.constant 1 : i32
    "tpu.region"() ({
      %run_scoped3A_106 = tpu.sem_alloc : memref<!tpu.dma_semaphore, #tpu.memory_space<semaphore_mem>>
      %dma_start3A = arith.constant 0 : i32
      %dma_start3A_107 = arith.constant 0 : i32
      %dma_start3A_108 = tpu.memref_slice %arg7[%run_scoped3A_65, %dma_start3A, %dma_start3A_107] : memref<2x1024x32xf32, #tpu.memory_space<vmem>> -> memref<1x1024x32xf32, #tpu.memory_space<vmem>>
      %dma_start3A_109 = tpu.memref_squeeze %dma_start3A_108 : memref<1x1024x32xf32, #tpu.memory_space<vmem>> -> memref<1024x32xf32, #tpu.memory_space<vmem>>
      %dma_start3A_110 = arith.constant 0 : i32
      %dma_start3A_111 = tpu.memref_slice %arg2[%add3A_64, %dma_start3A_110] : memref<163840x32xf32, #tpu.memory_space<hbm>> -> memref<1024x32xf32, #tpu.memory_space<hbm>>
      %dma_start3A_112 = arith.constant 0 : i32
      %dma_start3A_113 = arith.constant 0 : i32
      %dma_start3A_114 = tpu.memref_slice %arg7[%run_scoped3A_65, %dma_start3A_112, %dma_start3A_113] : memref<2x1024x32xf32, #tpu.memory_space<vmem>> -> memref<1x1024x32xf32, #tpu.memory_space<vmem>>
      %dma_start3A_115 = tpu.memref_squeeze %dma_start3A_114 : memref<1x1024x32xf32, #tpu.memory_space<vmem>> -> memref<1024x32xf32, #tpu.memory_space<vmem>>
      %dma_start3A_116 = arith.constant 0 : i32
      %dma_start3A_117 = tpu.memref_slice %arg2[%add3A_64, %dma_start3A_116] : memref<163840x32xf32, #tpu.memory_space<hbm>> -> memref<1024x32xf32, #tpu.memory_space<hbm>>
      tpu.enqueue_dma source(%dma_start3A_117 : memref<1024x32xf32, #tpu.memory_space<hbm>>) target(%dma_start3A_115 : memref<1024x32xf32, #tpu.memory_space<vmem>>) target_semaphore(%run_scoped3A_106 : memref<!tpu.dma_semaphore, #tpu.memory_space<semaphore_mem>>)
      %dma_wait3A = arith.constant 0 : i32
      %dma_wait3A_118 = arith.constant 0 : i32
      %dma_wait3A_119 = tpu.memref_slice %arg7[%run_scoped3A_65, %dma_wait3A, %dma_wait3A_118] : memref<2x1024x32xf32, #tpu.memory_space<vmem>> -> memref<1x1024x32xf32, #tpu.memory_space<vmem>>
      %dma_wait3A_120 = tpu.memref_squeeze %dma_wait3A_119 : memref<1x1024x32xf32, #tpu.memory_space<vmem>> -> memref<1024x32xf32, #tpu.memory_space<vmem>>
      %dma_wait3A_121 = arith.constant 0 : i32
      %dma_wait3A_122 = tpu.memref_slice %arg2[%add3A_64, %dma_wait3A_121] : memref<163840x32xf32, #tpu.memory_space<hbm>> -> memref<1024x32xf32, #tpu.memory_space<hbm>>
      %dma_wait3A_123 = arith.constant 0 : i32
      %dma_wait3A_124 = arith.constant 0 : i32
      %dma_wait3A_125 = tpu.memref_slice %arg7[%run_scoped3A_65, %dma_wait3A_123, %dma_wait3A_124] : memref<2x1024x32xf32, #tpu.memory_space<vmem>> -> memref<1x1024x32xf32, #tpu.memory_space<vmem>>
      %dma_wait3A_126 = tpu.memref_squeeze %dma_wait3A_125 : memref<1x1024x32xf32, #tpu.memory_space<vmem>> -> memref<1024x32xf32, #tpu.memory_space<vmem>>
      %dma_wait3A_127 = arith.constant 0 : i32
      %dma_wait3A_128 = tpu.memref_slice %arg2[%add3A_64, %dma_wait3A_127] : memref<163840x32xf32, #tpu.memory_space<hbm>> -> memref<1024x32xf32, #tpu.memory_space<hbm>>
      tpu.wait_dma2 semaphore(%run_scoped3A_106 : memref<!tpu.dma_semaphore, #tpu.memory_space<semaphore_mem>>) src(%dma_wait3A_128 : memref<1024x32xf32, #tpu.memory_space<hbm>>) dst(%dma_wait3A_126 : memref<1024x32xf32, #tpu.memory_space<vmem>>)
      tpu.yield
    }) : () -> ()
    %run_scoped3A_66 = arith.constant 1 : i32
    %run_scoped3A_67 = arith.constant 24 : i32
    "tpu.region"() ({
      %run_scoped3A_106 = tpu.sem_alloc : memref<!tpu.dma_semaphore, #tpu.memory_space<semaphore_mem>>
      %dma_start3A = arith.constant 0 : i32
      %dma_start3A_107 = arith.constant 0 : i32
      %dma_start3A_108 = tpu.memref_slice %arg7[%run_scoped3A_66, %dma_start3A, %dma_start3A_107] : memref<2x1024x32xf32, #tpu.memory_space<vmem>> -> memref<1x128x32xf32, #tpu.memory_space<vmem>>
      %dma_start3A_109 = tpu.memref_squeeze %dma_start3A_108 : memref<1x128x32xf32, #tpu.memory_space<vmem>> -> memref<128x32xf32, #tpu.memory_space<vmem>>
      %dma_start3A_110 = arith.constant 0 : i32
      %dma_start3A_111 = tpu.memref_slice %arg6[%run_scoped3A_67, %dma_start3A_110] : memref<40x128xi32, #tpu.memory_space<vmem>> -> memref<1x128xi32, #tpu.memory_space<vmem>>
      %dma_start3A_112 = tpu.memref_squeeze %dma_start3A_111 : memref<1x128xi32, #tpu.memory_space<vmem>> -> memref<128xi32, #tpu.memory_space<vmem>>
      %dma_start3A_113 = arith.constant 0 : i32
      %dma_start3A_114 = arith.constant 0 : i32
      %dma_start3A_115 = tpu.memref_slice %arg8[%dma_start3A_113, %dma_start3A_114] : memref<10240x32xf32, #tpu.memory_space<vmem_shared>> -> memref<10240x32xf32, #tpu.memory_space<vmem_shared>>
      tpu.enqueue_indirect_dma source(%dma_start3A_109 : memref<128x32xf32, #tpu.memory_space<vmem>>) target(%dma_start3A_115 : memref<10240x32xf32, #tpu.memory_space<vmem_shared>>) offsets(%dma_start3A_112 : memref<128xi32, #tpu.memory_space<vmem>>) semaphore(%run_scoped3A_106 : memref<!tpu.dma_semaphore, #tpu.memory_space<semaphore_mem>>) {add = true}
      %dma_wait3A = arith.constant 0 : i32
      %dma_wait3A_116 = arith.constant 0 : i32
      %dma_wait3A_117 = tpu.memref_slice %arg7[%run_scoped3A_66, %dma_wait3A, %dma_wait3A_116] : memref<2x1024x32xf32, #tpu.memory_space<vmem>> -> memref<1x128x32xf32, #tpu.memory_space<vmem>>
      %dma_wait3A_118 = tpu.memref_squeeze %dma_wait3A_117 : memref<1x128x32xf32, #tpu.memory_space<vmem>> -> memref<128x32xf32, #tpu.memory_space<vmem>>
      %dma_wait3A_119 = arith.constant 0 : i32
      %dma_wait3A_120 = tpu.memref_slice %arg6[%run_scoped3A_67, %dma_wait3A_119] : memref<40x128xi32, #tpu.memory_space<vmem>> -> memref<1x128xi32, #tpu.memory_space<vmem>>
      %dma_wait3A_121 = tpu.memref_squeeze %dma_wait3A_120 : memref<1x128xi32, #tpu.memory_space<vmem>> -> memref<128xi32, #tpu.memory_space<vmem>>
      %dma_wait3A_122 = arith.constant 0 : i32
      %dma_wait3A_123 = arith.constant 0 : i32
      %dma_wait3A_124 = tpu.memref_slice %arg8[%dma_wait3A_122, %dma_wait3A_123] : memref<10240x32xf32, #tpu.memory_space<vmem_shared>> -> memref<10240x32xf32, #tpu.memory_space<vmem_shared>>
      tpu.wait_indirect_dma semaphore(%run_scoped3A_106 : memref<!tpu.dma_semaphore, #tpu.memory_space<semaphore_mem>>) src(%dma_wait3A_118 : memref<128x32xf32, #tpu.memory_space<vmem>>) dst(%dma_wait3A_124 : memref<10240x32xf32, #tpu.memory_space<vmem_shared>>)
      tpu.yield
    }) : () -> ()
    %run_scoped3A_68 = arith.constant 1 : i32
    %run_scoped3A_69 = arith.constant 25 : i32
    "tpu.region"() ({
      %run_scoped3A_106 = tpu.sem_alloc : memref<!tpu.dma_semaphore, #tpu.memory_space<semaphore_mem>>
      %dma_start3A = arith.constant 128 : i32
      %dma_start3A_107 = arith.constant 0 : i32
      %dma_start3A_108 = tpu.memref_slice %arg7[%run_scoped3A_68, %dma_start3A, %dma_start3A_107] : memref<2x1024x32xf32, #tpu.memory_space<vmem>> -> memref<1x128x32xf32, #tpu.memory_space<vmem>>
      %dma_start3A_109 = tpu.memref_squeeze %dma_start3A_108 : memref<1x128x32xf32, #tpu.memory_space<vmem>> -> memref<128x32xf32, #tpu.memory_space<vmem>>
      %dma_start3A_110 = arith.constant 0 : i32
      %dma_start3A_111 = tpu.memref_slice %arg6[%run_scoped3A_69, %dma_start3A_110] : memref<40x128xi32, #tpu.memory_space<vmem>> -> memref<1x128xi32, #tpu.memory_space<vmem>>
      %dma_start3A_112 = tpu.memref_squeeze %dma_start3A_111 : memref<1x128xi32, #tpu.memory_space<vmem>> -> memref<128xi32, #tpu.memory_space<vmem>>
      %dma_start3A_113 = arith.constant 0 : i32
      %dma_start3A_114 = arith.constant 0 : i32
      %dma_start3A_115 = tpu.memref_slice %arg8[%dma_start3A_113, %dma_start3A_114] : memref<10240x32xf32, #tpu.memory_space<vmem_shared>> -> memref<10240x32xf32, #tpu.memory_space<vmem_shared>>
      tpu.enqueue_indirect_dma source(%dma_start3A_109 : memref<128x32xf32, #tpu.memory_space<vmem>>) target(%dma_start3A_115 : memref<10240x32xf32, #tpu.memory_space<vmem_shared>>) offsets(%dma_start3A_112 : memref<128xi32, #tpu.memory_space<vmem>>) semaphore(%run_scoped3A_106 : memref<!tpu.dma_semaphore, #tpu.memory_space<semaphore_mem>>) {add = true}
      %dma_wait3A = arith.constant 128 : i32
      %dma_wait3A_116 = arith.constant 0 : i32
      %dma_wait3A_117 = tpu.memref_slice %arg7[%run_scoped3A_68, %dma_wait3A, %dma_wait3A_116] : memref<2x1024x32xf32, #tpu.memory_space<vmem>> -> memref<1x128x32xf32, #tpu.memory_space<vmem>>
      %dma_wait3A_118 = tpu.memref_squeeze %dma_wait3A_117 : memref<1x128x32xf32, #tpu.memory_space<vmem>> -> memref<128x32xf32, #tpu.memory_space<vmem>>
      %dma_wait3A_119 = arith.constant 0 : i32
      %dma_wait3A_120 = tpu.memref_slice %arg6[%run_scoped3A_69, %dma_wait3A_119] : memref<40x128xi32, #tpu.memory_space<vmem>> -> memref<1x128xi32, #tpu.memory_space<vmem>>
      %dma_wait3A_121 = tpu.memref_squeeze %dma_wait3A_120 : memref<1x128xi32, #tpu.memory_space<vmem>> -> memref<128xi32, #tpu.memory_space<vmem>>
      %dma_wait3A_122 = arith.constant 0 : i32
      %dma_wait3A_123 = arith.constant 0 : i32
      %dma_wait3A_124 = tpu.memref_slice %arg8[%dma_wait3A_122, %dma_wait3A_123] : memref<10240x32xf32, #tpu.memory_space<vmem_shared>> -> memref<10240x32xf32, #tpu.memory_space<vmem_shared>>
      tpu.wait_indirect_dma semaphore(%run_scoped3A_106 : memref<!tpu.dma_semaphore, #tpu.memory_space<semaphore_mem>>) src(%dma_wait3A_118 : memref<128x32xf32, #tpu.memory_space<vmem>>) dst(%dma_wait3A_124 : memref<10240x32xf32, #tpu.memory_space<vmem_shared>>)
      tpu.yield
    }) : () -> ()
    %run_scoped3A_70 = arith.constant 1 : i32
    %run_scoped3A_71 = arith.constant 26 : i32
    "tpu.region"() ({
      %run_scoped3A_106 = tpu.sem_alloc : memref<!tpu.dma_semaphore, #tpu.memory_space<semaphore_mem>>
      %dma_start3A = arith.constant 256 : i32
      %dma_start3A_107 = arith.constant 0 : i32
      %dma_start3A_108 = tpu.memref_slice %arg7[%run_scoped3A_70, %dma_start3A, %dma_start3A_107] : memref<2x1024x32xf32, #tpu.memory_space<vmem>> -> memref<1x128x32xf32, #tpu.memory_space<vmem>>
      %dma_start3A_109 = tpu.memref_squeeze %dma_start3A_108 : memref<1x128x32xf32, #tpu.memory_space<vmem>> -> memref<128x32xf32, #tpu.memory_space<vmem>>
      %dma_start3A_110 = arith.constant 0 : i32
      %dma_start3A_111 = tpu.memref_slice %arg6[%run_scoped3A_71, %dma_start3A_110] : memref<40x128xi32, #tpu.memory_space<vmem>> -> memref<1x128xi32, #tpu.memory_space<vmem>>
      %dma_start3A_112 = tpu.memref_squeeze %dma_start3A_111 : memref<1x128xi32, #tpu.memory_space<vmem>> -> memref<128xi32, #tpu.memory_space<vmem>>
      %dma_start3A_113 = arith.constant 0 : i32
      %dma_start3A_114 = arith.constant 0 : i32
      %dma_start3A_115 = tpu.memref_slice %arg8[%dma_start3A_113, %dma_start3A_114] : memref<10240x32xf32, #tpu.memory_space<vmem_shared>> -> memref<10240x32xf32, #tpu.memory_space<vmem_shared>>
      tpu.enqueue_indirect_dma source(%dma_start3A_109 : memref<128x32xf32, #tpu.memory_space<vmem>>) target(%dma_start3A_115 : memref<10240x32xf32, #tpu.memory_space<vmem_shared>>) offsets(%dma_start3A_112 : memref<128xi32, #tpu.memory_space<vmem>>) semaphore(%run_scoped3A_106 : memref<!tpu.dma_semaphore, #tpu.memory_space<semaphore_mem>>) {add = true}
      %dma_wait3A = arith.constant 256 : i32
      %dma_wait3A_116 = arith.constant 0 : i32
      %dma_wait3A_117 = tpu.memref_slice %arg7[%run_scoped3A_70, %dma_wait3A, %dma_wait3A_116] : memref<2x1024x32xf32, #tpu.memory_space<vmem>> -> memref<1x128x32xf32, #tpu.memory_space<vmem>>
      %dma_wait3A_118 = tpu.memref_squeeze %dma_wait3A_117 : memref<1x128x32xf32, #tpu.memory_space<vmem>> -> memref<128x32xf32, #tpu.memory_space<vmem>>
      %dma_wait3A_119 = arith.constant 0 : i32
      %dma_wait3A_120 = tpu.memref_slice %arg6[%run_scoped3A_71, %dma_wait3A_119] : memref<40x128xi32, #tpu.memory_space<vmem>> -> memref<1x128xi32, #tpu.memory_space<vmem>>
      %dma_wait3A_121 = tpu.memref_squeeze %dma_wait3A_120 : memref<1x128xi32, #tpu.memory_space<vmem>> -> memref<128xi32, #tpu.memory_space<vmem>>
      %dma_wait3A_122 = arith.constant 0 : i32
      %dma_wait3A_123 = arith.constant 0 : i32
      %dma_wait3A_124 = tpu.memref_slice %arg8[%dma_wait3A_122, %dma_wait3A_123] : memref<10240x32xf32, #tpu.memory_space<vmem_shared>> -> memref<10240x32xf32, #tpu.memory_space<vmem_shared>>
      tpu.wait_indirect_dma semaphore(%run_scoped3A_106 : memref<!tpu.dma_semaphore, #tpu.memory_space<semaphore_mem>>) src(%dma_wait3A_118 : memref<128x32xf32, #tpu.memory_space<vmem>>) dst(%dma_wait3A_124 : memref<10240x32xf32, #tpu.memory_space<vmem_shared>>)
      tpu.yield
    }) : () -> ()
    %run_scoped3A_72 = arith.constant 1 : i32
    %run_scoped3A_73 = arith.constant 27 : i32
    "tpu.region"() ({
      %run_scoped3A_106 = tpu.sem_alloc : memref<!tpu.dma_semaphore, #tpu.memory_space<semaphore_mem>>
      %dma_start3A = arith.constant 384 : i32
      %dma_start3A_107 = arith.constant 0 : i32
      %dma_start3A_108 = tpu.memref_slice %arg7[%run_scoped3A_72, %dma_start3A, %dma_start3A_107] : memref<2x1024x32xf32, #tpu.memory_space<vmem>> -> memref<1x128x32xf32, #tpu.memory_space<vmem>>
      %dma_start3A_109 = tpu.memref_squeeze %dma_start3A_108 : memref<1x128x32xf32, #tpu.memory_space<vmem>> -> memref<128x32xf32, #tpu.memory_space<vmem>>
      %dma_start3A_110 = arith.constant 0 : i32
      %dma_start3A_111 = tpu.memref_slice %arg6[%run_scoped3A_73, %dma_start3A_110] : memref<40x128xi32, #tpu.memory_space<vmem>> -> memref<1x128xi32, #tpu.memory_space<vmem>>
      %dma_start3A_112 = tpu.memref_squeeze %dma_start3A_111 : memref<1x128xi32, #tpu.memory_space<vmem>> -> memref<128xi32, #tpu.memory_space<vmem>>
      %dma_start3A_113 = arith.constant 0 : i32
      %dma_start3A_114 = arith.constant 0 : i32
      %dma_start3A_115 = tpu.memref_slice %arg8[%dma_start3A_113, %dma_start3A_114] : memref<10240x32xf32, #tpu.memory_space<vmem_shared>> -> memref<10240x32xf32, #tpu.memory_space<vmem_shared>>
      tpu.enqueue_indirect_dma source(%dma_start3A_109 : memref<128x32xf32, #tpu.memory_space<vmem>>) target(%dma_start3A_115 : memref<10240x32xf32, #tpu.memory_space<vmem_shared>>) offsets(%dma_start3A_112 : memref<128xi32, #tpu.memory_space<vmem>>) semaphore(%run_scoped3A_106 : memref<!tpu.dma_semaphore, #tpu.memory_space<semaphore_mem>>) {add = true}
      %dma_wait3A = arith.constant 384 : i32
      %dma_wait3A_116 = arith.constant 0 : i32
      %dma_wait3A_117 = tpu.memref_slice %arg7[%run_scoped3A_72, %dma_wait3A, %dma_wait3A_116] : memref<2x1024x32xf32, #tpu.memory_space<vmem>> -> memref<1x128x32xf32, #tpu.memory_space<vmem>>
      %dma_wait3A_118 = tpu.memref_squeeze %dma_wait3A_117 : memref<1x128x32xf32, #tpu.memory_space<vmem>> -> memref<128x32xf32, #tpu.memory_space<vmem>>
      %dma_wait3A_119 = arith.constant 0 : i32
      %dma_wait3A_120 = tpu.memref_slice %arg6[%run_scoped3A_73, %dma_wait3A_119] : memref<40x128xi32, #tpu.memory_space<vmem>> -> memref<1x128xi32, #tpu.memory_space<vmem>>
      %dma_wait3A_121 = tpu.memref_squeeze %dma_wait3A_120 : memref<1x128xi32, #tpu.memory_space<vmem>> -> memref<128xi32, #tpu.memory_space<vmem>>
      %dma_wait3A_122 = arith.constant 0 : i32
      %dma_wait3A_123 = arith.constant 0 : i32
      %dma_wait3A_124 = tpu.memref_slice %arg8[%dma_wait3A_122, %dma_wait3A_123] : memref<10240x32xf32, #tpu.memory_space<vmem_shared>> -> memref<10240x32xf32, #tpu.memory_space<vmem_shared>>
      tpu.wait_indirect_dma semaphore(%run_scoped3A_106 : memref<!tpu.dma_semaphore, #tpu.memory_space<semaphore_mem>>) src(%dma_wait3A_118 : memref<128x32xf32, #tpu.memory_space<vmem>>) dst(%dma_wait3A_124 : memref<10240x32xf32, #tpu.memory_space<vmem_shared>>)
      tpu.yield
    }) : () -> ()
    %run_scoped3A_74 = arith.constant 1 : i32
    %run_scoped3A_75 = arith.constant 28 : i32
    "tpu.region"() ({
      %run_scoped3A_106 = tpu.sem_alloc : memref<!tpu.dma_semaphore, #tpu.memory_space<semaphore_mem>>
      %dma_start3A = arith.constant 512 : i32
      %dma_start3A_107 = arith.constant 0 : i32
      %dma_start3A_108 = tpu.memref_slice %arg7[%run_scoped3A_74, %dma_start3A, %dma_start3A_107] : memref<2x1024x32xf32, #tpu.memory_space<vmem>> -> memref<1x128x32xf32, #tpu.memory_space<vmem>>
      %dma_start3A_109 = tpu.memref_squeeze %dma_start3A_108 : memref<1x128x32xf32, #tpu.memory_space<vmem>> -> memref<128x32xf32, #tpu.memory_space<vmem>>
      %dma_start3A_110 = arith.constant 0 : i32
      %dma_start3A_111 = tpu.memref_slice %arg6[%run_scoped3A_75, %dma_start3A_110] : memref<40x128xi32, #tpu.memory_space<vmem>> -> memref<1x128xi32, #tpu.memory_space<vmem>>
      %dma_start3A_112 = tpu.memref_squeeze %dma_start3A_111 : memref<1x128xi32, #tpu.memory_space<vmem>> -> memref<128xi32, #tpu.memory_space<vmem>>
      %dma_start3A_113 = arith.constant 0 : i32
      %dma_start3A_114 = arith.constant 0 : i32
      %dma_start3A_115 = tpu.memref_slice %arg8[%dma_start3A_113, %dma_start3A_114] : memref<10240x32xf32, #tpu.memory_space<vmem_shared>> -> memref<10240x32xf32, #tpu.memory_space<vmem_shared>>
      tpu.enqueue_indirect_dma source(%dma_start3A_109 : memref<128x32xf32, #tpu.memory_space<vmem>>) target(%dma_start3A_115 : memref<10240x32xf32, #tpu.memory_space<vmem_shared>>) offsets(%dma_start3A_112 : memref<128xi32, #tpu.memory_space<vmem>>) semaphore(%run_scoped3A_106 : memref<!tpu.dma_semaphore, #tpu.memory_space<semaphore_mem>>) {add = true}
      %dma_wait3A = arith.constant 512 : i32
      %dma_wait3A_116 = arith.constant 0 : i32
      %dma_wait3A_117 = tpu.memref_slice %arg7[%run_scoped3A_74, %dma_wait3A, %dma_wait3A_116] : memref<2x1024x32xf32, #tpu.memory_space<vmem>> -> memref<1x128x32xf32, #tpu.memory_space<vmem>>
      %dma_wait3A_118 = tpu.memref_squeeze %dma_wait3A_117 : memref<1x128x32xf32, #tpu.memory_space<vmem>> -> memref<128x32xf32, #tpu.memory_space<vmem>>
      %dma_wait3A_119 = arith.constant 0 : i32
      %dma_wait3A_120 = tpu.memref_slice %arg6[%run_scoped3A_75, %dma_wait3A_119] : memref<40x128xi32, #tpu.memory_space<vmem>> -> memref<1x128xi32, #tpu.memory_space<vmem>>
      %dma_wait3A_121 = tpu.memref_squeeze %dma_wait3A_120 : memref<1x128xi32, #tpu.memory_space<vmem>> -> memref<128xi32, #tpu.memory_space<vmem>>
      %dma_wait3A_122 = arith.constant 0 : i32
      %dma_wait3A_123 = arith.constant 0 : i32
      %dma_wait3A_124 = tpu.memref_slice %arg8[%dma_wait3A_122, %dma_wait3A_123] : memref<10240x32xf32, #tpu.memory_space<vmem_shared>> -> memref<10240x32xf32, #tpu.memory_space<vmem_shared>>
      tpu.wait_indirect_dma semaphore(%run_scoped3A_106 : memref<!tpu.dma_semaphore, #tpu.memory_space<semaphore_mem>>) src(%dma_wait3A_118 : memref<128x32xf32, #tpu.memory_space<vmem>>) dst(%dma_wait3A_124 : memref<10240x32xf32, #tpu.memory_space<vmem_shared>>)
      tpu.yield
    }) : () -> ()
    %run_scoped3A_76 = arith.constant 1 : i32
    %run_scoped3A_77 = arith.constant 29 : i32
    "tpu.region"() ({
      %run_scoped3A_106 = tpu.sem_alloc : memref<!tpu.dma_semaphore, #tpu.memory_space<semaphore_mem>>
      %dma_start3A = arith.constant 640 : i32
      %dma_start3A_107 = arith.constant 0 : i32
      %dma_start3A_108 = tpu.memref_slice %arg7[%run_scoped3A_76, %dma_start3A, %dma_start3A_107] : memref<2x1024x32xf32, #tpu.memory_space<vmem>> -> memref<1x128x32xf32, #tpu.memory_space<vmem>>
      %dma_start3A_109 = tpu.memref_squeeze %dma_start3A_108 : memref<1x128x32xf32, #tpu.memory_space<vmem>> -> memref<128x32xf32, #tpu.memory_space<vmem>>
      %dma_start3A_110 = arith.constant 0 : i32
      %dma_start3A_111 = tpu.memref_slice %arg6[%run_scoped3A_77, %dma_start3A_110] : memref<40x128xi32, #tpu.memory_space<vmem>> -> memref<1x128xi32, #tpu.memory_space<vmem>>
      %dma_start3A_112 = tpu.memref_squeeze %dma_start3A_111 : memref<1x128xi32, #tpu.memory_space<vmem>> -> memref<128xi32, #tpu.memory_space<vmem>>
      %dma_start3A_113 = arith.constant 0 : i32
      %dma_start3A_114 = arith.constant 0 : i32
      %dma_start3A_115 = tpu.memref_slice %arg8[%dma_start3A_113, %dma_start3A_114] : memref<10240x32xf32, #tpu.memory_space<vmem_shared>> -> memref<10240x32xf32, #tpu.memory_space<vmem_shared>>
      tpu.enqueue_indirect_dma source(%dma_start3A_109 : memref<128x32xf32, #tpu.memory_space<vmem>>) target(%dma_start3A_115 : memref<10240x32xf32, #tpu.memory_space<vmem_shared>>) offsets(%dma_start3A_112 : memref<128xi32, #tpu.memory_space<vmem>>) semaphore(%run_scoped3A_106 : memref<!tpu.dma_semaphore, #tpu.memory_space<semaphore_mem>>) {add = true}
      %dma_wait3A = arith.constant 640 : i32
      %dma_wait3A_116 = arith.constant 0 : i32
      %dma_wait3A_117 = tpu.memref_slice %arg7[%run_scoped3A_76, %dma_wait3A, %dma_wait3A_116] : memref<2x1024x32xf32, #tpu.memory_space<vmem>> -> memref<1x128x32xf32, #tpu.memory_space<vmem>>
      %dma_wait3A_118 = tpu.memref_squeeze %dma_wait3A_117 : memref<1x128x32xf32, #tpu.memory_space<vmem>> -> memref<128x32xf32, #tpu.memory_space<vmem>>
      %dma_wait3A_119 = arith.constant 0 : i32
      %dma_wait3A_120 = tpu.memref_slice %arg6[%run_scoped3A_77, %dma_wait3A_119] : memref<40x128xi32, #tpu.memory_space<vmem>> -> memref<1x128xi32, #tpu.memory_space<vmem>>
      %dma_wait3A_121 = tpu.memref_squeeze %dma_wait3A_120 : memref<1x128xi32, #tpu.memory_space<vmem>> -> memref<128xi32, #tpu.memory_space<vmem>>
      %dma_wait3A_122 = arith.constant 0 : i32
      %dma_wait3A_123 = arith.constant 0 : i32
      %dma_wait3A_124 = tpu.memref_slice %arg8[%dma_wait3A_122, %dma_wait3A_123] : memref<10240x32xf32, #tpu.memory_space<vmem_shared>> -> memref<10240x32xf32, #tpu.memory_space<vmem_shared>>
      tpu.wait_indirect_dma semaphore(%run_scoped3A_106 : memref<!tpu.dma_semaphore, #tpu.memory_space<semaphore_mem>>) src(%dma_wait3A_118 : memref<128x32xf32, #tpu.memory_space<vmem>>) dst(%dma_wait3A_124 : memref<10240x32xf32, #tpu.memory_space<vmem_shared>>)
      tpu.yield
    }) : () -> ()
    %run_scoped3A_78 = arith.constant 1 : i32
    %run_scoped3A_79 = arith.constant 30 : i32
    "tpu.region"() ({
      %run_scoped3A_106 = tpu.sem_alloc : memref<!tpu.dma_semaphore, #tpu.memory_space<semaphore_mem>>
      %dma_start3A = arith.constant 768 : i32
      %dma_start3A_107 = arith.constant 0 : i32
      %dma_start3A_108 = tpu.memref_slice %arg7[%run_scoped3A_78, %dma_start3A, %dma_start3A_107] : memref<2x1024x32xf32, #tpu.memory_space<vmem>> -> memref<1x128x32xf32, #tpu.memory_space<vmem>>
      %dma_start3A_109 = tpu.memref_squeeze %dma_start3A_108 : memref<1x128x32xf32, #tpu.memory_space<vmem>> -> memref<128x32xf32, #tpu.memory_space<vmem>>
      %dma_start3A_110 = arith.constant 0 : i32
      %dma_start3A_111 = tpu.memref_slice %arg6[%run_scoped3A_79, %dma_start3A_110] : memref<40x128xi32, #tpu.memory_space<vmem>> -> memref<1x128xi32, #tpu.memory_space<vmem>>
      %dma_start3A_112 = tpu.memref_squeeze %dma_start3A_111 : memref<1x128xi32, #tpu.memory_space<vmem>> -> memref<128xi32, #tpu.memory_space<vmem>>
      %dma_start3A_113 = arith.constant 0 : i32
      %dma_start3A_114 = arith.constant 0 : i32
      %dma_start3A_115 = tpu.memref_slice %arg8[%dma_start3A_113, %dma_start3A_114] : memref<10240x32xf32, #tpu.memory_space<vmem_shared>> -> memref<10240x32xf32, #tpu.memory_space<vmem_shared>>
      tpu.enqueue_indirect_dma source(%dma_start3A_109 : memref<128x32xf32, #tpu.memory_space<vmem>>) target(%dma_start3A_115 : memref<10240x32xf32, #tpu.memory_space<vmem_shared>>) offsets(%dma_start3A_112 : memref<128xi32, #tpu.memory_space<vmem>>) semaphore(%run_scoped3A_106 : memref<!tpu.dma_semaphore, #tpu.memory_space<semaphore_mem>>) {add = true}
      %dma_wait3A = arith.constant 768 : i32
      %dma_wait3A_116 = arith.constant 0 : i32
      %dma_wait3A_117 = tpu.memref_slice %arg7[%run_scoped3A_78, %dma_wait3A, %dma_wait3A_116] : memref<2x1024x32xf32, #tpu.memory_space<vmem>> -> memref<1x128x32xf32, #tpu.memory_space<vmem>>
      %dma_wait3A_118 = tpu.memref_squeeze %dma_wait3A_117 : memref<1x128x32xf32, #tpu.memory_space<vmem>> -> memref<128x32xf32, #tpu.memory_space<vmem>>
      %dma_wait3A_119 = arith.constant 0 : i32
      %dma_wait3A_120 = tpu.memref_slice %arg6[%run_scoped3A_79, %dma_wait3A_119] : memref<40x128xi32, #tpu.memory_space<vmem>> -> memref<1x128xi32, #tpu.memory_space<vmem>>
      %dma_wait3A_121 = tpu.memref_squeeze %dma_wait3A_120 : memref<1x128xi32, #tpu.memory_space<vmem>> -> memref<128xi32, #tpu.memory_space<vmem>>
      %dma_wait3A_122 = arith.constant 0 : i32
      %dma_wait3A_123 = arith.constant 0 : i32
      %dma_wait3A_124 = tpu.memref_slice %arg8[%dma_wait3A_122, %dma_wait3A_123] : memref<10240x32xf32, #tpu.memory_space<vmem_shared>> -> memref<10240x32xf32, #tpu.memory_space<vmem_shared>>
      tpu.wait_indirect_dma semaphore(%run_scoped3A_106 : memref<!tpu.dma_semaphore, #tpu.memory_space<semaphore_mem>>) src(%dma_wait3A_118 : memref<128x32xf32, #tpu.memory_space<vmem>>) dst(%dma_wait3A_124 : memref<10240x32xf32, #tpu.memory_space<vmem_shared>>)
      tpu.yield
    }) : () -> ()
    %run_scoped3A_80 = arith.constant 1 : i32
    %run_scoped3A_81 = arith.constant 31 : i32
    "tpu.region"() ({
      %run_scoped3A_106 = tpu.sem_alloc : memref<!tpu.dma_semaphore, #tpu.memory_space<semaphore_mem>>
      %dma_start3A = arith.constant 896 : i32
      %dma_start3A_107 = arith.constant 0 : i32
      %dma_start3A_108 = tpu.memref_slice %arg7[%run_scoped3A_80, %dma_start3A, %dma_start3A_107] : memref<2x1024x32xf32, #tpu.memory_space<vmem>> -> memref<1x128x32xf32, #tpu.memory_space<vmem>>
      %dma_start3A_109 = tpu.memref_squeeze %dma_start3A_108 : memref<1x128x32xf32, #tpu.memory_space<vmem>> -> memref<128x32xf32, #tpu.memory_space<vmem>>
      %dma_start3A_110 = arith.constant 0 : i32
      %dma_start3A_111 = tpu.memref_slice %arg6[%run_scoped3A_81, %dma_start3A_110] : memref<40x128xi32, #tpu.memory_space<vmem>> -> memref<1x128xi32, #tpu.memory_space<vmem>>
      %dma_start3A_112 = tpu.memref_squeeze %dma_start3A_111 : memref<1x128xi32, #tpu.memory_space<vmem>> -> memref<128xi32, #tpu.memory_space<vmem>>
      %dma_start3A_113 = arith.constant 0 : i32
      %dma_start3A_114 = arith.constant 0 : i32
      %dma_start3A_115 = tpu.memref_slice %arg8[%dma_start3A_113, %dma_start3A_114] : memref<10240x32xf32, #tpu.memory_space<vmem_shared>> -> memref<10240x32xf32, #tpu.memory_space<vmem_shared>>
      tpu.enqueue_indirect_dma source(%dma_start3A_109 : memref<128x32xf32, #tpu.memory_space<vmem>>) target(%dma_start3A_115 : memref<10240x32xf32, #tpu.memory_space<vmem_shared>>) offsets(%dma_start3A_112 : memref<128xi32, #tpu.memory_space<vmem>>) semaphore(%run_scoped3A_106 : memref<!tpu.dma_semaphore, #tpu.memory_space<semaphore_mem>>) {add = true}
      %dma_wait3A = arith.constant 896 : i32
      %dma_wait3A_116 = arith.constant 0 : i32
      %dma_wait3A_117 = tpu.memref_slice %arg7[%run_scoped3A_80, %dma_wait3A, %dma_wait3A_116] : memref<2x1024x32xf32, #tpu.memory_space<vmem>> -> memref<1x128x32xf32, #tpu.memory_space<vmem>>
      %dma_wait3A_118 = tpu.memref_squeeze %dma_wait3A_117 : memref<1x128x32xf32, #tpu.memory_space<vmem>> -> memref<128x32xf32, #tpu.memory_space<vmem>>
      %dma_wait3A_119 = arith.constant 0 : i32
      %dma_wait3A_120 = tpu.memref_slice %arg6[%run_scoped3A_81, %dma_wait3A_119] : memref<40x128xi32, #tpu.memory_space<vmem>> -> memref<1x128xi32, #tpu.memory_space<vmem>>
      %dma_wait3A_121 = tpu.memref_squeeze %dma_wait3A_120 : memref<1x128xi32, #tpu.memory_space<vmem>> -> memref<128xi32, #tpu.memory_space<vmem>>
      %dma_wait3A_122 = arith.constant 0 : i32
      %dma_wait3A_123 = arith.constant 0 : i32
      %dma_wait3A_124 = tpu.memref_slice %arg8[%dma_wait3A_122, %dma_wait3A_123] : memref<10240x32xf32, #tpu.memory_space<vmem_shared>> -> memref<10240x32xf32, #tpu.memory_space<vmem_shared>>
      tpu.wait_indirect_dma semaphore(%run_scoped3A_106 : memref<!tpu.dma_semaphore, #tpu.memory_space<semaphore_mem>>) src(%dma_wait3A_118 : memref<128x32xf32, #tpu.memory_space<vmem>>) dst(%dma_wait3A_124 : memref<10240x32xf32, #tpu.memory_space<vmem_shared>>)
      tpu.yield
    }) : () -> ()
    %add3A_82 = arith.constant 4096 : i32
    %add3A_83 = arith.addi %mul3A_6, %add3A_82 : i32
    %run_scoped3A_84 = arith.constant 0 : i32
    "tpu.region"() ({
      %run_scoped3A_106 = tpu.sem_alloc : memref<!tpu.dma_semaphore, #tpu.memory_space<semaphore_mem>>
      %dma_start3A = arith.constant 0 : i32
      %dma_start3A_107 = arith.constant 0 : i32
      %dma_start3A_108 = tpu.memref_slice %arg7[%run_scoped3A_84, %dma_start3A, %dma_start3A_107] : memref<2x1024x32xf32, #tpu.memory_space<vmem>> -> memref<1x1024x32xf32, #tpu.memory_space<vmem>>
      %dma_start3A_109 = tpu.memref_squeeze %dma_start3A_108 : memref<1x1024x32xf32, #tpu.memory_space<vmem>> -> memref<1024x32xf32, #tpu.memory_space<vmem>>
      %dma_start3A_110 = arith.constant 0 : i32
      %dma_start3A_111 = tpu.memref_slice %arg2[%add3A_83, %dma_start3A_110] : memref<163840x32xf32, #tpu.memory_space<hbm>> -> memref<1024x32xf32, #tpu.memory_space<hbm>>
      %dma_start3A_112 = arith.constant 0 : i32
      %dma_start3A_113 = arith.constant 0 : i32
      %dma_start3A_114 = tpu.memref_slice %arg7[%run_scoped3A_84, %dma_start3A_112, %dma_start3A_113] : memref<2x1024x32xf32, #tpu.memory_space<vmem>> -> memref<1x1024x32xf32, #tpu.memory_space<vmem>>
      %dma_start3A_115 = tpu.memref_squeeze %dma_start3A_114 : memref<1x1024x32xf32, #tpu.memory_space<vmem>> -> memref<1024x32xf32, #tpu.memory_space<vmem>>
      %dma_start3A_116 = arith.constant 0 : i32
      %dma_start3A_117 = tpu.memref_slice %arg2[%add3A_83, %dma_start3A_116] : memref<163840x32xf32, #tpu.memory_space<hbm>> -> memref<1024x32xf32, #tpu.memory_space<hbm>>
      tpu.enqueue_dma source(%dma_start3A_117 : memref<1024x32xf32, #tpu.memory_space<hbm>>) target(%dma_start3A_115 : memref<1024x32xf32, #tpu.memory_space<vmem>>) target_semaphore(%run_scoped3A_106 : memref<!tpu.dma_semaphore, #tpu.memory_space<semaphore_mem>>)
      %dma_wait3A = arith.constant 0 : i32
      %dma_wait3A_118 = arith.constant 0 : i32
      %dma_wait3A_119 = tpu.memref_slice %arg7[%run_scoped3A_84, %dma_wait3A, %dma_wait3A_118] : memref<2x1024x32xf32, #tpu.memory_space<vmem>> -> memref<1x1024x32xf32, #tpu.memory_space<vmem>>
      %dma_wait3A_120 = tpu.memref_squeeze %dma_wait3A_119 : memref<1x1024x32xf32, #tpu.memory_space<vmem>> -> memref<1024x32xf32, #tpu.memory_space<vmem>>
      %dma_wait3A_121 = arith.constant 0 : i32
      %dma_wait3A_122 = tpu.memref_slice %arg2[%add3A_83, %dma_wait3A_121] : memref<163840x32xf32, #tpu.memory_space<hbm>> -> memref<1024x32xf32, #tpu.memory_space<hbm>>
      %dma_wait3A_123 = arith.constant 0 : i32
      %dma_wait3A_124 = arith.constant 0 : i32
      %dma_wait3A_125 = tpu.memref_slice %arg7[%run_scoped3A_84, %dma_wait3A_123, %dma_wait3A_124] : memref<2x1024x32xf32, #tpu.memory_space<vmem>> -> memref<1x1024x32xf32, #tpu.memory_space<vmem>>
      %dma_wait3A_126 = tpu.memref_squeeze %dma_wait3A_125 : memref<1x1024x32xf32, #tpu.memory_space<vmem>> -> memref<1024x32xf32, #tpu.memory_space<vmem>>
      %dma_wait3A_127 = arith.constant 0 : i32
      %dma_wait3A_128 = tpu.memref_slice %arg2[%add3A_83, %dma_wait3A_127] : memref<163840x32xf32, #tpu.memory_space<hbm>> -> memref<1024x32xf32, #tpu.memory_space<hbm>>
      tpu.wait_dma2 semaphore(%run_scoped3A_106 : memref<!tpu.dma_semaphore, #tpu.memory_space<semaphore_mem>>) src(%dma_wait3A_128 : memref<1024x32xf32, #tpu.memory_space<hbm>>) dst(%dma_wait3A_126 : memref<1024x32xf32, #tpu.memory_space<vmem>>)
      tpu.yield
    }) : () -> ()
    %run_scoped3A_85 = arith.constant 0 : i32
    %run_scoped3A_86 = arith.constant 32 : i32
    "tpu.region"() ({
      %run_scoped3A_106 = tpu.sem_alloc : memref<!tpu.dma_semaphore, #tpu.memory_space<semaphore_mem>>
      %dma_start3A = arith.constant 0 : i32
      %dma_start3A_107 = arith.constant 0 : i32
      %dma_start3A_108 = tpu.memref_slice %arg7[%run_scoped3A_85, %dma_start3A, %dma_start3A_107] : memref<2x1024x32xf32, #tpu.memory_space<vmem>> -> memref<1x128x32xf32, #tpu.memory_space<vmem>>
      %dma_start3A_109 = tpu.memref_squeeze %dma_start3A_108 : memref<1x128x32xf32, #tpu.memory_space<vmem>> -> memref<128x32xf32, #tpu.memory_space<vmem>>
      %dma_start3A_110 = arith.constant 0 : i32
      %dma_start3A_111 = tpu.memref_slice %arg6[%run_scoped3A_86, %dma_start3A_110] : memref<40x128xi32, #tpu.memory_space<vmem>> -> memref<1x128xi32, #tpu.memory_space<vmem>>
      %dma_start3A_112 = tpu.memref_squeeze %dma_start3A_111 : memref<1x128xi32, #tpu.memory_space<vmem>> -> memref<128xi32, #tpu.memory_space<vmem>>
      %dma_start3A_113 = arith.constant 0 : i32
      %dma_start3A_114 = arith.constant 0 : i32
      %dma_start3A_115 = tpu.memref_slice %arg8[%dma_start3A_113, %dma_start3A_114] : memref<10240x32xf32, #tpu.memory_space<vmem_shared>> -> memref<10240x32xf32, #tpu.memory_space<vmem_shared>>
      tpu.enqueue_indirect_dma source(%dma_start3A_109 : memref<128x32xf32, #tpu.memory_space<vmem>>) target(%dma_start3A_115 : memref<10240x32xf32, #tpu.memory_space<vmem_shared>>) offsets(%dma_start3A_112 : memref<128xi32, #tpu.memory_space<vmem>>) semaphore(%run_scoped3A_106 : memref<!tpu.dma_semaphore, #tpu.memory_space<semaphore_mem>>) {add = true}
      %dma_wait3A = arith.constant 0 : i32
      %dma_wait3A_116 = arith.constant 0 : i32
      %dma_wait3A_117 = tpu.memref_slice %arg7[%run_scoped3A_85, %dma_wait3A, %dma_wait3A_116] : memref<2x1024x32xf32, #tpu.memory_space<vmem>> -> memref<1x128x32xf32, #tpu.memory_space<vmem>>
      %dma_wait3A_118 = tpu.memref_squeeze %dma_wait3A_117 : memref<1x128x32xf32, #tpu.memory_space<vmem>> -> memref<128x32xf32, #tpu.memory_space<vmem>>
      %dma_wait3A_119 = arith.constant 0 : i32
      %dma_wait3A_120 = tpu.memref_slice %arg6[%run_scoped3A_86, %dma_wait3A_119] : memref<40x128xi32, #tpu.memory_space<vmem>> -> memref<1x128xi32, #tpu.memory_space<vmem>>
      %dma_wait3A_121 = tpu.memref_squeeze %dma_wait3A_120 : memref<1x128xi32, #tpu.memory_space<vmem>> -> memref<128xi32, #tpu.memory_space<vmem>>
      %dma_wait3A_122 = arith.constant 0 : i32
      %dma_wait3A_123 = arith.constant 0 : i32
      %dma_wait3A_124 = tpu.memref_slice %arg8[%dma_wait3A_122, %dma_wait3A_123] : memref<10240x32xf32, #tpu.memory_space<vmem_shared>> -> memref<10240x32xf32, #tpu.memory_space<vmem_shared>>
      tpu.wait_indirect_dma semaphore(%run_scoped3A_106 : memref<!tpu.dma_semaphore, #tpu.memory_space<semaphore_mem>>) src(%dma_wait3A_118 : memref<128x32xf32, #tpu.memory_space<vmem>>) dst(%dma_wait3A_124 : memref<10240x32xf32, #tpu.memory_space<vmem_shared>>)
      tpu.yield
    }) : () -> ()
    %run_scoped3A_87 = arith.constant 0 : i32
    %run_scoped3A_88 = arith.constant 33 : i32
    "tpu.region"() ({
      %run_scoped3A_106 = tpu.sem_alloc : memref<!tpu.dma_semaphore, #tpu.memory_space<semaphore_mem>>
      %dma_start3A = arith.constant 128 : i32
      %dma_start3A_107 = arith.constant 0 : i32
      %dma_start3A_108 = tpu.memref_slice %arg7[%run_scoped3A_87, %dma_start3A, %dma_start3A_107] : memref<2x1024x32xf32, #tpu.memory_space<vmem>> -> memref<1x128x32xf32, #tpu.memory_space<vmem>>
      %dma_start3A_109 = tpu.memref_squeeze %dma_start3A_108 : memref<1x128x32xf32, #tpu.memory_space<vmem>> -> memref<128x32xf32, #tpu.memory_space<vmem>>
      %dma_start3A_110 = arith.constant 0 : i32
      %dma_start3A_111 = tpu.memref_slice %arg6[%run_scoped3A_88, %dma_start3A_110] : memref<40x128xi32, #tpu.memory_space<vmem>> -> memref<1x128xi32, #tpu.memory_space<vmem>>
      %dma_start3A_112 = tpu.memref_squeeze %dma_start3A_111 : memref<1x128xi32, #tpu.memory_space<vmem>> -> memref<128xi32, #tpu.memory_space<vmem>>
      %dma_start3A_113 = arith.constant 0 : i32
      %dma_start3A_114 = arith.constant 0 : i32
      %dma_start3A_115 = tpu.memref_slice %arg8[%dma_start3A_113, %dma_start3A_114] : memref<10240x32xf32, #tpu.memory_space<vmem_shared>> -> memref<10240x32xf32, #tpu.memory_space<vmem_shared>>
      tpu.enqueue_indirect_dma source(%dma_start3A_109 : memref<128x32xf32, #tpu.memory_space<vmem>>) target(%dma_start3A_115 : memref<10240x32xf32, #tpu.memory_space<vmem_shared>>) offsets(%dma_start3A_112 : memref<128xi32, #tpu.memory_space<vmem>>) semaphore(%run_scoped3A_106 : memref<!tpu.dma_semaphore, #tpu.memory_space<semaphore_mem>>) {add = true}
      %dma_wait3A = arith.constant 128 : i32
      %dma_wait3A_116 = arith.constant 0 : i32
      %dma_wait3A_117 = tpu.memref_slice %arg7[%run_scoped3A_87, %dma_wait3A, %dma_wait3A_116] : memref<2x1024x32xf32, #tpu.memory_space<vmem>> -> memref<1x128x32xf32, #tpu.memory_space<vmem>>
      %dma_wait3A_118 = tpu.memref_squeeze %dma_wait3A_117 : memref<1x128x32xf32, #tpu.memory_space<vmem>> -> memref<128x32xf32, #tpu.memory_space<vmem>>
      %dma_wait3A_119 = arith.constant 0 : i32
      %dma_wait3A_120 = tpu.memref_slice %arg6[%run_scoped3A_88, %dma_wait3A_119] : memref<40x128xi32, #tpu.memory_space<vmem>> -> memref<1x128xi32, #tpu.memory_space<vmem>>
      %dma_wait3A_121 = tpu.memref_squeeze %dma_wait3A_120 : memref<1x128xi32, #tpu.memory_space<vmem>> -> memref<128xi32, #tpu.memory_space<vmem>>
      %dma_wait3A_122 = arith.constant 0 : i32
      %dma_wait3A_123 = arith.constant 0 : i32
      %dma_wait3A_124 = tpu.memref_slice %arg8[%dma_wait3A_122, %dma_wait3A_123] : memref<10240x32xf32, #tpu.memory_space<vmem_shared>> -> memref<10240x32xf32, #tpu.memory_space<vmem_shared>>
      tpu.wait_indirect_dma semaphore(%run_scoped3A_106 : memref<!tpu.dma_semaphore, #tpu.memory_space<semaphore_mem>>) src(%dma_wait3A_118 : memref<128x32xf32, #tpu.memory_space<vmem>>) dst(%dma_wait3A_124 : memref<10240x32xf32, #tpu.memory_space<vmem_shared>>)
      tpu.yield
    }) : () -> ()
    %run_scoped3A_89 = arith.constant 0 : i32
    %run_scoped3A_90 = arith.constant 34 : i32
    "tpu.region"() ({
      %run_scoped3A_106 = tpu.sem_alloc : memref<!tpu.dma_semaphore, #tpu.memory_space<semaphore_mem>>
      %dma_start3A = arith.constant 256 : i32
      %dma_start3A_107 = arith.constant 0 : i32
      %dma_start3A_108 = tpu.memref_slice %arg7[%run_scoped3A_89, %dma_start3A, %dma_start3A_107] : memref<2x1024x32xf32, #tpu.memory_space<vmem>> -> memref<1x128x32xf32, #tpu.memory_space<vmem>>
      %dma_start3A_109 = tpu.memref_squeeze %dma_start3A_108 : memref<1x128x32xf32, #tpu.memory_space<vmem>> -> memref<128x32xf32, #tpu.memory_space<vmem>>
      %dma_start3A_110 = arith.constant 0 : i32
      %dma_start3A_111 = tpu.memref_slice %arg6[%run_scoped3A_90, %dma_start3A_110] : memref<40x128xi32, #tpu.memory_space<vmem>> -> memref<1x128xi32, #tpu.memory_space<vmem>>
      %dma_start3A_112 = tpu.memref_squeeze %dma_start3A_111 : memref<1x128xi32, #tpu.memory_space<vmem>> -> memref<128xi32, #tpu.memory_space<vmem>>
      %dma_start3A_113 = arith.constant 0 : i32
      %dma_start3A_114 = arith.constant 0 : i32
      %dma_start3A_115 = tpu.memref_slice %arg8[%dma_start3A_113, %dma_start3A_114] : memref<10240x32xf32, #tpu.memory_space<vmem_shared>> -> memref<10240x32xf32, #tpu.memory_space<vmem_shared>>
      tpu.enqueue_indirect_dma source(%dma_start3A_109 : memref<128x32xf32, #tpu.memory_space<vmem>>) target(%dma_start3A_115 : memref<10240x32xf32, #tpu.memory_space<vmem_shared>>) offsets(%dma_start3A_112 : memref<128xi32, #tpu.memory_space<vmem>>) semaphore(%run_scoped3A_106 : memref<!tpu.dma_semaphore, #tpu.memory_space<semaphore_mem>>) {add = true}
      %dma_wait3A = arith.constant 256 : i32
      %dma_wait3A_116 = arith.constant 0 : i32
      %dma_wait3A_117 = tpu.memref_slice %arg7[%run_scoped3A_89, %dma_wait3A, %dma_wait3A_116] : memref<2x1024x32xf32, #tpu.memory_space<vmem>> -> memref<1x128x32xf32, #tpu.memory_space<vmem>>
      %dma_wait3A_118 = tpu.memref_squeeze %dma_wait3A_117 : memref<1x128x32xf32, #tpu.memory_space<vmem>> -> memref<128x32xf32, #tpu.memory_space<vmem>>
      %dma_wait3A_119 = arith.constant 0 : i32
      %dma_wait3A_120 = tpu.memref_slice %arg6[%run_scoped3A_90, %dma_wait3A_119] : memref<40x128xi32, #tpu.memory_space<vmem>> -> memref<1x128xi32, #tpu.memory_space<vmem>>
      %dma_wait3A_121 = tpu.memref_squeeze %dma_wait3A_120 : memref<1x128xi32, #tpu.memory_space<vmem>> -> memref<128xi32, #tpu.memory_space<vmem>>
      %dma_wait3A_122 = arith.constant 0 : i32
      %dma_wait3A_123 = arith.constant 0 : i32
      %dma_wait3A_124 = tpu.memref_slice %arg8[%dma_wait3A_122, %dma_wait3A_123] : memref<10240x32xf32, #tpu.memory_space<vmem_shared>> -> memref<10240x32xf32, #tpu.memory_space<vmem_shared>>
      tpu.wait_indirect_dma semaphore(%run_scoped3A_106 : memref<!tpu.dma_semaphore, #tpu.memory_space<semaphore_mem>>) src(%dma_wait3A_118 : memref<128x32xf32, #tpu.memory_space<vmem>>) dst(%dma_wait3A_124 : memref<10240x32xf32, #tpu.memory_space<vmem_shared>>)
      tpu.yield
    }) : () -> ()
    %run_scoped3A_91 = arith.constant 0 : i32
    %run_scoped3A_92 = arith.constant 35 : i32
    "tpu.region"() ({
      %run_scoped3A_106 = tpu.sem_alloc : memref<!tpu.dma_semaphore, #tpu.memory_space<semaphore_mem>>
      %dma_start3A = arith.constant 384 : i32
      %dma_start3A_107 = arith.constant 0 : i32
      %dma_start3A_108 = tpu.memref_slice %arg7[%run_scoped3A_91, %dma_start3A, %dma_start3A_107] : memref<2x1024x32xf32, #tpu.memory_space<vmem>> -> memref<1x128x32xf32, #tpu.memory_space<vmem>>
      %dma_start3A_109 = tpu.memref_squeeze %dma_start3A_108 : memref<1x128x32xf32, #tpu.memory_space<vmem>> -> memref<128x32xf32, #tpu.memory_space<vmem>>
      %dma_start3A_110 = arith.constant 0 : i32
      %dma_start3A_111 = tpu.memref_slice %arg6[%run_scoped3A_92, %dma_start3A_110] : memref<40x128xi32, #tpu.memory_space<vmem>> -> memref<1x128xi32, #tpu.memory_space<vmem>>
      %dma_start3A_112 = tpu.memref_squeeze %dma_start3A_111 : memref<1x128xi32, #tpu.memory_space<vmem>> -> memref<128xi32, #tpu.memory_space<vmem>>
      %dma_start3A_113 = arith.constant 0 : i32
      %dma_start3A_114 = arith.constant 0 : i32
      %dma_start3A_115 = tpu.memref_slice %arg8[%dma_start3A_113, %dma_start3A_114] : memref<10240x32xf32, #tpu.memory_space<vmem_shared>> -> memref<10240x32xf32, #tpu.memory_space<vmem_shared>>
      tpu.enqueue_indirect_dma source(%dma_start3A_109 : memref<128x32xf32, #tpu.memory_space<vmem>>) target(%dma_start3A_115 : memref<10240x32xf32, #tpu.memory_space<vmem_shared>>) offsets(%dma_start3A_112 : memref<128xi32, #tpu.memory_space<vmem>>) semaphore(%run_scoped3A_106 : memref<!tpu.dma_semaphore, #tpu.memory_space<semaphore_mem>>) {add = true}
      %dma_wait3A = arith.constant 384 : i32
      %dma_wait3A_116 = arith.constant 0 : i32
      %dma_wait3A_117 = tpu.memref_slice %arg7[%run_scoped3A_91, %dma_wait3A, %dma_wait3A_116] : memref<2x1024x32xf32, #tpu.memory_space<vmem>> -> memref<1x128x32xf32, #tpu.memory_space<vmem>>
      %dma_wait3A_118 = tpu.memref_squeeze %dma_wait3A_117 : memref<1x128x32xf32, #tpu.memory_space<vmem>> -> memref<128x32xf32, #tpu.memory_space<vmem>>
      %dma_wait3A_119 = arith.constant 0 : i32
      %dma_wait3A_120 = tpu.memref_slice %arg6[%run_scoped3A_92, %dma_wait3A_119] : memref<40x128xi32, #tpu.memory_space<vmem>> -> memref<1x128xi32, #tpu.memory_space<vmem>>
      %dma_wait3A_121 = tpu.memref_squeeze %dma_wait3A_120 : memref<1x128xi32, #tpu.memory_space<vmem>> -> memref<128xi32, #tpu.memory_space<vmem>>
      %dma_wait3A_122 = arith.constant 0 : i32
      %dma_wait3A_123 = arith.constant 0 : i32
      %dma_wait3A_124 = tpu.memref_slice %arg8[%dma_wait3A_122, %dma_wait3A_123] : memref<10240x32xf32, #tpu.memory_space<vmem_shared>> -> memref<10240x32xf32, #tpu.memory_space<vmem_shared>>
      tpu.wait_indirect_dma semaphore(%run_scoped3A_106 : memref<!tpu.dma_semaphore, #tpu.memory_space<semaphore_mem>>) src(%dma_wait3A_118 : memref<128x32xf32, #tpu.memory_space<vmem>>) dst(%dma_wait3A_124 : memref<10240x32xf32, #tpu.memory_space<vmem_shared>>)
      tpu.yield
    }) : () -> ()
    %run_scoped3A_93 = arith.constant 0 : i32
    %run_scoped3A_94 = arith.constant 36 : i32
    "tpu.region"() ({
      %run_scoped3A_106 = tpu.sem_alloc : memref<!tpu.dma_semaphore, #tpu.memory_space<semaphore_mem>>
      %dma_start3A = arith.constant 512 : i32
      %dma_start3A_107 = arith.constant 0 : i32
      %dma_start3A_108 = tpu.memref_slice %arg7[%run_scoped3A_93, %dma_start3A, %dma_start3A_107] : memref<2x1024x32xf32, #tpu.memory_space<vmem>> -> memref<1x128x32xf32, #tpu.memory_space<vmem>>
      %dma_start3A_109 = tpu.memref_squeeze %dma_start3A_108 : memref<1x128x32xf32, #tpu.memory_space<vmem>> -> memref<128x32xf32, #tpu.memory_space<vmem>>
      %dma_start3A_110 = arith.constant 0 : i32
      %dma_start3A_111 = tpu.memref_slice %arg6[%run_scoped3A_94, %dma_start3A_110] : memref<40x128xi32, #tpu.memory_space<vmem>> -> memref<1x128xi32, #tpu.memory_space<vmem>>
      %dma_start3A_112 = tpu.memref_squeeze %dma_start3A_111 : memref<1x128xi32, #tpu.memory_space<vmem>> -> memref<128xi32, #tpu.memory_space<vmem>>
      %dma_start3A_113 = arith.constant 0 : i32
      %dma_start3A_114 = arith.constant 0 : i32
      %dma_start3A_115 = tpu.memref_slice %arg8[%dma_start3A_113, %dma_start3A_114] : memref<10240x32xf32, #tpu.memory_space<vmem_shared>> -> memref<10240x32xf32, #tpu.memory_space<vmem_shared>>
      tpu.enqueue_indirect_dma source(%dma_start3A_109 : memref<128x32xf32, #tpu.memory_space<vmem>>) target(%dma_start3A_115 : memref<10240x32xf32, #tpu.memory_space<vmem_shared>>) offsets(%dma_start3A_112 : memref<128xi32, #tpu.memory_space<vmem>>) semaphore(%run_scoped3A_106 : memref<!tpu.dma_semaphore, #tpu.memory_space<semaphore_mem>>) {add = true}
      %dma_wait3A = arith.constant 512 : i32
      %dma_wait3A_116 = arith.constant 0 : i32
      %dma_wait3A_117 = tpu.memref_slice %arg7[%run_scoped3A_93, %dma_wait3A, %dma_wait3A_116] : memref<2x1024x32xf32, #tpu.memory_space<vmem>> -> memref<1x128x32xf32, #tpu.memory_space<vmem>>
      %dma_wait3A_118 = tpu.memref_squeeze %dma_wait3A_117 : memref<1x128x32xf32, #tpu.memory_space<vmem>> -> memref<128x32xf32, #tpu.memory_space<vmem>>
      %dma_wait3A_119 = arith.constant 0 : i32
      %dma_wait3A_120 = tpu.memref_slice %arg6[%run_scoped3A_94, %dma_wait3A_119] : memref<40x128xi32, #tpu.memory_space<vmem>> -> memref<1x128xi32, #tpu.memory_space<vmem>>
      %dma_wait3A_121 = tpu.memref_squeeze %dma_wait3A_120 : memref<1x128xi32, #tpu.memory_space<vmem>> -> memref<128xi32, #tpu.memory_space<vmem>>
      %dma_wait3A_122 = arith.constant 0 : i32
      %dma_wait3A_123 = arith.constant 0 : i32
      %dma_wait3A_124 = tpu.memref_slice %arg8[%dma_wait3A_122, %dma_wait3A_123] : memref<10240x32xf32, #tpu.memory_space<vmem_shared>> -> memref<10240x32xf32, #tpu.memory_space<vmem_shared>>
      tpu.wait_indirect_dma semaphore(%run_scoped3A_106 : memref<!tpu.dma_semaphore, #tpu.memory_space<semaphore_mem>>) src(%dma_wait3A_118 : memref<128x32xf32, #tpu.memory_space<vmem>>) dst(%dma_wait3A_124 : memref<10240x32xf32, #tpu.memory_space<vmem_shared>>)
      tpu.yield
    }) : () -> ()
    %run_scoped3A_95 = arith.constant 0 : i32
    %run_scoped3A_96 = arith.constant 37 : i32
    "tpu.region"() ({
      %run_scoped3A_106 = tpu.sem_alloc : memref<!tpu.dma_semaphore, #tpu.memory_space<semaphore_mem>>
      %dma_start3A = arith.constant 640 : i32
      %dma_start3A_107 = arith.constant 0 : i32
      %dma_start3A_108 = tpu.memref_slice %arg7[%run_scoped3A_95, %dma_start3A, %dma_start3A_107] : memref<2x1024x32xf32, #tpu.memory_space<vmem>> -> memref<1x128x32xf32, #tpu.memory_space<vmem>>
      %dma_start3A_109 = tpu.memref_squeeze %dma_start3A_108 : memref<1x128x32xf32, #tpu.memory_space<vmem>> -> memref<128x32xf32, #tpu.memory_space<vmem>>
      %dma_start3A_110 = arith.constant 0 : i32
      %dma_start3A_111 = tpu.memref_slice %arg6[%run_scoped3A_96, %dma_start3A_110] : memref<40x128xi32, #tpu.memory_space<vmem>> -> memref<1x128xi32, #tpu.memory_space<vmem>>
      %dma_start3A_112 = tpu.memref_squeeze %dma_start3A_111 : memref<1x128xi32, #tpu.memory_space<vmem>> -> memref<128xi32, #tpu.memory_space<vmem>>
      %dma_start3A_113 = arith.constant 0 : i32
      %dma_start3A_114 = arith.constant 0 : i32
      %dma_start3A_115 = tpu.memref_slice %arg8[%dma_start3A_113, %dma_start3A_114] : memref<10240x32xf32, #tpu.memory_space<vmem_shared>> -> memref<10240x32xf32, #tpu.memory_space<vmem_shared>>
      tpu.enqueue_indirect_dma source(%dma_start3A_109 : memref<128x32xf32, #tpu.memory_space<vmem>>) target(%dma_start3A_115 : memref<10240x32xf32, #tpu.memory_space<vmem_shared>>) offsets(%dma_start3A_112 : memref<128xi32, #tpu.memory_space<vmem>>) semaphore(%run_scoped3A_106 : memref<!tpu.dma_semaphore, #tpu.memory_space<semaphore_mem>>) {add = true}
      %dma_wait3A = arith.constant 640 : i32
      %dma_wait3A_116 = arith.constant 0 : i32
      %dma_wait3A_117 = tpu.memref_slice %arg7[%run_scoped3A_95, %dma_wait3A, %dma_wait3A_116] : memref<2x1024x32xf32, #tpu.memory_space<vmem>> -> memref<1x128x32xf32, #tpu.memory_space<vmem>>
      %dma_wait3A_118 = tpu.memref_squeeze %dma_wait3A_117 : memref<1x128x32xf32, #tpu.memory_space<vmem>> -> memref<128x32xf32, #tpu.memory_space<vmem>>
      %dma_wait3A_119 = arith.constant 0 : i32
      %dma_wait3A_120 = tpu.memref_slice %arg6[%run_scoped3A_96, %dma_wait3A_119] : memref<40x128xi32, #tpu.memory_space<vmem>> -> memref<1x128xi32, #tpu.memory_space<vmem>>
      %dma_wait3A_121 = tpu.memref_squeeze %dma_wait3A_120 : memref<1x128xi32, #tpu.memory_space<vmem>> -> memref<128xi32, #tpu.memory_space<vmem>>
      %dma_wait3A_122 = arith.constant 0 : i32
      %dma_wait3A_123 = arith.constant 0 : i32
      %dma_wait3A_124 = tpu.memref_slice %arg8[%dma_wait3A_122, %dma_wait3A_123] : memref<10240x32xf32, #tpu.memory_space<vmem_shared>> -> memref<10240x32xf32, #tpu.memory_space<vmem_shared>>
      tpu.wait_indirect_dma semaphore(%run_scoped3A_106 : memref<!tpu.dma_semaphore, #tpu.memory_space<semaphore_mem>>) src(%dma_wait3A_118 : memref<128x32xf32, #tpu.memory_space<vmem>>) dst(%dma_wait3A_124 : memref<10240x32xf32, #tpu.memory_space<vmem_shared>>)
      tpu.yield
    }) : () -> ()
    %run_scoped3A_97 = arith.constant 0 : i32
    %run_scoped3A_98 = arith.constant 38 : i32
    "tpu.region"() ({
      %run_scoped3A_106 = tpu.sem_alloc : memref<!tpu.dma_semaphore, #tpu.memory_space<semaphore_mem>>
      %dma_start3A = arith.constant 768 : i32
      %dma_start3A_107 = arith.constant 0 : i32
      %dma_start3A_108 = tpu.memref_slice %arg7[%run_scoped3A_97, %dma_start3A, %dma_start3A_107] : memref<2x1024x32xf32, #tpu.memory_space<vmem>> -> memref<1x128x32xf32, #tpu.memory_space<vmem>>
      %dma_start3A_109 = tpu.memref_squeeze %dma_start3A_108 : memref<1x128x32xf32, #tpu.memory_space<vmem>> -> memref<128x32xf32, #tpu.memory_space<vmem>>
      %dma_start3A_110 = arith.constant 0 : i32
      %dma_start3A_111 = tpu.memref_slice %arg6[%run_scoped3A_98, %dma_start3A_110] : memref<40x128xi32, #tpu.memory_space<vmem>> -> memref<1x128xi32, #tpu.memory_space<vmem>>
      %dma_start3A_112 = tpu.memref_squeeze %dma_start3A_111 : memref<1x128xi32, #tpu.memory_space<vmem>> -> memref<128xi32, #tpu.memory_space<vmem>>
      %dma_start3A_113 = arith.constant 0 : i32
      %dma_start3A_114 = arith.constant 0 : i32
      %dma_start3A_115 = tpu.memref_slice %arg8[%dma_start3A_113, %dma_start3A_114] : memref<10240x32xf32, #tpu.memory_space<vmem_shared>> -> memref<10240x32xf32, #tpu.memory_space<vmem_shared>>
      tpu.enqueue_indirect_dma source(%dma_start3A_109 : memref<128x32xf32, #tpu.memory_space<vmem>>) target(%dma_start3A_115 : memref<10240x32xf32, #tpu.memory_space<vmem_shared>>) offsets(%dma_start3A_112 : memref<128xi32, #tpu.memory_space<vmem>>) semaphore(%run_scoped3A_106 : memref<!tpu.dma_semaphore, #tpu.memory_space<semaphore_mem>>) {add = true}
      %dma_wait3A = arith.constant 768 : i32
      %dma_wait3A_116 = arith.constant 0 : i32
      %dma_wait3A_117 = tpu.memref_slice %arg7[%run_scoped3A_97, %dma_wait3A, %dma_wait3A_116] : memref<2x1024x32xf32, #tpu.memory_space<vmem>> -> memref<1x128x32xf32, #tpu.memory_space<vmem>>
      %dma_wait3A_118 = tpu.memref_squeeze %dma_wait3A_117 : memref<1x128x32xf32, #tpu.memory_space<vmem>> -> memref<128x32xf32, #tpu.memory_space<vmem>>
      %dma_wait3A_119 = arith.constant 0 : i32
      %dma_wait3A_120 = tpu.memref_slice %arg6[%run_scoped3A_98, %dma_wait3A_119] : memref<40x128xi32, #tpu.memory_space<vmem>> -> memref<1x128xi32, #tpu.memory_space<vmem>>
      %dma_wait3A_121 = tpu.memref_squeeze %dma_wait3A_120 : memref<1x128xi32, #tpu.memory_space<vmem>> -> memref<128xi32, #tpu.memory_space<vmem>>
      %dma_wait3A_122 = arith.constant 0 : i32
      %dma_wait3A_123 = arith.constant 0 : i32
      %dma_wait3A_124 = tpu.memref_slice %arg8[%dma_wait3A_122, %dma_wait3A_123] : memref<10240x32xf32, #tpu.memory_space<vmem_shared>> -> memref<10240x32xf32, #tpu.memory_space<vmem_shared>>
      tpu.wait_indirect_dma semaphore(%run_scoped3A_106 : memref<!tpu.dma_semaphore, #tpu.memory_space<semaphore_mem>>) src(%dma_wait3A_118 : memref<128x32xf32, #tpu.memory_space<vmem>>) dst(%dma_wait3A_124 : memref<10240x32xf32, #tpu.memory_space<vmem_shared>>)
      tpu.yield
    }) : () -> ()
    %run_scoped3A_99 = arith.constant 0 : i32
    %run_scoped3A_100 = arith.constant 39 : i32
    "tpu.region"() ({
      %run_scoped3A_106 = tpu.sem_alloc : memref<!tpu.dma_semaphore, #tpu.memory_space<semaphore_mem>>
      %dma_start3A = arith.constant 896 : i32
      %dma_start3A_107 = arith.constant 0 : i32
      %dma_start3A_108 = tpu.memref_slice %arg7[%run_scoped3A_99, %dma_start3A, %dma_start3A_107] : memref<2x1024x32xf32, #tpu.memory_space<vmem>> -> memref<1x128x32xf32, #tpu.memory_space<vmem>>
      %dma_start3A_109 = tpu.memref_squeeze %dma_start3A_108 : memref<1x128x32xf32, #tpu.memory_space<vmem>> -> memref<128x32xf32, #tpu.memory_space<vmem>>
      %dma_start3A_110 = arith.constant 0 : i32
      %dma_start3A_111 = tpu.memref_slice %arg6[%run_scoped3A_100, %dma_start3A_110] : memref<40x128xi32, #tpu.memory_space<vmem>> -> memref<1x128xi32, #tpu.memory_space<vmem>>
      %dma_start3A_112 = tpu.memref_squeeze %dma_start3A_111 : memref<1x128xi32, #tpu.memory_space<vmem>> -> memref<128xi32, #tpu.memory_space<vmem>>
      %dma_start3A_113 = arith.constant 0 : i32
      %dma_start3A_114 = arith.constant 0 : i32
      %dma_start3A_115 = tpu.memref_slice %arg8[%dma_start3A_113, %dma_start3A_114] : memref<10240x32xf32, #tpu.memory_space<vmem_shared>> -> memref<10240x32xf32, #tpu.memory_space<vmem_shared>>
      tpu.enqueue_indirect_dma source(%dma_start3A_109 : memref<128x32xf32, #tpu.memory_space<vmem>>) target(%dma_start3A_115 : memref<10240x32xf32, #tpu.memory_space<vmem_shared>>) offsets(%dma_start3A_112 : memref<128xi32, #tpu.memory_space<vmem>>) semaphore(%run_scoped3A_106 : memref<!tpu.dma_semaphore, #tpu.memory_space<semaphore_mem>>) {add = true}
      %dma_wait3A = arith.constant 896 : i32
      %dma_wait3A_116 = arith.constant 0 : i32
      %dma_wait3A_117 = tpu.memref_slice %arg7[%run_scoped3A_99, %dma_wait3A, %dma_wait3A_116] : memref<2x1024x32xf32, #tpu.memory_space<vmem>> -> memref<1x128x32xf32, #tpu.memory_space<vmem>>
      %dma_wait3A_118 = tpu.memref_squeeze %dma_wait3A_117 : memref<1x128x32xf32, #tpu.memory_space<vmem>> -> memref<128x32xf32, #tpu.memory_space<vmem>>
      %dma_wait3A_119 = arith.constant 0 : i32
      %dma_wait3A_120 = tpu.memref_slice %arg6[%run_scoped3A_100, %dma_wait3A_119] : memref<40x128xi32, #tpu.memory_space<vmem>> -> memref<1x128xi32, #tpu.memory_space<vmem>>
      %dma_wait3A_121 = tpu.memref_squeeze %dma_wait3A_120 : memref<1x128xi32, #tpu.memory_space<vmem>> -> memref<128xi32, #tpu.memory_space<vmem>>
      %dma_wait3A_122 = arith.constant 0 : i32
      %dma_wait3A_123 = arith.constant 0 : i32
      %dma_wait3A_124 = tpu.memref_slice %arg8[%dma_wait3A_122, %dma_wait3A_123] : memref<10240x32xf32, #tpu.memory_space<vmem_shared>> -> memref<10240x32xf32, #tpu.memory_space<vmem_shared>>
      tpu.wait_indirect_dma semaphore(%run_scoped3A_106 : memref<!tpu.dma_semaphore, #tpu.memory_space<semaphore_mem>>) src(%dma_wait3A_118 : memref<128x32xf32, #tpu.memory_space<vmem>>) dst(%dma_wait3A_124 : memref<10240x32xf32, #tpu.memory_space<vmem_shared>>)
      tpu.yield
    }) : () -> ()
    %barrier3A_101 = arith.constant 0 : index
    tpu.barrier barrier_id(%barrier3A_101)
    %mul3A_102 = arith.constant 625 : i32
    %mul3A_103 = arith.muli %arg1, %mul3A_102 : i32
    %mul3A_104 = arith.constant 625 : i32
    %mul3A_105 = arith.muli %arg1, %mul3A_104 : i32
    "tpu.region"() ({
      %run_scoped3A_106 = tpu.sem_alloc : memref<!tpu.dma_semaphore, #tpu.memory_space<semaphore_mem>>
      %dma_start3A = arith.constant 0 : i32
      %dma_start3A_107 = tpu.memref_slice %arg5[%arg0, %mul3A_105, %dma_start3A] : memref<2x10000x32xf32, #tpu.memory_space<hbm>> -> memref<1x625x32xf32, #tpu.memory_space<hbm>>
      %dma_start3A_108 = tpu.memref_squeeze %dma_start3A_107 : memref<1x625x32xf32, #tpu.memory_space<hbm>> -> memref<625x32xf32, #tpu.memory_space<hbm>>
      %dma_start3A_109 = arith.constant 0 : i32
      %dma_start3A_110 = tpu.memref_slice %arg8[%mul3A_103, %dma_start3A_109] : memref<10240x32xf32, #tpu.memory_space<vmem_shared>> -> memref<625x32xf32, #tpu.memory_space<vmem_shared>>
      tpu.enqueue_dma source(%dma_start3A_110 : memref<625x32xf32, #tpu.memory_space<vmem_shared>>) target(%dma_start3A_108 : memref<625x32xf32, #tpu.memory_space<hbm>>) target_semaphore(%run_scoped3A_106 : memref<!tpu.dma_semaphore, #tpu.memory_space<semaphore_mem>>)
      %dma_wait3A = arith.constant 0 : i32
      %dma_wait3A_111 = tpu.memref_slice %arg5[%arg0, %mul3A_105, %dma_wait3A] : memref<2x10000x32xf32, #tpu.memory_space<hbm>> -> memref<1x625x32xf32, #tpu.memory_space<hbm>>
      %dma_wait3A_112 = tpu.memref_squeeze %dma_wait3A_111 : memref<1x625x32xf32, #tpu.memory_space<hbm>> -> memref<625x32xf32, #tpu.memory_space<hbm>>
      %dma_wait3A_113 = arith.constant 0 : i32
      %dma_wait3A_114 = tpu.memref_slice %arg8[%mul3A_103, %dma_wait3A_113] : memref<10240x32xf32, #tpu.memory_space<vmem_shared>> -> memref<625x32xf32, #tpu.memory_space<vmem_shared>>
      tpu.wait_dma2 semaphore(%run_scoped3A_106 : memref<!tpu.dma_semaphore, #tpu.memory_space<semaphore_mem>>) src(%dma_wait3A_114 : memref<625x32xf32, #tpu.memory_space<vmem_shared>>) dst(%dma_wait3A_112 : memref<625x32xf32, #tpu.memory_space<hbm>>)
      tpu.yield
    }) : () -> ()
    return
  }
}

module attributes {stable_mosaic.version = 14 : i64} {
  func.func @_mm_body(%arg0: i32, %arg1: memref<16x2048xf32, #tpu.memory_space<vmem>>, %arg2: memref<512x128xf32, #tpu.memory_space<vmem>>, %arg3: memref<32x512xf32, #tpu.memory_space<vmem>>, %arg4: memref<32x32xf32, #tpu.memory_space<vmem>>, %arg5: memref<512x128xf32, #tpu.memory_space<vmem>>) attributes {dimension_semantics = [#tpu.dimension_semantics<arbitrary>], iteration_bounds = array<i64: 80>, scalar_prefetch = 0 : i64, scratch_operands = 0 : i64, tpu.core_type = #tpu.core_type<tc>, window_params = [{transform_indices = @transform_0, window_bounds = array<i64: 16, 2048>}, {transform_indices = @transform_1, window_bounds = array<i64: 512, 128>}, {pipeline_mode = #tpu.pipeline_mode<synchronous>, transform_indices = @transform_2, window_bounds = array<i64: 32, 512>}, {pipeline_mode = #tpu.pipeline_mode<synchronous>, transform_indices = @transform_3, window_bounds = array<i64: 32, 32>}, {transform_indices = @transform_4, window_bounds = array<i64: 512, 128>}]} {
    %get3A = arith.constant 0 : index
    %get3A_0 = arith.constant 0 : index
    %get3A_1 = vector.load %arg2[%get3A, %get3A_0] : memref<512x128xf32, #tpu.memory_space<vmem>>, vector<512x128xf32>
    %transpose3A = tpu.transpose %get3A_1, [1, 0] : vector<512x128xf32> -> vector<128x512xf32>
    %reshape3A = vector.shape_cast %transpose3A : vector<128x512xf32> to vector<4x32x512xf32>
    %slice3A = vector.extract_strided_slice %reshape3A {offsets = [0, 0, 0], sizes = [1, 32, 512], strides = [1, 1, 1]} : vector<4x32x512xf32> to vector<1x32x512xf32>
    %squeeze3A = vector.shape_cast %slice3A : vector<1x32x512xf32> to vector<32x512xf32>
    %slice3A_2 = vector.extract_strided_slice %reshape3A {offsets = [1, 0, 0], sizes = [1, 32, 512], strides = [1, 1, 1]} : vector<4x32x512xf32> to vector<1x32x512xf32>
    %squeeze3A_3 = vector.shape_cast %slice3A_2 : vector<1x32x512xf32> to vector<32x512xf32>
    %slice3A_4 = vector.extract_strided_slice %reshape3A {offsets = [2, 0, 0], sizes = [1, 32, 512], strides = [1, 1, 1]} : vector<4x32x512xf32> to vector<1x32x512xf32>
    %squeeze3A_5 = vector.shape_cast %slice3A_4 : vector<1x32x512xf32> to vector<32x512xf32>
    %slice3A_6 = vector.extract_strided_slice %reshape3A {offsets = [3, 0, 0], sizes = [1, 32, 512], strides = [1, 1, 1]} : vector<4x32x512xf32> to vector<1x32x512xf32>
    %squeeze3A_7 = vector.shape_cast %slice3A_6 : vector<1x32x512xf32> to vector<32x512xf32>
    %concatenate3A = tpu.concatenate %squeeze3A, %squeeze3A_3, %squeeze3A_5, %squeeze3A_7 in 1 : vector<32x512xf32>, vector<32x512xf32>, vector<32x512xf32>, vector<32x512xf32> -> vector<32x2048xf32>
    %get3A_8 = arith.constant 0 : index
    %get3A_9 = arith.constant 0 : index
    %get3A_10 = vector.load %arg1[%get3A_8, %get3A_9] : memref<16x2048xf32, #tpu.memory_space<vmem>>, vector<16x2048xf32>
    %broadcast_in_dim3A = vector.shape_cast %get3A_10 : vector<16x2048xf32> to vector<16x1x2048xf32>
    %broadcast_in_dim3A_11 = vector.shape_cast %concatenate3A : vector<32x2048xf32> to vector<1x32x2048xf32>
    %mul3A = vector.broadcast %broadcast_in_dim3A : vector<16x1x2048xf32> to vector<16x32x2048xf32>
    %mul3A_12 = vector.broadcast %broadcast_in_dim3A_11 : vector<1x32x2048xf32> to vector<16x32x2048xf32>
    %mul3A_13 = arith.mulf %mul3A, %mul3A_12 : vector<16x32x2048xf32>
    %reshape3A_14 = vector.shape_cast %mul3A_13 : vector<16x32x2048xf32> to vector<512x2048xf32>
    %get3A_15 = arith.constant 0 : index
    %get3A_16 = arith.constant 0 : index
    %get3A_17 = vector.load %arg3[%get3A_15, %get3A_16] : memref<32x512xf32, #tpu.memory_space<vmem>>, vector<32x512xf32>
    %dot_general3A = arith.constant dense<0.000000e+00> : vector<32x2048xf32>
    %dot_general3A_18 = tpu.matmul %get3A_17, %reshape3A_14, %dot_general3A {dimension_numbers = #tpu.dot_dimension_numbers<[1], [0], [0], [1], [0, 0, 1, 1], [], []>, transpose_lhs_hint = false} : vector<32x512xf32>, vector<512x2048xf32>, vector<32x2048xf32> -> vector<32x2048xf32>
    %get3A_19 = arith.constant 0 : index
    %get3A_20 = arith.constant 0 : index
    %get3A_21 = vector.load %arg4[%get3A_19, %get3A_20] : memref<32x32xf32, #tpu.memory_space<vmem>>, vector<32x32xf32>
    %dot_general3A_22 = arith.constant dense<0.000000e+00> : vector<32x2048xf32>
    %dot_general3A_23 = tpu.matmul %get3A_21, %concatenate3A, %dot_general3A_22 {dimension_numbers = #tpu.dot_dimension_numbers<[1], [0], [0], [1], [0, 0, 1, 1], [], []>, transpose_lhs_hint = false} : vector<32x32xf32>, vector<32x2048xf32>, vector<32x2048xf32> -> vector<32x2048xf32>
    %add3A = arith.addf %dot_general3A_18, %dot_general3A_23 : vector<32x2048xf32>
    %slice3A_24 = vector.extract_strided_slice %add3A {offsets = [0, 0], sizes = [32, 512], strides = [1, 1]} : vector<32x2048xf32> to vector<32x512xf32>
    %transpose3A_25 = tpu.transpose %slice3A_24, [1, 0] : vector<32x512xf32> -> vector<512x32xf32>
    %slice3A_26 = vector.extract_strided_slice %add3A {offsets = [0, 512], sizes = [32, 512], strides = [1, 1]} : vector<32x2048xf32> to vector<32x512xf32>
    %transpose3A_27 = tpu.transpose %slice3A_26, [1, 0] : vector<32x512xf32> -> vector<512x32xf32>
    %slice3A_28 = vector.extract_strided_slice %add3A {offsets = [0, 1024], sizes = [32, 512], strides = [1, 1]} : vector<32x2048xf32> to vector<32x512xf32>
    %transpose3A_29 = tpu.transpose %slice3A_28, [1, 0] : vector<32x512xf32> -> vector<512x32xf32>
    %slice3A_30 = vector.extract_strided_slice %add3A {offsets = [0, 1536], sizes = [32, 512], strides = [1, 1]} : vector<32x2048xf32> to vector<32x512xf32>
    %transpose3A_31 = tpu.transpose %slice3A_30, [1, 0] : vector<32x512xf32> -> vector<512x32xf32>
    %concatenate3A_32 = tpu.concatenate %transpose3A_25, %transpose3A_27, %transpose3A_29, %transpose3A_31 in 1 : vector<512x32xf32>, vector<512x32xf32>, vector<512x32xf32>, vector<512x32xf32> -> vector<512x128xf32>
    %swap3A = arith.constant 0 : index
    %swap3A_33 = arith.constant 0 : index
    %swap3A_34 = vector.load %arg5[%swap3A, %swap3A_33] : memref<512x128xf32, #tpu.memory_space<vmem>>, vector<512x128xf32>
    tpu.vector_store %arg5[%swap3A, %swap3A_33], %concatenate3A_32 {strides = array<i32>} : memref<512x128xf32, #tpu.memory_space<vmem>>, vector<512x128xf32>,
    return
  }
  func.func @transform_0(%arg0: i32) -> (i32, i32) {
    %c0_i32 = arith.constant 0 : i32
    %c0_i32_0 = arith.constant 0 : i32
    return %c0_i32, %arg0 : i32, i32
  }
  func.func @transform_1(%arg0: i32) -> (i32, i32) {
    %c0_i32 = arith.constant 0 : i32
    %c0_i32_0 = arith.constant 0 : i32
    return %arg0, %c0_i32 : i32, i32
  }
  func.func @transform_2(%arg0: i32) -> (i32, i32) {
    %c0_i32 = arith.constant 0 : i32
    %c0_i32_0 = arith.constant 0 : i32
    %c0_i32_1 = arith.constant 0 : i32
    return %c0_i32, %c0_i32_0 : i32, i32
  }
  func.func @transform_3(%arg0: i32) -> (i32, i32) {
    %c0_i32 = arith.constant 0 : i32
    %c0_i32_0 = arith.constant 0 : i32
    %c0_i32_1 = arith.constant 0 : i32
    return %c0_i32, %c0_i32_0 : i32, i32
  }
  func.func @transform_4(%arg0: i32) -> (i32, i32) {
    %c0_i32 = arith.constant 0 : i32
    %c0_i32_0 = arith.constant 0 : i32
    return %arg0, %c0_i32 : i32, i32
  }
}

module attributes {stable_mosaic.version = 14 : i64} {
  func.func @_combine_body(%arg0: i32, %arg1: memref<2x10000x32xf32, #tpu.memory_space<vmem>>, %arg2: memref<10000x32xf32, #tpu.memory_space<vmem>>) attributes {dimension_semantics = [#tpu.dimension_semantics<arbitrary>], iteration_bounds = array<i64: 1>, scalar_prefetch = 0 : i64, scratch_operands = 0 : i64, tpu.core_type = #tpu.core_type<tc>, window_params = [{pipeline_mode = #tpu.pipeline_mode<synchronous>, transform_indices = @transform_0, window_bounds = array<i64: 2, 10000, 32>}, {pipeline_mode = #tpu.pipeline_mode<synchronous>, transform_indices = @transform_1, window_bounds = array<i64: 10000, 32>}]} {
    %get3A = arith.constant 0 : index
    %get3A_0 = arith.constant 0 : index
    %get3A_1 = arith.constant 0 : index
    %get3A_2 = vector.load %arg1[%get3A, %get3A_0, %get3A_1] : memref<2x10000x32xf32, #tpu.memory_space<vmem>>, vector<1x10000x32xf32>
    %get3A_3 = vector.shape_cast %get3A_2 : vector<1x10000x32xf32> to vector<10000x32xf32>
    %get3A_4 = arith.constant 1 : index
    %get3A_5 = arith.constant 0 : index
    %get3A_6 = arith.constant 0 : index
    %get3A_7 = vector.load %arg1[%get3A_4, %get3A_5, %get3A_6] : memref<2x10000x32xf32, #tpu.memory_space<vmem>>, vector<1x10000x32xf32>
    %get3A_8 = vector.shape_cast %get3A_7 : vector<1x10000x32xf32> to vector<10000x32xf32>
    %add3A = arith.addf %get3A_3, %get3A_8 : vector<10000x32xf32>
    %swap3A = arith.constant 0 : index
    %swap3A_9 = arith.constant 0 : index
    %swap3A_10 = vector.load %arg2[%swap3A, %swap3A_9] : memref<10000x32xf32, #tpu.memory_space<vmem>>, vector<10000x32xf32>
    tpu.vector_store %arg2[%swap3A, %swap3A_9], %add3A {strides = array<i32>} : memref<10000x32xf32, #tpu.memory_space<vmem>>, vector<10000x32xf32>,
    return
  }
  func.func @transform_0(%arg0: i32) -> (i32, i32, i32) {
    %c0_i32 = arith.constant 0 : i32
    %c0_i32_0 = arith.constant 0 : i32
    %c0_i32_1 = arith.constant 0 : i32
    %c0_i32_2 = arith.constant 0 : i32
    return %c0_i32, %c0_i32_0, %c0_i32_1 : i32, i32, i32
  }
  func.func @transform_1(%arg0: i32) -> (i32, i32) {
    %c0_i32 = arith.constant 0 : i32
    %c0_i32_0 = arith.constant 0 : i32
    %c0_i32_1 = arith.constant 0 : i32
    return %c0_i32, %c0_i32_0 : i32, i32
  }
}

</mosaic_0001>

<sc_bundles>
// kernel: kernel.10.cloned.1.call-start
scs
__scs_entry_jumppad:
0x0: {  	(pc) =	sbr.rel $0x88, $3  }
0x1: {  	(tag) =	ssettag $0x0;
	lr =	simm.s32 $0x1  }
0x2: {  	[smem:$0x3F9C] =	sst lr;
	_ =	strace $0xD0000000  }
0x3: {  	_ = 	snop  }
0x4: {  	_ = 	snop  }
0x5: {  	_ = 	snop  }
0x6: {  	_ = 	snop  }
0x7: {  	_ = 	snop  }
__scs_overlays_trampoline_lowered:
0x8: {  	[smem:$0x3FAB] =	sst s0  }
0x9: {  	[smem:$0x3FAC] =	sst s1  }
0xa: {  	[smem:$0x3FAD] =	sst s2  }
0xb: {  	[smem:$0x3FAE] =	sst s3  }
0xc: {  	[smem:$0x3FAF] =	sst s4  }
0xd: {  	[smem:$0x3FB0] =	sst s5  }
0xe: {  	[smem:$0x3FB1] =	sst s6  }
0xf: {  	[smem:$0x3FB2] =	sst s7  }
0x10: {  	[smem:$0x3FB3] =	sst s8  }
0x11: {  	[smem:$0x3FB4] =	sst s9;
	s0 =	simm.s32 @!p0 $0x0  }
0x12: {  	s1 =	sld [smem:$0x3F9A];
	s0 =	simm.s32 @p0 $0x1  }
0x13: {  	[smem:$0x3FB5] =	sst s0;
	s0 =	simm.s32 @!p1 $0x0  }
0x14: {  	s2 =	sld [smem:$0x3F99];
	s0 =	simm.s32 @p1 $0x1  }
0x15: {  	[smem:$0x3FB6] =	sst s0;
	s0 =	simm.s32 @!p2 $0x0  }
0x16: {  	s3 =	sld [smem:$0x3FDB];
	s0 =	simm.s32 @p2 $0x1  }
0x17: {  	s4 =	simm.s32 $0x1BF5;
	[smem:$0x3FB8] =	sst s0  }
0x18: {  	s0 =	sld [smem:$0x3F9B];
	_ =	swait.ge [sflag:s4], $0x0  }
0x19: {  	s7 =	sld [smem:$0x3F9C]  }
0x1a: {  	s8 =	sadd.s32 $0xFFFFE003, lr  }
0x1b: {  	s9 =	sadd.s32 $0xFFFFFEF7, lr;
	s5 =	simm.s32 $0xFFFFFFFF;
	p2 =	slt.u32 s8, $0xFFFFF086  }
0x1c: {  	p1 =	slt.u32 s9, $0xF7A;
	s5 =	simm.s32 @!p2 $0x0  }
0x1d: {  	s5 =	simm.s32 @p1 $0x1;
	p0 =	seq.s32 s7, s2  }
0x1e: {  	s7 =	smul.u32 @!p0 $0xF7A, s2;
	p2 =	seq.s32 @!p0 s5, $0x0  }
0x1f: {  	s9 =	smul.u32 $0xF7A, s1;
	s8 =	simm.s32 @!p0 $0x1BF5;
	p2 =	por !p2, p0  }
0x20: {  	[sflag:s8] =	ssyncset.s32 @!p0 $0xFFFFF086;
	s6 =	sadd.s32 @!p0 s3, s7;
	s7 =	simm.s32 @!p0 $0x108  }
0x21: {  	s3 =	sadd.s32 s3, s9;
	s6 =	sadd.s32 @!p0 $0x88, s6;
	s7 =	simm.s32 @p2 $0x1082  }
0x22: {  	[simem:s7], [sflag:s8] =	dma.local @!p0 [hbm:s6], $0xF7A  }
0x23: {  	s9 =	sor.u32 $0xD0000000, s2;
	s6 =	simm.s32 $0x108;
	_ =	swait.ge @!p0 [sflag:s8], $0x0  }
0x24: {  	s3 =	sadd.s32 $0x88, s3;
	s6 =	simm.s32 @!p1 $0x1082;
	[sflag:s4] =	ssyncset.s32 $0xFFFFF086  }
0x25: {  	[simem:s6], [sflag:s4] =	dma.local [hbm:s3], $0xF7A  }
0x26: {  	[smem:$0x3F9C] =	sst s1;
	(tag) =	ssettag s2;
	_ =	strace s9  }
0x27: {  	s1 =	sld [smem:$0x3FAC]  }
0x28: {  	s2 =	sld [smem:$0x3FAD]  }
0x29: {  	s4 =	sld [smem:$0x3FAF]  }
0x2a: {  	p0 =	seq.s32 s5, $0x0;
	s5 =	sld [smem:$0x3FB0]  }
0x2b: {  	s6 =	sld [smem:$0x3FB1]  }
0x2c: {  	s7 =	sld [smem:$0x3FB2]  }
0x2d: {  	s3 =	simm.s32 $0x108;
	s8 =	sld [smem:$0x3FB3]  }
0x2e: {  	s3 =	simm.s32 @!p0 $0x1082;
	s9 =	sld [smem:$0x3FB4]  }
0x2f: {  	lr =	sadd.s32 s0, s3;
	s0 =	sld [smem:$0x3FAB]  }
0x30: {  	s3 =	sld [smem:$0x3FAE]  }
0x31: {  	[smem:$0x3FB7] =	sst s10  }
0x32: {  	s10 =	sld [smem:$0x3FB5];
	_ =	sdelay $0x3  }
0x33: {  	p0 =	seq.s32 s10, $0x1;
	s10 =	sld [smem:$0x3FB7];
	_ =	sdelay $0x3  }
0x34: {  	[smem:$0x3FB7] =	sst s10  }
0x35: {  	s10 =	sld [smem:$0x3FB6];
	_ =	sdelay $0x3  }
0x36: {  	p1 =	seq.s32 s10, $0x1;
	s10 =	sld [smem:$0x3FB7];
	_ =	sdelay $0x3  }
0x37: {  	[smem:$0x3FB7] =	sst s10  }
0x38: {  	s10 =	sld [smem:$0x3FB8]  }
0x39: {  	_ = 	snop;
	(pc) =	sbr.ind lr, $3  }
0x3a: {  	_ = 	snop  }
0x3b: {  	_ = 	snop  }
0x3c: {  	p2 =	seq.s32 s10, $0x1;
	s10 =	sld [smem:$0x3FB7]  }
0x3d: {  	_ =	shalt  }
0x3e: {  	_ =	shalt  }
0x3f: {  	_ =	shalt  }
0x40: {  	_ =	shalt  }
0x41: {  	_ =	shalt  }
0x42: {  	_ =	shalt  }
0x43: {  	_ =	shalt  }
0x44: {  	_ =	shalt  }
0x45: {  	_ =	shalt  }
0x46: {  	_ =	shalt  }
0x47: {  	_ =	shalt  }
0x48: {  	_ =	shalt  }
0x49: {  	_ =	shalt  }
0x4a: {  	_ =	shalt  }
0x4b: {  	_ =	shalt  }
0x4c: {  	_ =	shalt  }
0x4d: {  	_ =	shalt  }
0x4e: {  	_ =	shalt  }
0x4f: {  	_ =	shalt  }
0x50: {  	_ =	shalt  }
0x51: {  	_ =	shalt  }
0x52: {  	_ =	shalt  }
0x53: {  	_ =	shalt  }
0x54: {  	_ =	shalt  }
0x55: {  	_ =	shalt  }
0x56: {  	_ =	shalt  }
0x57: {  	_ =	shalt  }
0x58: {  	_ =	shalt  }
0x59: {  	_ =	shalt  }
0x5a: {  	_ =	shalt  }
0x5b: {  	_ =	shalt  }
0x5c: {  	_ =	shalt  }
0x5d: {  	_ =	shalt  }
0x5e: {  	_ =	shalt  }
0x5f: {  	_ =	shalt  }
0x60: {  	_ =	shalt  }
0x61: {  	_ =	shalt  }
0x62: {  	_ =	shalt  }
0x63: {  	_ =	shalt  }
0x64: {  	_ =	shalt  }
0x65: {  	_ =	shalt  }
0x66: {  	_ =	shalt  }
0x67: {  	_ =	shalt  }
0x68: {  	_ =	shalt  }
0x69: {  	_ =	shalt  }
0x6a: {  	_ =	shalt  }
0x6b: {  	_ =	shalt  }
0x6c: {  	_ =	shalt  }
0x6d: {  	_ =	shalt  }
0x6e: {  	_ =	shalt  }
0x6f: {  	_ =	shalt  }
0x70: {  	_ =	shalt  }
0x71: {  	_ =	shalt  }
0x72: {  	_ =	shalt  }
0x73: {  	_ =	shalt  }
0x74: {  	_ =	shalt  }
0x75: {  	_ =	shalt  }
0x76: {  	_ =	shalt  }
0x77: {  	_ =	shalt  }
0x78: {  	_ =	shalt  }
0x79: {  	_ =	shalt  }
0x7a: {  	_ =	shalt  }
0x7b: {  	_ =	shalt  }
0x7c: {  	_ =	shalt  }
0x7d: {  	_ =	shalt  }
0x7e: {  	_ =	shalt  }
0x7f: {  	_ =	shalt  }
0x80: {  	_ =	shalt  }
0x81: {  	_ =	shalt  }
0x82: {  	_ =	shalt  }
0x83: {  	_ =	shalt  }
0x84: {  	_ =	shalt  }
0x85: {  	_ =	shalt  }
0x86: {  	_ =	shalt  }
0x87: {  	_ =	shalt  }
.Lfunc_end0:
.L_simem_size_0:
called_computation.1_lowered:
.L_overlay_start_0:
0x88: {  	s2 =	sld [smem:$0x3FD9]  }
0x89: {  	s3 =	sld [smem:$0x3FFE];
	_ =	sdelay $0x1  }
0x8a: {  	s1 =	srdreg.scid  }
0x8b: {  	s0 =	sand.u32 $0x1, s1  }
0x8c: {  	s16 =	sshll.u32 s0, $0xA;
	s2 =	sadd.s32 s3, s2  }
0x8d: {  	s2 =	sadd.s32 s2, s16  }
0x8e: {  	[smem:$0x3FC3] =	sst s2  }
0x8f: {  	_ = 	snop  }
0x90: {  	(tm) =	ssettm $0x1  }
0x91: {  	s17 =	sld [smem:$0x3FFB];
	_ =	sdelay $0x3  }
0x92: {  	_ =	strace s17  }
0x93: {  	s2 =	sld [smem:$0x3FFC];
	_ =	sdelay $0x3  }
0x94: {  	_ =	strace s2  }
0x95: {  	s2 =	sld [smem:$0x3FFD];
	_ =	sdelay $0x3  }
0x96: {  	_ =	strace s2  }
0x97: {  	_ =	strace $0x8FFFFFFF  }
0x98: {  	s18 =	sld [smem:$0x3FDB];
	_ =	sdelay $0x1  }
0x99: {  	s19 =	simm.s32 $_scs_section_size  }
0x9a: {  	s4 =	simm.s32 $_size__tile_overlayer_lowered;
	s5 =	simm.s32 $_tile_overlayer_lowered  }
0x9b: {  	s22 =	simm.s32 $0x1BFF;
	s21 =	sshll.u32 s5, $0x1;
	s2 =	sadd.s32 s19, s18  }
0x9c: {  	s6 =	simm.s32 $0x0;
	s20 =	sshll.u32 s4, $0x1;
	s4 =	sadd.s32 s21, s2  }
0x9d: {  	[timem:s6], [sflag:s22] =	dma.local [hbm:s4], s20  }
0x9e: {  	_ =	swait.ge [sflag:s22], s20  }
0x9f: {  	s3 =	ssub.s32 $0x0, s20;
	[sflag:s22] =	ssyncset.done $0x0  }
0xa0: {  	[sflag:s22] =	ssyncadd.s32 s3;
	_ =	sdelay $0x1  }
0xa1: {  	s23 =	simm.s32 $0x1B8B  }
0xa2: {  	_ =	swait.ge [sflag:s23], $0x1  }
0xa3: {  	[sflag:s23] =	ssyncset.done $0x0  }
0xa4: {  	s25 =	simm.s32 $0x1B8E;
	s24 =	sld [smem:$0x3FFE];
	[sflag:s23] =	ssyncadd.s32 $0xFFFFFFFF  }
0xa5: {  	s26 =	simm.s32 $execute0_lowered;
	[smem:$0x3FD2] =	sst s25  }
0xa6: {  	s4 =	sshll.u32 s26, $0x1;
	_ =	strace $0x80000049;
	[dreg:$0x1] =	wrdreg $0xFFFFFFFF  }
0xa7: {  	s28 =	simm.s32 $_size_execute0_lowered;
	s2 =	sadd.s32 s2, s4;
	[dreg:$0x0] =	wrdreg $0x0  }
0xa8: {  	s4 =	sshll.u32 s28, $0x1;
	[dreg:$0x2] =	wrdreg s2  }
0xa9: {  	[dreg:$0x3] =	wrdreg s4  }
0xaa: {  	[dreg:$0x4] =	wrdreg $0xC0  }
0xab: {  	_ =	task [dreg:s6], $0x5FFFF  }
0xac: {  	[dreg:$0x1] =	wrdreg $0xFFFFFFFF  }
0xad: {  	[dreg:$0x0] =	wrdreg $0x60  }
0xae: {  	[dreg:$0x2] =	wrdreg s24  }
0xaf: {  	[dreg:$0x3] =	wrdreg $0x114000  }
0xb0: {  	[dreg:$0x4] =	wrdreg $0x9  }
0xb1: {  	_ =	task.clear_ibuf [dreg:s6], $0x5FFFF;
	_ =	strace $0x90000049  }
0xb2: {  	s29 =	simm.s32 $0x9;
	_ =	strace $0x8000004B  }
0xb3: {  	_ =	swait.ge [sflag:s29], $0x1  }
0xb4: {  	[sflag:s29] =	ssyncadd.s32 $0xFFFFFFFF  }
0xb5: {  	_ =	strace $0x9000004B  }
0xb6: {  	_ =	sfence  }
0xb7: {  	s30 =	sld [smem:$0x0];
	_ =	sdelay $0x2  }
0xb8: {  	s31 =	sshll.u32 s1, $0xD;
	s1 =	sshrl.u32 s1, $0x2  }
0xb9: {  	s3 =	sand.u32 $0x4000, s31;
	s1 =	sadd.s32 s1, s30  }
0xba: {  	s0 =	sor.u32 s3, s0;
	s1 =	sshll.u32 s1, $0x11  }
0xbb: {  	s0 =	sor.u32 s1, s0  }
0xbc: {  	s0 =	sadd.s32 $0x8F2B, s0  }
0xbd: {  	[sflag:s0] =	ssyncadd.remote.s32 $0x1  }
0xbe: {  	_ =	sfence.sel $0xFFFF  }
0xbf: {  	[dreg:$0x0] =	wrdreg $0xFFFFFFFF;
	(pc) =	sbr.abs _section_cstart, $3  }
0xc0: {  	[dreg:$0x1] =	wrdreg $0xFFFFFFFF  }
0xc1: {  	_ =	task.clear_ibuf [dreg:s6], $0x2FFFF;
	_ =	strace $0x9FFFFFFF  }
0xc2: {  	(tm) =	ssettm $0x7FFFFFFF  }
0xc3: {  	_ =	shalt  }
tec
execute0_lowered:
.L_overlay_start_1:
0x0: {  	(tag) =	ssettag $0x1  }
0x1: {  	s0 =	srdreg.scid;
	s4 =	rddreg [dreg:$0x0]  }
0x2: {  	s16 =	stileid.u32;
	s2 =	rddreg [dreg:$0x1];
	s3 =	simm.s32 $0x0  }
0x3: {  	s20 =	simm.s32 $0x100;
	s21 =	simm.s32 $0x180;
	s22 =	simm.s32 $0x200  }
0x4: {  	s23 =	simm.s32 $0x280;
	s24 =	simm.s32 $0x300;
	s25 =	simm.s32 $0x380  }
0x5: {  	s31 =	simm.s32 $0x9400;
	s30 =	simm.s32 $0xA400;
	[smem:$0x7FF] =	sst s3  }
0x6: {  	s29 =	simm.s32 $0xB400;
	_ =	strace $0x8000004A;
	[dreg:$0xc] =	wrdreg s20  }
0x7: {  	s28 =	simm.s32 $0xC400;
	p0 =	por $0x0, $0x0;
	[dreg:$0xd] =	wrdreg s21  }
0x8: {  	s0 =	sand.u32 $0x1, s0;
	s6 =	smul.u32 $0x5000, s16;
	[dreg:$0xe] =	wrdreg s22  }
0x9: {  	s1 =	sshll.u32 s16, $0x1;
	s9 =	smul.u32 $0x4E20, s16;
	[dreg:$0xf] =	wrdreg s23  }
0xa: {  	s10 =	sadd.s32 $0xAB200, s4;
	s1 =	sor.u32 s0, s1;
	[dreg:$0x10] =	wrdreg s24  }
0xb: {  	s7 =	smul.u32 $0x4E200, s0;
	[dreg:$0x11] =	wrdreg s25;
	s20 =	simm.s32 $0xA00  }
0xc: {  	s0 =	ssub.s32 $0x2, s0;
	s21 =	simm.s32 $0xA80;
	[dreg:$0x1e] =	wrdreg s20  }
0xd: {  	s22 =	simm.s32 $0xB00;
	s23 =	simm.s32 $0xB80;
	[dreg:$0x1f] =	wrdreg s21  }
0xe: {  	s24 =	simm.s32 $0xC00;
	s5 =	smul.u32 $0x280, s1;
	[smem:$0x7F3] =	sst s22  }
0xf: {  	s25 =	simm.s32 $0xC80;
	s11 =	smul.u32 $0x28000, s1;
	[smem:$0x7F4] =	sst s23  }
0x10: {  	s8 =	sshrl.u32 s6, $0x3;
	s1 =	smul.u32 $0x5000, s1;
	[smem:$0x7F5] =	sst s24  }
0x11: {  	s17 =	sadd.s32 s6, s2;
	s6 =	sshrl.u32 s0, $0x1;
	[smem:$0x7F6] =	sst s25  }
0x12: {  	s20 =	simm.s32 $0xF00;
	s21 =	simm.s32 $0xF80;
	s25 =	simm.s32 $0xE400  }
0x13: {  	s22 =	simm.s32 $0x1000;
	s24 =	simm.s32 $0xF400;
	[smem:$0x7FB] =	sst s20  }
0x14: {  	s23 =	simm.s32 $0x10400;
	s8 =	sadd.s32 s8, s4;
	[smem:$0x7FC] =	sst s21  }
0x15: {  	s7 =	sadd.s32 s9, s7;
	s19 =	sshrl.u32 s17, $0x3;
	[smem:$0x7FD] =	sst s22  }
0x16: {  	s0 =	ssub.s32 s0, s6;
	s17 =	simm.s32 $0x880;
	[dreg:$0xb] =	wrdreg s19  }
0x17: {  	s6 =	simm.s32 $0x80;
	s8 =	sadd.s32 $0x1200, s8;
	[dreg:$0x1b] =	wrdreg s17  }
0x18: {  	s22 =	simm.s32 $0x1100;
	s1 =	sadd.s32 s10, s1;
	[dreg:$0x3] =	wrdreg s8  }
0x19: {  	s5 =	sadd.s32 s5, s4;
	s19 =	simm.s32 $0x980;
	[dreg:$0x5] =	wrdreg s1  }
0x1a: {  	s26 =	sshrl.u32 s11, $0x3;
	s17 =	simm.s32 $0xD80;
	[dreg:$0x1d] =	wrdreg s19  }
0x1b: {  	s7 =	sshrl.u32 s7, $0x3;
	s5 =	sadd.s32 $0xA6200, s5;
	[smem:$0x7F8] =	sst s17  }
0x1c: {  	s11 =	sadd.s32 s10, s26;
	s26 =	simm.s32 $0x400;
	[dreg:$0x4] =	wrdreg s5  }
0x1d: {  	s4 =	sadd.s32 s7, s4;
	s7 =	simm.s32 $0x580;
	[dreg:$0x12] =	wrdreg s26  }
0x1e: {  	s21 =	simm.s32 $0x1180;
	s8 =	simm.s32 $0x600;
	[dreg:$0x15] =	wrdreg s7  }
0x1f: {  	s0 =	smax.u32 s0, $0x1;
	s19 =	simm.s32 $0xE80;
	[dreg:$0x16] =	wrdreg s8  }
0x20: {  	s20 =	simm.s32 $0x1200;
	p1 =	sne.s32 s0, $0x1;
	[smem:$0x7FA] =	sst s19  }
0x21: {  	s1 =	sadd.s32 $0xFFFFFFFF, s0;
	s12 =	sadd.s32 $0x1000, s11;
	s0 =	rddreg [dreg:$0x3]  }
0x22: {  	s10 =	sshll.u32 s16, $0x6;
	s13 =	sadd.s32 $0x2000, s11;
	[dreg:$0x6] =	wrdreg s12  }
0x23: {  	s17 =	simm.s32 $0x1380;
	s14 =	sadd.s32 $0x3000, s11;
	[dreg:$0x7] =	wrdreg s13  }
0x24: {  	s15 =	sadd.s32 $0x4000, s11;
	s18 =	sadd.s32 $0xB200, s4;
	[dreg:$0x8] =	wrdreg s14  }
0x25: {  	s4 =	simm.s32 $0x480;
	s5 =	simm.s32 $0x500;
	[dreg:$0x9] =	wrdreg s15  }
0x26: {  	s11 =	simm.s32 $0x680;
	s8 =	simm.s32 $0x7400;
	[dreg:$0xa] =	wrdreg s18  }
0x27: {  	s7 =	simm.s32 $0x8400;
	s26 =	simm.s32 $0xD00;
	[dreg:$0x13] =	wrdreg s4  }
0x28: {  	s19 =	simm.s32 $0x1280;
	[dreg:$0x14] =	wrdreg s5;
	s4 =	sor.u32 $0x1C01, s10  }
0x29: {  	[dreg:$0x17] =	wrdreg s11;
	s12 =	simm.s32 $0x700;
	s15 =	sadd.s32 s9, s2  }
0x2a: {  	s13 =	simm.s32 $0x780;
	s14 =	simm.s32 $0x800;
	[smem:$0x7F7] =	sst s26  }
0x2b: {  	s5 =	simm.s32 $0x1;
	s11 =	simm.s32 $0x1400;
	[dreg:$0x18] =	wrdreg s12  }
.Ltmp0:
0x2c: {  	s18 =	simm.s32 $0x900;
	[dreg:$0x19] =	wrdreg s13;
	(pc) =	sbr.rel @!p1 .LBB2_1-.Ltmp0, $4  }
0x2d: {  	s10 =	simm.s32 $0x5400;
	s9 =	simm.s32 $0x6400;
	[dreg:$0x1a] =	wrdreg s14  }
0x2e: {  	s26 =	simm.s32 $0xD400;
	[dreg:$0x1c] =	wrdreg s18;
	s14 =	simm.s32 $0x2400  }
0x2f: {  	s13 =	simm.s32 $0x3400;
	s12 =	simm.s32 $0x4400;
	s18 =	simm.s32 $0xE00  }
0x30: {  	s15 =	sshrl.u32 s15, $0x3;
	[smem:$0x7F9] =	sst s18;
	s18 =	simm.s32 $0x1300  }
0x31: {  	s16 =	smov.u32 s1;
	s1 =	rddreg [dreg:$0xb]  }
0x32: {  	[spmem:s1], [sflag:s4] =	dma.local [hbm:s0], $0xA00  }
0x33: {  	_ =	swait.ge [sflag:s5], $0xA00  }
0x34: {  	[sflag:s5] =	ssyncset.done $0x0  }
0x35: {  	[sflag:s5] =	ssyncadd.s32 $0xFFFFF600  }
0x36: {  	[bflag:$0x0] =	sbarrier.arrive $0xFFFF  }
0x37: {  	s1 =	rddreg [dreg:$0x4]  }
0x38: {  	[tilespmem:s3], [sflag:$0x1] =	stream.linear.gather [hbm4b:s1+s3], $0x1400, $0x38;
	[tilespmem:$0x16400] =	vst v63  }
0x39: {  	_ =	swait.ge [sflag:s5], $0x1400  }
0x3a: {  	[sflag:s5] =	ssyncset.done $0x0  }
0x3b: {  	s1 =	rddreg [dreg:$0x5];
	[sflag:s5] =	ssyncadd.s32 $0xFFFFEC00  }
0x3c: {  	[tilespmem:s11], [sflag:$0x1] =	stream.linear.gather [hbm4b:s1+s3], $0x8000, $0x38;
	[tilespmem:$0x16400] =	vst v63  }
0x3d: {  	_ =	swait.ge [sflag:s5], $0x8000  }
0x3e: {  	[sflag:s5] =	ssyncset.done $0x0  }
0x3f: {  	[sflag:s5] =	ssyncadd.s32 $0xFFFF8000  }
0x40: {  	[spmem:s2] =	stream.indirect.scatter.add.f32 [tilespmem:s11], [sflag:$0x1], $0x20, s3, s6, $0xb8;
	[tilespmem:$0x16400] =	vst v63  }
0x41: {  	_ =	swait.ge [sflag:s5], $0x1000  }
0x42: {  	[sflag:s5] =	ssyncset.done $0x0  }
0x43: {  	[sflag:s5] =	ssyncadd.s32 $0xFFFFF000  }
0x44: {  	[spmem:s2] =	stream.indirect.scatter.add.f32 [tilespmem:s14], [sflag:$0x1], $0x20, s6, s6, $0xb8;
	[tilespmem:$0x16400] =	vst v63  }
0x45: {  	_ =	swait.ge [sflag:s5], $0x1000  }
0x46: {  	[sflag:s5] =	ssyncset.done $0x0  }
0x47: {  	s1 =	rddreg [dreg:$0xc];
	[sflag:s5] =	ssyncadd.s32 $0xFFFFF000  }
0x48: {  	[spmem:s2] =	stream.indirect.scatter.add.f32 [tilespmem:s13], [sflag:$0x1], $0x20, s1, s6, $0xb8;
	[tilespmem:$0x16400] =	vst v63  }
0x49: {  	_ =	swait.ge [sflag:s5], $0x1000  }
0x4a: {  	[sflag:s5] =	ssyncset.done $0x0  }
0x4b: {  	s1 =	rddreg [dreg:$0xd];
	[sflag:s5] =	ssyncadd.s32 $0xFFFFF000  }
0x4c: {  	[spmem:s2] =	stream.indirect.scatter.add.f32 [tilespmem:s12], [sflag:$0x1], $0x20, s1, s6, $0xb8;
	[tilespmem:$0x16400] =	vst v63  }
0x4d: {  	_ =	swait.ge [sflag:s5], $0x1000  }
0x4e: {  	[sflag:s5] =	ssyncset.done $0x0  }
0x4f: {  	s1 =	rddreg [dreg:$0xe];
	[sflag:s5] =	ssyncadd.s32 $0xFFFFF000  }
0x50: {  	[spmem:s2] =	stream.indirect.scatter.add.f32 [tilespmem:s10], [sflag:$0x1], $0x20, s1, s6, $0xb8;
	[tilespmem:$0x16400] =	vst v63  }
0x51: {  	_ =	swait.ge [sflag:s5], $0x1000  }
0x52: {  	[sflag:s5] =	ssyncset.done $0x0  }
0x53: {  	s1 =	rddreg [dreg:$0xf];
	[sflag:s5] =	ssyncadd.s32 $0xFFFFF000  }
0x54: {  	[spmem:s2] =	stream.indirect.scatter.add.f32 [tilespmem:s9], [sflag:$0x1], $0x20, s1, s6, $0xb8;
	[tilespmem:$0x16400] =	vst v63  }
0x55: {  	_ =	swait.ge [sflag:s5], $0x1000  }
0x56: {  	[sflag:s5] =	ssyncset.done $0x0  }
0x57: {  	s1 =	rddreg [dreg:$0x10];
	[sflag:s5] =	ssyncadd.s32 $0xFFFFF000  }
0x58: {  	[spmem:s2] =	stream.indirect.scatter.add.f32 [tilespmem:s8], [sflag:$0x1], $0x20, s1, s6, $0xb8;
	[tilespmem:$0x16400] =	vst v63  }
0x59: {  	_ =	swait.ge [sflag:s5], $0x1000  }
0x5a: {  	[sflag:s5] =	ssyncset.done $0x0  }
0x5b: {  	s1 =	rddreg [dreg:$0x11];
	[sflag:s5] =	ssyncadd.s32 $0xFFFFF000  }
0x5c: {  	[spmem:s2] =	stream.indirect.scatter.add.f32 [tilespmem:s7], [sflag:$0x1], $0x20, s1, s6, $0xb8;
	[tilespmem:$0x16400] =	vst v63  }
0x5d: {  	_ =	swait.ge [sflag:s5], $0x1000  }
0x5e: {  	[sflag:s5] =	ssyncset.done $0x0  }
0x5f: {  	s1 =	rddreg [dreg:$0x6];
	[sflag:s5] =	ssyncadd.s32 $0xFFFFF000  }
0x60: {  	[tilespmem:s31], [sflag:$0x1] =	stream.linear.gather [hbm4b:s1+s3], $0x8000, $0x38;
	[tilespmem:$0x16400] =	vst v63  }
0x61: {  	_ =	swait.ge [sflag:s5], $0x8000  }
0x62: {  	[sflag:s5] =	ssyncset.done $0x0  }
0x63: {  	s1 =	rddreg [dreg:$0x12];
	[sflag:s5] =	ssyncadd.s32 $0xFFFF8000  }
0x64: {  	[spmem:s2] =	stream.indirect.scatter.add.f32 [tilespmem:s31], [sflag:$0x1], $0x20, s1, s6, $0xb8;
	[tilespmem:$0x16400] =	vst v63  }
0x65: {  	_ =	swait.ge [sflag:s5], $0x1000  }
0x66: {  	[sflag:s5] =	ssyncset.done $0x0  }
0x67: {  	s1 =	rddreg [dreg:$0x13];
	[sflag:s5] =	ssyncadd.s32 $0xFFFFF000  }
0x68: {  	[spmem:s2] =	stream.indirect.scatter.add.f32 [tilespmem:s30], [sflag:$0x1], $0x20, s1, s6, $0xb8;
	[tilespmem:$0x16400] =	vst v63  }
0x69: {  	_ =	swait.ge [sflag:s5], $0x1000  }
0x6a: {  	[sflag:s5] =	ssyncset.done $0x0  }
0x6b: {  	s1 =	rddreg [dreg:$0x14];
	[sflag:s5] =	ssyncadd.s32 $0xFFFFF000  }
0x6c: {  	[spmem:s2] =	stream.indirect.scatter.add.f32 [tilespmem:s29], [sflag:$0x1], $0x20, s1, s6, $0xb8;
	[tilespmem:$0x16400] =	vst v63  }
0x6d: {  	_ =	swait.ge [sflag:s5], $0x1000  }
0x6e: {  	[sflag:s5] =	ssyncset.done $0x0  }
0x6f: {  	s1 =	rddreg [dreg:$0x15];
	[sflag:s5] =	ssyncadd.s32 $0xFFFFF000  }
0x70: {  	[spmem:s2] =	stream.indirect.scatter.add.f32 [tilespmem:s28], [sflag:$0x1], $0x20, s1, s6, $0xb8;
	[tilespmem:$0x16400] =	vst v63  }
0x71: {  	_ =	swait.ge [sflag:s5], $0x1000  }
0x72: {  	[sflag:s5] =	ssyncset.done $0x0  }
0x73: {  	s1 =	rddreg [dreg:$0x16];
	[sflag:s5] =	ssyncadd.s32 $0xFFFFF000  }
0x74: {  	[spmem:s2] =	stream.indirect.scatter.add.f32 [tilespmem:s26], [sflag:$0x1], $0x20, s1, s6, $0xb8;
	[tilespmem:$0x16400] =	vst v63  }
0x75: {  	_ =	swait.ge [sflag:s5], $0x1000  }
0x76: {  	[sflag:s5] =	ssyncset.done $0x0  }
0x77: {  	s1 =	rddreg [dreg:$0x17];
	[sflag:s5] =	ssyncadd.s32 $0xFFFFF000  }
0x78: {  	[spmem:s2] =	stream.indirect.scatter.add.f32 [tilespmem:s25], [sflag:$0x1], $0x20, s1, s6, $0xb8;
	[tilespmem:$0x16400] =	vst v63  }
0x79: {  	_ =	swait.ge [sflag:s5], $0x1000  }
0x7a: {  	[sflag:s5] =	ssyncset.done $0x0  }
0x7b: {  	s1 =	rddreg [dreg:$0x18];
	[sflag:s5] =	ssyncadd.s32 $0xFFFFF000  }
0x7c: {  	[spmem:s2] =	stream.indirect.scatter.add.f32 [tilespmem:s24], [sflag:$0x1], $0x20, s1, s6, $0xb8;
	[tilespmem:$0x16400] =	vst v63  }
0x7d: {  	_ =	swait.ge [sflag:s5], $0x1000  }
0x7e: {  	[sflag:s5] =	ssyncset.done $0x0  }
0x7f: {  	s1 =	rddreg [dreg:$0x19];
	[sflag:s5] =	ssyncadd.s32 $0xFFFFF000  }
0x80: {  	[spmem:s2] =	stream.indirect.scatter.add.f32 [tilespmem:s23], [sflag:$0x1], $0x20, s1, s6, $0xb8;
	[tilespmem:$0x16400] =	vst v63  }
0x81: {  	_ =	swait.ge [sflag:s5], $0x1000  }
0x82: {  	[sflag:s5] =	ssyncset.done $0x0  }
0x83: {  	s1 =	rddreg [dreg:$0x7];
	[sflag:s5] =	ssyncadd.s32 $0xFFFFF000  }
0x84: {  	[tilespmem:s11], [sflag:$0x1] =	stream.linear.gather [hbm4b:s1+s3], $0x8000, $0x38;
	[tilespmem:$0x16400] =	vst v63  }
0x85: {  	_ =	swait.ge [sflag:s5], $0x8000  }
0x86: {  	[sflag:s5] =	ssyncset.done $0x0  }
0x87: {  	s1 =	rddreg [dreg:$0x1a];
	[sflag:s5] =	ssyncadd.s32 $0xFFFF8000  }
0x88: {  	[spmem:s2] =	stream.indirect.scatter.add.f32 [tilespmem:s11], [sflag:$0x1], $0x20, s1, s6, $0xb8;
	[tilespmem:$0x16400] =	vst v63  }
0x89: {  	_ =	swait.ge [sflag:s5], $0x1000  }
0x8a: {  	[sflag:s5] =	ssyncset.done $0x0  }
0x8b: {  	s1 =	rddreg [dreg:$0x1b];
	[sflag:s5] =	ssyncadd.s32 $0xFFFFF000  }
0x8c: {  	[spmem:s2] =	stream.indirect.scatter.add.f32 [tilespmem:s14], [sflag:$0x1], $0x20, s1, s6, $0xb8;
	[tilespmem:$0x16400] =	vst v63  }
0x8d: {  	_ =	swait.ge [sflag:s5], $0x1000  }
0x8e: {  	[sflag:s5] =	ssyncset.done $0x0  }
0x8f: {  	s1 =	rddreg [dreg:$0x1c];
	[sflag:s5] =	ssyncadd.s32 $0xFFFFF000  }
0x90: {  	[spmem:s2] =	stream.indirect.scatter.add.f32 [tilespmem:s13], [sflag:$0x1], $0x20, s1, s6, $0xb8;
	[tilespmem:$0x16400] =	vst v63  }
0x91: {  	_ =	swait.ge [sflag:s5], $0x1000  }
0x92: {  	[sflag:s5] =	ssyncset.done $0x0  }
0x93: {  	s1 =	rddreg [dreg:$0x1d];
	[sflag:s5] =	ssyncadd.s32 $0xFFFFF000  }
0x94: {  	[spmem:s2] =	stream.indirect.scatter.add.f32 [tilespmem:s12], [sflag:$0x1], $0x20, s1, s6, $0xb8;
	[tilespmem:$0x16400] =	vst v63  }
0x95: {  	_ =	swait.ge [sflag:s5], $0x1000  }
0x96: {  	[sflag:s5] =	ssyncset.done $0x0  }
0x97: {  	s1 =	rddreg [dreg:$0x1e];
	[sflag:s5] =	ssyncadd.s32 $0xFFFFF000  }
0x98: {  	[spmem:s2] =	stream.indirect.scatter.add.f32 [tilespmem:s10], [sflag:$0x1], $0x20, s1, s6, $0xb8;
	[tilespmem:$0x16400] =	vst v63  }
0x99: {  	_ =	swait.ge [sflag:s5], $0x1000  }
0x9a: {  	[sflag:s5] =	ssyncset.done $0x0  }
0x9b: {  	s1 =	rddreg [dreg:$0x1f];
	[sflag:s5] =	ssyncadd.s32 $0xFFFFF000  }
0x9c: {  	[spmem:s2] =	stream.indirect.scatter.add.f32 [tilespmem:s9], [sflag:$0x1], $0x20, s1, s6, $0xb8;
	[tilespmem:$0x16400] =	vst v63  }
0x9d: {  	_ =	swait.ge [sflag:s5], $0x1000  }
0x9e: {  	s1 =	sld [smem:$0x7F3]  }
0x9f: {  	[sflag:s5] =	ssyncset.done $0x0  }
0xa0: {  	[sflag:s5] =	ssyncadd.s32 $0xFFFFF000  }
0xa1: {  	[spmem:s2] =	stream.indirect.scatter.add.f32 [tilespmem:s8], [sflag:$0x1], $0x20, s1, s6, $0xb8;
	[tilespmem:$0x16400] =	vst v63  }
0xa2: {  	_ =	swait.ge [sflag:s5], $0x1000  }
0xa3: {  	s1 =	sld [smem:$0x7F4]  }
0xa4: {  	[sflag:s5] =	ssyncset.done $0x0  }
0xa5: {  	[sflag:s5] =	ssyncadd.s32 $0xFFFFF000  }
0xa6: {  	[spmem:s2] =	stream.indirect.scatter.add.f32 [tilespmem:s7], [sflag:$0x1], $0x20, s1, s6, $0xb8;
	[tilespmem:$0x16400] =	vst v63  }
0xa7: {  	_ =	swait.ge [sflag:s5], $0x1000  }
0xa8: {  	[sflag:s5] =	ssyncset.done $0x0  }
0xa9: {  	s1 =	rddreg [dreg:$0x8];
	[sflag:s5] =	ssyncadd.s32 $0xFFFFF000  }
0xaa: {  	[tilespmem:s31], [sflag:$0x1] =	stream.linear.gather [hbm4b:s1+s3], $0x8000, $0x38;
	[tilespmem:$0x16400] =	vst v63  }
0xab: {  	_ =	swait.ge [sflag:s5], $0x8000  }
0xac: {  	s1 =	sld [smem:$0x7F5]  }
0xad: {  	[sflag:s5] =	ssyncset.done $0x0  }
0xae: {  	[sflag:s5] =	ssyncadd.s32 $0xFFFF8000  }
0xaf: {  	[spmem:s2] =	stream.indirect.scatter.add.f32 [tilespmem:s31], [sflag:$0x1], $0x20, s1, s6, $0xb8;
	[tilespmem:$0x16400] =	vst v63  }
0xb0: {  	_ =	swait.ge [sflag:s5], $0x1000  }
0xb1: {  	s1 =	sld [smem:$0x7F6]  }
0xb2: {  	[sflag:s5] =	ssyncset.done $0x0  }
0xb3: {  	[sflag:s5] =	ssyncadd.s32 $0xFFFFF000  }
0xb4: {  	[spmem:s2] =	stream.indirect.scatter.add.f32 [tilespmem:s30], [sflag:$0x1], $0x20, s1, s6, $0xb8;
	[tilespmem:$0x16400] =	vst v63  }
0xb5: {  	_ =	swait.ge [sflag:s5], $0x1000  }
0xb6: {  	s1 =	sld [smem:$0x7F7]  }
0xb7: {  	[sflag:s5] =	ssyncset.done $0x0  }
0xb8: {  	[sflag:s5] =	ssyncadd.s32 $0xFFFFF000  }
0xb9: {  	[spmem:s2] =	stream.indirect.scatter.add.f32 [tilespmem:s29], [sflag:$0x1], $0x20, s1, s6, $0xb8;
	[tilespmem:$0x16400] =	vst v63  }
0xba: {  	_ =	swait.ge [sflag:s5], $0x1000  }
0xbb: {  	s1 =	sld [smem:$0x7F8]  }
0xbc: {  	[sflag:s5] =	ssyncset.done $0x0  }
0xbd: {  	[sflag:s5] =	ssyncadd.s32 $0xFFFFF000  }
0xbe: {  	[spmem:s2] =	stream.indirect.scatter.add.f32 [tilespmem:s28], [sflag:$0x1], $0x20, s1, s6, $0xb8;
	[tilespmem:$0x16400] =	vst v63  }
0xbf: {  	_ =	swait.ge [sflag:s5], $0x1000  }
0xc0: {  	s1 =	sld [smem:$0x7F9]  }
0xc1: {  	[sflag:s5] =	ssyncset.done $0x0  }
0xc2: {  	[sflag:s5] =	ssyncadd.s32 $0xFFFFF000  }
0xc3: {  	[spmem:s2] =	stream.indirect.scatter.add.f32 [tilespmem:s26], [sflag:$0x1], $0x20, s1, s6, $0xb8;
	[tilespmem:$0x16400] =	vst v63  }
0xc4: {  	_ =	swait.ge [sflag:s5], $0x1000  }
0xc5: {  	s1 =	sld [smem:$0x7FA]  }
0xc6: {  	[sflag:s5] =	ssyncset.done $0x0  }
0xc7: {  	[sflag:s5] =	ssyncadd.s32 $0xFFFFF000  }
0xc8: {  	[spmem:s2] =	stream.indirect.scatter.add.f32 [tilespmem:s25], [sflag:$0x1], $0x20, s1, s6, $0xb8;
	[tilespmem:$0x16400] =	vst v63  }
0xc9: {  	_ =	swait.ge [sflag:s5], $0x1000  }
0xca: {  	s1 =	sld [smem:$0x7FB]  }
0xcb: {  	[sflag:s5] =	ssyncset.done $0x0  }
0xcc: {  	[sflag:s5] =	ssyncadd.s32 $0xFFFFF000  }
0xcd: {  	[spmem:s2] =	stream.indirect.scatter.add.f32 [tilespmem:s24], [sflag:$0x1], $0x20, s1, s6, $0xb8;
	[tilespmem:$0x16400] =	vst v63  }
0xce: {  	_ =	swait.ge [sflag:s5], $0x1000  }
0xcf: {  	s1 =	sld [smem:$0x7FC]  }
0xd0: {  	[sflag:s5] =	ssyncset.done $0x0  }
0xd1: {  	[sflag:s5] =	ssyncadd.s32 $0xFFFFF000  }
0xd2: {  	[spmem:s2] =	stream.indirect.scatter.add.f32 [tilespmem:s23], [sflag:$0x1], $0x20, s1, s6, $0xb8;
	[tilespmem:$0x16400] =	vst v63  }
0xd3: {  	_ =	swait.ge [sflag:s5], $0x1000  }
0xd4: {  	[sflag:s5] =	ssyncset.done $0x0  }
0xd5: {  	s1 =	rddreg [dreg:$0x9];
	[sflag:s5] =	ssyncadd.s32 $0xFFFFF000  }
0xd6: {  	[tilespmem:s11], [sflag:$0x1] =	stream.linear.gather [hbm4b:s1+s3], $0x8000, $0x38;
	[tilespmem:$0x16400] =	vst v63  }
0xd7: {  	_ =	swait.ge [sflag:s5], $0x8000  }
0xd8: {  	s1 =	sld [smem:$0x7FD]  }
0xd9: {  	[sflag:s5] =	ssyncset.done $0x0  }
0xda: {  	[sflag:s5] =	ssyncadd.s32 $0xFFFF8000  }
0xdb: {  	[spmem:s2] =	stream.indirect.scatter.add.f32 [tilespmem:s11], [sflag:$0x1], $0x20, s1, s6, $0xb8;
	[tilespmem:$0x16400] =	vst v63  }
0xdc: {  	_ =	swait.ge [sflag:s5], $0x1000  }
0xdd: {  	[sflag:s5] =	ssyncset.done $0x0  }
0xde: {  	s1 =	simm.s32 $0x1080;
	[sflag:s5] =	ssyncadd.s32 $0xFFFFF000  }
0xdf: {  	[spmem:s2] =	stream.indirect.scatter.add.f32 [tilespmem:s14], [sflag:$0x1], $0x20, s1, s6, $0xb8;
	[tilespmem:$0x16400] =	vst v63  }
0xe0: {  	_ =	swait.ge [sflag:s5], $0x1000  }
0xe1: {  	[sflag:s5] =	ssyncset.done $0x0  }
0xe2: {  	[sflag:s5] =	ssyncadd.s32 $0xFFFFF000  }
0xe3: {  	[spmem:s2] =	stream.indirect.scatter.add.f32 [tilespmem:s13], [sflag:$0x1], $0x20, s22, s6, $0xb8;
	[tilespmem:$0x16400] =	vst v63  }
0xe4: {  	_ =	swait.ge [sflag:s5], $0x1000  }
0xe5: {  	[sflag:s5] =	ssyncset.done $0x0  }
0xe6: {  	[sflag:s5] =	ssyncadd.s32 $0xFFFFF000  }
0xe7: {  	[spmem:s2] =	stream.indirect.scatter.add.f32 [tilespmem:s12], [sflag:$0x1], $0x20, s21, s6, $0xb8;
	[tilespmem:$0x16400] =	vst v63  }
0xe8: {  	_ =	swait.ge [sflag:s5], $0x1000  }
0xe9: {  	[sflag:s5] =	ssyncset.done $0x0  }
0xea: {  	[sflag:s5] =	ssyncadd.s32 $0xFFFFF000  }
0xeb: {  	[spmem:s2] =	stream.indirect.scatter.add.f32 [tilespmem:s10], [sflag:$0x1], $0x20, s20, s6, $0xb8;
	[tilespmem:$0x16400] =	vst v63  }
0xec: {  	_ =	swait.ge [sflag:s5], $0x1000  }
0xed: {  	[sflag:s5] =	ssyncset.done $0x0  }
0xee: {  	[sflag:s5] =	ssyncadd.s32 $0xFFFFF000  }
0xef: {  	[spmem:s2] =	stream.indirect.scatter.add.f32 [tilespmem:s9], [sflag:$0x1], $0x20, s19, s6, $0xb8;
	[tilespmem:$0x16400] =	vst v63  }
0xf0: {  	_ =	swait.ge [sflag:s5], $0x1000  }
0xf1: {  	[sflag:s5] =	ssyncset.done $0x0  }
0xf2: {  	[sflag:s5] =	ssyncadd.s32 $0xFFFFF000  }
0xf3: {  	[spmem:s2] =	stream.indirect.scatter.add.f32 [tilespmem:s8], [sflag:$0x1], $0x20, s18, s6, $0xb8;
	[tilespmem:$0x16400] =	vst v63  }
0xf4: {  	_ =	swait.ge [sflag:s5], $0x1000  }
0xf5: {  	[sflag:s5] =	ssyncset.done $0x0  }
0xf6: {  	[sflag:s5] =	ssyncadd.s32 $0xFFFFF000  }
0xf7: {  	[spmem:s2] =	stream.indirect.scatter.add.f32 [tilespmem:s7], [sflag:$0x1], $0x20, s17, s6, $0xb8;
	[tilespmem:$0x16400] =	vst v63  }
0xf8: {  	_ =	swait.ge [sflag:s5], $0x1000  }
0xf9: {  	[sflag:s5] =	ssyncset.done $0x0  }
0xfa: {  	p1 =	sne.s32 s16, $0x1;
	[sflag:s5] =	ssyncadd.s32 $0xFFFFF000  }
.Ltmp1:
0xfb: {  	[bflag:$0x0] =	sbarrier.arrive $0xFFFF;
	(pc) =	sbr.rel @!p1 .LBB2_3-.Ltmp1, $4  }
0xfc: {  	s1 =	rddreg [dreg:$0xa]  }
0xfd: {  	[hbm:s1], [sflag:s4] =	dma.local [spmem:s15], $0x9C4  }
0xfe: {  	p0 =	por $0x1, $0x1;
	_ =	swait.ge [sflag:s5], $0x9C4  }
0xff: {  	s1 =	sadd.s32 $0xFFFFFFFF, s16;
	s0 =	rddreg [dreg:$0x3];
	[sflag:s5] =	ssyncset.done $0x0  }
.LBB2_4:
0x100: {  	s16 =	rddreg [dreg:$0xb];
	[sflag:s5] =	ssyncadd.s32 $0xFFFFF63C  }
0x101: {  	[spmem:s16], [sflag:s4] =	dma.local [hbm:s0], $0xA00  }
0x102: {  	_ =	swait.ge [sflag:s5], $0xA00  }
0x103: {  	[sflag:s5] =	ssyncset.done $0x0  }
0x104: {  	[sflag:s5] =	ssyncadd.s32 $0xFFFFF600  }
0x105: {  	[bflag:$0x0] =	sbarrier.arrive $0xFFFF  }
0x106: {  	s16 =	rddreg [dreg:$0x4]  }
0x107: {  	[tilespmem:s3], [sflag:$0x1] =	stream.linear.gather [hbm4b:s16+s3], $0x1400, $0x38;
	[tilespmem:$0x16400] =	vst v63  }
0x108: {  	_ =	swait.ge [sflag:s5], $0x1400  }
0x109: {  	[sflag:s5] =	ssyncset.done $0x0  }
0x10a: {  	s16 =	rddreg [dreg:$0x5];
	[sflag:s5] =	ssyncadd.s32 $0xFFFFEC00  }
0x10b: {  	[tilespmem:s11], [sflag:$0x1] =	stream.linear.gather [hbm4b:s16+s3], $0x8000, $0x38;
	[tilespmem:$0x16400] =	vst v63  }
0x10c: {  	_ =	swait.ge [sflag:s5], $0x8000  }
0x10d: {  	[sflag:s5] =	ssyncset.done $0x0  }
0x10e: {  	[sflag:s5] =	ssyncadd.s32 $0xFFFF8000  }
0x10f: {  	[spmem:s2] =	stream.indirect.scatter.add.f32 [tilespmem:s11], [sflag:$0x1], $0x20, s3, s6, $0xb8;
	[tilespmem:$0x16400] =	vst v63  }
0x110: {  	_ =	swait.ge [sflag:s5], $0x1000  }
0x111: {  	[sflag:s5] =	ssyncset.done $0x0  }
0x112: {  	[sflag:s5] =	ssyncadd.s32 $0xFFFFF000  }
0x113: {  	[spmem:s2] =	stream.indirect.scatter.add.f32 [tilespmem:s14], [sflag:$0x1], $0x20, s6, s6, $0xb8;
	[tilespmem:$0x16400] =	vst v63  }
0x114: {  	_ =	swait.ge [sflag:s5], $0x1000  }
0x115: {  	[sflag:s5] =	ssyncset.done $0x0  }
0x116: {  	s16 =	rddreg [dreg:$0xc];
	[sflag:s5] =	ssyncadd.s32 $0xFFFFF000  }
0x117: {  	[spmem:s2] =	stream.indirect.scatter.add.f32 [tilespmem:s13], [sflag:$0x1], $0x20, s16, s6, $0xb8;
	[tilespmem:$0x16400] =	vst v63  }
0x118: {  	_ =	swait.ge [sflag:s5], $0x1000  }
0x119: {  	[sflag:s5] =	ssyncset.done $0x0  }
0x11a: {  	s16 =	rddreg [dreg:$0xd];
	[sflag:s5] =	ssyncadd.s32 $0xFFFFF000  }
0x11b: {  	[spmem:s2] =	stream.indirect.scatter.add.f32 [tilespmem:s12], [sflag:$0x1], $0x20, s16, s6, $0xb8;
	[tilespmem:$0x16400] =	vst v63  }
0x11c: {  	_ =	swait.ge [sflag:s5], $0x1000  }
0x11d: {  	[sflag:s5] =	ssyncset.done $0x0  }
0x11e: {  	s16 =	rddreg [dreg:$0xe];
	[sflag:s5] =	ssyncadd.s32 $0xFFFFF000  }
0x11f: {  	[spmem:s2] =	stream.indirect.scatter.add.f32 [tilespmem:s10], [sflag:$0x1], $0x20, s16, s6, $0xb8;
	[tilespmem:$0x16400] =	vst v63  }
0x120: {  	_ =	swait.ge [sflag:s5], $0x1000  }
0x121: {  	[sflag:s5] =	ssyncset.done $0x0  }
0x122: {  	s16 =	rddreg [dreg:$0xf];
	[sflag:s5] =	ssyncadd.s32 $0xFFFFF000  }
0x123: {  	[spmem:s2] =	stream.indirect.scatter.add.f32 [tilespmem:s9], [sflag:$0x1], $0x20, s16, s6, $0xb8;
	[tilespmem:$0x16400] =	vst v63  }
0x124: {  	_ =	swait.ge [sflag:s5], $0x1000  }
0x125: {  	[sflag:s5] =	ssyncset.done $0x0  }
0x126: {  	s16 =	rddreg [dreg:$0x10];
	[sflag:s5] =	ssyncadd.s32 $0xFFFFF000  }
0x127: {  	[spmem:s2] =	stream.indirect.scatter.add.f32 [tilespmem:s8], [sflag:$0x1], $0x20, s16, s6, $0xb8;
	[tilespmem:$0x16400] =	vst v63  }
0x128: {  	_ =	swait.ge [sflag:s5], $0x1000  }
0x129: {  	[sflag:s5] =	ssyncset.done $0x0  }
0x12a: {  	s16 =	rddreg [dreg:$0x11];
	[sflag:s5] =	ssyncadd.s32 $0xFFFFF000  }
0x12b: {  	[spmem:s2] =	stream.indirect.scatter.add.f32 [tilespmem:s7], [sflag:$0x1], $0x20, s16, s6, $0xb8;
	[tilespmem:$0x16400] =	vst v63  }
0x12c: {  	_ =	swait.ge [sflag:s5], $0x1000  }
0x12d: {  	[sflag:s5] =	ssyncset.done $0x0  }
0x12e: {  	s16 =	rddreg [dreg:$0x6];
	[sflag:s5] =	ssyncadd.s32 $0xFFFFF000  }
0x12f: {  	[tilespmem:s31], [sflag:$0x1] =	stream.linear.gather [hbm4b:s16+s3], $0x8000, $0x38;
	[tilespmem:$0x16400] =	vst v63  }
0x130: {  	_ =	swait.ge [sflag:s5], $0x8000  }
0x131: {  	[sflag:s5] =	ssyncset.done $0x0  }
0x132: {  	s16 =	rddreg [dreg:$0x12];
	[sflag:s5] =	ssyncadd.s32 $0xFFFF8000  }
0x133: {  	[spmem:s2] =	stream.indirect.scatter.add.f32 [tilespmem:s31], [sflag:$0x1], $0x20, s16, s6, $0xb8;
	[tilespmem:$0x16400] =	vst v63  }
0x134: {  	_ =	swait.ge [sflag:s5], $0x1000  }
0x135: {  	[sflag:s5] =	ssyncset.done $0x0  }
0x136: {  	s16 =	rddreg [dreg:$0x13];
	[sflag:s5] =	ssyncadd.s32 $0xFFFFF000  }
0x137: {  	[spmem:s2] =	stream.indirect.scatter.add.f32 [tilespmem:s30], [sflag:$0x1], $0x20, s16, s6, $0xb8;
	[tilespmem:$0x16400] =	vst v63  }
0x138: {  	_ =	swait.ge [sflag:s5], $0x1000  }
0x139: {  	[sflag:s5] =	ssyncset.done $0x0  }
0x13a: {  	s16 =	rddreg [dreg:$0x14];
	[sflag:s5] =	ssyncadd.s32 $0xFFFFF000  }
0x13b: {  	[spmem:s2] =	stream.indirect.scatter.add.f32 [tilespmem:s29], [sflag:$0x1], $0x20, s16, s6, $0xb8;
	[tilespmem:$0x16400] =	vst v63  }
0x13c: {  	_ =	swait.ge [sflag:s5], $0x1000  }
0x13d: {  	[sflag:s5] =	ssyncset.done $0x0  }
0x13e: {  	s16 =	rddreg [dreg:$0x15];
	[sflag:s5] =	ssyncadd.s32 $0xFFFFF000  }
0x13f: {  	[spmem:s2] =	stream.indirect.scatter.add.f32 [tilespmem:s28], [sflag:$0x1], $0x20, s16, s6, $0xb8;
	[tilespmem:$0x16400] =	vst v63  }
0x140: {  	_ =	swait.ge [sflag:s5], $0x1000  }
0x141: {  	[sflag:s5] =	ssyncset.done $0x0  }
0x142: {  	s16 =	rddreg [dreg:$0x16];
	[sflag:s5] =	ssyncadd.s32 $0xFFFFF000  }
0x143: {  	[spmem:s2] =	stream.indirect.scatter.add.f32 [tilespmem:s26], [sflag:$0x1], $0x20, s16, s6, $0xb8;
	[tilespmem:$0x16400] =	vst v63  }
0x144: {  	_ =	swait.ge [sflag:s5], $0x1000  }
0x145: {  	[sflag:s5] =	ssyncset.done $0x0  }
0x146: {  	s16 =	rddreg [dreg:$0x17];
	[sflag:s5] =	ssyncadd.s32 $0xFFFFF000  }
0x147: {  	[spmem:s2] =	stream.indirect.scatter.add.f32 [tilespmem:s25], [sflag:$0x1], $0x20, s16, s6, $0xb8;
	[tilespmem:$0x16400] =	vst v63  }
0x148: {  	_ =	swait.ge [sflag:s5], $0x1000  }
0x149: {  	[sflag:s5] =	ssyncset.done $0x0  }
0x14a: {  	s16 =	rddreg [dreg:$0x18];
	[sflag:s5] =	ssyncadd.s32 $0xFFFFF000  }
0x14b: {  	[spmem:s2] =	stream.indirect.scatter.add.f32 [tilespmem:s24], [sflag:$0x1], $0x20, s16, s6, $0xb8;
	[tilespmem:$0x16400] =	vst v63  }
0x14c: {  	_ =	swait.ge [sflag:s5], $0x1000  }
0x14d: {  	[sflag:s5] =	ssyncset.done $0x0  }
0x14e: {  	s16 =	rddreg [dreg:$0x19];
	[sflag:s5] =	ssyncadd.s32 $0xFFFFF000  }
0x14f: {  	[spmem:s2] =	stream.indirect.scatter.add.f32 [tilespmem:s23], [sflag:$0x1], $0x20, s16, s6, $0xb8;
	[tilespmem:$0x16400] =	vst v63  }
0x150: {  	_ =	swait.ge [sflag:s5], $0x1000  }
0x151: {  	[sflag:s5] =	ssyncset.done $0x0  }
0x152: {  	s16 =	rddreg [dreg:$0x7];
	[sflag:s5] =	ssyncadd.s32 $0xFFFFF000  }
0x153: {  	[tilespmem:s11], [sflag:$0x1] =	stream.linear.gather [hbm4b:s16+s3], $0x8000, $0x38;
	[tilespmem:$0x16400] =	vst v63  }
0x154: {  	_ =	swait.ge [sflag:s5], $0x8000  }
0x155: {  	[sflag:s5] =	ssyncset.done $0x0  }
0x156: {  	s16 =	rddreg [dreg:$0x1a];
	[sflag:s5] =	ssyncadd.s32 $0xFFFF8000  }
0x157: {  	[spmem:s2] =	stream.indirect.scatter.add.f32 [tilespmem:s11], [sflag:$0x1], $0x20, s16, s6, $0xb8;
	[tilespmem:$0x16400] =	vst v63  }
0x158: {  	_ =	swait.ge [sflag:s5], $0x1000  }
0x159: {  	[sflag:s5] =	ssyncset.done $0x0  }
0x15a: {  	s16 =	rddreg [dreg:$0x1b];
	[sflag:s5] =	ssyncadd.s32 $0xFFFFF000  }
0x15b: {  	[spmem:s2] =	stream.indirect.scatter.add.f32 [tilespmem:s14], [sflag:$0x1], $0x20, s16, s6, $0xb8;
	[tilespmem:$0x16400] =	vst v63  }
0x15c: {  	_ =	swait.ge [sflag:s5], $0x1000  }
0x15d: {  	[sflag:s5] =	ssyncset.done $0x0  }
0x15e: {  	s16 =	rddreg [dreg:$0x1c];
	[sflag:s5] =	ssyncadd.s32 $0xFFFFF000  }
0x15f: {  	[spmem:s2] =	stream.indirect.scatter.add.f32 [tilespmem:s13], [sflag:$0x1], $0x20, s16, s6, $0xb8;
	[tilespmem:$0x16400] =	vst v63  }
0x160: {  	_ =	swait.ge [sflag:s5], $0x1000  }
0x161: {  	[sflag:s5] =	ssyncset.done $0x0  }
0x162: {  	s16 =	rddreg [dreg:$0x1d];
	[sflag:s5] =	ssyncadd.s32 $0xFFFFF000  }
0x163: {  	[spmem:s2] =	stream.indirect.scatter.add.f32 [tilespmem:s12], [sflag:$0x1], $0x20, s16, s6, $0xb8;
	[tilespmem:$0x16400] =	vst v63  }
0x164: {  	_ =	swait.ge [sflag:s5], $0x1000  }
0x165: {  	[sflag:s5] =	ssyncset.done $0x0  }
0x166: {  	s16 =	rddreg [dreg:$0x1e];
	[sflag:s5] =	ssyncadd.s32 $0xFFFFF000  }
0x167: {  	[spmem:s2] =	stream.indirect.scatter.add.f32 [tilespmem:s10], [sflag:$0x1], $0x20, s16, s6, $0xb8;
	[tilespmem:$0x16400] =	vst v63  }
0x168: {  	_ =	swait.ge [sflag:s5], $0x1000  }
0x169: {  	[sflag:s5] =	ssyncset.done $0x0  }
0x16a: {  	s16 =	rddreg [dreg:$0x1f];
	[sflag:s5] =	ssyncadd.s32 $0xFFFFF000  }
0x16b: {  	[spmem:s2] =	stream.indirect.scatter.add.f32 [tilespmem:s9], [sflag:$0x1], $0x20, s16, s6, $0xb8;
	[tilespmem:$0x16400] =	vst v63  }
0x16c: {  	_ =	swait.ge [sflag:s5], $0x1000  }
0x16d: {  	s16 =	sld [smem:$0x7F3]  }
0x16e: {  	[sflag:s5] =	ssyncset.done $0x0  }
0x16f: {  	[sflag:s5] =	ssyncadd.s32 $0xFFFFF000  }
0x170: {  	[spmem:s2] =	stream.indirect.scatter.add.f32 [tilespmem:s8], [sflag:$0x1], $0x20, s16, s6, $0xb8;
	[tilespmem:$0x16400] =	vst v63  }
0x171: {  	_ =	swait.ge [sflag:s5], $0x1000  }
0x172: {  	s16 =	sld [smem:$0x7F4]  }
0x173: {  	[sflag:s5] =	ssyncset.done $0x0  }
0x174: {  	[sflag:s5] =	ssyncadd.s32 $0xFFFFF000  }
0x175: {  	[spmem:s2] =	stream.indirect.scatter.add.f32 [tilespmem:s7], [sflag:$0x1], $0x20, s16, s6, $0xb8;
	[tilespmem:$0x16400] =	vst v63  }
0x176: {  	_ =	swait.ge [sflag:s5], $0x1000  }
0x177: {  	[sflag:s5] =	ssyncset.done $0x0  }
0x178: {  	s16 =	rddreg [dreg:$0x8];
	[sflag:s5] =	ssyncadd.s32 $0xFFFFF000  }
0x179: {  	[tilespmem:s31], [sflag:$0x1] =	stream.linear.gather [hbm4b:s16+s3], $0x8000, $0x38;
	[tilespmem:$0x16400] =	vst v63  }
0x17a: {  	_ =	swait.ge [sflag:s5], $0x8000  }
0x17b: {  	s16 =	sld [smem:$0x7F5]  }
0x17c: {  	[sflag:s5] =	ssyncset.done $0x0  }
0x17d: {  	[sflag:s5] =	ssyncadd.s32 $0xFFFF8000  }
0x17e: {  	[spmem:s2] =	stream.indirect.scatter.add.f32 [tilespmem:s31], [sflag:$0x1], $0x20, s16, s6, $0xb8;
	[tilespmem:$0x16400] =	vst v63  }
0x17f: {  	_ =	swait.ge [sflag:s5], $0x1000  }
0x180: {  	s16 =	sld [smem:$0x7F6]  }
0x181: {  	[sflag:s5] =	ssyncset.done $0x0  }
0x182: {  	[sflag:s5] =	ssyncadd.s32 $0xFFFFF000  }
0x183: {  	[spmem:s2] =	stream.indirect.scatter.add.f32 [tilespmem:s30], [sflag:$0x1], $0x20, s16, s6, $0xb8;
	[tilespmem:$0x16400] =	vst v63  }
0x184: {  	_ =	swait.ge [sflag:s5], $0x1000  }
0x185: {  	s16 =	sld [smem:$0x7F7]  }
0x186: {  	[sflag:s5] =	ssyncset.done $0x0  }
0x187: {  	[sflag:s5] =	ssyncadd.s32 $0xFFFFF000  }
0x188: {  	[spmem:s2] =	stream.indirect.scatter.add.f32 [tilespmem:s29], [sflag:$0x1], $0x20, s16, s6, $0xb8;
	[tilespmem:$0x16400] =	vst v63  }
0x189: {  	_ =	swait.ge [sflag:s5], $0x1000  }
0x18a: {  	s16 =	sld [smem:$0x7F8]  }
0x18b: {  	[sflag:s5] =	ssyncset.done $0x0  }
0x18c: {  	[sflag:s5] =	ssyncadd.s32 $0xFFFFF000  }
0x18d: {  	[spmem:s2] =	stream.indirect.scatter.add.f32 [tilespmem:s28], [sflag:$0x1], $0x20, s16, s6, $0xb8;
	[tilespmem:$0x16400] =	vst v63  }
0x18e: {  	_ =	swait.ge [sflag:s5], $0x1000  }
0x18f: {  	s16 =	sld [smem:$0x7F9]  }
0x190: {  	[sflag:s5] =	ssyncset.done $0x0  }
0x191: {  	[sflag:s5] =	ssyncadd.s32 $0xFFFFF000  }
0x192: {  	[spmem:s2] =	stream.indirect.scatter.add.f32 [tilespmem:s26], [sflag:$0x1], $0x20, s16, s6, $0xb8;
	[tilespmem:$0x16400] =	vst v63  }
0x193: {  	_ =	swait.ge [sflag:s5], $0x1000  }
0x194: {  	s16 =	sld [smem:$0x7FA]  }
0x195: {  	[sflag:s5] =	ssyncset.done $0x0  }
0x196: {  	[sflag:s5] =	ssyncadd.s32 $0xFFFFF000  }
0x197: {  	[spmem:s2] =	stream.indirect.scatter.add.f32 [tilespmem:s25], [sflag:$0x1], $0x20, s16, s6, $0xb8;
	[tilespmem:$0x16400] =	vst v63  }
0x198: {  	_ =	swait.ge [sflag:s5], $0x1000  }
0x199: {  	s16 =	sld [smem:$0x7FB]  }
0x19a: {  	[sflag:s5] =	ssyncset.done $0x0  }
0x19b: {  	[sflag:s5] =	ssyncadd.s32 $0xFFFFF000  }
0x19c: {  	[spmem:s2] =	stream.indirect.scatter.add.f32 [tilespmem:s24], [sflag:$0x1], $0x20, s16, s6, $0xb8;
	[tilespmem:$0x16400] =	vst v63  }
0x19d: {  	_ =	swait.ge [sflag:s5], $0x1000  }
0x19e: {  	s16 =	sld [smem:$0x7FC]  }
0x19f: {  	[sflag:s5] =	ssyncset.done $0x0  }
0x1a0: {  	[sflag:s5] =	ssyncadd.s32 $0xFFFFF000  }
0x1a1: {  	[spmem:s2] =	stream.indirect.scatter.add.f32 [tilespmem:s23], [sflag:$0x1], $0x20, s16, s6, $0xb8;
	[tilespmem:$0x16400] =	vst v63  }
0x1a2: {  	_ =	swait.ge [sflag:s5], $0x1000  }
0x1a3: {  	[sflag:s5] =	ssyncset.done $0x0  }
0x1a4: {  	s16 =	rddreg [dreg:$0x9];
	[sflag:s5] =	ssyncadd.s32 $0xFFFFF000  }
0x1a5: {  	[tilespmem:s11], [sflag:$0x1] =	stream.linear.gather [hbm4b:s16+s3], $0x8000, $0x38;
	[tilespmem:$0x16400] =	vst v63  }
0x1a6: {  	_ =	swait.ge [sflag:s5], $0x8000  }
0x1a7: {  	s16 =	sld [smem:$0x7FD]  }
0x1a8: {  	[sflag:s5] =	ssyncset.done $0x0  }
0x1a9: {  	[sflag:s5] =	ssyncadd.s32 $0xFFFF8000  }
0x1aa: {  	[spmem:s2] =	stream.indirect.scatter.add.f32 [tilespmem:s11], [sflag:$0x1], $0x20, s16, s6, $0xb8;
	[tilespmem:$0x16400] =	vst v63  }
0x1ab: {  	_ =	swait.ge [sflag:s5], $0x1000  }
0x1ac: {  	[sflag:s5] =	ssyncset.done $0x0  }
0x1ad: {  	s16 =	simm.s32 $0x1080;
	[sflag:s5] =	ssyncadd.s32 $0xFFFFF000  }
0x1ae: {  	[spmem:s2] =	stream.indirect.scatter.add.f32 [tilespmem:s14], [sflag:$0x1], $0x20, s16, s6, $0xb8;
	[tilespmem:$0x16400] =	vst v63  }
0x1af: {  	_ =	swait.ge [sflag:s5], $0x1000  }
0x1b0: {  	[sflag:s5] =	ssyncset.done $0x0  }
0x1b1: {  	[sflag:s5] =	ssyncadd.s32 $0xFFFFF000  }
0x1b2: {  	[spmem:s2] =	stream.indirect.scatter.add.f32 [tilespmem:s13], [sflag:$0x1], $0x20, s22, s6, $0xb8;
	[tilespmem:$0x16400] =	vst v63  }
0x1b3: {  	_ =	swait.ge [sflag:s5], $0x1000  }
0x1b4: {  	[sflag:s5] =	ssyncset.done $0x0  }
0x1b5: {  	[sflag:s5] =	ssyncadd.s32 $0xFFFFF000  }
0x1b6: {  	[spmem:s2] =	stream.indirect.scatter.add.f32 [tilespmem:s12], [sflag:$0x1], $0x20, s21, s6, $0xb8;
	[tilespmem:$0x16400] =	vst v63  }
0x1b7: {  	_ =	swait.ge [sflag:s5], $0x1000  }
0x1b8: {  	[sflag:s5] =	ssyncset.done $0x0  }
0x1b9: {  	[sflag:s5] =	ssyncadd.s32 $0xFFFFF000  }
0x1ba: {  	[spmem:s2] =	stream.indirect.scatter.add.f32 [tilespmem:s10], [sflag:$0x1], $0x20, s20, s6, $0xb8;
	[tilespmem:$0x16400] =	vst v63  }
0x1bb: {  	_ =	swait.ge [sflag:s5], $0x1000  }
0x1bc: {  	[sflag:s5] =	ssyncset.done $0x0  }
0x1bd: {  	[sflag:s5] =	ssyncadd.s32 $0xFFFFF000  }
0x1be: {  	[spmem:s2] =	stream.indirect.scatter.add.f32 [tilespmem:s9], [sflag:$0x1], $0x20, s19, s6, $0xb8;
	[tilespmem:$0x16400] =	vst v63  }
0x1bf: {  	_ =	swait.ge [sflag:s5], $0x1000  }
0x1c0: {  	[sflag:s5] =	ssyncset.done $0x0  }
0x1c1: {  	[sflag:s5] =	ssyncadd.s32 $0xFFFFF000  }
0x1c2: {  	[spmem:s2] =	stream.indirect.scatter.add.f32 [tilespmem:s8], [sflag:$0x1], $0x20, s18, s6, $0xb8;
	[tilespmem:$0x16400] =	vst v63  }
0x1c3: {  	_ =	swait.ge [sflag:s5], $0x1000  }
0x1c4: {  	[sflag:s5] =	ssyncset.done $0x0  }
0x1c5: {  	[sflag:s5] =	ssyncadd.s32 $0xFFFFF000  }
0x1c6: {  	[spmem:s2] =	stream.indirect.scatter.add.f32 [tilespmem:s7], [sflag:$0x1], $0x20, s17, s6, $0xb8;
	[tilespmem:$0x16400] =	vst v63  }
0x1c7: {  	_ =	swait.ge [sflag:s5], $0x1000  }
0x1c8: {  	[sflag:s5] =	ssyncset.done $0x0  }
0x1c9: {  	p1 =	sne.s32 s1, $0x1;
	[sflag:s5] =	ssyncadd.s32 $0xFFFFF000  }
.Ltmp2:
0x1ca: {  	[bflag:$0x0] =	sbarrier.arrive $0xFFFF;
	(pc) =	sbr.rel @p1 .LBB2_4-.Ltmp2, $4  }
0x1cb: {  	s16 =	rddreg [dreg:$0xa]  }
0x1cc: {  	[hbm:s16], [sflag:s4] =	dma.local [spmem:s15], $0x9C4  }
0x1cd: {  	_ =	swait.ge [sflag:s5], $0x9C4  }
0x1ce: {  	s1 =	sadd.s32 $0xFFFFFFFF, s1;
	s0 =	rddreg [dreg:$0x3];
	[sflag:s5] =	ssyncset.done $0x0  }
0x1cf: {  	s17 =	simm.s32 $0x1100  }
0x1d0: {  	s22 =	simm.s32 $0x1080;
	s21 =	simm.s32 $0x1180;
	s20 =	simm.s32 $0x1200  }
0x1d1: {  	s19 =	simm.s32 $0x1280;
	s18 =	simm.s32 $0x1300;
	s16 =	stileid.u32  }
.LBB2_6:
0x1d2: {  	s1 =	rddreg [dreg:$0xb];
	[sflag:s5] =	ssyncadd.s32 @p0 $0xFFFFF63C  }
0x1d3: {  	[spmem:s1], [sflag:s4] =	dma.local [hbm:s0], $0xA00  }
0x1d4: {  	_ =	swait.ge [sflag:s5], $0xA00  }
0x1d5: {  	[sflag:s5] =	ssyncset.done $0x0  }
0x1d6: {  	[sflag:s5] =	ssyncadd.s32 $0xFFFFF600  }
0x1d7: {  	[bflag:$0x0] =	sbarrier.arrive $0xFFFF  }
0x1d8: {  	s1 =	rddreg [dreg:$0x4]  }
0x1d9: {  	[tilespmem:s3], [sflag:$0x1] =	stream.linear.gather [hbm4b:s1+s3], $0x1400, $0x38;
	[tilespmem:$0x16400] =	vst v63  }
0x1da: {  	_ =	swait.ge [sflag:s5], $0x1400  }
0x1db: {  	[sflag:s5] =	ssyncset.done $0x0  }
0x1dc: {  	s1 =	rddreg [dreg:$0x5];
	[sflag:s5] =	ssyncadd.s32 $0xFFFFEC00  }
0x1dd: {  	[tilespmem:s11], [sflag:$0x1] =	stream.linear.gather [hbm4b:s1+s3], $0x8000, $0x38;
	[tilespmem:$0x16400] =	vst v63  }
0x1de: {  	_ =	swait.ge [sflag:s5], $0x8000  }
0x1df: {  	[sflag:s5] =	ssyncset.done $0x0  }
0x1e0: {  	[sflag:s5] =	ssyncadd.s32 $0xFFFF8000  }
0x1e1: {  	[spmem:s2] =	stream.indirect.scatter.add.f32 [tilespmem:s11], [sflag:$0x1], $0x20, s3, s6, $0xb8;
	[tilespmem:$0x16400] =	vst v63  }
0x1e2: {  	_ =	swait.ge [sflag:s5], $0x1000  }
0x1e3: {  	[sflag:s5] =	ssyncset.done $0x0  }
0x1e4: {  	[sflag:s5] =	ssyncadd.s32 $0xFFFFF000  }
0x1e5: {  	[spmem:s2] =	stream.indirect.scatter.add.f32 [tilespmem:s14], [sflag:$0x1], $0x20, s6, s6, $0xb8;
	[tilespmem:$0x16400] =	vst v63  }
0x1e6: {  	_ =	swait.ge [sflag:s5], $0x1000  }
0x1e7: {  	[sflag:s5] =	ssyncset.done $0x0  }
0x1e8: {  	s1 =	rddreg [dreg:$0xc];
	[sflag:s5] =	ssyncadd.s32 $0xFFFFF000  }
0x1e9: {  	[spmem:s2] =	stream.indirect.scatter.add.f32 [tilespmem:s13], [sflag:$0x1], $0x20, s1, s6, $0xb8;
	[tilespmem:$0x16400] =	vst v63  }
0x1ea: {  	_ =	swait.ge [sflag:s5], $0x1000  }
0x1eb: {  	[sflag:s5] =	ssyncset.done $0x0  }
0x1ec: {  	s1 =	rddreg [dreg:$0xd];
	[sflag:s5] =	ssyncadd.s32 $0xFFFFF000  }
0x1ed: {  	[spmem:s2] =	stream.indirect.scatter.add.f32 [tilespmem:s12], [sflag:$0x1], $0x20, s1, s6, $0xb8;
	[tilespmem:$0x16400] =	vst v63  }
0x1ee: {  	_ =	swait.ge [sflag:s5], $0x1000  }
0x1ef: {  	[sflag:s5] =	ssyncset.done $0x0  }
0x1f0: {  	s1 =	rddreg [dreg:$0xe];
	[sflag:s5] =	ssyncadd.s32 $0xFFFFF000  }
0x1f1: {  	[spmem:s2] =	stream.indirect.scatter.add.f32 [tilespmem:s10], [sflag:$0x1], $0x20, s1, s6, $0xb8;
	[tilespmem:$0x16400] =	vst v63  }
0x1f2: {  	_ =	swait.ge [sflag:s5], $0x1000  }
0x1f3: {  	[sflag:s5] =	ssyncset.done $0x0  }
0x1f4: {  	s1 =	rddreg [dreg:$0xf];
	[sflag:s5] =	ssyncadd.s32 $0xFFFFF000  }
0x1f5: {  	[spmem:s2] =	stream.indirect.scatter.add.f32 [tilespmem:s9], [sflag:$0x1], $0x20, s1, s6, $0xb8;
	[tilespmem:$0x16400] =	vst v63  }
0x1f6: {  	_ =	swait.ge [sflag:s5], $0x1000  }
0x1f7: {  	[sflag:s5] =	ssyncset.done $0x0  }
0x1f8: {  	s1 =	rddreg [dreg:$0x10];
	[sflag:s5] =	ssyncadd.s32 $0xFFFFF000  }
0x1f9: {  	[spmem:s2] =	stream.indirect.scatter.add.f32 [tilespmem:s8], [sflag:$0x1], $0x20, s1, s6, $0xb8;
	[tilespmem:$0x16400] =	vst v63  }
0x1fa: {  	_ =	swait.ge [sflag:s5], $0x1000  }
0x1fb: {  	[sflag:s5] =	ssyncset.done $0x0  }
0x1fc: {  	s1 =	rddreg [dreg:$0x11];
	[sflag:s5] =	ssyncadd.s32 $0xFFFFF000  }
0x1fd: {  	[spmem:s2] =	stream.indirect.scatter.add.f32 [tilespmem:s7], [sflag:$0x1], $0x20, s1, s6, $0xb8;
	[tilespmem:$0x16400] =	vst v63  }
0x1fe: {  	_ =	swait.ge [sflag:s5], $0x1000  }
0x1ff: {  	[sflag:s5] =	ssyncset.done $0x0  }
0x200: {  	s1 =	rddreg [dreg:$0x6];
	[sflag:s5] =	ssyncadd.s32 $0xFFFFF000  }
0x201: {  	[tilespmem:s31], [sflag:$0x1] =	stream.linear.gather [hbm4b:s1+s3], $0x8000, $0x38;
	[tilespmem:$0x16400] =	vst v63  }
0x202: {  	_ =	swait.ge [sflag:s5], $0x8000  }
0x203: {  	[sflag:s5] =	ssyncset.done $0x0  }
0x204: {  	s1 =	rddreg [dreg:$0x12];
	[sflag:s5] =	ssyncadd.s32 $0xFFFF8000  }
0x205: {  	[spmem:s2] =	stream.indirect.scatter.add.f32 [tilespmem:s31], [sflag:$0x1], $0x20, s1, s6, $0xb8;
	[tilespmem:$0x16400] =	vst v63  }
0x206: {  	_ =	swait.ge [sflag:s5], $0x1000  }
0x207: {  	[sflag:s5] =	ssyncset.done $0x0  }
0x208: {  	s1 =	rddreg [dreg:$0x13];
	[sflag:s5] =	ssyncadd.s32 $0xFFFFF000  }
0x209: {  	[spmem:s2] =	stream.indirect.scatter.add.f32 [tilespmem:s30], [sflag:$0x1], $0x20, s1, s6, $0xb8;
	[tilespmem:$0x16400] =	vst v63  }
0x20a: {  	_ =	swait.ge [sflag:s5], $0x1000  }
0x20b: {  	[sflag:s5] =	ssyncset.done $0x0  }
0x20c: {  	s1 =	rddreg [dreg:$0x14];
	[sflag:s5] =	ssyncadd.s32 $0xFFFFF000  }
0x20d: {  	[spmem:s2] =	stream.indirect.scatter.add.f32 [tilespmem:s29], [sflag:$0x1], $0x20, s1, s6, $0xb8;
	[tilespmem:$0x16400] =	vst v63  }
0x20e: {  	_ =	swait.ge [sflag:s5], $0x1000  }
0x20f: {  	[sflag:s5] =	ssyncset.done $0x0  }
0x210: {  	s1 =	rddreg [dreg:$0x15];
	[sflag:s5] =	ssyncadd.s32 $0xFFFFF000  }
0x211: {  	[spmem:s2] =	stream.indirect.scatter.add.f32 [tilespmem:s28], [sflag:$0x1], $0x20, s1, s6, $0xb8;
	[tilespmem:$0x16400] =	vst v63  }
0x212: {  	_ =	swait.ge [sflag:s5], $0x1000  }
0x213: {  	[sflag:s5] =	ssyncset.done $0x0  }
0x214: {  	s1 =	rddreg [dreg:$0x16];
	[sflag:s5] =	ssyncadd.s32 $0xFFFFF000  }
0x215: {  	[spmem:s2] =	stream.indirect.scatter.add.f32 [tilespmem:s26], [sflag:$0x1], $0x20, s1, s6, $0xb8;
	[tilespmem:$0x16400] =	vst v63  }
0x216: {  	_ =	swait.ge [sflag:s5], $0x1000  }
0x217: {  	[sflag:s5] =	ssyncset.done $0x0  }
0x218: {  	s1 =	rddreg [dreg:$0x17];
	[sflag:s5] =	ssyncadd.s32 $0xFFFFF000  }
0x219: {  	[spmem:s2] =	stream.indirect.scatter.add.f32 [tilespmem:s25], [sflag:$0x1], $0x20, s1, s6, $0xb8;
	[tilespmem:$0x16400] =	vst v63  }
0x21a: {  	_ =	swait.ge [sflag:s5], $0x1000  }
0x21b: {  	[sflag:s5] =	ssyncset.done $0x0  }
0x21c: {  	s1 =	rddreg [dreg:$0x18];
	[sflag:s5] =	ssyncadd.s32 $0xFFFFF000  }
0x21d: {  	[spmem:s2] =	stream.indirect.scatter.add.f32 [tilespmem:s24], [sflag:$0x1], $0x20, s1, s6, $0xb8;
	[tilespmem:$0x16400] =	vst v63  }
0x21e: {  	_ =	swait.ge [sflag:s5], $0x1000  }
0x21f: {  	[sflag:s5] =	ssyncset.done $0x0  }
0x220: {  	s1 =	rddreg [dreg:$0x19];
	[sflag:s5] =	ssyncadd.s32 $0xFFFFF000  }
0x221: {  	[spmem:s2] =	stream.indirect.scatter.add.f32 [tilespmem:s23], [sflag:$0x1], $0x20, s1, s6, $0xb8;
	[tilespmem:$0x16400] =	vst v63  }
0x222: {  	_ =	swait.ge [sflag:s5], $0x1000  }
0x223: {  	[sflag:s5] =	ssyncset.done $0x0  }
0x224: {  	s1 =	rddreg [dreg:$0x7];
	[sflag:s5] =	ssyncadd.s32 $0xFFFFF000  }
0x225: {  	[tilespmem:s11], [sflag:$0x1] =	stream.linear.gather [hbm4b:s1+s3], $0x8000, $0x38;
	[tilespmem:$0x16400] =	vst v63  }
0x226: {  	_ =	swait.ge [sflag:s5], $0x8000  }
0x227: {  	[sflag:s5] =	ssyncset.done $0x0  }
0x228: {  	s1 =	rddreg [dreg:$0x1a];
	[sflag:s5] =	ssyncadd.s32 $0xFFFF8000  }
0x229: {  	[spmem:s2] =	stream.indirect.scatter.add.f32 [tilespmem:s11], [sflag:$0x1], $0x20, s1, s6, $0xb8;
	[tilespmem:$0x16400] =	vst v63  }
0x22a: {  	_ =	swait.ge [sflag:s5], $0x1000  }
0x22b: {  	[sflag:s5] =	ssyncset.done $0x0  }
0x22c: {  	s1 =	rddreg [dreg:$0x1b];
	[sflag:s5] =	ssyncadd.s32 $0xFFFFF000  }
0x22d: {  	[spmem:s2] =	stream.indirect.scatter.add.f32 [tilespmem:s14], [sflag:$0x1], $0x20, s1, s6, $0xb8;
	[tilespmem:$0x16400] =	vst v63  }
0x22e: {  	_ =	swait.ge [sflag:s5], $0x1000  }
0x22f: {  	[sflag:s5] =	ssyncset.done $0x0  }
0x230: {  	s1 =	rddreg [dreg:$0x1c];
	[sflag:s5] =	ssyncadd.s32 $0xFFFFF000  }
0x231: {  	[spmem:s2] =	stream.indirect.scatter.add.f32 [tilespmem:s13], [sflag:$0x1], $0x20, s1, s6, $0xb8;
	[tilespmem:$0x16400] =	vst v63  }
0x232: {  	_ =	swait.ge [sflag:s5], $0x1000  }
0x233: {  	[sflag:s5] =	ssyncset.done $0x0  }
0x234: {  	s1 =	rddreg [dreg:$0x1d];
	[sflag:s5] =	ssyncadd.s32 $0xFFFFF000  }
0x235: {  	[spmem:s2] =	stream.indirect.scatter.add.f32 [tilespmem:s12], [sflag:$0x1], $0x20, s1, s6, $0xb8;
	[tilespmem:$0x16400] =	vst v63  }
0x236: {  	_ =	swait.ge [sflag:s5], $0x1000  }
0x237: {  	[sflag:s5] =	ssyncset.done $0x0  }
0x238: {  	s1 =	rddreg [dreg:$0x1e];
	[sflag:s5] =	ssyncadd.s32 $0xFFFFF000  }
0x239: {  	[spmem:s2] =	stream.indirect.scatter.add.f32 [tilespmem:s10], [sflag:$0x1], $0x20, s1, s6, $0xb8;
	[tilespmem:$0x16400] =	vst v63  }
0x23a: {  	_ =	swait.ge [sflag:s5], $0x1000  }
0x23b: {  	[sflag:s5] =	ssyncset.done $0x0  }
0x23c: {  	s1 =	rddreg [dreg:$0x1f];
	[sflag:s5] =	ssyncadd.s32 $0xFFFFF000  }
0x23d: {  	[spmem:s2] =	stream.indirect.scatter.add.f32 [tilespmem:s9], [sflag:$0x1], $0x20, s1, s6, $0xb8;
	[tilespmem:$0x16400] =	vst v63  }
0x23e: {  	_ =	swait.ge [sflag:s5], $0x1000  }
0x23f: {  	s1 =	sld [smem:$0x7F3]  }
0x240: {  	[sflag:s5] =	ssyncset.done $0x0  }
0x241: {  	[sflag:s5] =	ssyncadd.s32 $0xFFFFF000  }
0x242: {  	[spmem:s2] =	stream.indirect.scatter.add.f32 [tilespmem:s8], [sflag:$0x1], $0x20, s1, s6, $0xb8;
	[tilespmem:$0x16400] =	vst v63  }
0x243: {  	_ =	swait.ge [sflag:s5], $0x1000  }
0x244: {  	s1 =	sld [smem:$0x7F4]  }
0x245: {  	[sflag:s5] =	ssyncset.done $0x0  }
0x246: {  	[sflag:s5] =	ssyncadd.s32 $0xFFFFF000  }
0x247: {  	[spmem:s2] =	stream.indirect.scatter.add.f32 [tilespmem:s7], [sflag:$0x1], $0x20, s1, s6, $0xb8;
	[tilespmem:$0x16400] =	vst v63  }
0x248: {  	_ =	swait.ge [sflag:s5], $0x1000  }
0x249: {  	[sflag:s5] =	ssyncset.done $0x0  }
0x24a: {  	s1 =	rddreg [dreg:$0x8];
	[sflag:s5] =	ssyncadd.s32 $0xFFFFF000  }
0x24b: {  	[tilespmem:s31], [sflag:$0x1] =	stream.linear.gather [hbm4b:s1+s3], $0x8000, $0x38;
	[tilespmem:$0x16400] =	vst v63  }
0x24c: {  	_ =	swait.ge [sflag:s5], $0x8000  }
0x24d: {  	s1 =	sld [smem:$0x7F5]  }
0x24e: {  	[sflag:s5] =	ssyncset.done $0x0  }
0x24f: {  	[sflag:s5] =	ssyncadd.s32 $0xFFFF8000  }
0x250: {  	[spmem:s2] =	stream.indirect.scatter.add.f32 [tilespmem:s31], [sflag:$0x1], $0x20, s1, s6, $0xb8;
	[tilespmem:$0x16400] =	vst v63  }
0x251: {  	_ =	swait.ge [sflag:s5], $0x1000  }
0x252: {  	s31 =	sld [smem:$0x7F6]  }
0x253: {  	[sflag:s5] =	ssyncset.done $0x0  }
0x254: {  	[sflag:s5] =	ssyncadd.s32 $0xFFFFF000  }
0x255: {  	[spmem:s2] =	stream.indirect.scatter.add.f32 [tilespmem:s30], [sflag:$0x1], $0x20, s31, s6, $0xb8;
	[tilespmem:$0x16400] =	vst v63  }
0x256: {  	_ =	swait.ge [sflag:s5], $0x1000  }
0x257: {  	s1 =	sld [smem:$0x7F7]  }
0x258: {  	[sflag:s5] =	ssyncset.done $0x0  }
0x259: {  	[sflag:s5] =	ssyncadd.s32 $0xFFFFF000  }
0x25a: {  	[spmem:s2] =	stream.indirect.scatter.add.f32 [tilespmem:s29], [sflag:$0x1], $0x20, s1, s6, $0xb8;
	[tilespmem:$0x16400] =	vst v63  }
0x25b: {  	_ =	swait.ge [sflag:s5], $0x1000  }
0x25c: {  	s30 =	sld [smem:$0x7F8]  }
0x25d: {  	[sflag:s5] =	ssyncset.done $0x0  }
0x25e: {  	[sflag:s5] =	ssyncadd.s32 $0xFFFFF000  }
0x25f: {  	[spmem:s2] =	stream.indirect.scatter.add.f32 [tilespmem:s28], [sflag:$0x1], $0x20, s30, s6, $0xb8;
	[tilespmem:$0x16400] =	vst v63  }
0x260: {  	_ =	swait.ge [sflag:s5], $0x1000  }
0x261: {  	s31 =	sld [smem:$0x7F9]  }
0x262: {  	[sflag:s5] =	ssyncset.done $0x0  }
0x263: {  	[sflag:s5] =	ssyncadd.s32 $0xFFFFF000  }
0x264: {  	[spmem:s2] =	stream.indirect.scatter.add.f32 [tilespmem:s26], [sflag:$0x1], $0x20, s31, s6, $0xb8;
	[tilespmem:$0x16400] =	vst v63  }
0x265: {  	_ =	swait.ge [sflag:s5], $0x1000  }
0x266: {  	s1 =	sld [smem:$0x7FA]  }
0x267: {  	[sflag:s5] =	ssyncset.done $0x0  }
0x268: {  	[sflag:s5] =	ssyncadd.s32 $0xFFFFF000  }
0x269: {  	[spmem:s2] =	stream.indirect.scatter.add.f32 [tilespmem:s25], [sflag:$0x1], $0x20, s1, s6, $0xb8;
	[tilespmem:$0x16400] =	vst v63  }
0x26a: {  	_ =	swait.ge [sflag:s5], $0x1000  }
0x26b: {  	s25 =	sld [smem:$0x7FB]  }
0x26c: {  	[sflag:s5] =	ssyncset.done $0x0  }
0x26d: {  	[sflag:s5] =	ssyncadd.s32 $0xFFFFF000  }
0x26e: {  	[spmem:s2] =	stream.indirect.scatter.add.f32 [tilespmem:s24], [sflag:$0x1], $0x20, s25, s6, $0xb8;
	[tilespmem:$0x16400] =	vst v63  }
0x26f: {  	_ =	swait.ge [sflag:s5], $0x1000  }
0x270: {  	s26 =	sld [smem:$0x7FC]  }
0x271: {  	[sflag:s5] =	ssyncset.done $0x0  }
0x272: {  	[sflag:s5] =	ssyncadd.s32 $0xFFFFF000  }
0x273: {  	[spmem:s2] =	stream.indirect.scatter.add.f32 [tilespmem:s23], [sflag:$0x1], $0x20, s26, s6, $0xb8;
	[tilespmem:$0x16400] =	vst v63  }
0x274: {  	_ =	swait.ge [sflag:s5], $0x1000  }
0x275: {  	[sflag:s5] =	ssyncset.done $0x0  }
0x276: {  	s28 =	rddreg [dreg:$0x9];
	[sflag:s5] =	ssyncadd.s32 $0xFFFFF000  }
0x277: {  	[tilespmem:s11], [sflag:$0x1] =	stream.linear.gather [hbm4b:s28+s3], $0x8000, $0x38;
	[tilespmem:$0x16400] =	vst v63  }
0x278: {  	_ =	swait.ge [sflag:s5], $0x8000  }
0x279: {  	s29 =	sld [smem:$0x7FD]  }
0x27a: {  	[sflag:s5] =	ssyncset.done $0x0  }
0x27b: {  	[sflag:s5] =	ssyncadd.s32 $0xFFFF8000  }
0x27c: {  	[spmem:s2] =	stream.indirect.scatter.add.f32 [tilespmem:s11], [sflag:$0x1], $0x20, s29, s6, $0xb8;
	[tilespmem:$0x16400] =	vst v63  }
0x27d: {  	_ =	swait.ge [sflag:s5], $0x1000  }
0x27e: {  	[sflag:s5] =	ssyncset.done $0x0  }
0x27f: {  	[sflag:s5] =	ssyncadd.s32 $0xFFFFF000  }
0x280: {  	[spmem:s2] =	stream.indirect.scatter.add.f32 [tilespmem:s14], [sflag:$0x1], $0x20, s22, s6, $0xb8;
	[tilespmem:$0x16400] =	vst v63  }
0x281: {  	_ =	swait.ge [sflag:s5], $0x1000  }
0x282: {  	[sflag:s5] =	ssyncset.done $0x0  }
0x283: {  	[sflag:s5] =	ssyncadd.s32 $0xFFFFF000  }
0x284: {  	[spmem:s2] =	stream.indirect.scatter.add.f32 [tilespmem:s13], [sflag:$0x1], $0x20, s17, s6, $0xb8;
	[tilespmem:$0x16400] =	vst v63  }
0x285: {  	_ =	swait.ge [sflag:s5], $0x1000  }
0x286: {  	[sflag:s5] =	ssyncset.done $0x0  }
0x287: {  	[sflag:s5] =	ssyncadd.s32 $0xFFFFF000  }
0x288: {  	[spmem:s2] =	stream.indirect.scatter.add.f32 [tilespmem:s12], [sflag:$0x1], $0x20, s21, s6, $0xb8;
	[tilespmem:$0x16400] =	vst v63  }
0x289: {  	_ =	swait.ge [sflag:s5], $0x1000  }
0x28a: {  	[sflag:s5] =	ssyncset.done $0x0  }
0x28b: {  	[sflag:s5] =	ssyncadd.s32 $0xFFFFF000  }
0x28c: {  	[spmem:s2] =	stream.indirect.scatter.add.f32 [tilespmem:s10], [sflag:$0x1], $0x20, s20, s6, $0xb8;
	[tilespmem:$0x16400] =	vst v63  }
0x28d: {  	_ =	swait.ge [sflag:s5], $0x1000  }
0x28e: {  	[sflag:s5] =	ssyncset.done $0x0  }
0x28f: {  	[sflag:s5] =	ssyncadd.s32 $0xFFFFF000  }
0x290: {  	[spmem:s2] =	stream.indirect.scatter.add.f32 [tilespmem:s9], [sflag:$0x1], $0x20, s19, s6, $0xb8;
	[tilespmem:$0x16400] =	vst v63  }
0x291: {  	_ =	swait.ge [sflag:s5], $0x1000  }
0x292: {  	[sflag:s5] =	ssyncset.done $0x0  }
0x293: {  	[sflag:s5] =	ssyncadd.s32 $0xFFFFF000  }
0x294: {  	[spmem:s2] =	stream.indirect.scatter.add.f32 [tilespmem:s8], [sflag:$0x1], $0x20, s18, s6, $0xb8;
	[tilespmem:$0x16400] =	vst v63  }
0x295: {  	_ =	swait.ge [sflag:s5], $0x1000  }
0x296: {  	[sflag:s5] =	ssyncset.done $0x0  }
0x297: {  	s30 =	simm.s32 $0x1380;
	[sflag:s5] =	ssyncadd.s32 $0xFFFFF000  }
0x298: {  	[spmem:s2] =	stream.indirect.scatter.add.f32 [tilespmem:s7], [sflag:$0x1], $0x20, s30, s6, $0xb8;
	[tilespmem:$0x16400] =	vst v63  }
0x299: {  	_ =	swait.ge [sflag:s5], $0x1000  }
0x29a: {  	[sflag:s5] =	ssyncset.done $0x0  }
0x29b: {  	[sflag:s5] =	ssyncadd.s32 $0xFFFFF000  }
0x29c: {  	[bflag:$0x0] =	sbarrier.arrive $0xFFFF  }
0x29d: {  	s31 =	rddreg [dreg:$0xa]  }
0x29e: {  	[hbm:s31], [sflag:s4] =	dma.local [spmem:s15], $0x9C4  }
0x29f: {  	_ =	swait.ge [sflag:s5], $0x9C4  }
0x2a0: {  	[sflag:s5] =	ssyncset.done $0x0  }
0x2a1: {  	[sflag:s5] =	ssyncadd.s32 $0xFFFFF63C  }
0x2a2: {  	_ =	sfence.sel $0x180000  }
0x2a3: {  	[bflag:$0x0] =	sbarrier.arrive $0xFFFF  }
0x2a4: {  	_ =	strace $0x9000004A  }
0x2a5: {  	[bflag:$0x2] =	sbarrier.arrive $0xFFFF  }
0x2a6: {  	p0 =	sne.s32 s16, $0x0;
	s0 =	rddreg [dreg:$0x2]  }
0x2a7: {  	s0 =	sadd.s32 @!p0 $0x100000, s0  }
0x2a8: {  	[sflag:s0] =	ssyncadd.tile.s32 @!p0 $0x1;
	_ =	shalt  }
.LBB2_1:
.Ltmp3:
0x2a9: {  	(pc) =	sbr.rel .LBB2_6-.Ltmp3, $3  }
0x2aa: {  	_ =	sdelay $0x1  }
0x2ab: {  	s17 =	simm.s32 $0x1100;
	s22 =	simm.s32 $0x1080;
	s21 =	simm.s32 $0x1180  }
0x2ac: {  	s20 =	simm.s32 $0x1200;
	s19 =	simm.s32 $0x1280;
	s18 =	simm.s32 $0x1300  }
.LBB2_3:
.Ltmp4:
0x2ad: {  	(pc) =	sbr.rel .LBB2_6-.Ltmp4, $4  }
0x2ae: {  	_ = 	snop  }
0x2af: {  	s17 =	simm.s32 $0x1100  }
0x2b0: {  	s22 =	simm.s32 $0x1080;
	s21 =	simm.s32 $0x1180;
	s20 =	simm.s32 $0x1200  }
0x2b1: {  	s19 =	simm.s32 $0x1280;
	s18 =	simm.s32 $0x1300;
	s16 =	stileid.u32  }
.Lfunc_end2:
_tile_overlayer_lowered:
.L_overlay_start_2:
0x2b2: {  	(tag) =	ssettag $0x2  }
0x2b3: {  	s0 =	rddreg [dreg:$0x0];
	s2 =	stileid.u32  }
0x2b4: {  	s1 =	rddreg [dreg:$0x1];
	p0 =	sne.s32 s2, $0x0  }
0x2b5: {  	s3 =	rddreg [dreg:$0x2];
	[bflag:$0x3] =	sbarrier.arrive $0xFFFF;
	s2 =	simm.s32 @!p0 $0x1C01  }
0x2b6: {  	[timem:s3], [sflag:s2] =	dma.local @!p0 [hbm:s0], s1  }
0x2b7: {  	s0 =	simm.s32 @!p0 $0x1  }
0x2b8: {  	_ =	swait.ge @!p0 [sflag:s0], s1  }
0x2b9: {  	s1 =	ssub.s32 @!p0 $0x0, s1;
	[sflag:s0] =	ssyncset.done @!p0 $0x0  }
0x2ba: {  	[sflag:s0] =	ssyncadd.s32 @!p0 s1  }
0x2bb: {  	[bflag:$0x3] =	sbarrier.arrive $0xFFFF  }
0x2bc: {  	_ =	shalt  }

// kernel: kernel.7.cloned.1.call-start
scs
__scs_entry_jumppad:
0x0: {  	(pc) =	sbr.rel $0x88, $3  }
0x1: {  	(tag) =	ssettag $0x0;
	lr =	simm.s32 $0x1  }
0x2: {  	[smem:$0x3F9C] =	sst lr;
	_ =	strace $0xD0000000  }
0x3: {  	_ = 	snop  }
0x4: {  	_ = 	snop  }
0x5: {  	_ = 	snop  }
0x6: {  	_ = 	snop  }
0x7: {  	_ = 	snop  }
__scs_overlays_trampoline_lowered:
0x8: {  	[smem:$0x3FAB] =	sst s0  }
0x9: {  	[smem:$0x3FAC] =	sst s1  }
0xa: {  	[smem:$0x3FAD] =	sst s2  }
0xb: {  	[smem:$0x3FAE] =	sst s3  }
0xc: {  	[smem:$0x3FAF] =	sst s4  }
0xd: {  	[smem:$0x3FB0] =	sst s5  }
0xe: {  	[smem:$0x3FB1] =	sst s6  }
0xf: {  	[smem:$0x3FB2] =	sst s7  }
0x10: {  	[smem:$0x3FB3] =	sst s8  }
0x11: {  	[smem:$0x3FB4] =	sst s9;
	s0 =	simm.s32 @!p0 $0x0  }
0x12: {  	s1 =	sld [smem:$0x3F9A];
	s0 =	simm.s32 @p0 $0x1  }
0x13: {  	[smem:$0x3FB5] =	sst s0;
	s0 =	simm.s32 @!p1 $0x0  }
0x14: {  	s2 =	sld [smem:$0x3F99];
	s0 =	simm.s32 @p1 $0x1  }
0x15: {  	[smem:$0x3FB6] =	sst s0;
	s0 =	simm.s32 @!p2 $0x0  }
0x16: {  	s3 =	sld [smem:$0x3FDB];
	s0 =	simm.s32 @p2 $0x1  }
0x17: {  	s4 =	simm.s32 $0x1BF5;
	[smem:$0x3FB8] =	sst s0  }
0x18: {  	s0 =	sld [smem:$0x3F9B];
	_ =	swait.ge [sflag:s4], $0x0  }
0x19: {  	s7 =	sld [smem:$0x3F9C]  }
0x1a: {  	s8 =	sadd.s32 $0xFFFFE003, lr  }
0x1b: {  	s9 =	sadd.s32 $0xFFFFFEF7, lr;
	s5 =	simm.s32 $0xFFFFFFFF;
	p2 =	slt.u32 s8, $0xFFFFF086  }
0x1c: {  	p1 =	slt.u32 s9, $0xF7A;
	s5 =	simm.s32 @!p2 $0x0  }
0x1d: {  	s5 =	simm.s32 @p1 $0x1;
	p0 =	seq.s32 s7, s2  }
0x1e: {  	s7 =	smul.u32 @!p0 $0xF7A, s2;
	p2 =	seq.s32 @!p0 s5, $0x0  }
0x1f: {  	s9 =	smul.u32 $0xF7A, s1;
	s8 =	simm.s32 @!p0 $0x1BF5;
	p2 =	por !p2, p0  }
0x20: {  	[sflag:s8] =	ssyncset.s32 @!p0 $0xFFFFF086;
	s6 =	sadd.s32 @!p0 s3, s7;
	s7 =	simm.s32 @!p0 $0x108  }
0x21: {  	s3 =	sadd.s32 s3, s9;
	s6 =	sadd.s32 @!p0 $0x88, s6;
	s7 =	simm.s32 @p2 $0x1082  }
0x22: {  	[simem:s7], [sflag:s8] =	dma.local @!p0 [hbm:s6], $0xF7A  }
0x23: {  	s9 =	sor.u32 $0xD0000000, s2;
	s6 =	simm.s32 $0x108;
	_ =	swait.ge @!p0 [sflag:s8], $0x0  }
0x24: {  	s3 =	sadd.s32 $0x88, s3;
	s6 =	simm.s32 @!p1 $0x1082;
	[sflag:s4] =	ssyncset.s32 $0xFFFFF086  }
0x25: {  	[simem:s6], [sflag:s4] =	dma.local [hbm:s3], $0xF7A  }
0x26: {  	[smem:$0x3F9C] =	sst s1;
	(tag) =	ssettag s2;
	_ =	strace s9  }
0x27: {  	s1 =	sld [smem:$0x3FAC]  }
0x28: {  	s2 =	sld [smem:$0x3FAD]  }
0x29: {  	s4 =	sld [smem:$0x3FAF]  }
0x2a: {  	p0 =	seq.s32 s5, $0x0;
	s5 =	sld [smem:$0x3FB0]  }
0x2b: {  	s6 =	sld [smem:$0x3FB1]  }
0x2c: {  	s7 =	sld [smem:$0x3FB2]  }
0x2d: {  	s3 =	simm.s32 $0x108;
	s8 =	sld [smem:$0x3FB3]  }
0x2e: {  	s3 =	simm.s32 @!p0 $0x1082;
	s9 =	sld [smem:$0x3FB4]  }
0x2f: {  	lr =	sadd.s32 s0, s3;
	s0 =	sld [smem:$0x3FAB]  }
0x30: {  	s3 =	sld [smem:$0x3FAE]  }
0x31: {  	[smem:$0x3FB7] =	sst s10  }
0x32: {  	s10 =	sld [smem:$0x3FB5];
	_ =	sdelay $0x3  }
0x33: {  	p0 =	seq.s32 s10, $0x1;
	s10 =	sld [smem:$0x3FB7];
	_ =	sdelay $0x3  }
0x34: {  	[smem:$0x3FB7] =	sst s10  }
0x35: {  	s10 =	sld [smem:$0x3FB6];
	_ =	sdelay $0x3  }
0x36: {  	p1 =	seq.s32 s10, $0x1;
	s10 =	sld [smem:$0x3FB7];
	_ =	sdelay $0x3  }
0x37: {  	[smem:$0x3FB7] =	sst s10  }
0x38: {  	s10 =	sld [smem:$0x3FB8]  }
0x39: {  	_ = 	snop;
	(pc) =	sbr.ind lr, $3  }
0x3a: {  	_ = 	snop  }
0x3b: {  	_ = 	snop  }
0x3c: {  	p2 =	seq.s32 s10, $0x1;
	s10 =	sld [smem:$0x3FB7]  }
0x3d: {  	_ =	shalt  }
0x3e: {  	_ =	shalt  }
0x3f: {  	_ =	shalt  }
0x40: {  	_ =	shalt  }
0x41: {  	_ =	shalt  }
0x42: {  	_ =	shalt  }
0x43: {  	_ =	shalt  }
0x44: {  	_ =	shalt  }
0x45: {  	_ =	shalt  }
0x46: {  	_ =	shalt  }
0x47: {  	_ =	shalt  }
0x48: {  	_ =	shalt  }
0x49: {  	_ =	shalt  }
0x4a: {  	_ =	shalt  }
0x4b: {  	_ =	shalt  }
0x4c: {  	_ =	shalt  }
0x4d: {  	_ =	shalt  }
0x4e: {  	_ =	shalt  }
0x4f: {  	_ =	shalt  }
0x50: {  	_ =	shalt  }
0x51: {  	_ =	shalt  }
0x52: {  	_ =	shalt  }
0x53: {  	_ =	shalt  }
0x54: {  	_ =	shalt  }
0x55: {  	_ =	shalt  }
0x56: {  	_ =	shalt  }
0x57: {  	_ =	shalt  }
0x58: {  	_ =	shalt  }
0x59: {  	_ =	shalt  }
0x5a: {  	_ =	shalt  }
0x5b: {  	_ =	shalt  }
0x5c: {  	_ =	shalt  }
0x5d: {  	_ =	shalt  }
0x5e: {  	_ =	shalt  }
0x5f: {  	_ =	shalt  }
0x60: {  	_ =	shalt  }
0x61: {  	_ =	shalt  }
0x62: {  	_ =	shalt  }
0x63: {  	_ =	shalt  }
0x64: {  	_ =	shalt  }
0x65: {  	_ =	shalt  }
0x66: {  	_ =	shalt  }
0x67: {  	_ =	shalt  }
0x68: {  	_ =	shalt  }
0x69: {  	_ =	shalt  }
0x6a: {  	_ =	shalt  }
0x6b: {  	_ =	shalt  }
0x6c: {  	_ =	shalt  }
0x6d: {  	_ =	shalt  }
0x6e: {  	_ =	shalt  }
0x6f: {  	_ =	shalt  }
0x70: {  	_ =	shalt  }
0x71: {  	_ =	shalt  }
0x72: {  	_ =	shalt  }
0x73: {  	_ =	shalt  }
0x74: {  	_ =	shalt  }
0x75: {  	_ =	shalt  }
0x76: {  	_ =	shalt  }
0x77: {  	_ =	shalt  }
0x78: {  	_ =	shalt  }
0x79: {  	_ =	shalt  }
0x7a: {  	_ =	shalt  }
0x7b: {  	_ =	shalt  }
0x7c: {  	_ =	shalt  }
0x7d: {  	_ =	shalt  }
0x7e: {  	_ =	shalt  }
0x7f: {  	_ =	shalt  }
0x80: {  	_ =	shalt  }
0x81: {  	_ =	shalt  }
0x82: {  	_ =	shalt  }
0x83: {  	_ =	shalt  }
0x84: {  	_ =	shalt  }
0x85: {  	_ =	shalt  }
0x86: {  	_ =	shalt  }
0x87: {  	_ =	shalt  }
.Lfunc_end0:
.L_simem_size_0:
called_computation_lowered:
.L_overlay_start_0:
0x88: {  	s2 =	sld [smem:$0x3FD9]  }
0x89: {  	s3 =	sld [smem:$0x3FFE];
	_ =	sdelay $0x1  }
0x8a: {  	s1 =	srdreg.scid  }
0x8b: {  	s0 =	sand.u32 $0x1, s1  }
0x8c: {  	s17 =	sshll.u32 s0, $0xA;
	s2 =	sadd.s32 s3, s2  }
0x8d: {  	s2 =	sadd.s32 s2, s17  }
0x8e: {  	[smem:$0x3FC3] =	sst s2  }
0x8f: {  	_ = 	snop  }
0x90: {  	s2 =	sld [smem:$0x3FD0];
	(tm) =	ssettm $0x1  }
0x91: {  	s18 =	sld [smem:$0x3FFB];
	_ =	sdelay $0x3  }
0x92: {  	_ =	strace s18  }
0x93: {  	s3 =	sld [smem:$0x3FFC];
	_ =	sdelay $0x3  }
0x94: {  	_ =	strace s3  }
0x95: {  	s3 =	sld [smem:$0x3FFD];
	_ =	sdelay $0x3  }
0x96: {  	_ =	strace s3  }
0x97: {  	_ =	strace $0x8FFFFFFF  }
0x98: {  	s19 =	sld [smem:$0x3FDB];
	_ =	sdelay $0x1  }
0x99: {  	s4 =	simm.s32 $_scs_section_size  }
0x9a: {  	s5 =	simm.s32 $_size__tile_overlayer_lowered;
	s6 =	simm.s32 $_tile_overlayer_lowered  }
0x9b: {  	s22 =	simm.s32 $0x1BFF;
	s21 =	sshll.u32 s6, $0x1;
	s3 =	sadd.s32 s4, s19  }
0x9c: {  	s7 =	simm.s32 $0x0;
	s20 =	sshll.u32 s5, $0x1;
	s5 =	sadd.s32 s21, s3  }
0x9d: {  	[timem:s7], [sflag:s22] =	dma.local [hbm:s5], s20  }
0x9e: {  	_ =	swait.ge [sflag:s22], s20  }
0x9f: {  	s4 =	ssub.s32 $0x0, s20;
	[sflag:s22] =	ssyncset.done $0x0  }
0xa0: {  	[sflag:s22] =	ssyncadd.s32 s4;
	_ =	sdelay $0x1  }
0xa1: {  	s23 =	simm.s32 $0x1B8B  }
0xa2: {  	_ =	swait.ge [sflag:s23], $0x1  }
0xa3: {  	[sflag:s23] =	ssyncset.done $0x0  }
0xa4: {  	s25 =	simm.s32 $0x1B8E;
	s24 =	sld [smem:$0x3FFE];
	[sflag:s23] =	ssyncadd.s32 $0xFFFFFFFF  }
0xa5: {  	s26 =	simm.s32 $execute0_lowered;
	[smem:$0x3FD2] =	sst s25  }
0xa6: {  	s5 =	sshll.u32 s26, $0x1;
	_ =	strace $0x80000046;
	[dreg:$0x1] =	wrdreg $0xFFFFFFFF  }
0xa7: {  	s28 =	simm.s32 $_size_execute0_lowered;
	s3 =	sadd.s32 s3, s5;
	[dreg:$0x0] =	wrdreg $0x0  }
0xa8: {  	s5 =	sshll.u32 s28, $0x1;
	[dreg:$0x2] =	wrdreg s3  }
0xa9: {  	[dreg:$0x3] =	wrdreg s5  }
0xaa: {  	[dreg:$0x4] =	wrdreg $0xC0  }
0xab: {  	_ =	task [dreg:s7], $0x5FFFF  }
0xac: {  	[dreg:$0x1] =	wrdreg $0xFFFFFFFF  }
0xad: {  	[dreg:$0x0] =	wrdreg $0x60  }
0xae: {  	[dreg:$0x2] =	wrdreg s2  }
0xaf: {  	[dreg:$0x3] =	wrdreg s24  }
0xb0: {  	[dreg:$0x4] =	wrdreg $0x9  }
0xb1: {  	_ =	task.clear_ibuf [dreg:s7], $0x5FFFF;
	_ =	strace $0x90000046  }
0xb2: {  	s29 =	simm.s32 $0x9;
	_ =	strace $0x80000048  }
0xb3: {  	_ =	swait.ge [sflag:s29], $0x1  }
0xb4: {  	[sflag:s29] =	ssyncadd.s32 $0xFFFFFFFF  }
0xb5: {  	_ =	strace $0x90000048  }
0xb6: {  	_ =	sfence  }
0xb7: {  	s30 =	sld [smem:$0x0];
	_ =	sdelay $0x2  }
0xb8: {  	s31 =	sshll.u32 s1, $0xD;
	s1 =	sshrl.u32 s1, $0x2  }
0xb9: {  	s3 =	sand.u32 $0x4000, s31;
	s1 =	sadd.s32 s1, s30  }
0xba: {  	s0 =	sor.u32 s3, s0;
	s1 =	sshll.u32 s1, $0x11  }
0xbb: {  	s0 =	sor.u32 s1, s0  }
0xbc: {  	s0 =	sadd.s32 $0x8F2B, s0  }
0xbd: {  	[sflag:s0] =	ssyncadd.remote.s32 $0x1  }
0xbe: {  	_ =	sfence.sel $0xFFFF  }
0xbf: {  	[dreg:$0x0] =	wrdreg $0xFFFFFFFF;
	(pc) =	sbr.abs _section_cstart, $3  }
0xc0: {  	[dreg:$0x1] =	wrdreg $0xFFFFFFFF  }
0xc1: {  	_ =	task.clear_ibuf [dreg:s7], $0x2FFFF;
	_ =	strace $0x9FFFFFFF  }
0xc2: {  	(tm) =	ssettm $0x7FFFFFFF  }
0xc3: {  	_ =	shalt  }
tec
execute0_lowered:
.L_overlay_start_1:
0x0: {  	(tag) =	ssettag $0x1  }
0x1: {  	s3 =	rddreg [dreg:$0x0]  }
0x2: {  	s4 =	rddreg [dreg:$0x1];
	s2 =	simm.s32 $0x0  }
0x3: {  	s0 =	srdreg.scid;
	s23 =	simm.s32 $0x100;
	[smem:$0x7FF] =	sst s2  }
0x4: {  	s24 =	simm.s32 $0x180;
	_ =	strace $0x80000047;
	[dreg:$0x9] =	wrdreg s23  }
0x5: {  	s16 =	stileid.u32;
	s25 =	simm.s32 $0x200;
	[dreg:$0xa] =	wrdreg s24  }
0x6: {  	s26 =	simm.s32 $0x280;
	s7 =	simm.s32 $0x480;
	[dreg:$0xb] =	wrdreg s25  }
0x7: {  	s9 =	simm.s32 $0x500;
	s10 =	simm.s32 $0x580;
	[dreg:$0xc] =	wrdreg s26  }
0x8: {  	s11 =	simm.s32 $0x600;
	s31 =	simm.s32 $0x3;
	[dreg:$0x10] =	wrdreg s7  }
0x9: {  	s12 =	simm.s32 $0x680;
	s13 =	simm.s32 $0x700;
	[dreg:$0x11] =	wrdreg s9  }
0xa: {  	s14 =	simm.s32 $0x780;
	s15 =	simm.s32 $0x800;
	[dreg:$0x12] =	wrdreg s10  }
0xb: {  	s17 =	simm.s32 $0x880;
	s18 =	simm.s32 $0x900;
	[dreg:$0x13] =	wrdreg s11  }
0xc: {  	s28 =	simm.s32 $0xE400;
	s29 =	simm.s32 $0xF400;
	[dreg:$0x14] =	wrdreg s12  }
0xd: {  	s30 =	simm.s32 $0x10400;
	p0 =	por $0x0, $0x0;
	[dreg:$0x15] =	wrdreg s13  }
0xe: {  	s0 =	sand.u32 $0x1, s0;
	s1 =	sshll.u32 s16, $0x1;
	[dreg:$0x16] =	wrdreg s14  }
0xf: {  	s1 =	sor.u32 s0, s1;
	s0 =	ssub.s32 $0x2, s0;
	[dreg:$0x17] =	wrdreg s15  }
0x10: {  	s9 =	simm.s32 $0x3400;
	s10 =	simm.s32 $0x4400;
	[dreg:$0x18] =	wrdreg s17  }
0x11: {  	s11 =	simm.s32 $0x5400;
	[dreg:$0x19] =	wrdreg s18;
	s12 =	simm.s32 $0x6400  }
0x12: {  	s13 =	simm.s32 $0x7400;
	s14 =	simm.s32 $0x8400;
	s23 =	simm.s32 $0xB80  }
0x13: {  	s7 =	simm.s32 $0x1;
	s24 =	simm.s32 $0xC00;
	[dreg:$0x1e] =	wrdreg s23  }
0x14: {  	s25 =	simm.s32 $0xC80;
	s26 =	simm.s32 $0xD00;
	[dreg:$0x1f] =	wrdreg s24  }
0x15: {  	s17 =	simm.s32 $0xD80;
	s5 =	smul.u32 $0x280, s1;
	[smem:$0x7F6] =	sst s25  }
0x16: {  	s18 =	simm.s32 $0xE00;
	s6 =	smul.u32 $0x28000, s1;
	[smem:$0x7F7] =	sst s26  }
0x17: {  	s1 =	smul.u32 $0x5000, s1;
	[smem:$0x7F8] =	sst s17;
	s5 =	sadd.s32 s5, s4  }
0x18: {  	[smem:$0x7F9] =	sst s18;
	s4 =	sadd.s32 $0x6200, s4;
	s5 =	sadd.s32 $0x1200, s5  }
0x19: {  	s6 =	sshrl.u32 s6, $0x3;
	s1 =	sadd.s32 s4, s1;
	[dreg:$0x3] =	wrdreg s5  }
0x1a: {  	s4 =	sadd.s32 s4, s6;
	s6 =	simm.s32 $0x400;
	[dreg:$0x4] =	wrdreg s1  }
0x1b: {  	s15 =	simm.s32 $0x9400;
	s19 =	sadd.s32 $0x1000, s4;
	[dreg:$0xf] =	wrdreg s6  }
0x1c: {  	s8 =	sshrl.u32 s0, $0x1;
	s20 =	sadd.s32 $0x2000, s4;
	[dreg:$0x5] =	wrdreg s19  }
0x1d: {  	s23 =	simm.s32 $0xA400;
	s21 =	sadd.s32 $0x3000, s4;
	[dreg:$0x6] =	wrdreg s20  }
0x1e: {  	s24 =	simm.s32 $0xB400;
	s22 =	sadd.s32 $0x4000, s4;
	[dreg:$0x7] =	wrdreg s21  }
0x1f: {  	s25 =	simm.s32 $0xC400;
	s4 =	simm.s32 $0x300;
	[dreg:$0x8] =	wrdreg s22  }
0x20: {  	s26 =	simm.s32 $0xD400;
	s5 =	simm.s32 $0x380;
	[dreg:$0xd] =	wrdreg s4  }
0x21: {  	s18 =	simm.s32 $0x1100;
	s0 =	ssub.s32 s0, s8;
	[dreg:$0xe] =	wrdreg s5  }
0x22: {  	s1 =	smax.u32 s0, $0x1;
	s19 =	simm.s32 $0x980;
	s0 =	rddreg [dreg:$0x3]  }
0x23: {  	s17 =	simm.s32 $0x1380;
	s20 =	simm.s32 $0xA00;
	[dreg:$0x1a] =	wrdreg s19  }
0x24: {  	s8 =	simm.s32 $0x2400;
	s21 =	simm.s32 $0xA80;
	[dreg:$0x1b] =	wrdreg s20  }
0x25: {  	s6 =	simm.s32 $0x2;
	s22 =	simm.s32 $0xB00;
	[dreg:$0x1c] =	wrdreg s21  }
0x26: {  	p1 =	sne.s32 s1, $0x1;
	[dreg:$0x1d] =	wrdreg s22;
	s19 =	simm.s32 $0xE80  }
.Ltmp0:
0x27: {  	s20 =	simm.s32 $0xF00;
	[smem:$0x7FA] =	sst s19;
	(pc) =	sbr.rel @!p1 .LBB2_1-.Ltmp0, $4  }
0x28: {  	s5 =	simm.s32 $0x80;
	s21 =	simm.s32 $0xF80;
	[smem:$0x7FB] =	sst s20  }
0x29: {  	s4 =	simm.s32 $0x1400;
	s22 =	simm.s32 $0x1000;
	[smem:$0x7FC] =	sst s21  }
0x2a: {  	s1 =	sadd.s32 $0xFFFFFFFF, s1;
	[smem:$0x7FD] =	sst s22;
	s19 =	simm.s32 $0x1180  }
0x2b: {  	s20 =	simm.s32 $0x1200;
	s21 =	simm.s32 $0x1280;
	s22 =	simm.s32 $0x1300  }
0x2c: {  	[tilespmem:s2], [sflag:$0x3] =	stream.linear.gather [hbm4b:s0+s2], $0x1400, $0x38;
	[tilespmem:$0x11400] =	vst v63  }
0x2d: {  	_ =	swait.ge [sflag:s31], $0x1400  }
0x2e: {  	[sflag:s31] =	ssyncset.done $0x0  }
0x2f: {  	[sflag:s31] =	ssyncadd.s32 $0xFFFFEC00  }
0x30: {  	[tilespmem:s4], [sflag:$0x1] =	stream.indirect.gather [hbm4b:s3+s5], $0x20, s2, s5, $0xb8;
	[tilespmem:$0x11400] =	vst v63  }
0x31: {  	_ = 	snop  }
0x32: {  	[tilespmem:s8], [sflag:$0x1] =	stream.indirect.gather [hbm4b:s3+s5], $0x20, s5, s5, $0xb8;
	[tilespmem:$0x11400] =	vst v63  }
0x33: {  	s0 =	rddreg [dreg:$0x9]  }
0x34: {  	[tilespmem:s9], [sflag:$0x1] =	stream.indirect.gather [hbm4b:s3+s5], $0x20, s0, s5, $0xb8;
	[tilespmem:$0x11400] =	vst v63  }
0x35: {  	s16 =	smov.u32 s1;
	s1 =	rddreg [dreg:$0xa]  }
0x36: {  	[tilespmem:s10], [sflag:$0x1] =	stream.indirect.gather [hbm4b:s3+s5], $0x20, s1, s5, $0xb8;
	[tilespmem:$0x11400] =	vst v63  }
0x37: {  	s0 =	rddreg [dreg:$0xb]  }
0x38: {  	[tilespmem:s11], [sflag:$0x1] =	stream.indirect.gather [hbm4b:s3+s5], $0x20, s0, s5, $0xb8;
	[tilespmem:$0x11400] =	vst v63  }
0x39: {  	s1 =	rddreg [dreg:$0xc]  }
0x3a: {  	[tilespmem:s12], [sflag:$0x1] =	stream.indirect.gather [hbm4b:s3+s5], $0x20, s1, s5, $0xb8;
	[tilespmem:$0x11400] =	vst v63  }
0x3b: {  	s0 =	rddreg [dreg:$0xd]  }
0x3c: {  	[tilespmem:s13], [sflag:$0x1] =	stream.indirect.gather [hbm4b:s3+s5], $0x20, s0, s5, $0xb8;
	[tilespmem:$0x11400] =	vst v63  }
0x3d: {  	s1 =	rddreg [dreg:$0xe]  }
0x3e: {  	[tilespmem:s14], [sflag:$0x1] =	stream.indirect.gather [hbm4b:s3+s5], $0x20, s1, s5, $0xb8;
	[tilespmem:$0x11400] =	vst v63  }
0x3f: {  	_ =	swait.ge [sflag:s7], $0x1000  }
0x40: {  	[sflag:s7] =	ssyncset.done $0x0  }
0x41: {  	[sflag:s7] =	ssyncadd.s32 $0xFFFFF000  }
0x42: {  	_ =	swait.ge [sflag:s7], $0x1000  }
0x43: {  	[sflag:s7] =	ssyncset.done $0x0  }
0x44: {  	[sflag:s7] =	ssyncadd.s32 $0xFFFFF000  }
0x45: {  	_ =	swait.ge [sflag:s7], $0x1000  }
0x46: {  	[sflag:s7] =	ssyncset.done $0x0  }
0x47: {  	[sflag:s7] =	ssyncadd.s32 $0xFFFFF000  }
0x48: {  	_ =	swait.ge [sflag:s7], $0x1000  }
0x49: {  	[sflag:s7] =	ssyncset.done $0x0  }
0x4a: {  	[sflag:s7] =	ssyncadd.s32 $0xFFFFF000  }
0x4b: {  	_ =	swait.ge [sflag:s7], $0x1000  }
0x4c: {  	[sflag:s7] =	ssyncset.done $0x0  }
0x4d: {  	[sflag:s7] =	ssyncadd.s32 $0xFFFFF000  }
0x4e: {  	_ =	swait.ge [sflag:s7], $0x1000  }
0x4f: {  	[sflag:s7] =	ssyncset.done $0x0  }
0x50: {  	[sflag:s7] =	ssyncadd.s32 $0xFFFFF000  }
0x51: {  	_ =	swait.ge [sflag:s7], $0x1000  }
0x52: {  	[sflag:s7] =	ssyncset.done $0x0  }
0x53: {  	[sflag:s7] =	ssyncadd.s32 $0xFFFFF000  }
0x54: {  	_ =	swait.ge [sflag:s7], $0x1000  }
0x55: {  	[sflag:s7] =	ssyncset.done $0x0  }
0x56: {  	s1 =	rddreg [dreg:$0x4];
	[sflag:s7] =	ssyncadd.s32 $0xFFFFF000  }
0x57: {  	[hbm4b:s1+s2] =	stream.linear.scatter [tilespmem:s4], [sflag:$0x2], $0x8000, $0x38;
	[tilespmem:$0x11400] =	vst v63  }
0x58: {  	_ =	swait.ge [sflag:s6], $0x8000  }
0x59: {  	[sflag:s6] =	ssyncset.done $0x0  }
0x5a: {  	s0 =	rddreg [dreg:$0xf];
	[sflag:s6] =	ssyncadd.s32 $0xFFFF8000  }
0x5b: {  	[tilespmem:s15], [sflag:$0x1] =	stream.indirect.gather [hbm4b:s3+s5], $0x20, s0, s5, $0xb8;
	[tilespmem:$0x11400] =	vst v63  }
0x5c: {  	s1 =	rddreg [dreg:$0x10]  }
0x5d: {  	[tilespmem:s23], [sflag:$0x1] =	stream.indirect.gather [hbm4b:s3+s5], $0x20, s1, s5, $0xb8;
	[tilespmem:$0x11400] =	vst v63  }
0x5e: {  	s0 =	rddreg [dreg:$0x11]  }
0x5f: {  	[tilespmem:s24], [sflag:$0x1] =	stream.indirect.gather [hbm4b:s3+s5], $0x20, s0, s5, $0xb8;
	[tilespmem:$0x11400] =	vst v63  }
0x60: {  	s1 =	rddreg [dreg:$0x12]  }
0x61: {  	[tilespmem:s25], [sflag:$0x1] =	stream.indirect.gather [hbm4b:s3+s5], $0x20, s1, s5, $0xb8;
	[tilespmem:$0x11400] =	vst v63  }
0x62: {  	s0 =	rddreg [dreg:$0x13]  }
0x63: {  	[tilespmem:s26], [sflag:$0x1] =	stream.indirect.gather [hbm4b:s3+s5], $0x20, s0, s5, $0xb8;
	[tilespmem:$0x11400] =	vst v63  }
0x64: {  	s1 =	rddreg [dreg:$0x14]  }
0x65: {  	[tilespmem:s28], [sflag:$0x1] =	stream.indirect.gather [hbm4b:s3+s5], $0x20, s1, s5, $0xb8;
	[tilespmem:$0x11400] =	vst v63  }
0x66: {  	s0 =	rddreg [dreg:$0x15]  }
0x67: {  	[tilespmem:s29], [sflag:$0x1] =	stream.indirect.gather [hbm4b:s3+s5], $0x20, s0, s5, $0xb8;
	[tilespmem:$0x11400] =	vst v63  }
0x68: {  	s1 =	rddreg [dreg:$0x16]  }
0x69: {  	[tilespmem:s30], [sflag:$0x1] =	stream.indirect.gather [hbm4b:s3+s5], $0x20, s1, s5, $0xb8;
	[tilespmem:$0x11400] =	vst v63  }
0x6a: {  	_ =	swait.ge [sflag:s7], $0x1000  }
0x6b: {  	[sflag:s7] =	ssyncset.done $0x0  }
0x6c: {  	[sflag:s7] =	ssyncadd.s32 $0xFFFFF000  }
0x6d: {  	_ =	swait.ge [sflag:s7], $0x1000  }
0x6e: {  	[sflag:s7] =	ssyncset.done $0x0  }
0x6f: {  	[sflag:s7] =	ssyncadd.s32 $0xFFFFF000  }
0x70: {  	_ =	swait.ge [sflag:s7], $0x1000  }
0x71: {  	[sflag:s7] =	ssyncset.done $0x0  }
0x72: {  	[sflag:s7] =	ssyncadd.s32 $0xFFFFF000  }
0x73: {  	_ =	swait.ge [sflag:s7], $0x1000  }
0x74: {  	[sflag:s7] =	ssyncset.done $0x0  }
0x75: {  	[sflag:s7] =	ssyncadd.s32 $0xFFFFF000  }
0x76: {  	_ =	swait.ge [sflag:s7], $0x1000  }
0x77: {  	[sflag:s7] =	ssyncset.done $0x0  }
0x78: {  	[sflag:s7] =	ssyncadd.s32 $0xFFFFF000  }
0x79: {  	_ =	swait.ge [sflag:s7], $0x1000  }
0x7a: {  	[sflag:s7] =	ssyncset.done $0x0  }
0x7b: {  	[sflag:s7] =	ssyncadd.s32 $0xFFFFF000  }
0x7c: {  	_ =	swait.ge [sflag:s7], $0x1000  }
0x7d: {  	[sflag:s7] =	ssyncset.done $0x0  }
0x7e: {  	[sflag:s7] =	ssyncadd.s32 $0xFFFFF000  }
0x7f: {  	_ =	swait.ge [sflag:s7], $0x1000  }
0x80: {  	[sflag:s7] =	ssyncset.done $0x0  }
0x81: {  	s1 =	rddreg [dreg:$0x5];
	[sflag:s7] =	ssyncadd.s32 $0xFFFFF000  }
0x82: {  	[hbm4b:s1+s2] =	stream.linear.scatter [tilespmem:s15], [sflag:$0x2], $0x8000, $0x38;
	[tilespmem:$0x11400] =	vst v63  }
0x83: {  	_ =	swait.ge [sflag:s6], $0x8000  }
0x84: {  	[sflag:s6] =	ssyncset.done $0x0  }
0x85: {  	s0 =	rddreg [dreg:$0x17];
	[sflag:s6] =	ssyncadd.s32 $0xFFFF8000  }
0x86: {  	[tilespmem:s4], [sflag:$0x1] =	stream.indirect.gather [hbm4b:s3+s5], $0x20, s0, s5, $0xb8;
	[tilespmem:$0x11400] =	vst v63  }
0x87: {  	s1 =	rddreg [dreg:$0x18]  }
0x88: {  	[tilespmem:s8], [sflag:$0x1] =	stream.indirect.gather [hbm4b:s3+s5], $0x20, s1, s5, $0xb8;
	[tilespmem:$0x11400] =	vst v63  }
0x89: {  	s0 =	rddreg [dreg:$0x19]  }
0x8a: {  	[tilespmem:s9], [sflag:$0x1] =	stream.indirect.gather [hbm4b:s3+s5], $0x20, s0, s5, $0xb8;
	[tilespmem:$0x11400] =	vst v63  }
0x8b: {  	s1 =	rddreg [dreg:$0x1a]  }
0x8c: {  	[tilespmem:s10], [sflag:$0x1] =	stream.indirect.gather [hbm4b:s3+s5], $0x20, s1, s5, $0xb8;
	[tilespmem:$0x11400] =	vst v63  }
0x8d: {  	s0 =	rddreg [dreg:$0x1b]  }
0x8e: {  	[tilespmem:s11], [sflag:$0x1] =	stream.indirect.gather [hbm4b:s3+s5], $0x20, s0, s5, $0xb8;
	[tilespmem:$0x11400] =	vst v63  }
0x8f: {  	s1 =	rddreg [dreg:$0x1c]  }
0x90: {  	[tilespmem:s12], [sflag:$0x1] =	stream.indirect.gather [hbm4b:s3+s5], $0x20, s1, s5, $0xb8;
	[tilespmem:$0x11400] =	vst v63  }
0x91: {  	s0 =	rddreg [dreg:$0x1d]  }
0x92: {  	[tilespmem:s13], [sflag:$0x1] =	stream.indirect.gather [hbm4b:s3+s5], $0x20, s0, s5, $0xb8;
	[tilespmem:$0x11400] =	vst v63  }
0x93: {  	s1 =	rddreg [dreg:$0x1e]  }
0x94: {  	[tilespmem:s14], [sflag:$0x1] =	stream.indirect.gather [hbm4b:s3+s5], $0x20, s1, s5, $0xb8;
	[tilespmem:$0x11400] =	vst v63  }
0x95: {  	_ =	swait.ge [sflag:s7], $0x1000  }
0x96: {  	[sflag:s7] =	ssyncset.done $0x0  }
0x97: {  	[sflag:s7] =	ssyncadd.s32 $0xFFFFF000  }
0x98: {  	_ =	swait.ge [sflag:s7], $0x1000  }
0x99: {  	[sflag:s7] =	ssyncset.done $0x0  }
0x9a: {  	[sflag:s7] =	ssyncadd.s32 $0xFFFFF000  }
0x9b: {  	_ =	swait.ge [sflag:s7], $0x1000  }
0x9c: {  	[sflag:s7] =	ssyncset.done $0x0  }
0x9d: {  	[sflag:s7] =	ssyncadd.s32 $0xFFFFF000  }
0x9e: {  	_ =	swait.ge [sflag:s7], $0x1000  }
0x9f: {  	[sflag:s7] =	ssyncset.done $0x0  }
0xa0: {  	[sflag:s7] =	ssyncadd.s32 $0xFFFFF000  }
0xa1: {  	_ =	swait.ge [sflag:s7], $0x1000  }
0xa2: {  	[sflag:s7] =	ssyncset.done $0x0  }
0xa3: {  	[sflag:s7] =	ssyncadd.s32 $0xFFFFF000  }
0xa4: {  	_ =	swait.ge [sflag:s7], $0x1000  }
0xa5: {  	[sflag:s7] =	ssyncset.done $0x0  }
0xa6: {  	[sflag:s7] =	ssyncadd.s32 $0xFFFFF000  }
0xa7: {  	_ =	swait.ge [sflag:s7], $0x1000  }
0xa8: {  	[sflag:s7] =	ssyncset.done $0x0  }
0xa9: {  	[sflag:s7] =	ssyncadd.s32 $0xFFFFF000  }
0xaa: {  	_ =	swait.ge [sflag:s7], $0x1000  }
0xab: {  	[sflag:s7] =	ssyncset.done $0x0  }
0xac: {  	s1 =	rddreg [dreg:$0x6];
	[sflag:s7] =	ssyncadd.s32 $0xFFFFF000  }
0xad: {  	[hbm4b:s1+s2] =	stream.linear.scatter [tilespmem:s4], [sflag:$0x2], $0x8000, $0x38;
	[tilespmem:$0x11400] =	vst v63  }
0xae: {  	_ =	swait.ge [sflag:s6], $0x8000  }
0xaf: {  	s0 =	rddreg [dreg:$0x1f];
	[sflag:s6] =	ssyncset.done $0x0  }
0xb0: {  	s1 =	sld [smem:$0x7F6];
	[sflag:s6] =	ssyncadd.s32 $0xFFFF8000  }
0xb1: {  	[tilespmem:s15], [sflag:$0x1] =	stream.indirect.gather [hbm4b:s3+s5], $0x20, s0, s5, $0xb8;
	[tilespmem:$0x11400] =	vst v63  }
0xb2: {  	s0 =	sld [smem:$0x7F7]  }
0xb3: {  	[tilespmem:s23], [sflag:$0x1] =	stream.indirect.gather [hbm4b:s3+s5], $0x20, s1, s5, $0xb8;
	[tilespmem:$0x11400] =	vst v63  }
0xb4: {  	s1 =	sld [smem:$0x7F8]  }
0xb5: {  	[tilespmem:s24], [sflag:$0x1] =	stream.indirect.gather [hbm4b:s3+s5], $0x20, s0, s5, $0xb8;
	[tilespmem:$0x11400] =	vst v63  }
0xb6: {  	s0 =	sld [smem:$0x7F9]  }
0xb7: {  	[tilespmem:s25], [sflag:$0x1] =	stream.indirect.gather [hbm4b:s3+s5], $0x20, s1, s5, $0xb8;
	[tilespmem:$0x11400] =	vst v63  }
0xb8: {  	s1 =	sld [smem:$0x7FA]  }
0xb9: {  	[tilespmem:s26], [sflag:$0x1] =	stream.indirect.gather [hbm4b:s3+s5], $0x20, s0, s5, $0xb8;
	[tilespmem:$0x11400] =	vst v63  }
0xba: {  	s0 =	sld [smem:$0x7FB]  }
0xbb: {  	[tilespmem:s28], [sflag:$0x1] =	stream.indirect.gather [hbm4b:s3+s5], $0x20, s1, s5, $0xb8;
	[tilespmem:$0x11400] =	vst v63  }
0xbc: {  	s1 =	sld [smem:$0x7FC]  }
0xbd: {  	[tilespmem:s29], [sflag:$0x1] =	stream.indirect.gather [hbm4b:s3+s5], $0x20, s0, s5, $0xb8;
	[tilespmem:$0x11400] =	vst v63  }
0xbe: {  	_ = 	snop  }
0xbf: {  	[tilespmem:s30], [sflag:$0x1] =	stream.indirect.gather [hbm4b:s3+s5], $0x20, s1, s5, $0xb8;
	[tilespmem:$0x11400] =	vst v63  }
0xc0: {  	_ =	swait.ge [sflag:s7], $0x1000  }
0xc1: {  	[sflag:s7] =	ssyncset.done $0x0  }
0xc2: {  	[sflag:s7] =	ssyncadd.s32 $0xFFFFF000  }
0xc3: {  	_ =	swait.ge [sflag:s7], $0x1000  }
0xc4: {  	[sflag:s7] =	ssyncset.done $0x0  }
0xc5: {  	[sflag:s7] =	ssyncadd.s32 $0xFFFFF000  }
0xc6: {  	_ =	swait.ge [sflag:s7], $0x1000  }
0xc7: {  	[sflag:s7] =	ssyncset.done $0x0  }
0xc8: {  	[sflag:s7] =	ssyncadd.s32 $0xFFFFF000  }
0xc9: {  	_ =	swait.ge [sflag:s7], $0x1000  }
0xca: {  	[sflag:s7] =	ssyncset.done $0x0  }
0xcb: {  	[sflag:s7] =	ssyncadd.s32 $0xFFFFF000  }
0xcc: {  	_ =	swait.ge [sflag:s7], $0x1000  }
0xcd: {  	[sflag:s7] =	ssyncset.done $0x0  }
0xce: {  	[sflag:s7] =	ssyncadd.s32 $0xFFFFF000  }
0xcf: {  	_ =	swait.ge [sflag:s7], $0x1000  }
0xd0: {  	[sflag:s7] =	ssyncset.done $0x0  }
0xd1: {  	[sflag:s7] =	ssyncadd.s32 $0xFFFFF000  }
0xd2: {  	_ =	swait.ge [sflag:s7], $0x1000  }
0xd3: {  	[sflag:s7] =	ssyncset.done $0x0  }
0xd4: {  	[sflag:s7] =	ssyncadd.s32 $0xFFFFF000  }
0xd5: {  	_ =	swait.ge [sflag:s7], $0x1000  }
0xd6: {  	[sflag:s7] =	ssyncset.done $0x0  }
0xd7: {  	s1 =	rddreg [dreg:$0x7];
	[sflag:s7] =	ssyncadd.s32 $0xFFFFF000  }
0xd8: {  	[hbm4b:s1+s2] =	stream.linear.scatter [tilespmem:s15], [sflag:$0x2], $0x8000, $0x38;
	[tilespmem:$0x11400] =	vst v63  }
0xd9: {  	_ =	swait.ge [sflag:s6], $0x8000  }
0xda: {  	s1 =	sld [smem:$0x7FD]  }
0xdb: {  	[sflag:s6] =	ssyncset.done $0x0  }
0xdc: {  	[sflag:s6] =	ssyncadd.s32 $0xFFFF8000  }
0xdd: {  	[tilespmem:s4], [sflag:$0x1] =	stream.indirect.gather [hbm4b:s3+s5], $0x20, s1, s5, $0xb8;
	[tilespmem:$0x11400] =	vst v63  }
0xde: {  	s1 =	simm.s32 $0x1080  }
0xdf: {  	[tilespmem:s8], [sflag:$0x1] =	stream.indirect.gather [hbm4b:s3+s5], $0x20, s1, s5, $0xb8;
	[tilespmem:$0x11400] =	vst v63  }
0xe0: {  	_ = 	snop  }
0xe1: {  	[tilespmem:s9], [sflag:$0x1] =	stream.indirect.gather [hbm4b:s3+s5], $0x20, s18, s5, $0xb8;
	[tilespmem:$0x11400] =	vst v63  }
0xe2: {  	_ = 	snop  }
0xe3: {  	[tilespmem:s10], [sflag:$0x1] =	stream.indirect.gather [hbm4b:s3+s5], $0x20, s19, s5, $0xb8;
	[tilespmem:$0x11400] =	vst v63  }
0xe4: {  	_ = 	snop  }
0xe5: {  	[tilespmem:s11], [sflag:$0x1] =	stream.indirect.gather [hbm4b:s3+s5], $0x20, s20, s5, $0xb8;
	[tilespmem:$0x11400] =	vst v63  }
0xe6: {  	_ = 	snop  }
0xe7: {  	[tilespmem:s12], [sflag:$0x1] =	stream.indirect.gather [hbm4b:s3+s5], $0x20, s21, s5, $0xb8;
	[tilespmem:$0x11400] =	vst v63  }
0xe8: {  	_ = 	snop  }
0xe9: {  	[tilespmem:s13], [sflag:$0x1] =	stream.indirect.gather [hbm4b:s3+s5], $0x20, s22, s5, $0xb8;
	[tilespmem:$0x11400] =	vst v63  }
0xea: {  	_ = 	snop  }
0xeb: {  	[tilespmem:s14], [sflag:$0x1] =	stream.indirect.gather [hbm4b:s3+s5], $0x20, s17, s5, $0xb8;
	[tilespmem:$0x11400] =	vst v63  }
0xec: {  	_ =	swait.ge [sflag:s7], $0x1000  }
0xed: {  	[sflag:s7] =	ssyncset.done $0x0  }
0xee: {  	[sflag:s7] =	ssyncadd.s32 $0xFFFFF000  }
0xef: {  	_ =	swait.ge [sflag:s7], $0x1000  }
0xf0: {  	[sflag:s7] =	ssyncset.done $0x0  }
0xf1: {  	[sflag:s7] =	ssyncadd.s32 $0xFFFFF000  }
0xf2: {  	_ =	swait.ge [sflag:s7], $0x1000  }
0xf3: {  	[sflag:s7] =	ssyncset.done $0x0  }
0xf4: {  	[sflag:s7] =	ssyncadd.s32 $0xFFFFF000  }
0xf5: {  	_ =	swait.ge [sflag:s7], $0x1000  }
0xf6: {  	[sflag:s7] =	ssyncset.done $0x0  }
0xf7: {  	[sflag:s7] =	ssyncadd.s32 $0xFFFFF000  }
0xf8: {  	_ =	swait.ge [sflag:s7], $0x1000  }
0xf9: {  	[sflag:s7] =	ssyncset.done $0x0  }
0xfa: {  	[sflag:s7] =	ssyncadd.s32 $0xFFFFF000  }
0xfb: {  	_ =	swait.ge [sflag:s7], $0x1000  }
0xfc: {  	[sflag:s7] =	ssyncset.done $0x0  }
0xfd: {  	[sflag:s7] =	ssyncadd.s32 $0xFFFFF000  }
0xfe: {  	_ =	swait.ge [sflag:s7], $0x1000  }
0xff: {  	[sflag:s7] =	ssyncset.done $0x0  }
0x100: {  	[sflag:s7] =	ssyncadd.s32 $0xFFFFF000  }
0x101: {  	p1 =	sne.s32 s16, $0x1;
	_ =	swait.ge [sflag:s7], $0x1000  }
.Ltmp1:
0x102: {  	[sflag:s7] =	ssyncset.done $0x0;
	(pc) =	sbr.rel @!p1 .LBB2_3-.Ltmp1, $4  }
0x103: {  	s1 =	rddreg [dreg:$0x8];
	[sflag:s7] =	ssyncadd.s32 $0xFFFFF000  }
0x104: {  	[hbm4b:s1+s2] =	stream.linear.scatter [tilespmem:s4], [sflag:$0x2], $0x8000, $0x38;
	[tilespmem:$0x11400] =	vst v63  }
0x105: {  	p0 =	por $0x1, $0x1;
	_ =	swait.ge [sflag:s6], $0x8000  }
0x106: {  	s1 =	sadd.s32 $0xFFFFFFFF, s16;
	s0 =	rddreg [dreg:$0x3];
	[sflag:s6] =	ssyncset.done $0x0  }
.LBB2_4:
0x107: {  	[sflag:s6] =	ssyncadd.s32 $0xFFFF8000  }
0x108: {  	[tilespmem:s2], [sflag:$0x3] =	stream.linear.gather [hbm4b:s0+s2], $0x1400, $0x38;
	[tilespmem:$0x11400] =	vst v63  }
0x109: {  	_ =	swait.ge [sflag:s31], $0x1400  }
0x10a: {  	[sflag:s31] =	ssyncset.done $0x0  }
0x10b: {  	[sflag:s31] =	ssyncadd.s32 $0xFFFFEC00  }
0x10c: {  	[tilespmem:s4], [sflag:$0x1] =	stream.indirect.gather [hbm4b:s3+s5], $0x20, s2, s5, $0xb8;
	[tilespmem:$0x11400] =	vst v63  }
0x10d: {  	_ = 	snop  }
0x10e: {  	[tilespmem:s8], [sflag:$0x1] =	stream.indirect.gather [hbm4b:s3+s5], $0x20, s5, s5, $0xb8;
	[tilespmem:$0x11400] =	vst v63  }
0x10f: {  	s0 =	rddreg [dreg:$0x9]  }
0x110: {  	[tilespmem:s9], [sflag:$0x1] =	stream.indirect.gather [hbm4b:s3+s5], $0x20, s0, s5, $0xb8;
	[tilespmem:$0x11400] =	vst v63  }
0x111: {  	s16 =	rddreg [dreg:$0xa]  }
0x112: {  	[tilespmem:s10], [sflag:$0x1] =	stream.indirect.gather [hbm4b:s3+s5], $0x20, s16, s5, $0xb8;
	[tilespmem:$0x11400] =	vst v63  }
0x113: {  	s0 =	rddreg [dreg:$0xb]  }
0x114: {  	[tilespmem:s11], [sflag:$0x1] =	stream.indirect.gather [hbm4b:s3+s5], $0x20, s0, s5, $0xb8;
	[tilespmem:$0x11400] =	vst v63  }
0x115: {  	s16 =	rddreg [dreg:$0xc]  }
0x116: {  	[tilespmem:s12], [sflag:$0x1] =	stream.indirect.gather [hbm4b:s3+s5], $0x20, s16, s5, $0xb8;
	[tilespmem:$0x11400] =	vst v63  }
0x117: {  	s0 =	rddreg [dreg:$0xd]  }
0x118: {  	[tilespmem:s13], [sflag:$0x1] =	stream.indirect.gather [hbm4b:s3+s5], $0x20, s0, s5, $0xb8;
	[tilespmem:$0x11400] =	vst v63  }
0x119: {  	s16 =	rddreg [dreg:$0xe]  }
0x11a: {  	[tilespmem:s14], [sflag:$0x1] =	stream.indirect.gather [hbm4b:s3+s5], $0x20, s16, s5, $0xb8;
	[tilespmem:$0x11400] =	vst v63  }
0x11b: {  	_ =	swait.ge [sflag:s7], $0x1000  }
0x11c: {  	[sflag:s7] =	ssyncset.done $0x0  }
0x11d: {  	[sflag:s7] =	ssyncadd.s32 $0xFFFFF000  }
0x11e: {  	_ =	swait.ge [sflag:s7], $0x1000  }
0x11f: {  	[sflag:s7] =	ssyncset.done $0x0  }
0x120: {  	[sflag:s7] =	ssyncadd.s32 $0xFFFFF000  }
0x121: {  	_ =	swait.ge [sflag:s7], $0x1000  }
0x122: {  	[sflag:s7] =	ssyncset.done $0x0  }
0x123: {  	[sflag:s7] =	ssyncadd.s32 $0xFFFFF000  }
0x124: {  	_ =	swait.ge [sflag:s7], $0x1000  }
0x125: {  	[sflag:s7] =	ssyncset.done $0x0  }
0x126: {  	[sflag:s7] =	ssyncadd.s32 $0xFFFFF000  }
0x127: {  	_ =	swait.ge [sflag:s7], $0x1000  }
0x128: {  	[sflag:s7] =	ssyncset.done $0x0  }
0x129: {  	[sflag:s7] =	ssyncadd.s32 $0xFFFFF000  }
0x12a: {  	_ =	swait.ge [sflag:s7], $0x1000  }
0x12b: {  	[sflag:s7] =	ssyncset.done $0x0  }
0x12c: {  	[sflag:s7] =	ssyncadd.s32 $0xFFFFF000  }
0x12d: {  	_ =	swait.ge [sflag:s7], $0x1000  }
0x12e: {  	[sflag:s7] =	ssyncset.done $0x0  }
0x12f: {  	[sflag:s7] =	ssyncadd.s32 $0xFFFFF000  }
0x130: {  	_ =	swait.ge [sflag:s7], $0x1000  }
0x131: {  	[sflag:s7] =	ssyncset.done $0x0  }
0x132: {  	s16 =	rddreg [dreg:$0x4];
	[sflag:s7] =	ssyncadd.s32 $0xFFFFF000  }
0x133: {  	[hbm4b:s16+s2] =	stream.linear.scatter [tilespmem:s4], [sflag:$0x2], $0x8000, $0x38;
	[tilespmem:$0x11400] =	vst v63  }
0x134: {  	_ =	swait.ge [sflag:s6], $0x8000  }
0x135: {  	[sflag:s6] =	ssyncset.done $0x0  }
0x136: {  	s0 =	rddreg [dreg:$0xf];
	[sflag:s6] =	ssyncadd.s32 $0xFFFF8000  }
0x137: {  	[tilespmem:s15], [sflag:$0x1] =	stream.indirect.gather [hbm4b:s3+s5], $0x20, s0, s5, $0xb8;
	[tilespmem:$0x11400] =	vst v63  }
0x138: {  	s16 =	rddreg [dreg:$0x10]  }
0x139: {  	[tilespmem:s23], [sflag:$0x1] =	stream.indirect.gather [hbm4b:s3+s5], $0x20, s16, s5, $0xb8;
	[tilespmem:$0x11400] =	vst v63  }
0x13a: {  	s0 =	rddreg [dreg:$0x11]  }
0x13b: {  	[tilespmem:s24], [sflag:$0x1] =	stream.indirect.gather [hbm4b:s3+s5], $0x20, s0, s5, $0xb8;
	[tilespmem:$0x11400] =	vst v63  }
0x13c: {  	s16 =	rddreg [dreg:$0x12]  }
0x13d: {  	[tilespmem:s25], [sflag:$0x1] =	stream.indirect.gather [hbm4b:s3+s5], $0x20, s16, s5, $0xb8;
	[tilespmem:$0x11400] =	vst v63  }
0x13e: {  	s0 =	rddreg [dreg:$0x13]  }
0x13f: {  	[tilespmem:s26], [sflag:$0x1] =	stream.indirect.gather [hbm4b:s3+s5], $0x20, s0, s5, $0xb8;
	[tilespmem:$0x11400] =	vst v63  }
0x140: {  	s16 =	rddreg [dreg:$0x14]  }
0x141: {  	[tilespmem:s28], [sflag:$0x1] =	stream.indirect.gather [hbm4b:s3+s5], $0x20, s16, s5, $0xb8;
	[tilespmem:$0x11400] =	vst v63  }
0x142: {  	s0 =	rddreg [dreg:$0x15]  }
0x143: {  	[tilespmem:s29], [sflag:$0x1] =	stream.indirect.gather [hbm4b:s3+s5], $0x20, s0, s5, $0xb8;
	[tilespmem:$0x11400] =	vst v63  }
0x144: {  	s16 =	rddreg [dreg:$0x16]  }
0x145: {  	[tilespmem:s30], [sflag:$0x1] =	stream.indirect.gather [hbm4b:s3+s5], $0x20, s16, s5, $0xb8;
	[tilespmem:$0x11400] =	vst v63  }
0x146: {  	_ =	swait.ge [sflag:s7], $0x1000  }
0x147: {  	[sflag:s7] =	ssyncset.done $0x0  }
0x148: {  	[sflag:s7] =	ssyncadd.s32 $0xFFFFF000  }
0x149: {  	_ =	swait.ge [sflag:s7], $0x1000  }
0x14a: {  	[sflag:s7] =	ssyncset.done $0x0  }
0x14b: {  	[sflag:s7] =	ssyncadd.s32 $0xFFFFF000  }
0x14c: {  	_ =	swait.ge [sflag:s7], $0x1000  }
0x14d: {  	[sflag:s7] =	ssyncset.done $0x0  }
0x14e: {  	[sflag:s7] =	ssyncadd.s32 $0xFFFFF000  }
0x14f: {  	_ =	swait.ge [sflag:s7], $0x1000  }
0x150: {  	[sflag:s7] =	ssyncset.done $0x0  }
0x151: {  	[sflag:s7] =	ssyncadd.s32 $0xFFFFF000  }
0x152: {  	_ =	swait.ge [sflag:s7], $0x1000  }
0x153: {  	[sflag:s7] =	ssyncset.done $0x0  }
0x154: {  	[sflag:s7] =	ssyncadd.s32 $0xFFFFF000  }
0x155: {  	_ =	swait.ge [sflag:s7], $0x1000  }
0x156: {  	[sflag:s7] =	ssyncset.done $0x0  }
0x157: {  	[sflag:s7] =	ssyncadd.s32 $0xFFFFF000  }
0x158: {  	_ =	swait.ge [sflag:s7], $0x1000  }
0x159: {  	[sflag:s7] =	ssyncset.done $0x0  }
0x15a: {  	[sflag:s7] =	ssyncadd.s32 $0xFFFFF000  }
0x15b: {  	_ =	swait.ge [sflag:s7], $0x1000  }
0x15c: {  	[sflag:s7] =	ssyncset.done $0x0  }
0x15d: {  	s16 =	rddreg [dreg:$0x5];
	[sflag:s7] =	ssyncadd.s32 $0xFFFFF000  }
0x15e: {  	[hbm4b:s16+s2] =	stream.linear.scatter [tilespmem:s15], [sflag:$0x2], $0x8000, $0x38;
	[tilespmem:$0x11400] =	vst v63  }
0x15f: {  	_ =	swait.ge [sflag:s6], $0x8000  }
0x160: {  	[sflag:s6] =	ssyncset.done $0x0  }
0x161: {  	s0 =	rddreg [dreg:$0x17];
	[sflag:s6] =	ssyncadd.s32 $0xFFFF8000  }
0x162: {  	[tilespmem:s4], [sflag:$0x1] =	stream.indirect.gather [hbm4b:s3+s5], $0x20, s0, s5, $0xb8;
	[tilespmem:$0x11400] =	vst v63  }
0x163: {  	s16 =	rddreg [dreg:$0x18]  }
0x164: {  	[tilespmem:s8], [sflag:$0x1] =	stream.indirect.gather [hbm4b:s3+s5], $0x20, s16, s5, $0xb8;
	[tilespmem:$0x11400] =	vst v63  }
0x165: {  	s0 =	rddreg [dreg:$0x19]  }
0x166: {  	[tilespmem:s9], [sflag:$0x1] =	stream.indirect.gather [hbm4b:s3+s5], $0x20, s0, s5, $0xb8;
	[tilespmem:$0x11400] =	vst v63  }
0x167: {  	s16 =	rddreg [dreg:$0x1a]  }
0x168: {  	[tilespmem:s10], [sflag:$0x1] =	stream.indirect.gather [hbm4b:s3+s5], $0x20, s16, s5, $0xb8;
	[tilespmem:$0x11400] =	vst v63  }
0x169: {  	s0 =	rddreg [dreg:$0x1b]  }
0x16a: {  	[tilespmem:s11], [sflag:$0x1] =	stream.indirect.gather [hbm4b:s3+s5], $0x20, s0, s5, $0xb8;
	[tilespmem:$0x11400] =	vst v63  }
0x16b: {  	s16 =	rddreg [dreg:$0x1c]  }
0x16c: {  	[tilespmem:s12], [sflag:$0x1] =	stream.indirect.gather [hbm4b:s3+s5], $0x20, s16, s5, $0xb8;
	[tilespmem:$0x11400] =	vst v63  }
0x16d: {  	s0 =	rddreg [dreg:$0x1d]  }
0x16e: {  	[tilespmem:s13], [sflag:$0x1] =	stream.indirect.gather [hbm4b:s3+s5], $0x20, s0, s5, $0xb8;
	[tilespmem:$0x11400] =	vst v63  }
0x16f: {  	s16 =	rddreg [dreg:$0x1e]  }
0x170: {  	[tilespmem:s14], [sflag:$0x1] =	stream.indirect.gather [hbm4b:s3+s5], $0x20, s16, s5, $0xb8;
	[tilespmem:$0x11400] =	vst v63  }
0x171: {  	_ =	swait.ge [sflag:s7], $0x1000  }
0x172: {  	[sflag:s7] =	ssyncset.done $0x0  }
0x173: {  	[sflag:s7] =	ssyncadd.s32 $0xFFFFF000  }
0x174: {  	_ =	swait.ge [sflag:s7], $0x1000  }
0x175: {  	[sflag:s7] =	ssyncset.done $0x0  }
0x176: {  	[sflag:s7] =	ssyncadd.s32 $0xFFFFF000  }
0x177: {  	_ =	swait.ge [sflag:s7], $0x1000  }
0x178: {  	[sflag:s7] =	ssyncset.done $0x0  }
0x179: {  	[sflag:s7] =	ssyncadd.s32 $0xFFFFF000  }
0x17a: {  	_ =	swait.ge [sflag:s7], $0x1000  }
0x17b: {  	[sflag:s7] =	ssyncset.done $0x0  }
0x17c: {  	[sflag:s7] =	ssyncadd.s32 $0xFFFFF000  }
0x17d: {  	_ =	swait.ge [sflag:s7], $0x1000  }
0x17e: {  	[sflag:s7] =	ssyncset.done $0x0  }
0x17f: {  	[sflag:s7] =	ssyncadd.s32 $0xFFFFF000  }
0x180: {  	_ =	swait.ge [sflag:s7], $0x1000  }
0x181: {  	[sflag:s7] =	ssyncset.done $0x0  }
0x182: {  	[sflag:s7] =	ssyncadd.s32 $0xFFFFF000  }
0x183: {  	_ =	swait.ge [sflag:s7], $0x1000  }
0x184: {  	[sflag:s7] =	ssyncset.done $0x0  }
0x185: {  	[sflag:s7] =	ssyncadd.s32 $0xFFFFF000  }
0x186: {  	_ =	swait.ge [sflag:s7], $0x1000  }
0x187: {  	[sflag:s7] =	ssyncset.done $0x0  }
0x188: {  	s16 =	rddreg [dreg:$0x6];
	[sflag:s7] =	ssyncadd.s32 $0xFFFFF000  }
0x189: {  	[hbm4b:s16+s2] =	stream.linear.scatter [tilespmem:s4], [sflag:$0x2], $0x8000, $0x38;
	[tilespmem:$0x11400] =	vst v63  }
0x18a: {  	_ =	swait.ge [sflag:s6], $0x8000  }
0x18b: {  	s0 =	rddreg [dreg:$0x1f];
	[sflag:s6] =	ssyncset.done $0x0  }
0x18c: {  	s16 =	sld [smem:$0x7F6];
	[sflag:s6] =	ssyncadd.s32 $0xFFFF8000  }
0x18d: {  	[tilespmem:s15], [sflag:$0x1] =	stream.indirect.gather [hbm4b:s3+s5], $0x20, s0, s5, $0xb8;
	[tilespmem:$0x11400] =	vst v63  }
0x18e: {  	s0 =	sld [smem:$0x7F7]  }
0x18f: {  	[tilespmem:s23], [sflag:$0x1] =	stream.indirect.gather [hbm4b:s3+s5], $0x20, s16, s5, $0xb8;
	[tilespmem:$0x11400] =	vst v63  }
0x190: {  	s16 =	sld [smem:$0x7F8]  }
0x191: {  	[tilespmem:s24], [sflag:$0x1] =	stream.indirect.gather [hbm4b:s3+s5], $0x20, s0, s5, $0xb8;
	[tilespmem:$0x11400] =	vst v63  }
0x192: {  	s0 =	sld [smem:$0x7F9]  }
0x193: {  	[tilespmem:s25], [sflag:$0x1] =	stream.indirect.gather [hbm4b:s3+s5], $0x20, s16, s5, $0xb8;
	[tilespmem:$0x11400] =	vst v63  }
0x194: {  	s16 =	sld [smem:$0x7FA]  }
0x195: {  	[tilespmem:s26], [sflag:$0x1] =	stream.indirect.gather [hbm4b:s3+s5], $0x20, s0, s5, $0xb8;
	[tilespmem:$0x11400] =	vst v63  }
0x196: {  	s0 =	sld [smem:$0x7FB]  }
0x197: {  	[tilespmem:s28], [sflag:$0x1] =	stream.indirect.gather [hbm4b:s3+s5], $0x20, s16, s5, $0xb8;
	[tilespmem:$0x11400] =	vst v63  }
0x198: {  	s16 =	sld [smem:$0x7FC]  }
0x199: {  	[tilespmem:s29], [sflag:$0x1] =	stream.indirect.gather [hbm4b:s3+s5], $0x20, s0, s5, $0xb8;
	[tilespmem:$0x11400] =	vst v63  }
0x19a: {  	_ = 	snop  }
0x19b: {  	[tilespmem:s30], [sflag:$0x1] =	stream.indirect.gather [hbm4b:s3+s5], $0x20, s16, s5, $0xb8;
	[tilespmem:$0x11400] =	vst v63  }
0x19c: {  	_ =	swait.ge [sflag:s7], $0x1000  }
0x19d: {  	[sflag:s7] =	ssyncset.done $0x0  }
0x19e: {  	[sflag:s7] =	ssyncadd.s32 $0xFFFFF000  }
0x19f: {  	_ =	swait.ge [sflag:s7], $0x1000  }
0x1a0: {  	[sflag:s7] =	ssyncset.done $0x0  }
0x1a1: {  	[sflag:s7] =	ssyncadd.s32 $0xFFFFF000  }
0x1a2: {  	_ =	swait.ge [sflag:s7], $0x1000  }
0x1a3: {  	[sflag:s7] =	ssyncset.done $0x0  }
0x1a4: {  	[sflag:s7] =	ssyncadd.s32 $0xFFFFF000  }
0x1a5: {  	_ =	swait.ge [sflag:s7], $0x1000  }
0x1a6: {  	[sflag:s7] =	ssyncset.done $0x0  }
0x1a7: {  	[sflag:s7] =	ssyncadd.s32 $0xFFFFF000  }
0x1a8: {  	_ =	swait.ge [sflag:s7], $0x1000  }
0x1a9: {  	[sflag:s7] =	ssyncset.done $0x0  }
0x1aa: {  	[sflag:s7] =	ssyncadd.s32 $0xFFFFF000  }
0x1ab: {  	_ =	swait.ge [sflag:s7], $0x1000  }
0x1ac: {  	[sflag:s7] =	ssyncset.done $0x0  }
0x1ad: {  	[sflag:s7] =	ssyncadd.s32 $0xFFFFF000  }
0x1ae: {  	_ =	swait.ge [sflag:s7], $0x1000  }
0x1af: {  	[sflag:s7] =	ssyncset.done $0x0  }
0x1b0: {  	[sflag:s7] =	ssyncadd.s32 $0xFFFFF000  }
0x1b1: {  	_ =	swait.ge [sflag:s7], $0x1000  }
0x1b2: {  	[sflag:s7] =	ssyncset.done $0x0  }
0x1b3: {  	s16 =	rddreg [dreg:$0x7];
	[sflag:s7] =	ssyncadd.s32 $0xFFFFF000  }
0x1b4: {  	[hbm4b:s16+s2] =	stream.linear.scatter [tilespmem:s15], [sflag:$0x2], $0x8000, $0x38;
	[tilespmem:$0x11400] =	vst v63  }
0x1b5: {  	_ =	swait.ge [sflag:s6], $0x8000  }
0x1b6: {  	s16 =	sld [smem:$0x7FD]  }
0x1b7: {  	[sflag:s6] =	ssyncset.done $0x0  }
0x1b8: {  	[sflag:s6] =	ssyncadd.s32 $0xFFFF8000  }
0x1b9: {  	[tilespmem:s4], [sflag:$0x1] =	stream.indirect.gather [hbm4b:s3+s5], $0x20, s16, s5, $0xb8;
	[tilespmem:$0x11400] =	vst v63  }
0x1ba: {  	s16 =	simm.s32 $0x1080  }
0x1bb: {  	[tilespmem:s8], [sflag:$0x1] =	stream.indirect.gather [hbm4b:s3+s5], $0x20, s16, s5, $0xb8;
	[tilespmem:$0x11400] =	vst v63  }
0x1bc: {  	_ = 	snop  }
0x1bd: {  	[tilespmem:s9], [sflag:$0x1] =	stream.indirect.gather [hbm4b:s3+s5], $0x20, s18, s5, $0xb8;
	[tilespmem:$0x11400] =	vst v63  }
0x1be: {  	_ = 	snop  }
0x1bf: {  	[tilespmem:s10], [sflag:$0x1] =	stream.indirect.gather [hbm4b:s3+s5], $0x20, s19, s5, $0xb8;
	[tilespmem:$0x11400] =	vst v63  }
0x1c0: {  	_ = 	snop  }
0x1c1: {  	[tilespmem:s11], [sflag:$0x1] =	stream.indirect.gather [hbm4b:s3+s5], $0x20, s20, s5, $0xb8;
	[tilespmem:$0x11400] =	vst v63  }
0x1c2: {  	_ = 	snop  }
0x1c3: {  	[tilespmem:s12], [sflag:$0x1] =	stream.indirect.gather [hbm4b:s3+s5], $0x20, s21, s5, $0xb8;
	[tilespmem:$0x11400] =	vst v63  }
0x1c4: {  	_ = 	snop  }
0x1c5: {  	[tilespmem:s13], [sflag:$0x1] =	stream.indirect.gather [hbm4b:s3+s5], $0x20, s22, s5, $0xb8;
	[tilespmem:$0x11400] =	vst v63  }
0x1c6: {  	_ = 	snop  }
0x1c7: {  	[tilespmem:s14], [sflag:$0x1] =	stream.indirect.gather [hbm4b:s3+s5], $0x20, s17, s5, $0xb8;
	[tilespmem:$0x11400] =	vst v63  }
0x1c8: {  	_ =	swait.ge [sflag:s7], $0x1000  }
0x1c9: {  	[sflag:s7] =	ssyncset.done $0x0  }
0x1ca: {  	[sflag:s7] =	ssyncadd.s32 $0xFFFFF000  }
0x1cb: {  	_ =	swait.ge [sflag:s7], $0x1000  }
0x1cc: {  	[sflag:s7] =	ssyncset.done $0x0  }
0x1cd: {  	[sflag:s7] =	ssyncadd.s32 $0xFFFFF000  }
0x1ce: {  	_ =	swait.ge [sflag:s7], $0x1000  }
0x1cf: {  	[sflag:s7] =	ssyncset.done $0x0  }
0x1d0: {  	[sflag:s7] =	ssyncadd.s32 $0xFFFFF000  }
0x1d1: {  	_ =	swait.ge [sflag:s7], $0x1000  }
0x1d2: {  	[sflag:s7] =	ssyncset.done $0x0  }
0x1d3: {  	[sflag:s7] =	ssyncadd.s32 $0xFFFFF000  }
0x1d4: {  	_ =	swait.ge [sflag:s7], $0x1000  }
0x1d5: {  	[sflag:s7] =	ssyncset.done $0x0  }
0x1d6: {  	[sflag:s7] =	ssyncadd.s32 $0xFFFFF000  }
0x1d7: {  	_ =	swait.ge [sflag:s7], $0x1000  }
0x1d8: {  	[sflag:s7] =	ssyncset.done $0x0  }
0x1d9: {  	[sflag:s7] =	ssyncadd.s32 $0xFFFFF000  }
0x1da: {  	_ =	swait.ge [sflag:s7], $0x1000  }
0x1db: {  	[sflag:s7] =	ssyncset.done $0x0  }
0x1dc: {  	[sflag:s7] =	ssyncadd.s32 $0xFFFFF000  }
0x1dd: {  	p1 =	sne.s32 s1, $0x1;
	_ =	swait.ge [sflag:s7], $0x1000  }
.Ltmp2:
0x1de: {  	[sflag:s7] =	ssyncset.done $0x0;
	(pc) =	sbr.rel @p1 .LBB2_4-.Ltmp2, $4  }
0x1df: {  	s16 =	rddreg [dreg:$0x8];
	[sflag:s7] =	ssyncadd.s32 $0xFFFFF000  }
0x1e0: {  	[hbm4b:s16+s2] =	stream.linear.scatter [tilespmem:s4], [sflag:$0x2], $0x8000, $0x38;
	[tilespmem:$0x11400] =	vst v63  }
0x1e1: {  	_ =	swait.ge [sflag:s6], $0x8000  }
0x1e2: {  	s1 =	sadd.s32 $0xFFFFFFFF, s1;
	s0 =	rddreg [dreg:$0x3];
	[sflag:s6] =	ssyncset.done $0x0  }
0x1e3: {  	s22 =	simm.s32 $0x1300  }
0x1e4: {  	s21 =	simm.s32 $0x1280;
	s20 =	simm.s32 $0x1200;
	s19 =	simm.s32 $0x1180  }
0x1e5: {  	s18 =	simm.s32 $0x1100;
	s17 =	simm.s32 $0x1080;
	s16 =	stileid.u32  }
.LBB2_6:
0x1e6: {  	[sflag:s6] =	ssyncadd.s32 @p0 $0xFFFF8000  }
0x1e7: {  	[tilespmem:s2], [sflag:$0x3] =	stream.linear.gather [hbm4b:s0+s2], $0x1400, $0x38;
	[tilespmem:$0x11400] =	vst v63  }
0x1e8: {  	_ =	swait.ge [sflag:s31], $0x1400  }
0x1e9: {  	[sflag:s31] =	ssyncset.done $0x0  }
0x1ea: {  	[sflag:s31] =	ssyncadd.s32 $0xFFFFEC00  }
0x1eb: {  	[tilespmem:s4], [sflag:$0x1] =	stream.indirect.gather [hbm4b:s3+s5], $0x20, s2, s5, $0xb8;
	[tilespmem:$0x11400] =	vst v63  }
0x1ec: {  	_ = 	snop  }
0x1ed: {  	[tilespmem:s8], [sflag:$0x1] =	stream.indirect.gather [hbm4b:s3+s5], $0x20, s5, s5, $0xb8;
	[tilespmem:$0x11400] =	vst v63  }
0x1ee: {  	s31 =	rddreg [dreg:$0x9]  }
0x1ef: {  	[tilespmem:s9], [sflag:$0x1] =	stream.indirect.gather [hbm4b:s3+s5], $0x20, s31, s5, $0xb8;
	[tilespmem:$0x11400] =	vst v63  }
0x1f0: {  	s1 =	rddreg [dreg:$0xa]  }
0x1f1: {  	[tilespmem:s10], [sflag:$0x1] =	stream.indirect.gather [hbm4b:s3+s5], $0x20, s1, s5, $0xb8;
	[tilespmem:$0x11400] =	vst v63  }
0x1f2: {  	s0 =	rddreg [dreg:$0xb]  }
0x1f3: {  	[tilespmem:s11], [sflag:$0x1] =	stream.indirect.gather [hbm4b:s3+s5], $0x20, s0, s5, $0xb8;
	[tilespmem:$0x11400] =	vst v63  }
0x1f4: {  	s31 =	rddreg [dreg:$0xc]  }
0x1f5: {  	[tilespmem:s12], [sflag:$0x1] =	stream.indirect.gather [hbm4b:s3+s5], $0x20, s31, s5, $0xb8;
	[tilespmem:$0x11400] =	vst v63  }
0x1f6: {  	s0 =	rddreg [dreg:$0xd]  }
0x1f7: {  	[tilespmem:s13], [sflag:$0x1] =	stream.indirect.gather [hbm4b:s3+s5], $0x20, s0, s5, $0xb8;
	[tilespmem:$0x11400] =	vst v63  }
0x1f8: {  	s31 =	rddreg [dreg:$0xe]  }
0x1f9: {  	[tilespmem:s14], [sflag:$0x1] =	stream.indirect.gather [hbm4b:s3+s5], $0x20, s31, s5, $0xb8;
	[tilespmem:$0x11400] =	vst v63  }
0x1fa: {  	_ =	swait.ge [sflag:s7], $0x1000  }
0x1fb: {  	[sflag:s7] =	ssyncset.done $0x0  }
0x1fc: {  	[sflag:s7] =	ssyncadd.s32 $0xFFFFF000  }
0x1fd: {  	_ =	swait.ge [sflag:s7], $0x1000  }
0x1fe: {  	[sflag:s7] =	ssyncset.done $0x0  }
0x1ff: {  	[sflag:s7] =	ssyncadd.s32 $0xFFFFF000  }
0x200: {  	_ =	swait.ge [sflag:s7], $0x1000  }
0x201: {  	[sflag:s7] =	ssyncset.done $0x0  }
0x202: {  	[sflag:s7] =	ssyncadd.s32 $0xFFFFF000  }
0x203: {  	_ =	swait.ge [sflag:s7], $0x1000  }
0x204: {  	[sflag:s7] =	ssyncset.done $0x0  }
0x205: {  	[sflag:s7] =	ssyncadd.s32 $0xFFFFF000  }
0x206: {  	_ =	swait.ge [sflag:s7], $0x1000  }
0x207: {  	[sflag:s7] =	ssyncset.done $0x0  }
0x208: {  	[sflag:s7] =	ssyncadd.s32 $0xFFFFF000  }
0x209: {  	_ =	swait.ge [sflag:s7], $0x1000  }
0x20a: {  	[sflag:s7] =	ssyncset.done $0x0  }
0x20b: {  	[sflag:s7] =	ssyncadd.s32 $0xFFFFF000  }
0x20c: {  	_ =	swait.ge [sflag:s7], $0x1000  }
0x20d: {  	[sflag:s7] =	ssyncset.done $0x0  }
0x20e: {  	[sflag:s7] =	ssyncadd.s32 $0xFFFFF000  }
0x20f: {  	_ =	swait.ge [sflag:s7], $0x1000  }
0x210: {  	[sflag:s7] =	ssyncset.done $0x0  }
0x211: {  	s31 =	rddreg [dreg:$0x4];
	[sflag:s7] =	ssyncadd.s32 $0xFFFFF000  }
0x212: {  	[hbm4b:s31+s2] =	stream.linear.scatter [tilespmem:s4], [sflag:$0x2], $0x8000, $0x38;
	[tilespmem:$0x11400] =	vst v63  }
0x213: {  	_ =	swait.ge [sflag:s6], $0x8000  }
0x214: {  	[sflag:s6] =	ssyncset.done $0x0  }
0x215: {  	s1 =	rddreg [dreg:$0xf];
	[sflag:s6] =	ssyncadd.s32 $0xFFFF8000  }
0x216: {  	[tilespmem:s15], [sflag:$0x1] =	stream.indirect.gather [hbm4b:s3+s5], $0x20, s1, s5, $0xb8;
	[tilespmem:$0x11400] =	vst v63  }
0x217: {  	s31 =	rddreg [dreg:$0x10]  }
0x218: {  	[tilespmem:s23], [sflag:$0x1] =	stream.indirect.gather [hbm4b:s3+s5], $0x20, s31, s5, $0xb8;
	[tilespmem:$0x11400] =	vst v63  }
0x219: {  	s0 =	rddreg [dreg:$0x11]  }
0x21a: {  	[tilespmem:s24], [sflag:$0x1] =	stream.indirect.gather [hbm4b:s3+s5], $0x20, s0, s5, $0xb8;
	[tilespmem:$0x11400] =	vst v63  }
0x21b: {  	s31 =	rddreg [dreg:$0x12]  }
0x21c: {  	[tilespmem:s25], [sflag:$0x1] =	stream.indirect.gather [hbm4b:s3+s5], $0x20, s31, s5, $0xb8;
	[tilespmem:$0x11400] =	vst v63  }
0x21d: {  	s0 =	rddreg [dreg:$0x13]  }
0x21e: {  	[tilespmem:s26], [sflag:$0x1] =	stream.indirect.gather [hbm4b:s3+s5], $0x20, s0, s5, $0xb8;
	[tilespmem:$0x11400] =	vst v63  }
0x21f: {  	s31 =	rddreg [dreg:$0x14]  }
0x220: {  	[tilespmem:s28], [sflag:$0x1] =	stream.indirect.gather [hbm4b:s3+s5], $0x20, s31, s5, $0xb8;
	[tilespmem:$0x11400] =	vst v63  }
0x221: {  	s0 =	rddreg [dreg:$0x15]  }
0x222: {  	[tilespmem:s29], [sflag:$0x1] =	stream.indirect.gather [hbm4b:s3+s5], $0x20, s0, s5, $0xb8;
	[tilespmem:$0x11400] =	vst v63  }
0x223: {  	s31 =	rddreg [dreg:$0x16]  }
0x224: {  	[tilespmem:s30], [sflag:$0x1] =	stream.indirect.gather [hbm4b:s3+s5], $0x20, s31, s5, $0xb8;
	[tilespmem:$0x11400] =	vst v63  }
0x225: {  	_ =	swait.ge [sflag:s7], $0x1000  }
0x226: {  	[sflag:s7] =	ssyncset.done $0x0  }
0x227: {  	[sflag:s7] =	ssyncadd.s32 $0xFFFFF000  }
0x228: {  	_ =	swait.ge [sflag:s7], $0x1000  }
0x229: {  	[sflag:s7] =	ssyncset.done $0x0  }
0x22a: {  	[sflag:s7] =	ssyncadd.s32 $0xFFFFF000  }
0x22b: {  	_ =	swait.ge [sflag:s7], $0x1000  }
0x22c: {  	[sflag:s7] =	ssyncset.done $0x0  }
0x22d: {  	[sflag:s7] =	ssyncadd.s32 $0xFFFFF000  }
0x22e: {  	_ =	swait.ge [sflag:s7], $0x1000  }
0x22f: {  	[sflag:s7] =	ssyncset.done $0x0  }
0x230: {  	[sflag:s7] =	ssyncadd.s32 $0xFFFFF000  }
0x231: {  	_ =	swait.ge [sflag:s7], $0x1000  }
0x232: {  	[sflag:s7] =	ssyncset.done $0x0  }
0x233: {  	[sflag:s7] =	ssyncadd.s32 $0xFFFFF000  }
0x234: {  	_ =	swait.ge [sflag:s7], $0x1000  }
0x235: {  	[sflag:s7] =	ssyncset.done $0x0  }
0x236: {  	[sflag:s7] =	ssyncadd.s32 $0xFFFFF000  }
0x237: {  	_ =	swait.ge [sflag:s7], $0x1000  }
0x238: {  	[sflag:s7] =	ssyncset.done $0x0  }
0x239: {  	[sflag:s7] =	ssyncadd.s32 $0xFFFFF000  }
0x23a: {  	_ =	swait.ge [sflag:s7], $0x1000  }
0x23b: {  	[sflag:s7] =	ssyncset.done $0x0  }
0x23c: {  	s31 =	rddreg [dreg:$0x5];
	[sflag:s7] =	ssyncadd.s32 $0xFFFFF000  }
0x23d: {  	[hbm4b:s31+s2] =	stream.linear.scatter [tilespmem:s15], [sflag:$0x2], $0x8000, $0x38;
	[tilespmem:$0x11400] =	vst v63  }
0x23e: {  	_ =	swait.ge [sflag:s6], $0x8000  }
0x23f: {  	[sflag:s6] =	ssyncset.done $0x0  }
0x240: {  	s1 =	rddreg [dreg:$0x17];
	[sflag:s6] =	ssyncadd.s32 $0xFFFF8000  }
0x241: {  	[tilespmem:s4], [sflag:$0x1] =	stream.indirect.gather [hbm4b:s3+s5], $0x20, s1, s5, $0xb8;
	[tilespmem:$0x11400] =	vst v63  }
0x242: {  	s31 =	rddreg [dreg:$0x18]  }
0x243: {  	[tilespmem:s8], [sflag:$0x1] =	stream.indirect.gather [hbm4b:s3+s5], $0x20, s31, s5, $0xb8;
	[tilespmem:$0x11400] =	vst v63  }
0x244: {  	s0 =	rddreg [dreg:$0x19]  }
0x245: {  	[tilespmem:s9], [sflag:$0x1] =	stream.indirect.gather [hbm4b:s3+s5], $0x20, s0, s5, $0xb8;
	[tilespmem:$0x11400] =	vst v63  }
0x246: {  	s31 =	rddreg [dreg:$0x1a]  }
0x247: {  	[tilespmem:s10], [sflag:$0x1] =	stream.indirect.gather [hbm4b:s3+s5], $0x20, s31, s5, $0xb8;
	[tilespmem:$0x11400] =	vst v63  }
0x248: {  	s0 =	rddreg [dreg:$0x1b]  }
0x249: {  	[tilespmem:s11], [sflag:$0x1] =	stream.indirect.gather [hbm4b:s3+s5], $0x20, s0, s5, $0xb8;
	[tilespmem:$0x11400] =	vst v63  }
0x24a: {  	s31 =	rddreg [dreg:$0x1c]  }
0x24b: {  	[tilespmem:s12], [sflag:$0x1] =	stream.indirect.gather [hbm4b:s3+s5], $0x20, s31, s5, $0xb8;
	[tilespmem:$0x11400] =	vst v63  }
0x24c: {  	s0 =	rddreg [dreg:$0x1d]  }
0x24d: {  	[tilespmem:s13], [sflag:$0x1] =	stream.indirect.gather [hbm4b:s3+s5], $0x20, s0, s5, $0xb8;
	[tilespmem:$0x11400] =	vst v63  }
0x24e: {  	s31 =	rddreg [dreg:$0x1e]  }
0x24f: {  	[tilespmem:s14], [sflag:$0x1] =	stream.indirect.gather [hbm4b:s3+s5], $0x20, s31, s5, $0xb8;
	[tilespmem:$0x11400] =	vst v63  }
0x250: {  	_ =	swait.ge [sflag:s7], $0x1000  }
0x251: {  	[sflag:s7] =	ssyncset.done $0x0  }
0x252: {  	[sflag:s7] =	ssyncadd.s32 $0xFFFFF000  }
0x253: {  	_ =	swait.ge [sflag:s7], $0x1000  }
0x254: {  	[sflag:s7] =	ssyncset.done $0x0  }
0x255: {  	[sflag:s7] =	ssyncadd.s32 $0xFFFFF000  }
0x256: {  	_ =	swait.ge [sflag:s7], $0x1000  }
0x257: {  	[sflag:s7] =	ssyncset.done $0x0  }
0x258: {  	[sflag:s7] =	ssyncadd.s32 $0xFFFFF000  }
0x259: {  	_ =	swait.ge [sflag:s7], $0x1000  }
0x25a: {  	[sflag:s7] =	ssyncset.done $0x0  }
0x25b: {  	[sflag:s7] =	ssyncadd.s32 $0xFFFFF000  }
0x25c: {  	_ =	swait.ge [sflag:s7], $0x1000  }
0x25d: {  	[sflag:s7] =	ssyncset.done $0x0  }
0x25e: {  	[sflag:s7] =	ssyncadd.s32 $0xFFFFF000  }
0x25f: {  	_ =	swait.ge [sflag:s7], $0x1000  }
0x260: {  	[sflag:s7] =	ssyncset.done $0x0  }
0x261: {  	[sflag:s7] =	ssyncadd.s32 $0xFFFFF000  }
0x262: {  	_ =	swait.ge [sflag:s7], $0x1000  }
0x263: {  	[sflag:s7] =	ssyncset.done $0x0  }
0x264: {  	[sflag:s7] =	ssyncadd.s32 $0xFFFFF000  }
0x265: {  	_ =	swait.ge [sflag:s7], $0x1000  }
0x266: {  	[sflag:s7] =	ssyncset.done $0x0  }
0x267: {  	s31 =	rddreg [dreg:$0x6];
	[sflag:s7] =	ssyncadd.s32 $0xFFFFF000  }
0x268: {  	[hbm4b:s31+s2] =	stream.linear.scatter [tilespmem:s4], [sflag:$0x2], $0x8000, $0x38;
	[tilespmem:$0x11400] =	vst v63  }
0x269: {  	_ =	swait.ge [sflag:s6], $0x8000  }
0x26a: {  	s1 =	rddreg [dreg:$0x1f];
	[sflag:s6] =	ssyncset.done $0x0  }
0x26b: {  	s31 =	sld [smem:$0x7F6];
	[sflag:s6] =	ssyncadd.s32 $0xFFFF8000  }
0x26c: {  	[tilespmem:s15], [sflag:$0x1] =	stream.indirect.gather [hbm4b:s3+s5], $0x20, s1, s5, $0xb8;
	[tilespmem:$0x11400] =	vst v63  }
0x26d: {  	s0 =	sld [smem:$0x7F7]  }
0x26e: {  	[tilespmem:s23], [sflag:$0x1] =	stream.indirect.gather [hbm4b:s3+s5], $0x20, s31, s5, $0xb8;
	[tilespmem:$0x11400] =	vst v63  }
0x26f: {  	s31 =	sld [smem:$0x7F8]  }
0x270: {  	[tilespmem:s24], [sflag:$0x1] =	stream.indirect.gather [hbm4b:s3+s5], $0x20, s0, s5, $0xb8;
	[tilespmem:$0x11400] =	vst v63  }
0x271: {  	s23 =	sld [smem:$0x7F9]  }
0x272: {  	[tilespmem:s25], [sflag:$0x1] =	stream.indirect.gather [hbm4b:s3+s5], $0x20, s31, s5, $0xb8;
	[tilespmem:$0x11400] =	vst v63  }
0x273: {  	s24 =	sld [smem:$0x7FA]  }
0x274: {  	[tilespmem:s26], [sflag:$0x1] =	stream.indirect.gather [hbm4b:s3+s5], $0x20, s23, s5, $0xb8;
	[tilespmem:$0x11400] =	vst v63  }
0x275: {  	s25 =	sld [smem:$0x7FB]  }
0x276: {  	[tilespmem:s28], [sflag:$0x1] =	stream.indirect.gather [hbm4b:s3+s5], $0x20, s24, s5, $0xb8;
	[tilespmem:$0x11400] =	vst v63  }
0x277: {  	s26 =	sld [smem:$0x7FC]  }
0x278: {  	[tilespmem:s29], [sflag:$0x1] =	stream.indirect.gather [hbm4b:s3+s5], $0x20, s25, s5, $0xb8;
	[tilespmem:$0x11400] =	vst v63  }
0x279: {  	_ = 	snop  }
0x27a: {  	[tilespmem:s30], [sflag:$0x1] =	stream.indirect.gather [hbm4b:s3+s5], $0x20, s26, s5, $0xb8;
	[tilespmem:$0x11400] =	vst v63  }
0x27b: {  	_ =	swait.ge [sflag:s7], $0x1000  }
0x27c: {  	[sflag:s7] =	ssyncset.done $0x0  }
0x27d: {  	[sflag:s7] =	ssyncadd.s32 $0xFFFFF000  }
0x27e: {  	_ =	swait.ge [sflag:s7], $0x1000  }
0x27f: {  	[sflag:s7] =	ssyncset.done $0x0  }
0x280: {  	[sflag:s7] =	ssyncadd.s32 $0xFFFFF000  }
0x281: {  	_ =	swait.ge [sflag:s7], $0x1000  }
0x282: {  	[sflag:s7] =	ssyncset.done $0x0  }
0x283: {  	[sflag:s7] =	ssyncadd.s32 $0xFFFFF000  }
0x284: {  	_ =	swait.ge [sflag:s7], $0x1000  }
0x285: {  	[sflag:s7] =	ssyncset.done $0x0  }
0x286: {  	[sflag:s7] =	ssyncadd.s32 $0xFFFFF000  }
0x287: {  	_ =	swait.ge [sflag:s7], $0x1000  }
0x288: {  	[sflag:s7] =	ssyncset.done $0x0  }
0x289: {  	[sflag:s7] =	ssyncadd.s32 $0xFFFFF000  }
0x28a: {  	_ =	swait.ge [sflag:s7], $0x1000  }
0x28b: {  	[sflag:s7] =	ssyncset.done $0x0  }
0x28c: {  	[sflag:s7] =	ssyncadd.s32 $0xFFFFF000  }
0x28d: {  	_ =	swait.ge [sflag:s7], $0x1000  }
0x28e: {  	[sflag:s7] =	ssyncset.done $0x0  }
0x28f: {  	[sflag:s7] =	ssyncadd.s32 $0xFFFFF000  }
0x290: {  	_ =	swait.ge [sflag:s7], $0x1000  }
0x291: {  	[sflag:s7] =	ssyncset.done $0x0  }
0x292: {  	s28 =	rddreg [dreg:$0x7];
	[sflag:s7] =	ssyncadd.s32 $0xFFFFF000  }
0x293: {  	[hbm4b:s28+s2] =	stream.linear.scatter [tilespmem:s15], [sflag:$0x2], $0x8000, $0x38;
	[tilespmem:$0x11400] =	vst v63  }
0x294: {  	_ =	swait.ge [sflag:s6], $0x8000  }
0x295: {  	s29 =	sld [smem:$0x7FD]  }
0x296: {  	[sflag:s6] =	ssyncset.done $0x0  }
0x297: {  	[sflag:s6] =	ssyncadd.s32 $0xFFFF8000  }
0x298: {  	[tilespmem:s4], [sflag:$0x1] =	stream.indirect.gather [hbm4b:s3+s5], $0x20, s29, s5, $0xb8;
	[tilespmem:$0x11400] =	vst v63  }
0x299: {  	_ = 	snop  }
0x29a: {  	[tilespmem:s8], [sflag:$0x1] =	stream.indirect.gather [hbm4b:s3+s5], $0x20, s17, s5, $0xb8;
	[tilespmem:$0x11400] =	vst v63  }
0x29b: {  	_ = 	snop  }
0x29c: {  	[tilespmem:s9], [sflag:$0x1] =	stream.indirect.gather [hbm4b:s3+s5], $0x20, s18, s5, $0xb8;
	[tilespmem:$0x11400] =	vst v63  }
0x29d: {  	_ = 	snop  }
0x29e: {  	[tilespmem:s10], [sflag:$0x1] =	stream.indirect.gather [hbm4b:s3+s5], $0x20, s19, s5, $0xb8;
	[tilespmem:$0x11400] =	vst v63  }
0x29f: {  	_ = 	snop  }
0x2a0: {  	[tilespmem:s11], [sflag:$0x1] =	stream.indirect.gather [hbm4b:s3+s5], $0x20, s20, s5, $0xb8;
	[tilespmem:$0x11400] =	vst v63  }
0x2a1: {  	_ = 	snop  }
0x2a2: {  	[tilespmem:s12], [sflag:$0x1] =	stream.indirect.gather [hbm4b:s3+s5], $0x20, s21, s5, $0xb8;
	[tilespmem:$0x11400] =	vst v63  }
0x2a3: {  	_ = 	snop  }
0x2a4: {  	[tilespmem:s13], [sflag:$0x1] =	stream.indirect.gather [hbm4b:s3+s5], $0x20, s22, s5, $0xb8;
	[tilespmem:$0x11400] =	vst v63  }
0x2a5: {  	s30 =	simm.s32 $0x1380  }
0x2a6: {  	[tilespmem:s14], [sflag:$0x1] =	stream.indirect.gather [hbm4b:s3+s5], $0x20, s30, s5, $0xb8;
	[tilespmem:$0x11400] =	vst v63  }
0x2a7: {  	_ =	swait.ge [sflag:s7], $0x1000  }
0x2a8: {  	[sflag:s7] =	ssyncset.done $0x0  }
0x2a9: {  	[sflag:s7] =	ssyncadd.s32 $0xFFFFF000  }
0x2aa: {  	_ =	swait.ge [sflag:s7], $0x1000  }
0x2ab: {  	[sflag:s7] =	ssyncset.done $0x0  }
0x2ac: {  	[sflag:s7] =	ssyncadd.s32 $0xFFFFF000  }
0x2ad: {  	_ =	swait.ge [sflag:s7], $0x1000  }
0x2ae: {  	[sflag:s7] =	ssyncset.done $0x0  }
0x2af: {  	[sflag:s7] =	ssyncadd.s32 $0xFFFFF000  }
0x2b0: {  	_ =	swait.ge [sflag:s7], $0x1000  }
0x2b1: {  	[sflag:s7] =	ssyncset.done $0x0  }
0x2b2: {  	[sflag:s7] =	ssyncadd.s32 $0xFFFFF000  }
0x2b3: {  	_ =	swait.ge [sflag:s7], $0x1000  }
0x2b4: {  	[sflag:s7] =	ssyncset.done $0x0  }
0x2b5: {  	[sflag:s7] =	ssyncadd.s32 $0xFFFFF000  }
0x2b6: {  	_ =	swait.ge [sflag:s7], $0x1000  }
0x2b7: {  	[sflag:s7] =	ssyncset.done $0x0  }
0x2b8: {  	[sflag:s7] =	ssyncadd.s32 $0xFFFFF000  }
0x2b9: {  	_ =	swait.ge [sflag:s7], $0x1000  }
0x2ba: {  	[sflag:s7] =	ssyncset.done $0x0  }
0x2bb: {  	[sflag:s7] =	ssyncadd.s32 $0xFFFFF000  }
0x2bc: {  	_ =	swait.ge [sflag:s7], $0x1000  }
0x2bd: {  	[sflag:s7] =	ssyncset.done $0x0  }
0x2be: {  	s31 =	rddreg [dreg:$0x8];
	[sflag:s7] =	ssyncadd.s32 $0xFFFFF000  }
0x2bf: {  	[hbm4b:s31+s2] =	stream.linear.scatter [tilespmem:s4], [sflag:$0x2], $0x8000, $0x38;
	[tilespmem:$0x11400] =	vst v63  }
0x2c0: {  	_ =	swait.ge [sflag:s6], $0x8000  }
0x2c1: {  	[sflag:s6] =	ssyncset.done $0x0  }
0x2c2: {  	[sflag:s6] =	ssyncadd.s32 $0xFFFF8000  }
0x2c3: {  	_ =	sfence.sel $0x180000  }
0x2c4: {  	[bflag:$0x0] =	sbarrier.arrive $0xFFFF  }
0x2c5: {  	_ =	strace $0x90000047  }
0x2c6: {  	[bflag:$0x2] =	sbarrier.arrive $0xFFFF  }
0x2c7: {  	p0 =	sne.s32 s16, $0x0;
	s0 =	rddreg [dreg:$0x2]  }
0x2c8: {  	s0 =	sadd.s32 @!p0 $0x100000, s0  }
0x2c9: {  	[sflag:s0] =	ssyncadd.tile.s32 @!p0 $0x1;
	_ =	shalt  }
.LBB2_1:
.Ltmp3:
0x2ca: {  	(pc) =	sbr.rel .LBB2_6-.Ltmp3, $3  }
0x2cb: {  	_ =	sdelay $0x1  }
0x2cc: {  	s22 =	simm.s32 $0x1300;
	s21 =	simm.s32 $0x1280;
	s20 =	simm.s32 $0x1200  }
0x2cd: {  	s19 =	simm.s32 $0x1180;
	s18 =	simm.s32 $0x1100;
	s17 =	simm.s32 $0x1080  }
.LBB2_3:
.Ltmp4:
0x2ce: {  	(pc) =	sbr.rel .LBB2_6-.Ltmp4, $4  }
0x2cf: {  	_ = 	snop  }
0x2d0: {  	s22 =	simm.s32 $0x1300  }
0x2d1: {  	s21 =	simm.s32 $0x1280;
	s20 =	simm.s32 $0x1200;
	s19 =	simm.s32 $0x1180  }
0x2d2: {  	s18 =	simm.s32 $0x1100;
	s17 =	simm.s32 $0x1080;
	s16 =	stileid.u32  }
.Lfunc_end2:
_tile_overlayer_lowered:
.L_overlay_start_2:
0x2d3: {  	(tag) =	ssettag $0x2  }
0x2d4: {  	s0 =	rddreg [dreg:$0x0];
	s2 =	stileid.u32  }
0x2d5: {  	s1 =	rddreg [dreg:$0x1];
	p0 =	sne.s32 s2, $0x0  }
0x2d6: {  	s3 =	rddreg [dreg:$0x2];
	[bflag:$0x3] =	sbarrier.arrive $0xFFFF;
	s2 =	simm.s32 @!p0 $0x1C03  }
0x2d7: {  	[timem:s3], [sflag:s2] =	dma.local @!p0 [hbm:s0], s1  }
0x2d8: {  	s0 =	simm.s32 @!p0 $0x3  }
0x2d9: {  	_ =	swait.ge @!p0 [sflag:s0], s1  }
0x2da: {  	s1 =	ssub.s32 @!p0 $0x0, s1;
	[sflag:s0] =	ssyncset.done @!p0 $0x0  }
0x2db: {  	[sflag:s0] =	ssyncadd.s32 @!p0 s1  }
0x2dc: {  	[bflag:$0x3] =	sbarrier.arrive $0xFFFF  }
0x2dd: {  	_ =	shalt  }

</sc_bundles>
